<compile_context>
chip_gen: v7x
topology: tpu7x:2x2x1
jax: 0.10.2.dev20260603
libtpu: 0.0.44.dev20260713+nightly
codegen_flags: <defaults>
</compile_context>

<pallas_src>
import functools

import jax
import jax.numpy as jnp
import numpy as np
from jax import lax
from jax.experimental import pallas as pl
from jax.experimental.pallas import tpu as pltpu
from jax.experimental.pallas import tpu_sc as plsc

_FIELD_DIMS = [1000] * 26
_F = len(_FIELD_DIMS)
_V = sum(_FIELD_DIMS)
_D = 32
_DW = _D // 2
_B = 4096
_OFFS = np.array((0, *np.cumsum(_FIELD_DIMS)[:-1]), dtype=np.int32)
_I, _J = np.triu_indices(_F, k=1)
_NPAIR = _I.size
_NROW = 2 * _NPAIR
_NROW_PAD = 656
_NTILE = 32
_BPT = _B // _NTILE
_CH = 32
_NCH = _BPT // _CH

_CHUNKS = [(c * 128, 128 if c < 5 else _NROW_PAD - 5 * 128) for c in range(6)]


def _ffm_body(table, ipairs, idxp, wlin, blin, out,
              ip_v, ix_v, rows0, rows1, wlin_v, blin_v, out_v, sem0, sem1):
    nc = 2
    wid = lax.axis_index("s") * nc + lax.axis_index("c")
    base = wid * _BPT

    pltpu.sync_copy(wlin, wlin_v)
    pltpu.sync_copy(blin, blin_v)
    b0vec = blin_v[pl.ds(0, 16)]
    lane = lax.iota(jnp.int32, 16)

    def fire(lb, rows_v, sem):
        for off, n in _CHUNKS:
            pltpu.async_copy(table.at[ip_v.at[lb, pl.ds(off, n)]],
                             rows_v.at[pl.ds(off, n)], sem)

    def drain(rows_v, sem):
        for off, n in _CHUNKS:
            pltpu.make_async_copy(table.at[ip_v.at[0, pl.ds(off, n)]],
                                  rows_v.at[pl.ds(off, n)], sem).wait()

    def compute(lb, rows_v, ch, res):
        def pbody(i, acc):
            for u in range(5):
                p = i * 5 + u
                lrow = plsc.bitcast(rows_v[2 * p, pl.ds(0, _DW)],
                                    jnp.bfloat16)
                rrow = plsc.bitcast(rows_v[2 * p + 1, pl.ds(0, _DW)],
                                    jnp.bfloat16)
                lo, hi = plsc.unpack(lrow, format=plsc.PackFormat.INTERLEAVED)
                ro, rh = plsc.unpack(rrow, format=plsc.PackFormat.INTERLEAVED)
                acc = acc + lo * ro + hi * rh
            return acc

        acc = lax.fori_loop(0, _NPAIR // 5, pbody,
                            jnp.zeros((16,), jnp.float32))
        g1 = plsc.load_gather(wlin_v, [ix_v[lb, pl.ds(0, 16)]])
        g2 = plsc.load_gather(wlin_v, [ix_v[lb, pl.ds(16, 16)]])
        s = jnp.sum(acc + g1 + g2) + b0vec[0]
        res = jnp.where(lane == (lb & 15), s, res)

        @pl.when((lb & 15) == 15)
        def _():
            out_v[pl.ds(ch * _CH + lb - 15, 16)] = res

        return res

    for ch in range(_NCH):
        b0 = base + ch * _CH
        pltpu.sync_copy(ipairs.at[pl.ds(b0, _CH)], ip_v)
        pltpu.sync_copy(idxp.at[pl.ds(b0, _CH)], ix_v)
        fire(0, rows0, sem0)

        def body2(t, res):
            lb0 = 2 * t
            lb1 = lb0 + 1
            fire(lb1, rows1, sem1)
            drain(rows0, sem0)
            res = compute(lb0, rows0, ch, res)

            @pl.when(lb1 < _CH - 1)
            def _():
                fire(lb0 + 2, rows0, sem0)

            drain(rows1, sem1)
            res = compute(lb1, rows1, ch, res)
            return res

        lax.fori_loop(0, _CH // 2, body2, jnp.zeros((16,), jnp.float32))

    pltpu.sync_copy(out_v, out.at[pl.ds(base, _BPT)])


@jax.jit
def kernel(x, W_lin, b_lin, W_emb):
    offs = jnp.asarray(_OFFS)
    idx = x + offs[None, :]
    li = idx[:, _I] * _F + jnp.asarray(_J, dtype=jnp.int32)
    ri = idx[:, _J] * _F + jnp.asarray(_I, dtype=jnp.int32)
    inter = jnp.stack([li, ri], axis=2).reshape(_B, _NROW)
    ipairs = jnp.concatenate(
        [inter, jnp.zeros((_B, _NROW_PAD - _NROW), jnp.int32)], axis=1)
    idxp = jnp.concatenate(
        [idx, jnp.full((_B, 32 - _F), _V, jnp.int32)], axis=1)
    table = lax.bitcast_convert_type(
        jnp.transpose(W_emb, (1, 0, 2)).astype(jnp.bfloat16)
        .reshape(_V * _F, _DW, 2), jnp.int32)
    wlin_pad = jnp.concatenate([W_lin[:, 0], jnp.zeros((8,), jnp.float32)])
    blin_pad = jnp.concatenate([b_lin, jnp.zeros((15,), jnp.float32)])

    mesh = plsc.VectorSubcoreMesh(core_axis_name="c", subcore_axis_name="s")
    run = functools.partial(
        pl.kernel, _ffm_body,
        out_type=jax.ShapeDtypeStruct((_B,), jnp.float32),
        mesh=mesh,
        compiler_params=pltpu.CompilerParams(
            needs_layout_passes=False, use_tc_tiling_on_sc=False),
        scratch_types=[
            pltpu.VMEM((_CH, _NROW_PAD), jnp.int32),
            pltpu.VMEM((_CH, 32), jnp.int32),
            pltpu.VMEM((_NROW_PAD, _DW), jnp.int32),
            pltpu.VMEM((_NROW_PAD, _DW), jnp.int32),
            pltpu.VMEM((_V + 8,), jnp.float32),
            pltpu.VMEM((16,), jnp.float32),
            pltpu.VMEM((_BPT,), jnp.float32),
            pltpu.SemaphoreType.DMA,
            pltpu.SemaphoreType.DMA,
        ],
    )()
    return run(table, ipairs, idxp, wlin_pad, blin_pad)

# --- scband reference (transcript-rebuilt; emitter-appended) ---
"""Pipeline reference for scband-ffm-45320494907447 (READ-ONLY COPY).

The authoritative reference and input builder live on the scoring server;
editing this copy changes nothing except your own understanding.
"""

import jax, jax.numpy as jnp
import numpy as np

FIELD_DIMS = [1000] * 26
NUM_FIELDS = len(FIELD_DIMS)
SUM_DIMS = sum(FIELD_DIMS)
EMBED_DIM = 32
BATCH = 4096
OFFSETS = np.array((0, *np.cumsum(FIELD_DIMS)[:-1]), dtype=np.int32)
I_IDX, J_IDX = np.triu_indices(NUM_FIELDS, k=1)


def setup_inputs(seed: int = 0) -> dict:
    key = jax.random.key(seed)
    k1, k2, k3 = jax.random.split(key, 3)
    x = jax.random.randint(k1, (BATCH, NUM_FIELDS), 0, 1000, dtype=jnp.int32)
    # FeaturesLinear: single embedding table of width 1 + scalar bias
    W_lin = jax.random.normal(k2, (SUM_DIMS, 1), dtype=jnp.float32) * 0.01
    b_lin = jnp.zeros((1,), dtype=jnp.float32)
    # FieldAwareFeaturesEmbedding: one table of shape [SUM_DIMS, D] per field
    W_emb = jax.random.normal(k3, (NUM_FIELDS, SUM_DIMS, EMBED_DIM), dtype=jnp.float32) * 0.01
    return {"x": x, "W_lin": W_lin, "b_lin": b_lin, "W_emb": W_emb}


def reference(x, W_lin, b_lin, W_emb):
    offsets = jnp.asarray(OFFSETS, dtype=x.dtype)
    idx = x + offsets[None, :]                      # [B, F]
    # --- FeaturesLinear ---
    y_linear = jnp.take(W_lin, idx, axis=0).sum(axis=1) + b_lin   # [B, 1]
    # --- FieldAwareFeaturesEmbedding: list of F tensors [B, F, D], stacked dim=1 ---
    # W_emb[f][idx] for each field table f -> [F_table, B, F_field, D]
    xs = jnp.take(W_emb, idx, axis=1)               # [F_table, B, F_field, D]
    t = jnp.transpose(xs, (1, 0, 2, 3))             # [B, F_table, F_field, D]
    # --- PairwiseInteraction: sum_{i<j} emb_j[:, i] * emb_i[:, j] ---
    left = t[:, J_IDX, I_IDX, :]                    # [B, n_pairs, D]
    right = t[:, I_IDX, J_IDX, :]                   # [B, n_pairs, D]
    y_interaction = jnp.sum(left * right, axis=(1, 2), keepdims=False)[:, None]  # [B, 1]
    y = y_linear + y_interaction                    # [B, 1]
    return y[:, 0]                                  # squeeze(1) -> [B]

if __name__ == "__main__":
    import jax
    _d = setup_inputs()
    print(jax.jit(kernel)(*tuple(_d.values())))

</pallas_src>

<mosaic_0001>
#map = affine_map<(d0, d1) -> (0, 0)>
#map1 = affine_map<(d0, d1) -> (0)>
module attributes {stable_mosaic.version = 14 : i64} {
  func.func @_ffm_body(%arg0: i32, %arg1: i32, %arg2: memref<676000x16xi32, #tpu.memory_space<hbm>>, %arg3: memref<4096x656xi32, #tpu.memory_space<hbm>>, %arg4: memref<4096x32xi32, #tpu.memory_space<hbm>>, %arg5: memref<26008xf32, #tpu.memory_space<hbm>>, %arg6: memref<16xf32, #tpu.memory_space<hbm>>, %arg7: memref<4096xf32, #tpu.memory_space<hbm>>, %arg8: memref<32x656xi32, #tpu.memory_space<vmem>>, %arg9: memref<32x32xi32, #tpu.memory_space<vmem>>, %arg10: memref<656x16xi32, #tpu.memory_space<vmem>>, %arg11: memref<656x16xi32, #tpu.memory_space<vmem>>, %arg12: memref<26008xf32, #tpu.memory_space<vmem>>, %arg13: memref<16xf32, #tpu.memory_space<vmem>>, %arg14: memref<128xf32, #tpu.memory_space<vmem>>, %arg15: memref<!tpu.dma_semaphore, #tpu.memory_space<semaphore_mem>>, %arg16: memref<!tpu.dma_semaphore, #tpu.memory_space<semaphore_mem>>) attributes {dimension_semantics = [#tpu.dimension_semantics<core_parallel>, #tpu.dimension_semantics<subcore_parallel>], iteration_bounds = array<i64: 2, 16>, scalar_prefetch = 0 : i64, scratch_operands = 9 : i64, tpu.core_type = #tpu.core_type<sc_vector_subcore>, window_params = [{transform_indices = #map}, {transform_indices = #map}, {transform_indices = #map}, {transform_indices = #map1}, {transform_indices = #map1}, {transform_indices = #map1}]} {
    %mul3A = arith.constant 2 : i32
    %mul3A_0 = arith.muli %arg1, %mul3A : i32
    %add3A = arith.addi %mul3A_0, %arg0 : i32
    %mul3A_1 = arith.constant 128 : i32
    %mul3A_2 = arith.muli %add3A, %mul3A_1 : i32
    "tpu.region"() ({
      %run_scoped3A = tpu.sem_alloc : memref<!tpu.dma_semaphore, #tpu.memory_space<semaphore_mem>>
      tpu.enqueue_dma source(%arg5 : memref<26008xf32, #tpu.memory_space<hbm>>) target(%arg12 : memref<26008xf32, #tpu.memory_space<vmem>>) target_semaphore(%run_scoped3A : memref<!tpu.dma_semaphore, #tpu.memory_space<semaphore_mem>>)
      tpu.wait_dma2 semaphore(%run_scoped3A : memref<!tpu.dma_semaphore, #tpu.memory_space<semaphore_mem>>) src(%arg5 : memref<26008xf32, #tpu.memory_space<hbm>>) dst(%arg12 : memref<26008xf32, #tpu.memory_space<vmem>>)
      tpu.yield
    }) : () -> ()
    "tpu.region"() ({
      %run_scoped3A = tpu.sem_alloc : memref<!tpu.dma_semaphore, #tpu.memory_space<semaphore_mem>>
      tpu.enqueue_dma source(%arg6 : memref<16xf32, #tpu.memory_space<hbm>>) target(%arg13 : memref<16xf32, #tpu.memory_space<vmem>>) target_semaphore(%run_scoped3A : memref<!tpu.dma_semaphore, #tpu.memory_space<semaphore_mem>>)
      tpu.wait_dma2 semaphore(%run_scoped3A : memref<!tpu.dma_semaphore, #tpu.memory_space<semaphore_mem>>) src(%arg6 : memref<16xf32, #tpu.memory_space<hbm>>) dst(%arg13 : memref<16xf32, #tpu.memory_space<vmem>>)
      tpu.yield
    }) : () -> ()
    %get3A = arith.constant 0 : index
    %get3A_3 = tpu.vector_load %arg13[%get3A] {strides = array<i32>} : memref<16xf32, #tpu.memory_space<vmem>>, vector<16xf32>,
    %iota3A = tpu.iota {dimensions = array<i32: 0>} : vector<16xi32>
    %add3A_4 = arith.constant 0 : i32
    %add3A_5 = arith.addi %mul3A_2, %add3A_4 : i32
    "tpu.region"() ({
      %run_scoped3A = tpu.sem_alloc : memref<!tpu.dma_semaphore, #tpu.memory_space<semaphore_mem>>
      %dma_start3A_281 = arith.constant 0 : i32
      %dma_start3A_282 = tpu.memref_slice %arg3[%add3A_5, %dma_start3A_281] : memref<4096x656xi32, #tpu.memory_space<hbm>> -> memref<32x656xi32, #tpu.memory_space<hbm>>
      %dma_start3A_283 = arith.constant 0 : i32
      %dma_start3A_284 = tpu.memref_slice %arg3[%add3A_5, %dma_start3A_283] : memref<4096x656xi32, #tpu.memory_space<hbm>> -> memref<32x656xi32, #tpu.memory_space<hbm>>
      tpu.enqueue_dma source(%dma_start3A_284 : memref<32x656xi32, #tpu.memory_space<hbm>>) target(%arg8 : memref<32x656xi32, #tpu.memory_space<vmem>>) target_semaphore(%run_scoped3A : memref<!tpu.dma_semaphore, #tpu.memory_space<semaphore_mem>>)
      %dma_wait3A = arith.constant 0 : i32
      %dma_wait3A_285 = tpu.memref_slice %arg3[%add3A_5, %dma_wait3A] : memref<4096x656xi32, #tpu.memory_space<hbm>> -> memref<32x656xi32, #tpu.memory_space<hbm>>
      %dma_wait3A_286 = arith.constant 0 : i32
      %dma_wait3A_287 = tpu.memref_slice %arg3[%add3A_5, %dma_wait3A_286] : memref<4096x656xi32, #tpu.memory_space<hbm>> -> memref<32x656xi32, #tpu.memory_space<hbm>>
      tpu.wait_dma2 semaphore(%run_scoped3A : memref<!tpu.dma_semaphore, #tpu.memory_space<semaphore_mem>>) src(%dma_wait3A_287 : memref<32x656xi32, #tpu.memory_space<hbm>>) dst(%arg8 : memref<32x656xi32, #tpu.memory_space<vmem>>)
      tpu.yield
    }) : () -> ()
    "tpu.region"() ({
      %run_scoped3A = tpu.sem_alloc : memref<!tpu.dma_semaphore, #tpu.memory_space<semaphore_mem>>
      %dma_start3A_281 = arith.constant 0 : i32
      %dma_start3A_282 = tpu.memref_slice %arg4[%add3A_5, %dma_start3A_281] : memref<4096x32xi32, #tpu.memory_space<hbm>> -> memref<32x32xi32, #tpu.memory_space<hbm>>
      %dma_start3A_283 = arith.constant 0 : i32
      %dma_start3A_284 = tpu.memref_slice %arg4[%add3A_5, %dma_start3A_283] : memref<4096x32xi32, #tpu.memory_space<hbm>> -> memref<32x32xi32, #tpu.memory_space<hbm>>
      tpu.enqueue_dma source(%dma_start3A_284 : memref<32x32xi32, #tpu.memory_space<hbm>>) target(%arg9 : memref<32x32xi32, #tpu.memory_space<vmem>>) target_semaphore(%run_scoped3A : memref<!tpu.dma_semaphore, #tpu.memory_space<semaphore_mem>>)
      %dma_wait3A = arith.constant 0 : i32
      %dma_wait3A_285 = tpu.memref_slice %arg4[%add3A_5, %dma_wait3A] : memref<4096x32xi32, #tpu.memory_space<hbm>> -> memref<32x32xi32, #tpu.memory_space<hbm>>
      %dma_wait3A_286 = arith.constant 0 : i32
      %dma_wait3A_287 = tpu.memref_slice %arg4[%add3A_5, %dma_wait3A_286] : memref<4096x32xi32, #tpu.memory_space<hbm>> -> memref<32x32xi32, #tpu.memory_space<hbm>>
      tpu.wait_dma2 semaphore(%run_scoped3A : memref<!tpu.dma_semaphore, #tpu.memory_space<semaphore_mem>>) src(%dma_wait3A_287 : memref<32x32xi32, #tpu.memory_space<hbm>>) dst(%arg9 : memref<32x32xi32, #tpu.memory_space<vmem>>)
      tpu.yield
    }) : () -> ()
    %dma_start3A = arith.constant 0 : i32
    %dma_start3A_6 = arith.constant 0 : i32
    %dma_start3A_7 = arith.constant 0 : i32
    %dma_start3A_8 = tpu.memref_slice %arg10[%dma_start3A_6, %dma_start3A_7] : memref<656x16xi32, #tpu.memory_space<vmem>> -> memref<128x16xi32, #tpu.memory_space<vmem>>
    %dma_start3A_9 = arith.constant 0 : i32
    %dma_start3A_10 = tpu.memref_slice %arg8[%dma_start3A, %dma_start3A_9] : memref<32x656xi32, #tpu.memory_space<vmem>> -> memref<1x128xi32, #tpu.memory_space<vmem>>
    %dma_start3A_11 = tpu.memref_squeeze %dma_start3A_10 : memref<1x128xi32, #tpu.memory_space<vmem>> -> memref<128xi32, #tpu.memory_space<vmem>>
    %dma_start3A_12 = arith.constant 0 : i32
    %dma_start3A_13 = arith.constant 0 : i32
    %dma_start3A_14 = tpu.memref_slice %arg2[%dma_start3A_12, %dma_start3A_13] : memref<676000x16xi32, #tpu.memory_space<hbm>> -> memref<676000x16xi32, #tpu.memory_space<hbm>>
    tpu.enqueue_indirect_dma source(%dma_start3A_14 : memref<676000x16xi32, #tpu.memory_space<hbm>>) target(%dma_start3A_8 : memref<128x16xi32, #tpu.memory_space<vmem>>) offsets(%dma_start3A_11 : memref<128xi32, #tpu.memory_space<vmem>>) semaphore(%arg15 : memref<!tpu.dma_semaphore, #tpu.memory_space<semaphore_mem>>)
    %dma_start3A_15 = arith.constant 0 : i32
    %dma_start3A_16 = arith.constant 128 : i32
    %dma_start3A_17 = arith.constant 0 : i32
    %dma_start3A_18 = tpu.memref_slice %arg10[%dma_start3A_16, %dma_start3A_17] : memref<656x16xi32, #tpu.memory_space<vmem>> -> memref<128x16xi32, #tpu.memory_space<vmem>>
    %dma_start3A_19 = arith.constant 128 : i32
    %dma_start3A_20 = tpu.memref_slice %arg8[%dma_start3A_15, %dma_start3A_19] : memref<32x656xi32, #tpu.memory_space<vmem>> -> memref<1x128xi32, #tpu.memory_space<vmem>>
    %dma_start3A_21 = tpu.memref_squeeze %dma_start3A_20 : memref<1x128xi32, #tpu.memory_space<vmem>> -> memref<128xi32, #tpu.memory_space<vmem>>
    %dma_start3A_22 = arith.constant 0 : i32
    %dma_start3A_23 = arith.constant 0 : i32
    %dma_start3A_24 = tpu.memref_slice %arg2[%dma_start3A_22, %dma_start3A_23] : memref<676000x16xi32, #tpu.memory_space<hbm>> -> memref<676000x16xi32, #tpu.memory_space<hbm>>
    tpu.enqueue_indirect_dma source(%dma_start3A_24 : memref<676000x16xi32, #tpu.memory_space<hbm>>) target(%dma_start3A_18 : memref<128x16xi32, #tpu.memory_space<vmem>>) offsets(%dma_start3A_21 : memref<128xi32, #tpu.memory_space<vmem>>) semaphore(%arg15 : memref<!tpu.dma_semaphore, #tpu.memory_space<semaphore_mem>>)
    %dma_start3A_25 = arith.constant 0 : i32
    %dma_start3A_26 = arith.constant 256 : i32
    %dma_start3A_27 = arith.constant 0 : i32
    %dma_start3A_28 = tpu.memref_slice %arg10[%dma_start3A_26, %dma_start3A_27] : memref<656x16xi32, #tpu.memory_space<vmem>> -> memref<128x16xi32, #tpu.memory_space<vmem>>
    %dma_start3A_29 = arith.constant 256 : i32
    %dma_start3A_30 = tpu.memref_slice %arg8[%dma_start3A_25, %dma_start3A_29] : memref<32x656xi32, #tpu.memory_space<vmem>> -> memref<1x128xi32, #tpu.memory_space<vmem>>
    %dma_start3A_31 = tpu.memref_squeeze %dma_start3A_30 : memref<1x128xi32, #tpu.memory_space<vmem>> -> memref<128xi32, #tpu.memory_space<vmem>>
    %dma_start3A_32 = arith.constant 0 : i32
    %dma_start3A_33 = arith.constant 0 : i32
    %dma_start3A_34 = tpu.memref_slice %arg2[%dma_start3A_32, %dma_start3A_33] : memref<676000x16xi32, #tpu.memory_space<hbm>> -> memref<676000x16xi32, #tpu.memory_space<hbm>>
    tpu.enqueue_indirect_dma source(%dma_start3A_34 : memref<676000x16xi32, #tpu.memory_space<hbm>>) target(%dma_start3A_28 : memref<128x16xi32, #tpu.memory_space<vmem>>) offsets(%dma_start3A_31 : memref<128xi32, #tpu.memory_space<vmem>>) semaphore(%arg15 : memref<!tpu.dma_semaphore, #tpu.memory_space<semaphore_mem>>)
    %dma_start3A_35 = arith.constant 0 : i32
    %dma_start3A_36 = arith.constant 384 : i32
    %dma_start3A_37 = arith.constant 0 : i32
    %dma_start3A_38 = tpu.memref_slice %arg10[%dma_start3A_36, %dma_start3A_37] : memref<656x16xi32, #tpu.memory_space<vmem>> -> memref<128x16xi32, #tpu.memory_space<vmem>>
    %dma_start3A_39 = arith.constant 384 : i32
    %dma_start3A_40 = tpu.memref_slice %arg8[%dma_start3A_35, %dma_start3A_39] : memref<32x656xi32, #tpu.memory_space<vmem>> -> memref<1x128xi32, #tpu.memory_space<vmem>>
    %dma_start3A_41 = tpu.memref_squeeze %dma_start3A_40 : memref<1x128xi32, #tpu.memory_space<vmem>> -> memref<128xi32, #tpu.memory_space<vmem>>
    %dma_start3A_42 = arith.constant 0 : i32
    %dma_start3A_43 = arith.constant 0 : i32
    %dma_start3A_44 = tpu.memref_slice %arg2[%dma_start3A_42, %dma_start3A_43] : memref<676000x16xi32, #tpu.memory_space<hbm>> -> memref<676000x16xi32, #tpu.memory_space<hbm>>
    tpu.enqueue_indirect_dma source(%dma_start3A_44 : memref<676000x16xi32, #tpu.memory_space<hbm>>) target(%dma_start3A_38 : memref<128x16xi32, #tpu.memory_space<vmem>>) offsets(%dma_start3A_41 : memref<128xi32, #tpu.memory_space<vmem>>) semaphore(%arg15 : memref<!tpu.dma_semaphore, #tpu.memory_space<semaphore_mem>>)
    %dma_start3A_45 = arith.constant 0 : i32
    %dma_start3A_46 = arith.constant 512 : i32
    %dma_start3A_47 = arith.constant 0 : i32
    %dma_start3A_48 = tpu.memref_slice %arg10[%dma_start3A_46, %dma_start3A_47] : memref<656x16xi32, #tpu.memory_space<vmem>> -> memref<128x16xi32, #tpu.memory_space<vmem>>
    %dma_start3A_49 = arith.constant 512 : i32
    %dma_start3A_50 = tpu.memref_slice %arg8[%dma_start3A_45, %dma_start3A_49] : memref<32x656xi32, #tpu.memory_space<vmem>> -> memref<1x128xi32, #tpu.memory_space<vmem>>
    %dma_start3A_51 = tpu.memref_squeeze %dma_start3A_50 : memref<1x128xi32, #tpu.memory_space<vmem>> -> memref<128xi32, #tpu.memory_space<vmem>>
    %dma_start3A_52 = arith.constant 0 : i32
    %dma_start3A_53 = arith.constant 0 : i32
    %dma_start3A_54 = tpu.memref_slice %arg2[%dma_start3A_52, %dma_start3A_53] : memref<676000x16xi32, #tpu.memory_space<hbm>> -> memref<676000x16xi32, #tpu.memory_space<hbm>>
    tpu.enqueue_indirect_dma source(%dma_start3A_54 : memref<676000x16xi32, #tpu.memory_space<hbm>>) target(%dma_start3A_48 : memref<128x16xi32, #tpu.memory_space<vmem>>) offsets(%dma_start3A_51 : memref<128xi32, #tpu.memory_space<vmem>>) semaphore(%arg15 : memref<!tpu.dma_semaphore, #tpu.memory_space<semaphore_mem>>)
    %dma_start3A_55 = arith.constant 0 : i32
    %dma_start3A_56 = arith.constant 640 : i32
    %dma_start3A_57 = arith.constant 0 : i32
    %dma_start3A_58 = tpu.memref_slice %arg10[%dma_start3A_56, %dma_start3A_57] : memref<656x16xi32, #tpu.memory_space<vmem>> -> memref<16x16xi32, #tpu.memory_space<vmem>>
    %dma_start3A_59 = arith.constant 640 : i32
    %dma_start3A_60 = tpu.memref_slice %arg8[%dma_start3A_55, %dma_start3A_59] : memref<32x656xi32, #tpu.memory_space<vmem>> -> memref<1x16xi32, #tpu.memory_space<vmem>>
    %dma_start3A_61 = tpu.memref_squeeze %dma_start3A_60 : memref<1x16xi32, #tpu.memory_space<vmem>> -> memref<16xi32, #tpu.memory_space<vmem>>
    %dma_start3A_62 = arith.constant 0 : i32
    %dma_start3A_63 = arith.constant 0 : i32
    %dma_start3A_64 = tpu.memref_slice %arg2[%dma_start3A_62, %dma_start3A_63] : memref<676000x16xi32, #tpu.memory_space<hbm>> -> memref<676000x16xi32, #tpu.memory_space<hbm>>
    tpu.enqueue_indirect_dma source(%dma_start3A_64 : memref<676000x16xi32, #tpu.memory_space<hbm>>) target(%dma_start3A_58 : memref<16x16xi32, #tpu.memory_space<vmem>>) offsets(%dma_start3A_61 : memref<16xi32, #tpu.memory_space<vmem>>) semaphore(%arg15 : memref<!tpu.dma_semaphore, #tpu.memory_space<semaphore_mem>>)
    %broadcast_in_dim3A = arith.constant 0.000000e+00 : f32
    %broadcast_in_dim3A_65 = vector.broadcast %broadcast_in_dim3A : f32 to vector<16xf32>
    %scan3A = arith.constant 0 : i32
    %scan3A_66 = arith.constant 16 : i32
    %scan3A_67 = arith.addi %scan3A, %scan3A_66 : i32
    %scan3A_68 = arith.constant 1 : i32
    %scan3A_69 = scf.for %scan3A_281 = %scan3A to %scan3A_67 step %scan3A_68 iter_args(%scan3A_282 = %broadcast_in_dim3A_65) -> (vector<16xf32>)  : i32 {
      %mul3A_283 = arith.constant 2 : i32
      %mul3A_284 = arith.muli %mul3A_283, %scan3A_281 : i32
      %add3A_285 = arith.constant 1 : i32
      %add3A_286 = arith.addi %mul3A_284, %add3A_285 : i32
      %dma_start3A_287 = arith.constant 0 : i32
      %dma_start3A_288 = arith.constant 0 : i32
      %dma_start3A_289 = tpu.memref_slice %arg11[%dma_start3A_287, %dma_start3A_288] : memref<656x16xi32, #tpu.memory_space<vmem>> -> memref<128x16xi32, #tpu.memory_space<vmem>>
      %dma_start3A_290 = arith.constant 0 : i32
      %dma_start3A_291 = tpu.memref_slice %arg8[%add3A_286, %dma_start3A_290] : memref<32x656xi32, #tpu.memory_space<vmem>> -> memref<1x128xi32, #tpu.memory_space<vmem>>
      %dma_start3A_292 = tpu.memref_squeeze %dma_start3A_291 : memref<1x128xi32, #tpu.memory_space<vmem>> -> memref<128xi32, #tpu.memory_space<vmem>>
      %dma_start3A_293 = arith.constant 0 : i32
      %dma_start3A_294 = arith.constant 0 : i32
      %dma_start3A_295 = tpu.memref_slice %arg2[%dma_start3A_293, %dma_start3A_294] : memref<676000x16xi32, #tpu.memory_space<hbm>> -> memref<676000x16xi32, #tpu.memory_space<hbm>>
      tpu.enqueue_indirect_dma source(%dma_start3A_295 : memref<676000x16xi32, #tpu.memory_space<hbm>>) target(%dma_start3A_289 : memref<128x16xi32, #tpu.memory_space<vmem>>) offsets(%dma_start3A_292 : memref<128xi32, #tpu.memory_space<vmem>>) semaphore(%arg16 : memref<!tpu.dma_semaphore, #tpu.memory_space<semaphore_mem>>)
      %dma_start3A_296 = arith.constant 128 : i32
      %dma_start3A_297 = arith.constant 0 : i32
      %dma_start3A_298 = tpu.memref_slice %arg11[%dma_start3A_296, %dma_start3A_297] : memref<656x16xi32, #tpu.memory_space<vmem>> -> memref<128x16xi32, #tpu.memory_space<vmem>>
      %dma_start3A_299 = arith.constant 128 : i32
      %dma_start3A_300 = tpu.memref_slice %arg8[%add3A_286, %dma_start3A_299] : memref<32x656xi32, #tpu.memory_space<vmem>> -> memref<1x128xi32, #tpu.memory_space<vmem>>
      %dma_start3A_301 = tpu.memref_squeeze %dma_start3A_300 : memref<1x128xi32, #tpu.memory_space<vmem>> -> memref<128xi32, #tpu.memory_space<vmem>>
      %dma_start3A_302 = arith.constant 0 : i32
      %dma_start3A_303 = arith.constant 0 : i32
      %dma_start3A_304 = tpu.memref_slice %arg2[%dma_start3A_302, %dma_start3A_303] : memref<676000x16xi32, #tpu.memory_space<hbm>> -> memref<676000x16xi32, #tpu.memory_space<hbm>>
      tpu.enqueue_indirect_dma source(%dma_start3A_304 : memref<676000x16xi32, #tpu.memory_space<hbm>>) target(%dma_start3A_298 : memref<128x16xi32, #tpu.memory_space<vmem>>) offsets(%dma_start3A_301 : memref<128xi32, #tpu.memory_space<vmem>>) semaphore(%arg16 : memref<!tpu.dma_semaphore, #tpu.memory_space<semaphore_mem>>)
      %dma_start3A_305 = arith.constant 256 : i32
      %dma_start3A_306 = arith.constant 0 : i32
      %dma_start3A_307 = tpu.memref_slice %arg11[%dma_start3A_305, %dma_start3A_306] : memref<656x16xi32, #tpu.memory_space<vmem>> -> memref<128x16xi32, #tpu.memory_space<vmem>>
      %dma_start3A_308 = arith.constant 256 : i32
      %dma_start3A_309 = tpu.memref_slice %arg8[%add3A_286, %dma_start3A_308] : memref<32x656xi32, #tpu.memory_space<vmem>> -> memref<1x128xi32, #tpu.memory_space<vmem>>
      %dma_start3A_310 = tpu.memref_squeeze %dma_start3A_309 : memref<1x128xi32, #tpu.memory_space<vmem>> -> memref<128xi32, #tpu.memory_space<vmem>>
      %dma_start3A_311 = arith.constant 0 : i32
      %dma_start3A_312 = arith.constant 0 : i32
      %dma_start3A_313 = tpu.memref_slice %arg2[%dma_start3A_311, %dma_start3A_312] : memref<676000x16xi32, #tpu.memory_space<hbm>> -> memref<676000x16xi32, #tpu.memory_space<hbm>>
      tpu.enqueue_indirect_dma source(%dma_start3A_313 : memref<676000x16xi32, #tpu.memory_space<hbm>>) target(%dma_start3A_307 : memref<128x16xi32, #tpu.memory_space<vmem>>) offsets(%dma_start3A_310 : memref<128xi32, #tpu.memory_space<vmem>>) semaphore(%arg16 : memref<!tpu.dma_semaphore, #tpu.memory_space<semaphore_mem>>)
      %dma_start3A_314 = arith.constant 384 : i32
      %dma_start3A_315 = arith.constant 0 : i32
      %dma_start3A_316 = tpu.memref_slice %arg11[%dma_start3A_314, %dma_start3A_315] : memref<656x16xi32, #tpu.memory_space<vmem>> -> memref<128x16xi32, #tpu.memory_space<vmem>>
      %dma_start3A_317 = arith.constant 384 : i32
      %dma_start3A_318 = tpu.memref_slice %arg8[%add3A_286, %dma_start3A_317] : memref<32x656xi32, #tpu.memory_space<vmem>> -> memref<1x128xi32, #tpu.memory_space<vmem>>
      %dma_start3A_319 = tpu.memref_squeeze %dma_start3A_318 : memref<1x128xi32, #tpu.memory_space<vmem>> -> memref<128xi32, #tpu.memory_space<vmem>>
      %dma_start3A_320 = arith.constant 0 : i32
      %dma_start3A_321 = arith.constant 0 : i32
      %dma_start3A_322 = tpu.memref_slice %arg2[%dma_start3A_320, %dma_start3A_321] : memref<676000x16xi32, #tpu.memory_space<hbm>> -> memref<676000x16xi32, #tpu.memory_space<hbm>>
      tpu.enqueue_indirect_dma source(%dma_start3A_322 : memref<676000x16xi32, #tpu.memory_space<hbm>>) target(%dma_start3A_316 : memref<128x16xi32, #tpu.memory_space<vmem>>) offsets(%dma_start3A_319 : memref<128xi32, #tpu.memory_space<vmem>>) semaphore(%arg16 : memref<!tpu.dma_semaphore, #tpu.memory_space<semaphore_mem>>)
      %dma_start3A_323 = arith.constant 512 : i32
      %dma_start3A_324 = arith.constant 0 : i32
      %dma_start3A_325 = tpu.memref_slice %arg11[%dma_start3A_323, %dma_start3A_324] : memref<656x16xi32, #tpu.memory_space<vmem>> -> memref<128x16xi32, #tpu.memory_space<vmem>>
      %dma_start3A_326 = arith.constant 512 : i32
      %dma_start3A_327 = tpu.memref_slice %arg8[%add3A_286, %dma_start3A_326] : memref<32x656xi32, #tpu.memory_space<vmem>> -> memref<1x128xi32, #tpu.memory_space<vmem>>
      %dma_start3A_328 = tpu.memref_squeeze %dma_start3A_327 : memref<1x128xi32, #tpu.memory_space<vmem>> -> memref<128xi32, #tpu.memory_space<vmem>>
      %dma_start3A_329 = arith.constant 0 : i32
      %dma_start3A_330 = arith.constant 0 : i32
      %dma_start3A_331 = tpu.memref_slice %arg2[%dma_start3A_329, %dma_start3A_330] : memref<676000x16xi32, #tpu.memory_space<hbm>> -> memref<676000x16xi32, #tpu.memory_space<hbm>>
      tpu.enqueue_indirect_dma source(%dma_start3A_331 : memref<676000x16xi32, #tpu.memory_space<hbm>>) target(%dma_start3A_325 : memref<128x16xi32, #tpu.memory_space<vmem>>) offsets(%dma_start3A_328 : memref<128xi32, #tpu.memory_space<vmem>>) semaphore(%arg16 : memref<!tpu.dma_semaphore, #tpu.memory_space<semaphore_mem>>)
      %dma_start3A_332 = arith.constant 640 : i32
      %dma_start3A_333 = arith.constant 0 : i32
      %dma_start3A_334 = tpu.memref_slice %arg11[%dma_start3A_332, %dma_start3A_333] : memref<656x16xi32, #tpu.memory_space<vmem>> -> memref<16x16xi32, #tpu.memory_space<vmem>>
      %dma_start3A_335 = arith.constant 640 : i32
      %dma_start3A_336 = tpu.memref_slice %arg8[%add3A_286, %dma_start3A_335] : memref<32x656xi32, #tpu.memory_space<vmem>> -> memref<1x16xi32, #tpu.memory_space<vmem>>
      %dma_start3A_337 = tpu.memref_squeeze %dma_start3A_336 : memref<1x16xi32, #tpu.memory_space<vmem>> -> memref<16xi32, #tpu.memory_space<vmem>>
      %dma_start3A_338 = arith.constant 0 : i32
      %dma_start3A_339 = arith.constant 0 : i32
      %dma_start3A_340 = tpu.memref_slice %arg2[%dma_start3A_338, %dma_start3A_339] : memref<676000x16xi32, #tpu.memory_space<hbm>> -> memref<676000x16xi32, #tpu.memory_space<hbm>>
      tpu.enqueue_indirect_dma source(%dma_start3A_340 : memref<676000x16xi32, #tpu.memory_space<hbm>>) target(%dma_start3A_334 : memref<16x16xi32, #tpu.memory_space<vmem>>) offsets(%dma_start3A_337 : memref<16xi32, #tpu.memory_space<vmem>>) semaphore(%arg16 : memref<!tpu.dma_semaphore, #tpu.memory_space<semaphore_mem>>)
      %dma_wait3A = arith.constant 0 : i32
      %dma_wait3A_341 = arith.constant 0 : i32
      %dma_wait3A_342 = arith.constant 0 : i32
      %dma_wait3A_343 = tpu.memref_slice %arg10[%dma_wait3A_341, %dma_wait3A_342] : memref<656x16xi32, #tpu.memory_space<vmem>> -> memref<128x16xi32, #tpu.memory_space<vmem>>
      %dma_wait3A_344 = arith.constant 0 : i32
      %dma_wait3A_345 = tpu.memref_slice %arg8[%dma_wait3A, %dma_wait3A_344] : memref<32x656xi32, #tpu.memory_space<vmem>> -> memref<1x128xi32, #tpu.memory_space<vmem>>
      %dma_wait3A_346 = tpu.memref_squeeze %dma_wait3A_345 : memref<1x128xi32, #tpu.memory_space<vmem>> -> memref<128xi32, #tpu.memory_space<vmem>>
      %dma_wait3A_347 = arith.constant 0 : i32
      %dma_wait3A_348 = arith.constant 0 : i32
      %dma_wait3A_349 = tpu.memref_slice %arg2[%dma_wait3A_347, %dma_wait3A_348] : memref<676000x16xi32, #tpu.memory_space<hbm>> -> memref<676000x16xi32, #tpu.memory_space<hbm>>
      tpu.wait_indirect_dma semaphore(%arg15 : memref<!tpu.dma_semaphore, #tpu.memory_space<semaphore_mem>>) src(%dma_wait3A_349 : memref<676000x16xi32, #tpu.memory_space<hbm>>) dst(%dma_wait3A_343 : memref<128x16xi32, #tpu.memory_space<vmem>>)
      %dma_wait3A_350 = arith.constant 0 : i32
      %dma_wait3A_351 = arith.constant 128 : i32
      %dma_wait3A_352 = arith.constant 0 : i32
      %dma_wait3A_353 = tpu.memref_slice %arg10[%dma_wait3A_351, %dma_wait3A_352] : memref<656x16xi32, #tpu.memory_space<vmem>> -> memref<128x16xi32, #tpu.memory_space<vmem>>
      %dma_wait3A_354 = arith.constant 128 : i32
      %dma_wait3A_355 = tpu.memref_slice %arg8[%dma_wait3A_350, %dma_wait3A_354] : memref<32x656xi32, #tpu.memory_space<vmem>> -> memref<1x128xi32, #tpu.memory_space<vmem>>
      %dma_wait3A_356 = tpu.memref_squeeze %dma_wait3A_355 : memref<1x128xi32, #tpu.memory_space<vmem>> -> memref<128xi32, #tpu.memory_space<vmem>>
      %dma_wait3A_357 = arith.constant 0 : i32
      %dma_wait3A_358 = arith.constant 0 : i32
      %dma_wait3A_359 = tpu.memref_slice %arg2[%dma_wait3A_357, %dma_wait3A_358] : memref<676000x16xi32, #tpu.memory_space<hbm>> -> memref<676000x16xi32, #tpu.memory_space<hbm>>
      tpu.wait_indirect_dma semaphore(%arg15 : memref<!tpu.dma_semaphore, #tpu.memory_space<semaphore_mem>>) src(%dma_wait3A_359 : memref<676000x16xi32, #tpu.memory_space<hbm>>) dst(%dma_wait3A_353 : memref<128x16xi32, #tpu.memory_space<vmem>>)
      %dma_wait3A_360 = arith.constant 0 : i32
      %dma_wait3A_361 = arith.constant 256 : i32
      %dma_wait3A_362 = arith.constant 0 : i32
      %dma_wait3A_363 = tpu.memref_slice %arg10[%dma_wait3A_361, %dma_wait3A_362] : memref<656x16xi32, #tpu.memory_space<vmem>> -> memref<128x16xi32, #tpu.memory_space<vmem>>
      %dma_wait3A_364 = arith.constant 256 : i32
      %dma_wait3A_365 = tpu.memref_slice %arg8[%dma_wait3A_360, %dma_wait3A_364] : memref<32x656xi32, #tpu.memory_space<vmem>> -> memref<1x128xi32, #tpu.memory_space<vmem>>
      %dma_wait3A_366 = tpu.memref_squeeze %dma_wait3A_365 : memref<1x128xi32, #tpu.memory_space<vmem>> -> memref<128xi32, #tpu.memory_space<vmem>>
      %dma_wait3A_367 = arith.constant 0 : i32
      %dma_wait3A_368 = arith.constant 0 : i32
      %dma_wait3A_369 = tpu.memref_slice %arg2[%dma_wait3A_367, %dma_wait3A_368] : memref<676000x16xi32, #tpu.memory_space<hbm>> -> memref<676000x16xi32, #tpu.memory_space<hbm>>
      tpu.wait_indirect_dma semaphore(%arg15 : memref<!tpu.dma_semaphore, #tpu.memory_space<semaphore_mem>>) src(%dma_wait3A_369 : memref<676000x16xi32, #tpu.memory_space<hbm>>) dst(%dma_wait3A_363 : memref<128x16xi32, #tpu.memory_space<vmem>>)
      %dma_wait3A_370 = arith.constant 0 : i32
      %dma_wait3A_371 = arith.constant 384 : i32
      %dma_wait3A_372 = arith.constant 0 : i32
      %dma_wait3A_373 = tpu.memref_slice %arg10[%dma_wait3A_371, %dma_wait3A_372] : memref<656x16xi32, #tpu.memory_space<vmem>> -> memref<128x16xi32, #tpu.memory_space<vmem>>
      %dma_wait3A_374 = arith.constant 384 : i32
      %dma_wait3A_375 = tpu.memref_slice %arg8[%dma_wait3A_370, %dma_wait3A_374] : memref<32x656xi32, #tpu.memory_space<vmem>> -> memref<1x128xi32, #tpu.memory_space<vmem>>
      %dma_wait3A_376 = tpu.memref_squeeze %dma_wait3A_375 : memref<1x128xi32, #tpu.memory_space<vmem>> -> memref<128xi32, #tpu.memory_space<vmem>>
      %dma_wait3A_377 = arith.constant 0 : i32
      %dma_wait3A_378 = arith.constant 0 : i32
      %dma_wait3A_379 = tpu.memref_slice %arg2[%dma_wait3A_377, %dma_wait3A_378] : memref<676000x16xi32, #tpu.memory_space<hbm>> -> memref<676000x16xi32, #tpu.memory_space<hbm>>
      tpu.wait_indirect_dma semaphore(%arg15 : memref<!tpu.dma_semaphore, #tpu.memory_space<semaphore_mem>>) src(%dma_wait3A_379 : memref<676000x16xi32, #tpu.memory_space<hbm>>) dst(%dma_wait3A_373 : memref<128x16xi32, #tpu.memory_space<vmem>>)
      %dma_wait3A_380 = arith.constant 0 : i32
      %dma_wait3A_381 = arith.constant 512 : i32
      %dma_wait3A_382 = arith.constant 0 : i32
      %dma_wait3A_383 = tpu.memref_slice %arg10[%dma_wait3A_381, %dma_wait3A_382] : memref<656x16xi32, #tpu.memory_space<vmem>> -> memref<128x16xi32, #tpu.memory_space<vmem>>
      %dma_wait3A_384 = arith.constant 512 : i32
      %dma_wait3A_385 = tpu.memref_slice %arg8[%dma_wait3A_380, %dma_wait3A_384] : memref<32x656xi32, #tpu.memory_space<vmem>> -> memref<1x128xi32, #tpu.memory_space<vmem>>
      %dma_wait3A_386 = tpu.memref_squeeze %dma_wait3A_385 : memref<1x128xi32, #tpu.memory_space<vmem>> -> memref<128xi32, #tpu.memory_space<vmem>>
      %dma_wait3A_387 = arith.constant 0 : i32
      %dma_wait3A_388 = arith.constant 0 : i32
      %dma_wait3A_389 = tpu.memref_slice %arg2[%dma_wait3A_387, %dma_wait3A_388] : memref<676000x16xi32, #tpu.memory_space<hbm>> -> memref<676000x16xi32, #tpu.memory_space<hbm>>
      tpu.wait_indirect_dma semaphore(%arg15 : memref<!tpu.dma_semaphore, #tpu.memory_space<semaphore_mem>>) src(%dma_wait3A_389 : memref<676000x16xi32, #tpu.memory_space<hbm>>) dst(%dma_wait3A_383 : memref<128x16xi32, #tpu.memory_space<vmem>>)
      %dma_wait3A_390 = arith.constant 0 : i32
      %dma_wait3A_391 = arith.constant 640 : i32
      %dma_wait3A_392 = arith.constant 0 : i32
      %dma_wait3A_393 = tpu.memref_slice %arg10[%dma_wait3A_391, %dma_wait3A_392] : memref<656x16xi32, #tpu.memory_space<vmem>> -> memref<16x16xi32, #tpu.memory_space<vmem>>
      %dma_wait3A_394 = arith.constant 640 : i32
      %dma_wait3A_395 = tpu.memref_slice %arg8[%dma_wait3A_390, %dma_wait3A_394] : memref<32x656xi32, #tpu.memory_space<vmem>> -> memref<1x16xi32, #tpu.memory_space<vmem>>
      %dma_wait3A_396 = tpu.memref_squeeze %dma_wait3A_395 : memref<1x16xi32, #tpu.memory_space<vmem>> -> memref<16xi32, #tpu.memory_space<vmem>>
      %dma_wait3A_397 = arith.constant 0 : i32
      %dma_wait3A_398 = arith.constant 0 : i32
      %dma_wait3A_399 = tpu.memref_slice %arg2[%dma_wait3A_397, %dma_wait3A_398] : memref<676000x16xi32, #tpu.memory_space<hbm>> -> memref<676000x16xi32, #tpu.memory_space<hbm>>
      tpu.wait_indirect_dma semaphore(%arg15 : memref<!tpu.dma_semaphore, #tpu.memory_space<semaphore_mem>>) src(%dma_wait3A_399 : memref<676000x16xi32, #tpu.memory_space<hbm>>) dst(%dma_wait3A_393 : memref<16x16xi32, #tpu.memory_space<vmem>>)
      %broadcast_in_dim3A_400 = arith.constant 0.000000e+00 : f32
      %broadcast_in_dim3A_401 = vector.broadcast %broadcast_in_dim3A_400 : f32 to vector<16xf32>
      %scan3A_402 = arith.constant 0 : i32
      %scan3A_403 = arith.constant 65 : i32
      %scan3A_404 = arith.addi %scan3A_402, %scan3A_403 : i32
      %scan3A_405 = arith.constant 1 : i32
      %scan3A_406 = scf.for %scan3A_531 = %scan3A_402 to %scan3A_404 step %scan3A_405 iter_args(%scan3A_532 = %broadcast_in_dim3A_401) -> (vector<16xf32>)  : i32 {
        %mul3A_533 = arith.constant 5 : i32
        %mul3A_534 = arith.muli %scan3A_531, %mul3A_533 : i32
        %add3A_535 = arith.constant 0 : i32
        %add3A_536 = arith.addi %mul3A_534, %add3A_535 : i32
        %mul3A_537 = arith.constant 2 : i32
        %mul3A_538 = arith.muli %mul3A_537, %add3A_536 : i32
        %get3A_539 = arith.index_cast %mul3A_538 : i32 to index
        %get3A_540 = arith.constant 0 : index
        %get3A_541 = tpu.vector_load %arg10[%get3A_539, %get3A_540] {strides = array<i32>} : memref<656x16xi32, #tpu.memory_space<vmem>>, vector<16xi32>,
        %bitcast3A = vector.bitcast %get3A_541 : vector<16xi32> to vector<32xbf16>
        %mul3A_542 = arith.constant 2 : i32
        %mul3A_543 = arith.muli %mul3A_542, %add3A_536 : i32
        %add3A_544 = arith.constant 1 : i32
        %add3A_545 = arith.addi %mul3A_543, %add3A_544 : i32
        %get3A_546 = arith.index_cast %add3A_545 : i32 to index
        %get3A_547 = arith.constant 0 : index
        %get3A_548 = tpu.vector_load %arg10[%get3A_546, %get3A_547] {strides = array<i32>} : memref<656x16xi32, #tpu.memory_space<vmem>>, vector<16xi32>,
        %bitcast3A_549 = vector.bitcast %get3A_548 : vector<16xi32> to vector<32xbf16>
        %unpack3A = tpu.unpack_subelements %bitcast3A, 0 {pack_format = #tpu.pack_format<interleaved>} : vector<32xbf16> -> vector<16xf32>
        %unpack3A_550 = tpu.unpack_subelements %bitcast3A, 1 {pack_format = #tpu.pack_format<interleaved>} : vector<32xbf16> -> vector<16xf32>
        %unpack3A_551 = tpu.unpack_subelements %bitcast3A_549, 0 {pack_format = #tpu.pack_format<interleaved>} : vector<32xbf16> -> vector<16xf32>
        %unpack3A_552 = tpu.unpack_subelements %bitcast3A_549, 1 {pack_format = #tpu.pack_format<interleaved>} : vector<32xbf16> -> vector<16xf32>
        %mul3A_553 = arith.mulf %unpack3A, %unpack3A_551 : vector<16xf32>
        %add3A_554 = arith.addf %scan3A_532, %mul3A_553 : vector<16xf32>
        %mul3A_555 = arith.mulf %unpack3A_550, %unpack3A_552 : vector<16xf32>
        %add3A_556 = arith.addf %add3A_554, %mul3A_555 : vector<16xf32>
        %mul3A_557 = arith.constant 5 : i32
        %mul3A_558 = arith.muli %scan3A_531, %mul3A_557 : i32
        %add3A_559 = arith.constant 1 : i32
        %add3A_560 = arith.addi %mul3A_558, %add3A_559 : i32
        %mul3A_561 = arith.constant 2 : i32
        %mul3A_562 = arith.muli %mul3A_561, %add3A_560 : i32
        %get3A_563 = arith.index_cast %mul3A_562 : i32 to index
        %get3A_564 = arith.constant 0 : index
        %get3A_565 = tpu.vector_load %arg10[%get3A_563, %get3A_564] {strides = array<i32>} : memref<656x16xi32, #tpu.memory_space<vmem>>, vector<16xi32>,
        %bitcast3A_566 = vector.bitcast %get3A_565 : vector<16xi32> to vector<32xbf16>
        %mul3A_567 = arith.constant 2 : i32
        %mul3A_568 = arith.muli %mul3A_567, %add3A_560 : i32
        %add3A_569 = arith.constant 1 : i32
        %add3A_570 = arith.addi %mul3A_568, %add3A_569 : i32
        %get3A_571 = arith.index_cast %add3A_570 : i32 to index
        %get3A_572 = arith.constant 0 : index
        %get3A_573 = tpu.vector_load %arg10[%get3A_571, %get3A_572] {strides = array<i32>} : memref<656x16xi32, #tpu.memory_space<vmem>>, vector<16xi32>,
        %bitcast3A_574 = vector.bitcast %get3A_573 : vector<16xi32> to vector<32xbf16>
        %unpack3A_575 = tpu.unpack_subelements %bitcast3A_566, 0 {pack_format = #tpu.pack_format<interleaved>} : vector<32xbf16> -> vector<16xf32>
        %unpack3A_576 = tpu.unpack_subelements %bitcast3A_566, 1 {pack_format = #tpu.pack_format<interleaved>} : vector<32xbf16> -> vector<16xf32>
        %unpack3A_577 = tpu.unpack_subelements %bitcast3A_574, 0 {pack_format = #tpu.pack_format<interleaved>} : vector<32xbf16> -> vector<16xf32>
        %unpack3A_578 = tpu.unpack_subelements %bitcast3A_574, 1 {pack_format = #tpu.pack_format<interleaved>} : vector<32xbf16> -> vector<16xf32>
        %mul3A_579 = arith.mulf %unpack3A_575, %unpack3A_577 : vector<16xf32>
        %add3A_580 = arith.addf %add3A_556, %mul3A_579 : vector<16xf32>
        %mul3A_581 = arith.mulf %unpack3A_576, %unpack3A_578 : vector<16xf32>
        %add3A_582 = arith.addf %add3A_580, %mul3A_581 : vector<16xf32>
        %mul3A_583 = arith.constant 5 : i32
        %mul3A_584 = arith.muli %scan3A_531, %mul3A_583 : i32
        %add3A_585 = arith.constant 2 : i32
        %add3A_586 = arith.addi %mul3A_584, %add3A_585 : i32
        %mul3A_587 = arith.constant 2 : i32
        %mul3A_588 = arith.muli %mul3A_587, %add3A_586 : i32
        %get3A_589 = arith.index_cast %mul3A_588 : i32 to index
        %get3A_590 = arith.constant 0 : index
        %get3A_591 = tpu.vector_load %arg10[%get3A_589, %get3A_590] {strides = array<i32>} : memref<656x16xi32, #tpu.memory_space<vmem>>, vector<16xi32>,
        %bitcast3A_592 = vector.bitcast %get3A_591 : vector<16xi32> to vector<32xbf16>
        %mul3A_593 = arith.constant 2 : i32
        %mul3A_594 = arith.muli %mul3A_593, %add3A_586 : i32
        %add3A_595 = arith.constant 1 : i32
        %add3A_596 = arith.addi %mul3A_594, %add3A_595 : i32
        %get3A_597 = arith.index_cast %add3A_596 : i32 to index
        %get3A_598 = arith.constant 0 : index
        %get3A_599 = tpu.vector_load %arg10[%get3A_597, %get3A_598] {strides = array<i32>} : memref<656x16xi32, #tpu.memory_space<vmem>>, vector<16xi32>,
        %bitcast3A_600 = vector.bitcast %get3A_599 : vector<16xi32> to vector<32xbf16>
        %unpack3A_601 = tpu.unpack_subelements %bitcast3A_592, 0 {pack_format = #tpu.pack_format<interleaved>} : vector<32xbf16> -> vector<16xf32>
        %unpack3A_602 = tpu.unpack_subelements %bitcast3A_592, 1 {pack_format = #tpu.pack_format<interleaved>} : vector<32xbf16> -> vector<16xf32>
        %unpack3A_603 = tpu.unpack_subelements %bitcast3A_600, 0 {pack_format = #tpu.pack_format<interleaved>} : vector<32xbf16> -> vector<16xf32>
        %unpack3A_604 = tpu.unpack_subelements %bitcast3A_600, 1 {pack_format = #tpu.pack_format<interleaved>} : vector<32xbf16> -> vector<16xf32>
        %mul3A_605 = arith.mulf %unpack3A_601, %unpack3A_603 : vector<16xf32>
        %add3A_606 = arith.addf %add3A_582, %mul3A_605 : vector<16xf32>
        %mul3A_607 = arith.mulf %unpack3A_602, %unpack3A_604 : vector<16xf32>
        %add3A_608 = arith.addf %add3A_606, %mul3A_607 : vector<16xf32>
        %mul3A_609 = arith.constant 5 : i32
        %mul3A_610 = arith.muli %scan3A_531, %mul3A_609 : i32
        %add3A_611 = arith.constant 3 : i32
        %add3A_612 = arith.addi %mul3A_610, %add3A_611 : i32
        %mul3A_613 = arith.constant 2 : i32
        %mul3A_614 = arith.muli %mul3A_613, %add3A_612 : i32
        %get3A_615 = arith.index_cast %mul3A_614 : i32 to index
        %get3A_616 = arith.constant 0 : index
        %get3A_617 = tpu.vector_load %arg10[%get3A_615, %get3A_616] {strides = array<i32>} : memref<656x16xi32, #tpu.memory_space<vmem>>, vector<16xi32>,
        %bitcast3A_618 = vector.bitcast %get3A_617 : vector<16xi32> to vector<32xbf16>
        %mul3A_619 = arith.constant 2 : i32
        %mul3A_620 = arith.muli %mul3A_619, %add3A_612 : i32
        %add3A_621 = arith.constant 1 : i32
        %add3A_622 = arith.addi %mul3A_620, %add3A_621 : i32
        %get3A_623 = arith.index_cast %add3A_622 : i32 to index
        %get3A_624 = arith.constant 0 : index
        %get3A_625 = tpu.vector_load %arg10[%get3A_623, %get3A_624] {strides = array<i32>} : memref<656x16xi32, #tpu.memory_space<vmem>>, vector<16xi32>,
        %bitcast3A_626 = vector.bitcast %get3A_625 : vector<16xi32> to vector<32xbf16>
        %unpack3A_627 = tpu.unpack_subelements %bitcast3A_618, 0 {pack_format = #tpu.pack_format<interleaved>} : vector<32xbf16> -> vector<16xf32>
        %unpack3A_628 = tpu.unpack_subelements %bitcast3A_618, 1 {pack_format = #tpu.pack_format<interleaved>} : vector<32xbf16> -> vector<16xf32>
        %unpack3A_629 = tpu.unpack_subelements %bitcast3A_626, 0 {pack_format = #tpu.pack_format<interleaved>} : vector<32xbf16> -> vector<16xf32>
        %unpack3A_630 = tpu.unpack_subelements %bitcast3A_626, 1 {pack_format = #tpu.pack_format<interleaved>} : vector<32xbf16> -> vector<16xf32>
        %mul3A_631 = arith.mulf %unpack3A_627, %unpack3A_629 : vector<16xf32>
        %add3A_632 = arith.addf %add3A_608, %mul3A_631 : vector<16xf32>
        %mul3A_633 = arith.mulf %unpack3A_628, %unpack3A_630 : vector<16xf32>
        %add3A_634 = arith.addf %add3A_632, %mul3A_633 : vector<16xf32>
        %mul3A_635 = arith.constant 5 : i32
        %mul3A_636 = arith.muli %scan3A_531, %mul3A_635 : i32
        %add3A_637 = arith.constant 4 : i32
        %add3A_638 = arith.addi %mul3A_636, %add3A_637 : i32
        %mul3A_639 = arith.constant 2 : i32
        %mul3A_640 = arith.muli %mul3A_639, %add3A_638 : i32
        %get3A_641 = arith.index_cast %mul3A_640 : i32 to index
        %get3A_642 = arith.constant 0 : index
        %get3A_643 = tpu.vector_load %arg10[%get3A_641, %get3A_642] {strides = array<i32>} : memref<656x16xi32, #tpu.memory_space<vmem>>, vector<16xi32>,
        %bitcast3A_644 = vector.bitcast %get3A_643 : vector<16xi32> to vector<32xbf16>
        %mul3A_645 = arith.constant 2 : i32
        %mul3A_646 = arith.muli %mul3A_645, %add3A_638 : i32
        %add3A_647 = arith.constant 1 : i32
        %add3A_648 = arith.addi %mul3A_646, %add3A_647 : i32
        %get3A_649 = arith.index_cast %add3A_648 : i32 to index
        %get3A_650 = arith.constant 0 : index
        %get3A_651 = tpu.vector_load %arg10[%get3A_649, %get3A_650] {strides = array<i32>} : memref<656x16xi32, #tpu.memory_space<vmem>>, vector<16xi32>,
        %bitcast3A_652 = vector.bitcast %get3A_651 : vector<16xi32> to vector<32xbf16>
        %unpack3A_653 = tpu.unpack_subelements %bitcast3A_644, 0 {pack_format = #tpu.pack_format<interleaved>} : vector<32xbf16> -> vector<16xf32>
        %unpack3A_654 = tpu.unpack_subelements %bitcast3A_644, 1 {pack_format = #tpu.pack_format<interleaved>} : vector<32xbf16> -> vector<16xf32>
        %unpack3A_655 = tpu.unpack_subelements %bitcast3A_652, 0 {pack_format = #tpu.pack_format<interleaved>} : vector<32xbf16> -> vector<16xf32>
        %unpack3A_656 = tpu.unpack_subelements %bitcast3A_652, 1 {pack_format = #tpu.pack_format<interleaved>} : vector<32xbf16> -> vector<16xf32>
        %mul3A_657 = arith.mulf %unpack3A_653, %unpack3A_655 : vector<16xf32>
        %add3A_658 = arith.addf %add3A_634, %mul3A_657 : vector<16xf32>
        %mul3A_659 = arith.mulf %unpack3A_654, %unpack3A_656 : vector<16xf32>
        %add3A_660 = arith.addf %add3A_658, %mul3A_659 : vector<16xf32>
        scf.yield %add3A_660 : vector<16xf32>
      }
      %scan3A_407 = arith.constant 65 : i32
      %get3A_408 = arith.index_cast %mul3A_284 : i32 to index
      %get3A_409 = arith.constant 0 : index
      %get3A_410 = tpu.vector_load %arg9[%get3A_408, %get3A_409] {strides = array<i32>} : memref<32x32xi32, #tpu.memory_space<vmem>>, vector<16xi32>,
      %gather3A = tpu.vector_load_idx %arg12[%get3A_410] : memref<26008xf32, #tpu.memory_space<vmem>>[vector<16xi32>], vector<16xf32>,
      %get3A_411 = arith.index_cast %mul3A_284 : i32 to index
      %get3A_412 = arith.constant 16 : index
      %get3A_413 = tpu.vector_load %arg9[%get3A_411, %get3A_412] {strides = array<i32>} : memref<32x32xi32, #tpu.memory_space<vmem>>, vector<16xi32>,
      %gather3A_414 = tpu.vector_load_idx %arg12[%get3A_413] : memref<26008xf32, #tpu.memory_space<vmem>>[vector<16xi32>], vector<16xf32>,
      %add3A_415 = arith.addf %scan3A_406, %gather3A : vector<16xf32>
      %add3A_416 = arith.addf %add3A_415, %gather3A_414 : vector<16xf32>
      %reduce_sum3A = arith.constant true
      %reduce_sum3A_417 = vector.broadcast %reduce_sum3A : i1 to vector<16xi1>
      %reduce_sum3A_418 = tpu.scan <sum>, %add3A_416 masked %reduce_sum3A_417 : vector<16xf32>, vector<16xi1> -> vector<16xf32>
      %reduce_sum3A_419 = vector.extract %reduce_sum3A_418[15] : f32 from vector<16xf32>
      %slice3A = vector.extract_strided_slice %get3A_3 {offsets = [0], sizes = [1], strides = [1]} : vector<16xf32> to vector<1xf32>
      %squeeze3A = vector.extract %slice3A[0] : f32 from vector<1xf32>
      %add3A_420 = arith.addf %reduce_sum3A_419, %squeeze3A : f32
      %and3A = arith.constant 15 : i32
      %and3A_421 = arith.andi %mul3A_284, %and3A : i32
      %eq3A = vector.broadcast %and3A_421 : i32 to vector<16xi32>
      %eq3A_422 = arith.cmpi eq, %iota3A, %eq3A : vector<16xi32>
      %broadcast_in_dim3A_423 = vector.broadcast %add3A_420 : f32 to vector<16xf32>
      %select_n3A = arith.select %eq3A_422, %broadcast_in_dim3A_423, %scan3A_282 : vector<16xi1>, vector<16xf32>
      %and3A_424 = arith.constant 15 : i32
      %and3A_425 = arith.andi %mul3A_284, %and3A_424 : i32
      %eq3A_426 = arith.constant 15 : i32
      %eq3A_427 = arith.cmpi eq, %and3A_425, %eq3A_426 : i32
      %convert_element_type3A = arith.extui %eq3A_427 : i1 to i32
      %cond3A = arith.constant 0 : i32
      %cond3A_428 = arith.cmpi ne, %convert_element_type3A, %cond3A : i32
      scf.if %cond3A_428 {
        %add3A_531 = arith.constant 0 : i32
        %add3A_532 = arith.addi %add3A_531, %mul3A_284 : i32
        %sub3A = arith.constant 15 : i32
        %sub3A_533 = arith.subi %add3A_532, %sub3A : i32
        %swap3A = arith.index_cast %sub3A_533 : i32 to index
        %swap3A_534 = tpu.vector_load %arg14[%swap3A] {strides = array<i32>} : memref<128xf32, #tpu.memory_space<vmem>>, vector<16xf32>,
        tpu.vector_store %arg14[%swap3A], %select_n3A {strides = array<i32>} : memref<128xf32, #tpu.memory_space<vmem>>, vector<16xf32>,
      } else {
      }
      %lt3A = arith.constant 31 : i32
      %lt3A_429 = arith.cmpi slt, %add3A_286, %lt3A : i32
      %convert_element_type3A_430 = arith.extui %lt3A_429 : i1 to i32
      %cond3A_431 = arith.constant 0 : i32
      %cond3A_432 = arith.cmpi ne, %convert_element_type3A_430, %cond3A_431 : i32
      scf.if %cond3A_432 {
        %add3A_531 = arith.constant 2 : i32
        %add3A_532 = arith.addi %mul3A_284, %add3A_531 : i32
        %dma_start3A_533 = arith.constant 0 : i32
        %dma_start3A_534 = arith.constant 0 : i32
        %dma_start3A_535 = tpu.memref_slice %arg10[%dma_start3A_533, %dma_start3A_534] : memref<656x16xi32, #tpu.memory_space<vmem>> -> memref<128x16xi32, #tpu.memory_space<vmem>>
        %dma_start3A_536 = arith.constant 0 : i32
        %dma_start3A_537 = tpu.memref_slice %arg8[%add3A_532, %dma_start3A_536] : memref<32x656xi32, #tpu.memory_space<vmem>> -> memref<1x128xi32, #tpu.memory_space<vmem>>
        %dma_start3A_538 = tpu.memref_squeeze %dma_start3A_537 : memref<1x128xi32, #tpu.memory_space<vmem>> -> memref<128xi32, #tpu.memory_space<vmem>>
        %dma_start3A_539 = arith.constant 0 : i32
        %dma_start3A_540 = arith.constant 0 : i32
        %dma_start3A_541 = tpu.memref_slice %arg2[%dma_start3A_539, %dma_start3A_540] : memref<676000x16xi32, #tpu.memory_space<hbm>> -> memref<676000x16xi32, #tpu.memory_space<hbm>>
        tpu.enqueue_indirect_dma source(%dma_start3A_541 : memref<676000x16xi32, #tpu.memory_space<hbm>>) target(%dma_start3A_535 : memref<128x16xi32, #tpu.memory_space<vmem>>) offsets(%dma_start3A_538 : memref<128xi32, #tpu.memory_space<vmem>>) semaphore(%arg15 : memref<!tpu.dma_semaphore, #tpu.memory_space<semaphore_mem>>)
        %dma_start3A_542 = arith.constant 128 : i32
        %dma_start3A_543 = arith.constant 0 : i32
        %dma_start3A_544 = tpu.memref_slice %arg10[%dma_start3A_542, %dma_start3A_543] : memref<656x16xi32, #tpu.memory_space<vmem>> -> memref<128x16xi32, #tpu.memory_space<vmem>>
        %dma_start3A_545 = arith.constant 128 : i32
        %dma_start3A_546 = tpu.memref_slice %arg8[%add3A_532, %dma_start3A_545] : memref<32x656xi32, #tpu.memory_space<vmem>> -> memref<1x128xi32, #tpu.memory_space<vmem>>
        %dma_start3A_547 = tpu.memref_squeeze %dma_start3A_546 : memref<1x128xi32, #tpu.memory_space<vmem>> -> memref<128xi32, #tpu.memory_space<vmem>>
        %dma_start3A_548 = arith.constant 0 : i32
        %dma_start3A_549 = arith.constant 0 : i32
        %dma_start3A_550 = tpu.memref_slice %arg2[%dma_start3A_548, %dma_start3A_549] : memref<676000x16xi32, #tpu.memory_space<hbm>> -> memref<676000x16xi32, #tpu.memory_space<hbm>>
        tpu.enqueue_indirect_dma source(%dma_start3A_550 : memref<676000x16xi32, #tpu.memory_space<hbm>>) target(%dma_start3A_544 : memref<128x16xi32, #tpu.memory_space<vmem>>) offsets(%dma_start3A_547 : memref<128xi32, #tpu.memory_space<vmem>>) semaphore(%arg15 : memref<!tpu.dma_semaphore, #tpu.memory_space<semaphore_mem>>)
        %dma_start3A_551 = arith.constant 256 : i32
        %dma_start3A_552 = arith.constant 0 : i32
        %dma_start3A_553 = tpu.memref_slice %arg10[%dma_start3A_551, %dma_start3A_552] : memref<656x16xi32, #tpu.memory_space<vmem>> -> memref<128x16xi32, #tpu.memory_space<vmem>>
        %dma_start3A_554 = arith.constant 256 : i32
        %dma_start3A_555 = tpu.memref_slice %arg8[%add3A_532, %dma_start3A_554] : memref<32x656xi32, #tpu.memory_space<vmem>> -> memref<1x128xi32, #tpu.memory_space<vmem>>
        %dma_start3A_556 = tpu.memref_squeeze %dma_start3A_555 : memref<1x128xi32, #tpu.memory_space<vmem>> -> memref<128xi32, #tpu.memory_space<vmem>>
        %dma_start3A_557 = arith.constant 0 : i32
        %dma_start3A_558 = arith.constant 0 : i32
        %dma_start3A_559 = tpu.memref_slice %arg2[%dma_start3A_557, %dma_start3A_558] : memref<676000x16xi32, #tpu.memory_space<hbm>> -> memref<676000x16xi32, #tpu.memory_space<hbm>>
        tpu.enqueue_indirect_dma source(%dma_start3A_559 : memref<676000x16xi32, #tpu.memory_space<hbm>>) target(%dma_start3A_553 : memref<128x16xi32, #tpu.memory_space<vmem>>) offsets(%dma_start3A_556 : memref<128xi32, #tpu.memory_space<vmem>>) semaphore(%arg15 : memref<!tpu.dma_semaphore, #tpu.memory_space<semaphore_mem>>)
        %dma_start3A_560 = arith.constant 384 : i32
        %dma_start3A_561 = arith.constant 0 : i32
        %dma_start3A_562 = tpu.memref_slice %arg10[%dma_start3A_560, %dma_start3A_561] : memref<656x16xi32, #tpu.memory_space<vmem>> -> memref<128x16xi32, #tpu.memory_space<vmem>>
        %dma_start3A_563 = arith.constant 384 : i32
        %dma_start3A_564 = tpu.memref_slice %arg8[%add3A_532, %dma_start3A_563] : memref<32x656xi32, #tpu.memory_space<vmem>> -> memref<1x128xi32, #tpu.memory_space<vmem>>
        %dma_start3A_565 = tpu.memref_squeeze %dma_start3A_564 : memref<1x128xi32, #tpu.memory_space<vmem>> -> memref<128xi32, #tpu.memory_space<vmem>>
        %dma_start3A_566 = arith.constant 0 : i32
        %dma_start3A_567 = arith.constant 0 : i32
        %dma_start3A_568 = tpu.memref_slice %arg2[%dma_start3A_566, %dma_start3A_567] : memref<676000x16xi32, #tpu.memory_space<hbm>> -> memref<676000x16xi32, #tpu.memory_space<hbm>>
        tpu.enqueue_indirect_dma source(%dma_start3A_568 : memref<676000x16xi32, #tpu.memory_space<hbm>>) target(%dma_start3A_562 : memref<128x16xi32, #tpu.memory_space<vmem>>) offsets(%dma_start3A_565 : memref<128xi32, #tpu.memory_space<vmem>>) semaphore(%arg15 : memref<!tpu.dma_semaphore, #tpu.memory_space<semaphore_mem>>)
        %dma_start3A_569 = arith.constant 512 : i32
        %dma_start3A_570 = arith.constant 0 : i32
        %dma_start3A_571 = tpu.memref_slice %arg10[%dma_start3A_569, %dma_start3A_570] : memref<656x16xi32, #tpu.memory_space<vmem>> -> memref<128x16xi32, #tpu.memory_space<vmem>>
        %dma_start3A_572 = arith.constant 512 : i32
        %dma_start3A_573 = tpu.memref_slice %arg8[%add3A_532, %dma_start3A_572] : memref<32x656xi32, #tpu.memory_space<vmem>> -> memref<1x128xi32, #tpu.memory_space<vmem>>
        %dma_start3A_574 = tpu.memref_squeeze %dma_start3A_573 : memref<1x128xi32, #tpu.memory_space<vmem>> -> memref<128xi32, #tpu.memory_space<vmem>>
        %dma_start3A_575 = arith.constant 0 : i32
        %dma_start3A_576 = arith.constant 0 : i32
        %dma_start3A_577 = tpu.memref_slice %arg2[%dma_start3A_575, %dma_start3A_576] : memref<676000x16xi32, #tpu.memory_space<hbm>> -> memref<676000x16xi32, #tpu.memory_space<hbm>>
        tpu.enqueue_indirect_dma source(%dma_start3A_577 : memref<676000x16xi32, #tpu.memory_space<hbm>>) target(%dma_start3A_571 : memref<128x16xi32, #tpu.memory_space<vmem>>) offsets(%dma_start3A_574 : memref<128xi32, #tpu.memory_space<vmem>>) semaphore(%arg15 : memref<!tpu.dma_semaphore, #tpu.memory_space<semaphore_mem>>)
        %dma_start3A_578 = arith.constant 640 : i32
        %dma_start3A_579 = arith.constant 0 : i32
        %dma_start3A_580 = tpu.memref_slice %arg10[%dma_start3A_578, %dma_start3A_579] : memref<656x16xi32, #tpu.memory_space<vmem>> -> memref<16x16xi32, #tpu.memory_space<vmem>>
        %dma_start3A_581 = arith.constant 640 : i32
        %dma_start3A_582 = tpu.memref_slice %arg8[%add3A_532, %dma_start3A_581] : memref<32x656xi32, #tpu.memory_space<vmem>> -> memref<1x16xi32, #tpu.memory_space<vmem>>
        %dma_start3A_583 = tpu.memref_squeeze %dma_start3A_582 : memref<1x16xi32, #tpu.memory_space<vmem>> -> memref<16xi32, #tpu.memory_space<vmem>>
        %dma_start3A_584 = arith.constant 0 : i32
        %dma_start3A_585 = arith.constant 0 : i32
        %dma_start3A_586 = tpu.memref_slice %arg2[%dma_start3A_584, %dma_start3A_585] : memref<676000x16xi32, #tpu.memory_space<hbm>> -> memref<676000x16xi32, #tpu.memory_space<hbm>>
        tpu.enqueue_indirect_dma source(%dma_start3A_586 : memref<676000x16xi32, #tpu.memory_space<hbm>>) target(%dma_start3A_580 : memref<16x16xi32, #tpu.memory_space<vmem>>) offsets(%dma_start3A_583 : memref<16xi32, #tpu.memory_space<vmem>>) semaphore(%arg15 : memref<!tpu.dma_semaphore, #tpu.memory_space<semaphore_mem>>)
      } else {
      }
      %dma_wait3A_433 = arith.constant 0 : i32
      %dma_wait3A_434 = arith.constant 0 : i32
      %dma_wait3A_435 = arith.constant 0 : i32
      %dma_wait3A_436 = tpu.memref_slice %arg11[%dma_wait3A_434, %dma_wait3A_435] : memref<656x16xi32, #tpu.memory_space<vmem>> -> memref<128x16xi32, #tpu.memory_space<vmem>>
      %dma_wait3A_437 = arith.constant 0 : i32
      %dma_wait3A_438 = tpu.memref_slice %arg8[%dma_wait3A_433, %dma_wait3A_437] : memref<32x656xi32, #tpu.memory_space<vmem>> -> memref<1x128xi32, #tpu.memory_space<vmem>>
      %dma_wait3A_439 = tpu.memref_squeeze %dma_wait3A_438 : memref<1x128xi32, #tpu.memory_space<vmem>> -> memref<128xi32, #tpu.memory_space<vmem>>
      %dma_wait3A_440 = arith.constant 0 : i32
      %dma_wait3A_441 = arith.constant 0 : i32
      %dma_wait3A_442 = tpu.memref_slice %arg2[%dma_wait3A_440, %dma_wait3A_441] : memref<676000x16xi32, #tpu.memory_space<hbm>> -> memref<676000x16xi32, #tpu.memory_space<hbm>>
      tpu.wait_indirect_dma semaphore(%arg16 : memref<!tpu.dma_semaphore, #tpu.memory_space<semaphore_mem>>) src(%dma_wait3A_442 : memref<676000x16xi32, #tpu.memory_space<hbm>>) dst(%dma_wait3A_436 : memref<128x16xi32, #tpu.memory_space<vmem>>)
      %dma_wait3A_443 = arith.constant 0 : i32
      %dma_wait3A_444 = arith.constant 128 : i32
      %dma_wait3A_445 = arith.constant 0 : i32
      %dma_wait3A_446 = tpu.memref_slice %arg11[%dma_wait3A_444, %dma_wait3A_445] : memref<656x16xi32, #tpu.memory_space<vmem>> -> memref<128x16xi32, #tpu.memory_space<vmem>>
      %dma_wait3A_447 = arith.constant 128 : i32
      %dma_wait3A_448 = tpu.memref_slice %arg8[%dma_wait3A_443, %dma_wait3A_447] : memref<32x656xi32, #tpu.memory_space<vmem>> -> memref<1x128xi32, #tpu.memory_space<vmem>>
      %dma_wait3A_449 = tpu.memref_squeeze %dma_wait3A_448 : memref<1x128xi32, #tpu.memory_space<vmem>> -> memref<128xi32, #tpu.memory_space<vmem>>
      %dma_wait3A_450 = arith.constant 0 : i32
      %dma_wait3A_451 = arith.constant 0 : i32
      %dma_wait3A_452 = tpu.memref_slice %arg2[%dma_wait3A_450, %dma_wait3A_451] : memref<676000x16xi32, #tpu.memory_space<hbm>> -> memref<676000x16xi32, #tpu.memory_space<hbm>>
      tpu.wait_indirect_dma semaphore(%arg16 : memref<!tpu.dma_semaphore, #tpu.memory_space<semaphore_mem>>) src(%dma_wait3A_452 : memref<676000x16xi32, #tpu.memory_space<hbm>>) dst(%dma_wait3A_446 : memref<128x16xi32, #tpu.memory_space<vmem>>)
      %dma_wait3A_453 = arith.constant 0 : i32
      %dma_wait3A_454 = arith.constant 256 : i32
      %dma_wait3A_455 = arith.constant 0 : i32
      %dma_wait3A_456 = tpu.memref_slice %arg11[%dma_wait3A_454, %dma_wait3A_455] : memref<656x16xi32, #tpu.memory_space<vmem>> -> memref<128x16xi32, #tpu.memory_space<vmem>>
      %dma_wait3A_457 = arith.constant 256 : i32
      %dma_wait3A_458 = tpu.memref_slice %arg8[%dma_wait3A_453, %dma_wait3A_457] : memref<32x656xi32, #tpu.memory_space<vmem>> -> memref<1x128xi32, #tpu.memory_space<vmem>>
      %dma_wait3A_459 = tpu.memref_squeeze %dma_wait3A_458 : memref<1x128xi32, #tpu.memory_space<vmem>> -> memref<128xi32, #tpu.memory_space<vmem>>
      %dma_wait3A_460 = arith.constant 0 : i32
      %dma_wait3A_461 = arith.constant 0 : i32
      %dma_wait3A_462 = tpu.memref_slice %arg2[%dma_wait3A_460, %dma_wait3A_461] : memref<676000x16xi32, #tpu.memory_space<hbm>> -> memref<676000x16xi32, #tpu.memory_space<hbm>>
      tpu.wait_indirect_dma semaphore(%arg16 : memref<!tpu.dma_semaphore, #tpu.memory_space<semaphore_mem>>) src(%dma_wait3A_462 : memref<676000x16xi32, #tpu.memory_space<hbm>>) dst(%dma_wait3A_456 : memref<128x16xi32, #tpu.memory_space<vmem>>)
      %dma_wait3A_463 = arith.constant 0 : i32
      %dma_wait3A_464 = arith.constant 384 : i32
      %dma_wait3A_465 = arith.constant 0 : i32
      %dma_wait3A_466 = tpu.memref_slice %arg11[%dma_wait3A_464, %dma_wait3A_465] : memref<656x16xi32, #tpu.memory_space<vmem>> -> memref<128x16xi32, #tpu.memory_space<vmem>>
      %dma_wait3A_467 = arith.constant 384 : i32
      %dma_wait3A_468 = tpu.memref_slice %arg8[%dma_wait3A_463, %dma_wait3A_467] : memref<32x656xi32, #tpu.memory_space<vmem>> -> memref<1x128xi32, #tpu.memory_space<vmem>>
      %dma_wait3A_469 = tpu.memref_squeeze %dma_wait3A_468 : memref<1x128xi32, #tpu.memory_space<vmem>> -> memref<128xi32, #tpu.memory_space<vmem>>
      %dma_wait3A_470 = arith.constant 0 : i32
      %dma_wait3A_471 = arith.constant 0 : i32
      %dma_wait3A_472 = tpu.memref_slice %arg2[%dma_wait3A_470, %dma_wait3A_471] : memref<676000x16xi32, #tpu.memory_space<hbm>> -> memref<676000x16xi32, #tpu.memory_space<hbm>>
      tpu.wait_indirect_dma semaphore(%arg16 : memref<!tpu.dma_semaphore, #tpu.memory_space<semaphore_mem>>) src(%dma_wait3A_472 : memref<676000x16xi32, #tpu.memory_space<hbm>>) dst(%dma_wait3A_466 : memref<128x16xi32, #tpu.memory_space<vmem>>)
      %dma_wait3A_473 = arith.constant 0 : i32
      %dma_wait3A_474 = arith.constant 512 : i32
      %dma_wait3A_475 = arith.constant 0 : i32
      %dma_wait3A_476 = tpu.memref_slice %arg11[%dma_wait3A_474, %dma_wait3A_475] : memref<656x16xi32, #tpu.memory_space<vmem>> -> memref<128x16xi32, #tpu.memory_space<vmem>>
      %dma_wait3A_477 = arith.constant 512 : i32
      %dma_wait3A_478 = tpu.memref_slice %arg8[%dma_wait3A_473, %dma_wait3A_477] : memref<32x656xi32, #tpu.memory_space<vmem>> -> memref<1x128xi32, #tpu.memory_space<vmem>>
      %dma_wait3A_479 = tpu.memref_squeeze %dma_wait3A_478 : memref<1x128xi32, #tpu.memory_space<vmem>> -> memref<128xi32, #tpu.memory_space<vmem>>
      %dma_wait3A_480 = arith.constant 0 : i32
      %dma_wait3A_481 = arith.constant 0 : i32
      %dma_wait3A_482 = tpu.memref_slice %arg2[%dma_wait3A_480, %dma_wait3A_481] : memref<676000x16xi32, #tpu.memory_space<hbm>> -> memref<676000x16xi32, #tpu.memory_space<hbm>>
      tpu.wait_indirect_dma semaphore(%arg16 : memref<!tpu.dma_semaphore, #tpu.memory_space<semaphore_mem>>) src(%dma_wait3A_482 : memref<676000x16xi32, #tpu.memory_space<hbm>>) dst(%dma_wait3A_476 : memref<128x16xi32, #tpu.memory_space<vmem>>)
      %dma_wait3A_483 = arith.constant 0 : i32
      %dma_wait3A_484 = arith.constant 640 : i32
      %dma_wait3A_485 = arith.constant 0 : i32
      %dma_wait3A_486 = tpu.memref_slice %arg11[%dma_wait3A_484, %dma_wait3A_485] : memref<656x16xi32, #tpu.memory_space<vmem>> -> memref<16x16xi32, #tpu.memory_space<vmem>>
      %dma_wait3A_487 = arith.constant 640 : i32
      %dma_wait3A_488 = tpu.memref_slice %arg8[%dma_wait3A_483, %dma_wait3A_487] : memref<32x656xi32, #tpu.memory_space<vmem>> -> memref<1x16xi32, #tpu.memory_space<vmem>>
      %dma_wait3A_489 = tpu.memref_squeeze %dma_wait3A_488 : memref<1x16xi32, #tpu.memory_space<vmem>> -> memref<16xi32, #tpu.memory_space<vmem>>
      %dma_wait3A_490 = arith.constant 0 : i32
      %dma_wait3A_491 = arith.constant 0 : i32
      %dma_wait3A_492 = tpu.memref_slice %arg2[%dma_wait3A_490, %dma_wait3A_491] : memref<676000x16xi32, #tpu.memory_space<hbm>> -> memref<676000x16xi32, #tpu.memory_space<hbm>>
      tpu.wait_indirect_dma semaphore(%arg16 : memref<!tpu.dma_semaphore, #tpu.memory_space<semaphore_mem>>) src(%dma_wait3A_492 : memref<676000x16xi32, #tpu.memory_space<hbm>>) dst(%dma_wait3A_486 : memref<16x16xi32, #tpu.memory_space<vmem>>)
      %broadcast_in_dim3A_493 = arith.constant 0.000000e+00 : f32
      %broadcast_in_dim3A_494 = vector.broadcast %broadcast_in_dim3A_493 : f32 to vector<16xf32>
      %scan3A_495 = arith.constant 0 : i32
      %scan3A_496 = arith.constant 65 : i32
      %scan3A_497 = arith.addi %scan3A_495, %scan3A_496 : i32
      %scan3A_498 = arith.constant 1 : i32
      %scan3A_499 = scf.for %scan3A_531 = %scan3A_495 to %scan3A_497 step %scan3A_498 iter_args(%scan3A_532 = %broadcast_in_dim3A_494) -> (vector<16xf32>)  : i32 {
        %mul3A_533 = arith.constant 5 : i32
        %mul3A_534 = arith.muli %scan3A_531, %mul3A_533 : i32
        %add3A_535 = arith.constant 0 : i32
        %add3A_536 = arith.addi %mul3A_534, %add3A_535 : i32
        %mul3A_537 = arith.constant 2 : i32
        %mul3A_538 = arith.muli %mul3A_537, %add3A_536 : i32
        %get3A_539 = arith.index_cast %mul3A_538 : i32 to index
        %get3A_540 = arith.constant 0 : index
        %get3A_541 = tpu.vector_load %arg11[%get3A_539, %get3A_540] {strides = array<i32>} : memref<656x16xi32, #tpu.memory_space<vmem>>, vector<16xi32>,
        %bitcast3A = vector.bitcast %get3A_541 : vector<16xi32> to vector<32xbf16>
        %mul3A_542 = arith.constant 2 : i32
        %mul3A_543 = arith.muli %mul3A_542, %add3A_536 : i32
        %add3A_544 = arith.constant 1 : i32
        %add3A_545 = arith.addi %mul3A_543, %add3A_544 : i32
        %get3A_546 = arith.index_cast %add3A_545 : i32 to index
        %get3A_547 = arith.constant 0 : index
        %get3A_548 = tpu.vector_load %arg11[%get3A_546, %get3A_547] {strides = array<i32>} : memref<656x16xi32, #tpu.memory_space<vmem>>, vector<16xi32>,
        %bitcast3A_549 = vector.bitcast %get3A_548 : vector<16xi32> to vector<32xbf16>
        %unpack3A = tpu.unpack_subelements %bitcast3A, 0 {pack_format = #tpu.pack_format<interleaved>} : vector<32xbf16> -> vector<16xf32>
        %unpack3A_550 = tpu.unpack_subelements %bitcast3A, 1 {pack_format = #tpu.pack_format<interleaved>} : vector<32xbf16> -> vector<16xf32>
        %unpack3A_551 = tpu.unpack_subelements %bitcast3A_549, 0 {pack_format = #tpu.pack_format<interleaved>} : vector<32xbf16> -> vector<16xf32>
        %unpack3A_552 = tpu.unpack_subelements %bitcast3A_549, 1 {pack_format = #tpu.pack_format<interleaved>} : vector<32xbf16> -> vector<16xf32>
        %mul3A_553 = arith.mulf %unpack3A, %unpack3A_551 : vector<16xf32>
        %add3A_554 = arith.addf %scan3A_532, %mul3A_553 : vector<16xf32>
        %mul3A_555 = arith.mulf %unpack3A_550, %unpack3A_552 : vector<16xf32>
        %add3A_556 = arith.addf %add3A_554, %mul3A_555 : vector<16xf32>
        %mul3A_557 = arith.constant 5 : i32
        %mul3A_558 = arith.muli %scan3A_531, %mul3A_557 : i32
        %add3A_559 = arith.constant 1 : i32
        %add3A_560 = arith.addi %mul3A_558, %add3A_559 : i32
        %mul3A_561 = arith.constant 2 : i32
        %mul3A_562 = arith.muli %mul3A_561, %add3A_560 : i32
        %get3A_563 = arith.index_cast %mul3A_562 : i32 to index
        %get3A_564 = arith.constant 0 : index
        %get3A_565 = tpu.vector_load %arg11[%get3A_563, %get3A_564] {strides = array<i32>} : memref<656x16xi32, #tpu.memory_space<vmem>>, vector<16xi32>,
        %bitcast3A_566 = vector.bitcast %get3A_565 : vector<16xi32> to vector<32xbf16>
        %mul3A_567 = arith.constant 2 : i32
        %mul3A_568 = arith.muli %mul3A_567, %add3A_560 : i32
        %add3A_569 = arith.constant 1 : i32
        %add3A_570 = arith.addi %mul3A_568, %add3A_569 : i32
        %get3A_571 = arith.index_cast %add3A_570 : i32 to index
        %get3A_572 = arith.constant 0 : index
        %get3A_573 = tpu.vector_load %arg11[%get3A_571, %get3A_572] {strides = array<i32>} : memref<656x16xi32, #tpu.memory_space<vmem>>, vector<16xi32>,
        %bitcast3A_574 = vector.bitcast %get3A_573 : vector<16xi32> to vector<32xbf16>
        %unpack3A_575 = tpu.unpack_subelements %bitcast3A_566, 0 {pack_format = #tpu.pack_format<interleaved>} : vector<32xbf16> -> vector<16xf32>
        %unpack3A_576 = tpu.unpack_subelements %bitcast3A_566, 1 {pack_format = #tpu.pack_format<interleaved>} : vector<32xbf16> -> vector<16xf32>
        %unpack3A_577 = tpu.unpack_subelements %bitcast3A_574, 0 {pack_format = #tpu.pack_format<interleaved>} : vector<32xbf16> -> vector<16xf32>
        %unpack3A_578 = tpu.unpack_subelements %bitcast3A_574, 1 {pack_format = #tpu.pack_format<interleaved>} : vector<32xbf16> -> vector<16xf32>
        %mul3A_579 = arith.mulf %unpack3A_575, %unpack3A_577 : vector<16xf32>
        %add3A_580 = arith.addf %add3A_556, %mul3A_579 : vector<16xf32>
        %mul3A_581 = arith.mulf %unpack3A_576, %unpack3A_578 : vector<16xf32>
        %add3A_582 = arith.addf %add3A_580, %mul3A_581 : vector<16xf32>
        %mul3A_583 = arith.constant 5 : i32
        %mul3A_584 = arith.muli %scan3A_531, %mul3A_583 : i32
        %add3A_585 = arith.constant 2 : i32
        %add3A_586 = arith.addi %mul3A_584, %add3A_585 : i32
        %mul3A_587 = arith.constant 2 : i32
        %mul3A_588 = arith.muli %mul3A_587, %add3A_586 : i32
        %get3A_589 = arith.index_cast %mul3A_588 : i32 to index
        %get3A_590 = arith.constant 0 : index
        %get3A_591 = tpu.vector_load %arg11[%get3A_589, %get3A_590] {strides = array<i32>} : memref<656x16xi32, #tpu.memory_space<vmem>>, vector<16xi32>,
        %bitcast3A_592 = vector.bitcast %get3A_591 : vector<16xi32> to vector<32xbf16>
        %mul3A_593 = arith.constant 2 : i32
        %mul3A_594 = arith.muli %mul3A_593, %add3A_586 : i32
        %add3A_595 = arith.constant 1 : i32
        %add3A_596 = arith.addi %mul3A_594, %add3A_595 : i32
        %get3A_597 = arith.index_cast %add3A_596 : i32 to index
        %get3A_598 = arith.constant 0 : index
        %get3A_599 = tpu.vector_load %arg11[%get3A_597, %get3A_598] {strides = array<i32>} : memref<656x16xi32, #tpu.memory_space<vmem>>, vector<16xi32>,
        %bitcast3A_600 = vector.bitcast %get3A_599 : vector<16xi32> to vector<32xbf16>
        %unpack3A_601 = tpu.unpack_subelements %bitcast3A_592, 0 {pack_format = #tpu.pack_format<interleaved>} : vector<32xbf16> -> vector<16xf32>
        %unpack3A_602 = tpu.unpack_subelements %bitcast3A_592, 1 {pack_format = #tpu.pack_format<interleaved>} : vector<32xbf16> -> vector<16xf32>
        %unpack3A_603 = tpu.unpack_subelements %bitcast3A_600, 0 {pack_format = #tpu.pack_format<interleaved>} : vector<32xbf16> -> vector<16xf32>
        %unpack3A_604 = tpu.unpack_subelements %bitcast3A_600, 1 {pack_format = #tpu.pack_format<interleaved>} : vector<32xbf16> -> vector<16xf32>
        %mul3A_605 = arith.mulf %unpack3A_601, %unpack3A_603 : vector<16xf32>
        %add3A_606 = arith.addf %add3A_582, %mul3A_605 : vector<16xf32>
        %mul3A_607 = arith.mulf %unpack3A_602, %unpack3A_604 : vector<16xf32>
        %add3A_608 = arith.addf %add3A_606, %mul3A_607 : vector<16xf32>
        %mul3A_609 = arith.constant 5 : i32
        %mul3A_610 = arith.muli %scan3A_531, %mul3A_609 : i32
        %add3A_611 = arith.constant 3 : i32
        %add3A_612 = arith.addi %mul3A_610, %add3A_611 : i32
        %mul3A_613 = arith.constant 2 : i32
        %mul3A_614 = arith.muli %mul3A_613, %add3A_612 : i32
        %get3A_615 = arith.index_cast %mul3A_614 : i32 to index
        %get3A_616 = arith.constant 0 : index
        %get3A_617 = tpu.vector_load %arg11[%get3A_615, %get3A_616] {strides = array<i32>} : memref<656x16xi32, #tpu.memory_space<vmem>>, vector<16xi32>,
        %bitcast3A_618 = vector.bitcast %get3A_617 : vector<16xi32> to vector<32xbf16>
        %mul3A_619 = arith.constant 2 : i32
        %mul3A_620 = arith.muli %mul3A_619, %add3A_612 : i32
        %add3A_621 = arith.constant 1 : i32
        %add3A_622 = arith.addi %mul3A_620, %add3A_621 : i32
        %get3A_623 = arith.index_cast %add3A_622 : i32 to index
        %get3A_624 = arith.constant 0 : index
        %get3A_625 = tpu.vector_load %arg11[%get3A_623, %get3A_624] {strides = array<i32>} : memref<656x16xi32, #tpu.memory_space<vmem>>, vector<16xi32>,
        %bitcast3A_626 = vector.bitcast %get3A_625 : vector<16xi32> to vector<32xbf16>
        %unpack3A_627 = tpu.unpack_subelements %bitcast3A_618, 0 {pack_format = #tpu.pack_format<interleaved>} : vector<32xbf16> -> vector<16xf32>
        %unpack3A_628 = tpu.unpack_subelements %bitcast3A_618, 1 {pack_format = #tpu.pack_format<interleaved>} : vector<32xbf16> -> vector<16xf32>
        %unpack3A_629 = tpu.unpack_subelements %bitcast3A_626, 0 {pack_format = #tpu.pack_format<interleaved>} : vector<32xbf16> -> vector<16xf32>
        %unpack3A_630 = tpu.unpack_subelements %bitcast3A_626, 1 {pack_format = #tpu.pack_format<interleaved>} : vector<32xbf16> -> vector<16xf32>
        %mul3A_631 = arith.mulf %unpack3A_627, %unpack3A_629 : vector<16xf32>
        %add3A_632 = arith.addf %add3A_608, %mul3A_631 : vector<16xf32>
        %mul3A_633 = arith.mulf %unpack3A_628, %unpack3A_630 : vector<16xf32>
        %add3A_634 = arith.addf %add3A_632, %mul3A_633 : vector<16xf32>
        %mul3A_635 = arith.constant 5 : i32
        %mul3A_636 = arith.muli %scan3A_531, %mul3A_635 : i32
        %add3A_637 = arith.constant 4 : i32
        %add3A_638 = arith.addi %mul3A_636, %add3A_637 : i32
        %mul3A_639 = arith.constant 2 : i32
        %mul3A_640 = arith.muli %mul3A_639, %add3A_638 : i32
        %get3A_641 = arith.index_cast %mul3A_640 : i32 to index
        %get3A_642 = arith.constant 0 : index
        %get3A_643 = tpu.vector_load %arg11[%get3A_641, %get3A_642] {strides = array<i32>} : memref<656x16xi32, #tpu.memory_space<vmem>>, vector<16xi32>,
        %bitcast3A_644 = vector.bitcast %get3A_643 : vector<16xi32> to vector<32xbf16>
        %mul3A_645 = arith.constant 2 : i32
        %mul3A_646 = arith.muli %mul3A_645, %add3A_638 : i32
        %add3A_647 = arith.constant 1 : i32
        %add3A_648 = arith.addi %mul3A_646, %add3A_647 : i32
        %get3A_649 = arith.index_cast %add3A_648 : i32 to index
        %get3A_650 = arith.constant 0 : index
        %get3A_651 = tpu.vector_load %arg11[%get3A_649, %get3A_650] {strides = array<i32>} : memref<656x16xi32, #tpu.memory_space<vmem>>, vector<16xi32>,
        %bitcast3A_652 = vector.bitcast %get3A_651 : vector<16xi32> to vector<32xbf16>
        %unpack3A_653 = tpu.unpack_subelements %bitcast3A_644, 0 {pack_format = #tpu.pack_format<interleaved>} : vector<32xbf16> -> vector<16xf32>
        %unpack3A_654 = tpu.unpack_subelements %bitcast3A_644, 1 {pack_format = #tpu.pack_format<interleaved>} : vector<32xbf16> -> vector<16xf32>
        %unpack3A_655 = tpu.unpack_subelements %bitcast3A_652, 0 {pack_format = #tpu.pack_format<interleaved>} : vector<32xbf16> -> vector<16xf32>
        %unpack3A_656 = tpu.unpack_subelements %bitcast3A_652, 1 {pack_format = #tpu.pack_format<interleaved>} : vector<32xbf16> -> vector<16xf32>
        %mul3A_657 = arith.mulf %unpack3A_653, %unpack3A_655 : vector<16xf32>
        %add3A_658 = arith.addf %add3A_634, %mul3A_657 : vector<16xf32>
        %mul3A_659 = arith.mulf %unpack3A_654, %unpack3A_656 : vector<16xf32>
        %add3A_660 = arith.addf %add3A_658, %mul3A_659 : vector<16xf32>
        scf.yield %add3A_660 : vector<16xf32>
      }
      %scan3A_500 = arith.constant 65 : i32
      %get3A_501 = arith.index_cast %add3A_286 : i32 to index
      %get3A_502 = arith.constant 0 : index
      %get3A_503 = tpu.vector_load %arg9[%get3A_501, %get3A_502] {strides = array<i32>} : memref<32x32xi32, #tpu.memory_space<vmem>>, vector<16xi32>,
      %gather3A_504 = tpu.vector_load_idx %arg12[%get3A_503] : memref<26008xf32, #tpu.memory_space<vmem>>[vector<16xi32>], vector<16xf32>,
      %get3A_505 = arith.index_cast %add3A_286 : i32 to index
      %get3A_506 = arith.constant 16 : index
      %get3A_507 = tpu.vector_load %arg9[%get3A_505, %get3A_506] {strides = array<i32>} : memref<32x32xi32, #tpu.memory_space<vmem>>, vector<16xi32>,
      %gather3A_508 = tpu.vector_load_idx %arg12[%get3A_507] : memref<26008xf32, #tpu.memory_space<vmem>>[vector<16xi32>], vector<16xf32>,
      %add3A_509 = arith.addf %scan3A_499, %gather3A_504 : vector<16xf32>
      %add3A_510 = arith.addf %add3A_509, %gather3A_508 : vector<16xf32>
      %reduce_sum3A_511 = arith.constant true
      %reduce_sum3A_512 = vector.broadcast %reduce_sum3A_511 : i1 to vector<16xi1>
      %reduce_sum3A_513 = tpu.scan <sum>, %add3A_510 masked %reduce_sum3A_512 : vector<16xf32>, vector<16xi1> -> vector<16xf32>
      %reduce_sum3A_514 = vector.extract %reduce_sum3A_513[15] : f32 from vector<16xf32>
      %slice3A_515 = vector.extract_strided_slice %get3A_3 {offsets = [0], sizes = [1], strides = [1]} : vector<16xf32> to vector<1xf32>
      %squeeze3A_516 = vector.extract %slice3A_515[0] : f32 from vector<1xf32>
      %add3A_517 = arith.addf %reduce_sum3A_514, %squeeze3A_516 : f32
      %and3A_518 = arith.constant 15 : i32
      %and3A_519 = arith.andi %add3A_286, %and3A_518 : i32
      %eq3A_520 = vector.broadcast %and3A_519 : i32 to vector<16xi32>
      %eq3A_521 = arith.cmpi eq, %iota3A, %eq3A_520 : vector<16xi32>
      %broadcast_in_dim3A_522 = vector.broadcast %add3A_517 : f32 to vector<16xf32>
      %select_n3A_523 = arith.select %eq3A_521, %broadcast_in_dim3A_522, %select_n3A : vector<16xi1>, vector<16xf32>
      %and3A_524 = arith.constant 15 : i32
      %and3A_525 = arith.andi %add3A_286, %and3A_524 : i32
      %eq3A_526 = arith.constant 15 : i32
      %eq3A_527 = arith.cmpi eq, %and3A_525, %eq3A_526 : i32
      %convert_element_type3A_528 = arith.extui %eq3A_527 : i1 to i32
      %cond3A_529 = arith.constant 0 : i32
      %cond3A_530 = arith.cmpi ne, %convert_element_type3A_528, %cond3A_529 : i32
      scf.if %cond3A_530 {
        %add3A_531 = arith.constant 0 : i32
        %add3A_532 = arith.addi %add3A_531, %add3A_286 : i32
        %sub3A = arith.constant 15 : i32
        %sub3A_533 = arith.subi %add3A_532, %sub3A : i32
        %swap3A = arith.index_cast %sub3A_533 : i32 to index
        %swap3A_534 = tpu.vector_load %arg14[%swap3A] {strides = array<i32>} : memref<128xf32, #tpu.memory_space<vmem>>, vector<16xf32>,
        tpu.vector_store %arg14[%swap3A], %select_n3A_523 {strides = array<i32>} : memref<128xf32, #tpu.memory_space<vmem>>, vector<16xf32>,
      } else {
      }
      scf.yield %select_n3A_523 : vector<16xf32>
    }
    %scan3A_70 = arith.constant 16 : i32
    %add3A_71 = arith.constant 32 : i32
    %add3A_72 = arith.addi %mul3A_2, %add3A_71 : i32
    "tpu.region"() ({
      %run_scoped3A = tpu.sem_alloc : memref<!tpu.dma_semaphore, #tpu.memory_space<semaphore_mem>>
      %dma_start3A_281 = arith.constant 0 : i32
      %dma_start3A_282 = tpu.memref_slice %arg3[%add3A_72, %dma_start3A_281] : memref<4096x656xi32, #tpu.memory_space<hbm>> -> memref<32x656xi32, #tpu.memory_space<hbm>>
      %dma_start3A_283 = arith.constant 0 : i32
      %dma_start3A_284 = tpu.memref_slice %arg3[%add3A_72, %dma_start3A_283] : memref<4096x656xi32, #tpu.memory_space<hbm>> -> memref<32x656xi32, #tpu.memory_space<hbm>>
      tpu.enqueue_dma source(%dma_start3A_284 : memref<32x656xi32, #tpu.memory_space<hbm>>) target(%arg8 : memref<32x656xi32, #tpu.memory_space<vmem>>) target_semaphore(%run_scoped3A : memref<!tpu.dma_semaphore, #tpu.memory_space<semaphore_mem>>)
      %dma_wait3A = arith.constant 0 : i32
      %dma_wait3A_285 = tpu.memref_slice %arg3[%add3A_72, %dma_wait3A] : memref<4096x656xi32, #tpu.memory_space<hbm>> -> memref<32x656xi32, #tpu.memory_space<hbm>>
      %dma_wait3A_286 = arith.constant 0 : i32
      %dma_wait3A_287 = tpu.memref_slice %arg3[%add3A_72, %dma_wait3A_286] : memref<4096x656xi32, #tpu.memory_space<hbm>> -> memref<32x656xi32, #tpu.memory_space<hbm>>
      tpu.wait_dma2 semaphore(%run_scoped3A : memref<!tpu.dma_semaphore, #tpu.memory_space<semaphore_mem>>) src(%dma_wait3A_287 : memref<32x656xi32, #tpu.memory_space<hbm>>) dst(%arg8 : memref<32x656xi32, #tpu.memory_space<vmem>>)
      tpu.yield
    }) : () -> ()
    "tpu.region"() ({
      %run_scoped3A = tpu.sem_alloc : memref<!tpu.dma_semaphore, #tpu.memory_space<semaphore_mem>>
      %dma_start3A_281 = arith.constant 0 : i32
      %dma_start3A_282 = tpu.memref_slice %arg4[%add3A_72, %dma_start3A_281] : memref<4096x32xi32, #tpu.memory_space<hbm>> -> memref<32x32xi32, #tpu.memory_space<hbm>>
      %dma_start3A_283 = arith.constant 0 : i32
      %dma_start3A_284 = tpu.memref_slice %arg4[%add3A_72, %dma_start3A_283] : memref<4096x32xi32, #tpu.memory_space<hbm>> -> memref<32x32xi32, #tpu.memory_space<hbm>>
      tpu.enqueue_dma source(%dma_start3A_284 : memref<32x32xi32, #tpu.memory_space<hbm>>) target(%arg9 : memref<32x32xi32, #tpu.memory_space<vmem>>) target_semaphore(%run_scoped3A : memref<!tpu.dma_semaphore, #tpu.memory_space<semaphore_mem>>)
      %dma_wait3A = arith.constant 0 : i32
      %dma_wait3A_285 = tpu.memref_slice %arg4[%add3A_72, %dma_wait3A] : memref<4096x32xi32, #tpu.memory_space<hbm>> -> memref<32x32xi32, #tpu.memory_space<hbm>>
      %dma_wait3A_286 = arith.constant 0 : i32
      %dma_wait3A_287 = tpu.memref_slice %arg4[%add3A_72, %dma_wait3A_286] : memref<4096x32xi32, #tpu.memory_space<hbm>> -> memref<32x32xi32, #tpu.memory_space<hbm>>
      tpu.wait_dma2 semaphore(%run_scoped3A : memref<!tpu.dma_semaphore, #tpu.memory_space<semaphore_mem>>) src(%dma_wait3A_287 : memref<32x32xi32, #tpu.memory_space<hbm>>) dst(%arg9 : memref<32x32xi32, #tpu.memory_space<vmem>>)
      tpu.yield
    }) : () -> ()
    %dma_start3A_73 = arith.constant 0 : i32
    %dma_start3A_74 = arith.constant 0 : i32
    %dma_start3A_75 = arith.constant 0 : i32
    %dma_start3A_76 = tpu.memref_slice %arg10[%dma_start3A_74, %dma_start3A_75] : memref<656x16xi32, #tpu.memory_space<vmem>> -> memref<128x16xi32, #tpu.memory_space<vmem>>
    %dma_start3A_77 = arith.constant 0 : i32
    %dma_start3A_78 = tpu.memref_slice %arg8[%dma_start3A_73, %dma_start3A_77] : memref<32x656xi32, #tpu.memory_space<vmem>> -> memref<1x128xi32, #tpu.memory_space<vmem>>
    %dma_start3A_79 = tpu.memref_squeeze %dma_start3A_78 : memref<1x128xi32, #tpu.memory_space<vmem>> -> memref<128xi32, #tpu.memory_space<vmem>>
    %dma_start3A_80 = arith.constant 0 : i32
    %dma_start3A_81 = arith.constant 0 : i32
    %dma_start3A_82 = tpu.memref_slice %arg2[%dma_start3A_80, %dma_start3A_81] : memref<676000x16xi32, #tpu.memory_space<hbm>> -> memref<676000x16xi32, #tpu.memory_space<hbm>>
    tpu.enqueue_indirect_dma source(%dma_start3A_82 : memref<676000x16xi32, #tpu.memory_space<hbm>>) target(%dma_start3A_76 : memref<128x16xi32, #tpu.memory_space<vmem>>) offsets(%dma_start3A_79 : memref<128xi32, #tpu.memory_space<vmem>>) semaphore(%arg15 : memref<!tpu.dma_semaphore, #tpu.memory_space<semaphore_mem>>)
    %dma_start3A_83 = arith.constant 0 : i32
    %dma_start3A_84 = arith.constant 128 : i32
    %dma_start3A_85 = arith.constant 0 : i32
    %dma_start3A_86 = tpu.memref_slice %arg10[%dma_start3A_84, %dma_start3A_85] : memref<656x16xi32, #tpu.memory_space<vmem>> -> memref<128x16xi32, #tpu.memory_space<vmem>>
    %dma_start3A_87 = arith.constant 128 : i32
    %dma_start3A_88 = tpu.memref_slice %arg8[%dma_start3A_83, %dma_start3A_87] : memref<32x656xi32, #tpu.memory_space<vmem>> -> memref<1x128xi32, #tpu.memory_space<vmem>>
    %dma_start3A_89 = tpu.memref_squeeze %dma_start3A_88 : memref<1x128xi32, #tpu.memory_space<vmem>> -> memref<128xi32, #tpu.memory_space<vmem>>
    %dma_start3A_90 = arith.constant 0 : i32
    %dma_start3A_91 = arith.constant 0 : i32
    %dma_start3A_92 = tpu.memref_slice %arg2[%dma_start3A_90, %dma_start3A_91] : memref<676000x16xi32, #tpu.memory_space<hbm>> -> memref<676000x16xi32, #tpu.memory_space<hbm>>
    tpu.enqueue_indirect_dma source(%dma_start3A_92 : memref<676000x16xi32, #tpu.memory_space<hbm>>) target(%dma_start3A_86 : memref<128x16xi32, #tpu.memory_space<vmem>>) offsets(%dma_start3A_89 : memref<128xi32, #tpu.memory_space<vmem>>) semaphore(%arg15 : memref<!tpu.dma_semaphore, #tpu.memory_space<semaphore_mem>>)
    %dma_start3A_93 = arith.constant 0 : i32
    %dma_start3A_94 = arith.constant 256 : i32
    %dma_start3A_95 = arith.constant 0 : i32
    %dma_start3A_96 = tpu.memref_slice %arg10[%dma_start3A_94, %dma_start3A_95] : memref<656x16xi32, #tpu.memory_space<vmem>> -> memref<128x16xi32, #tpu.memory_space<vmem>>
    %dma_start3A_97 = arith.constant 256 : i32
    %dma_start3A_98 = tpu.memref_slice %arg8[%dma_start3A_93, %dma_start3A_97] : memref<32x656xi32, #tpu.memory_space<vmem>> -> memref<1x128xi32, #tpu.memory_space<vmem>>
    %dma_start3A_99 = tpu.memref_squeeze %dma_start3A_98 : memref<1x128xi32, #tpu.memory_space<vmem>> -> memref<128xi32, #tpu.memory_space<vmem>>
    %dma_start3A_100 = arith.constant 0 : i32
    %dma_start3A_101 = arith.constant 0 : i32
    %dma_start3A_102 = tpu.memref_slice %arg2[%dma_start3A_100, %dma_start3A_101] : memref<676000x16xi32, #tpu.memory_space<hbm>> -> memref<676000x16xi32, #tpu.memory_space<hbm>>
    tpu.enqueue_indirect_dma source(%dma_start3A_102 : memref<676000x16xi32, #tpu.memory_space<hbm>>) target(%dma_start3A_96 : memref<128x16xi32, #tpu.memory_space<vmem>>) offsets(%dma_start3A_99 : memref<128xi32, #tpu.memory_space<vmem>>) semaphore(%arg15 : memref<!tpu.dma_semaphore, #tpu.memory_space<semaphore_mem>>)
    %dma_start3A_103 = arith.constant 0 : i32
    %dma_start3A_104 = arith.constant 384 : i32
    %dma_start3A_105 = arith.constant 0 : i32
    %dma_start3A_106 = tpu.memref_slice %arg10[%dma_start3A_104, %dma_start3A_105] : memref<656x16xi32, #tpu.memory_space<vmem>> -> memref<128x16xi32, #tpu.memory_space<vmem>>
    %dma_start3A_107 = arith.constant 384 : i32
    %dma_start3A_108 = tpu.memref_slice %arg8[%dma_start3A_103, %dma_start3A_107] : memref<32x656xi32, #tpu.memory_space<vmem>> -> memref<1x128xi32, #tpu.memory_space<vmem>>
    %dma_start3A_109 = tpu.memref_squeeze %dma_start3A_108 : memref<1x128xi32, #tpu.memory_space<vmem>> -> memref<128xi32, #tpu.memory_space<vmem>>
    %dma_start3A_110 = arith.constant 0 : i32
    %dma_start3A_111 = arith.constant 0 : i32
    %dma_start3A_112 = tpu.memref_slice %arg2[%dma_start3A_110, %dma_start3A_111] : memref<676000x16xi32, #tpu.memory_space<hbm>> -> memref<676000x16xi32, #tpu.memory_space<hbm>>
    tpu.enqueue_indirect_dma source(%dma_start3A_112 : memref<676000x16xi32, #tpu.memory_space<hbm>>) target(%dma_start3A_106 : memref<128x16xi32, #tpu.memory_space<vmem>>) offsets(%dma_start3A_109 : memref<128xi32, #tpu.memory_space<vmem>>) semaphore(%arg15 : memref<!tpu.dma_semaphore, #tpu.memory_space<semaphore_mem>>)
    %dma_start3A_113 = arith.constant 0 : i32
    %dma_start3A_114 = arith.constant 512 : i32
    %dma_start3A_115 = arith.constant 0 : i32
    %dma_start3A_116 = tpu.memref_slice %arg10[%dma_start3A_114, %dma_start3A_115] : memref<656x16xi32, #tpu.memory_space<vmem>> -> memref<128x16xi32, #tpu.memory_space<vmem>>
    %dma_start3A_117 = arith.constant 512 : i32
    %dma_start3A_118 = tpu.memref_slice %arg8[%dma_start3A_113, %dma_start3A_117] : memref<32x656xi32, #tpu.memory_space<vmem>> -> memref<1x128xi32, #tpu.memory_space<vmem>>
    %dma_start3A_119 = tpu.memref_squeeze %dma_start3A_118 : memref<1x128xi32, #tpu.memory_space<vmem>> -> memref<128xi32, #tpu.memory_space<vmem>>
    %dma_start3A_120 = arith.constant 0 : i32
    %dma_start3A_121 = arith.constant 0 : i32
    %dma_start3A_122 = tpu.memref_slice %arg2[%dma_start3A_120, %dma_start3A_121] : memref<676000x16xi32, #tpu.memory_space<hbm>> -> memref<676000x16xi32, #tpu.memory_space<hbm>>
    tpu.enqueue_indirect_dma source(%dma_start3A_122 : memref<676000x16xi32, #tpu.memory_space<hbm>>) target(%dma_start3A_116 : memref<128x16xi32, #tpu.memory_space<vmem>>) offsets(%dma_start3A_119 : memref<128xi32, #tpu.memory_space<vmem>>) semaphore(%arg15 : memref<!tpu.dma_semaphore, #tpu.memory_space<semaphore_mem>>)
    %dma_start3A_123 = arith.constant 0 : i32
    %dma_start3A_124 = arith.constant 640 : i32
    %dma_start3A_125 = arith.constant 0 : i32
    %dma_start3A_126 = tpu.memref_slice %arg10[%dma_start3A_124, %dma_start3A_125] : memref<656x16xi32, #tpu.memory_space<vmem>> -> memref<16x16xi32, #tpu.memory_space<vmem>>
    %dma_start3A_127 = arith.constant 640 : i32
    %dma_start3A_128 = tpu.memref_slice %arg8[%dma_start3A_123, %dma_start3A_127] : memref<32x656xi32, #tpu.memory_space<vmem>> -> memref<1x16xi32, #tpu.memory_space<vmem>>
    %dma_start3A_129 = tpu.memref_squeeze %dma_start3A_128 : memref<1x16xi32, #tpu.memory_space<vmem>> -> memref<16xi32, #tpu.memory_space<vmem>>
    %dma_start3A_130 = arith.constant 0 : i32
    %dma_start3A_131 = arith.constant 0 : i32
    %dma_start3A_132 = tpu.memref_slice %arg2[%dma_start3A_130, %dma_start3A_131] : memref<676000x16xi32, #tpu.memory_space<hbm>> -> memref<676000x16xi32, #tpu.memory_space<hbm>>
    tpu.enqueue_indirect_dma source(%dma_start3A_132 : memref<676000x16xi32, #tpu.memory_space<hbm>>) target(%dma_start3A_126 : memref<16x16xi32, #tpu.memory_space<vmem>>) offsets(%dma_start3A_129 : memref<16xi32, #tpu.memory_space<vmem>>) semaphore(%arg15 : memref<!tpu.dma_semaphore, #tpu.memory_space<semaphore_mem>>)
    %broadcast_in_dim3A_133 = arith.constant 0.000000e+00 : f32
    %broadcast_in_dim3A_134 = vector.broadcast %broadcast_in_dim3A_133 : f32 to vector<16xf32>
    %scan3A_135 = arith.constant 0 : i32
    %scan3A_136 = arith.constant 16 : i32
    %scan3A_137 = arith.addi %scan3A_135, %scan3A_136 : i32
    %scan3A_138 = arith.constant 1 : i32
    %scan3A_139 = scf.for %scan3A_281 = %scan3A_135 to %scan3A_137 step %scan3A_138 iter_args(%scan3A_282 = %broadcast_in_dim3A_134) -> (vector<16xf32>)  : i32 {
      %mul3A_283 = arith.constant 2 : i32
      %mul3A_284 = arith.muli %mul3A_283, %scan3A_281 : i32
      %add3A_285 = arith.constant 1 : i32
      %add3A_286 = arith.addi %mul3A_284, %add3A_285 : i32
      %dma_start3A_287 = arith.constant 0 : i32
      %dma_start3A_288 = arith.constant 0 : i32
      %dma_start3A_289 = tpu.memref_slice %arg11[%dma_start3A_287, %dma_start3A_288] : memref<656x16xi32, #tpu.memory_space<vmem>> -> memref<128x16xi32, #tpu.memory_space<vmem>>
      %dma_start3A_290 = arith.constant 0 : i32
      %dma_start3A_291 = tpu.memref_slice %arg8[%add3A_286, %dma_start3A_290] : memref<32x656xi32, #tpu.memory_space<vmem>> -> memref<1x128xi32, #tpu.memory_space<vmem>>
      %dma_start3A_292 = tpu.memref_squeeze %dma_start3A_291 : memref<1x128xi32, #tpu.memory_space<vmem>> -> memref<128xi32, #tpu.memory_space<vmem>>
      %dma_start3A_293 = arith.constant 0 : i32
      %dma_start3A_294 = arith.constant 0 : i32
      %dma_start3A_295 = tpu.memref_slice %arg2[%dma_start3A_293, %dma_start3A_294] : memref<676000x16xi32, #tpu.memory_space<hbm>> -> memref<676000x16xi32, #tpu.memory_space<hbm>>
      tpu.enqueue_indirect_dma source(%dma_start3A_295 : memref<676000x16xi32, #tpu.memory_space<hbm>>) target(%dma_start3A_289 : memref<128x16xi32, #tpu.memory_space<vmem>>) offsets(%dma_start3A_292 : memref<128xi32, #tpu.memory_space<vmem>>) semaphore(%arg16 : memref<!tpu.dma_semaphore, #tpu.memory_space<semaphore_mem>>)
      %dma_start3A_296 = arith.constant 128 : i32
      %dma_start3A_297 = arith.constant 0 : i32
      %dma_start3A_298 = tpu.memref_slice %arg11[%dma_start3A_296, %dma_start3A_297] : memref<656x16xi32, #tpu.memory_space<vmem>> -> memref<128x16xi32, #tpu.memory_space<vmem>>
      %dma_start3A_299 = arith.constant 128 : i32
      %dma_start3A_300 = tpu.memref_slice %arg8[%add3A_286, %dma_start3A_299] : memref<32x656xi32, #tpu.memory_space<vmem>> -> memref<1x128xi32, #tpu.memory_space<vmem>>
      %dma_start3A_301 = tpu.memref_squeeze %dma_start3A_300 : memref<1x128xi32, #tpu.memory_space<vmem>> -> memref<128xi32, #tpu.memory_space<vmem>>
      %dma_start3A_302 = arith.constant 0 : i32
      %dma_start3A_303 = arith.constant 0 : i32
      %dma_start3A_304 = tpu.memref_slice %arg2[%dma_start3A_302, %dma_start3A_303] : memref<676000x16xi32, #tpu.memory_space<hbm>> -> memref<676000x16xi32, #tpu.memory_space<hbm>>
      tpu.enqueue_indirect_dma source(%dma_start3A_304 : memref<676000x16xi32, #tpu.memory_space<hbm>>) target(%dma_start3A_298 : memref<128x16xi32, #tpu.memory_space<vmem>>) offsets(%dma_start3A_301 : memref<128xi32, #tpu.memory_space<vmem>>) semaphore(%arg16 : memref<!tpu.dma_semaphore, #tpu.memory_space<semaphore_mem>>)
      %dma_start3A_305 = arith.constant 256 : i32
      %dma_start3A_306 = arith.constant 0 : i32
      %dma_start3A_307 = tpu.memref_slice %arg11[%dma_start3A_305, %dma_start3A_306] : memref<656x16xi32, #tpu.memory_space<vmem>> -> memref<128x16xi32, #tpu.memory_space<vmem>>
      %dma_start3A_308 = arith.constant 256 : i32
      %dma_start3A_309 = tpu.memref_slice %arg8[%add3A_286, %dma_start3A_308] : memref<32x656xi32, #tpu.memory_space<vmem>> -> memref<1x128xi32, #tpu.memory_space<vmem>>
      %dma_start3A_310 = tpu.memref_squeeze %dma_start3A_309 : memref<1x128xi32, #tpu.memory_space<vmem>> -> memref<128xi32, #tpu.memory_space<vmem>>
      %dma_start3A_311 = arith.constant 0 : i32
      %dma_start3A_312 = arith.constant 0 : i32
      %dma_start3A_313 = tpu.memref_slice %arg2[%dma_start3A_311, %dma_start3A_312] : memref<676000x16xi32, #tpu.memory_space<hbm>> -> memref<676000x16xi32, #tpu.memory_space<hbm>>
      tpu.enqueue_indirect_dma source(%dma_start3A_313 : memref<676000x16xi32, #tpu.memory_space<hbm>>) target(%dma_start3A_307 : memref<128x16xi32, #tpu.memory_space<vmem>>) offsets(%dma_start3A_310 : memref<128xi32, #tpu.memory_space<vmem>>) semaphore(%arg16 : memref<!tpu.dma_semaphore, #tpu.memory_space<semaphore_mem>>)
      %dma_start3A_314 = arith.constant 384 : i32
      %dma_start3A_315 = arith.constant 0 : i32
      %dma_start3A_316 = tpu.memref_slice %arg11[%dma_start3A_314, %dma_start3A_315] : memref<656x16xi32, #tpu.memory_space<vmem>> -> memref<128x16xi32, #tpu.memory_space<vmem>>
      %dma_start3A_317 = arith.constant 384 : i32
      %dma_start3A_318 = tpu.memref_slice %arg8[%add3A_286, %dma_start3A_317] : memref<32x656xi32, #tpu.memory_space<vmem>> -> memref<1x128xi32, #tpu.memory_space<vmem>>
      %dma_start3A_319 = tpu.memref_squeeze %dma_start3A_318 : memref<1x128xi32, #tpu.memory_space<vmem>> -> memref<128xi32, #tpu.memory_space<vmem>>
      %dma_start3A_320 = arith.constant 0 : i32
      %dma_start3A_321 = arith.constant 0 : i32
      %dma_start3A_322 = tpu.memref_slice %arg2[%dma_start3A_320, %dma_start3A_321] : memref<676000x16xi32, #tpu.memory_space<hbm>> -> memref<676000x16xi32, #tpu.memory_space<hbm>>
      tpu.enqueue_indirect_dma source(%dma_start3A_322 : memref<676000x16xi32, #tpu.memory_space<hbm>>) target(%dma_start3A_316 : memref<128x16xi32, #tpu.memory_space<vmem>>) offsets(%dma_start3A_319 : memref<128xi32, #tpu.memory_space<vmem>>) semaphore(%arg16 : memref<!tpu.dma_semaphore, #tpu.memory_space<semaphore_mem>>)
      %dma_start3A_323 = arith.constant 512 : i32
      %dma_start3A_324 = arith.constant 0 : i32
      %dma_start3A_325 = tpu.memref_slice %arg11[%dma_start3A_323, %dma_start3A_324] : memref<656x16xi32, #tpu.memory_space<vmem>> -> memref<128x16xi32, #tpu.memory_space<vmem>>
      %dma_start3A_326 = arith.constant 512 : i32
      %dma_start3A_327 = tpu.memref_slice %arg8[%add3A_286, %dma_start3A_326] : memref<32x656xi32, #tpu.memory_space<vmem>> -> memref<1x128xi32, #tpu.memory_space<vmem>>
      %dma_start3A_328 = tpu.memref_squeeze %dma_start3A_327 : memref<1x128xi32, #tpu.memory_space<vmem>> -> memref<128xi32, #tpu.memory_space<vmem>>
      %dma_start3A_329 = arith.constant 0 : i32
      %dma_start3A_330 = arith.constant 0 : i32
      %dma_start3A_331 = tpu.memref_slice %arg2[%dma_start3A_329, %dma_start3A_330] : memref<676000x16xi32, #tpu.memory_space<hbm>> -> memref<676000x16xi32, #tpu.memory_space<hbm>>
      tpu.enqueue_indirect_dma source(%dma_start3A_331 : memref<676000x16xi32, #tpu.memory_space<hbm>>) target(%dma_start3A_325 : memref<128x16xi32, #tpu.memory_space<vmem>>) offsets(%dma_start3A_328 : memref<128xi32, #tpu.memory_space<vmem>>) semaphore(%arg16 : memref<!tpu.dma_semaphore, #tpu.memory_space<semaphore_mem>>)
      %dma_start3A_332 = arith.constant 640 : i32
      %dma_start3A_333 = arith.constant 0 : i32
      %dma_start3A_334 = tpu.memref_slice %arg11[%dma_start3A_332, %dma_start3A_333] : memref<656x16xi32, #tpu.memory_space<vmem>> -> memref<16x16xi32, #tpu.memory_space<vmem>>
      %dma_start3A_335 = arith.constant 640 : i32
      %dma_start3A_336 = tpu.memref_slice %arg8[%add3A_286, %dma_start3A_335] : memref<32x656xi32, #tpu.memory_space<vmem>> -> memref<1x16xi32, #tpu.memory_space<vmem>>
      %dma_start3A_337 = tpu.memref_squeeze %dma_start3A_336 : memref<1x16xi32, #tpu.memory_space<vmem>> -> memref<16xi32, #tpu.memory_space<vmem>>
      %dma_start3A_338 = arith.constant 0 : i32
      %dma_start3A_339 = arith.constant 0 : i32
      %dma_start3A_340 = tpu.memref_slice %arg2[%dma_start3A_338, %dma_start3A_339] : memref<676000x16xi32, #tpu.memory_space<hbm>> -> memref<676000x16xi32, #tpu.memory_space<hbm>>
      tpu.enqueue_indirect_dma source(%dma_start3A_340 : memref<676000x16xi32, #tpu.memory_space<hbm>>) target(%dma_start3A_334 : memref<16x16xi32, #tpu.memory_space<vmem>>) offsets(%dma_start3A_337 : memref<16xi32, #tpu.memory_space<vmem>>) semaphore(%arg16 : memref<!tpu.dma_semaphore, #tpu.memory_space<semaphore_mem>>)
      %dma_wait3A = arith.constant 0 : i32
      %dma_wait3A_341 = arith.constant 0 : i32
      %dma_wait3A_342 = arith.constant 0 : i32
      %dma_wait3A_343 = tpu.memref_slice %arg10[%dma_wait3A_341, %dma_wait3A_342] : memref<656x16xi32, #tpu.memory_space<vmem>> -> memref<128x16xi32, #tpu.memory_space<vmem>>
      %dma_wait3A_344 = arith.constant 0 : i32
      %dma_wait3A_345 = tpu.memref_slice %arg8[%dma_wait3A, %dma_wait3A_344] : memref<32x656xi32, #tpu.memory_space<vmem>> -> memref<1x128xi32, #tpu.memory_space<vmem>>
      %dma_wait3A_346 = tpu.memref_squeeze %dma_wait3A_345 : memref<1x128xi32, #tpu.memory_space<vmem>> -> memref<128xi32, #tpu.memory_space<vmem>>
      %dma_wait3A_347 = arith.constant 0 : i32
      %dma_wait3A_348 = arith.constant 0 : i32
      %dma_wait3A_349 = tpu.memref_slice %arg2[%dma_wait3A_347, %dma_wait3A_348] : memref<676000x16xi32, #tpu.memory_space<hbm>> -> memref<676000x16xi32, #tpu.memory_space<hbm>>
      tpu.wait_indirect_dma semaphore(%arg15 : memref<!tpu.dma_semaphore, #tpu.memory_space<semaphore_mem>>) src(%dma_wait3A_349 : memref<676000x16xi32, #tpu.memory_space<hbm>>) dst(%dma_wait3A_343 : memref<128x16xi32, #tpu.memory_space<vmem>>)
      %dma_wait3A_350 = arith.constant 0 : i32
      %dma_wait3A_351 = arith.constant 128 : i32
      %dma_wait3A_352 = arith.constant 0 : i32
      %dma_wait3A_353 = tpu.memref_slice %arg10[%dma_wait3A_351, %dma_wait3A_352] : memref<656x16xi32, #tpu.memory_space<vmem>> -> memref<128x16xi32, #tpu.memory_space<vmem>>
      %dma_wait3A_354 = arith.constant 128 : i32
      %dma_wait3A_355 = tpu.memref_slice %arg8[%dma_wait3A_350, %dma_wait3A_354] : memref<32x656xi32, #tpu.memory_space<vmem>> -> memref<1x128xi32, #tpu.memory_space<vmem>>
      %dma_wait3A_356 = tpu.memref_squeeze %dma_wait3A_355 : memref<1x128xi32, #tpu.memory_space<vmem>> -> memref<128xi32, #tpu.memory_space<vmem>>
      %dma_wait3A_357 = arith.constant 0 : i32
      %dma_wait3A_358 = arith.constant 0 : i32
      %dma_wait3A_359 = tpu.memref_slice %arg2[%dma_wait3A_357, %dma_wait3A_358] : memref<676000x16xi32, #tpu.memory_space<hbm>> -> memref<676000x16xi32, #tpu.memory_space<hbm>>
      tpu.wait_indirect_dma semaphore(%arg15 : memref<!tpu.dma_semaphore, #tpu.memory_space<semaphore_mem>>) src(%dma_wait3A_359 : memref<676000x16xi32, #tpu.memory_space<hbm>>) dst(%dma_wait3A_353 : memref<128x16xi32, #tpu.memory_space<vmem>>)
      %dma_wait3A_360 = arith.constant 0 : i32
      %dma_wait3A_361 = arith.constant 256 : i32
      %dma_wait3A_362 = arith.constant 0 : i32
      %dma_wait3A_363 = tpu.memref_slice %arg10[%dma_wait3A_361, %dma_wait3A_362] : memref<656x16xi32, #tpu.memory_space<vmem>> -> memref<128x16xi32, #tpu.memory_space<vmem>>
      %dma_wait3A_364 = arith.constant 256 : i32
      %dma_wait3A_365 = tpu.memref_slice %arg8[%dma_wait3A_360, %dma_wait3A_364] : memref<32x656xi32, #tpu.memory_space<vmem>> -> memref<1x128xi32, #tpu.memory_space<vmem>>
      %dma_wait3A_366 = tpu.memref_squeeze %dma_wait3A_365 : memref<1x128xi32, #tpu.memory_space<vmem>> -> memref<128xi32, #tpu.memory_space<vmem>>
      %dma_wait3A_367 = arith.constant 0 : i32
      %dma_wait3A_368 = arith.constant 0 : i32
      %dma_wait3A_369 = tpu.memref_slice %arg2[%dma_wait3A_367, %dma_wait3A_368] : memref<676000x16xi32, #tpu.memory_space<hbm>> -> memref<676000x16xi32, #tpu.memory_space<hbm>>
      tpu.wait_indirect_dma semaphore(%arg15 : memref<!tpu.dma_semaphore, #tpu.memory_space<semaphore_mem>>) src(%dma_wait3A_369 : memref<676000x16xi32, #tpu.memory_space<hbm>>) dst(%dma_wait3A_363 : memref<128x16xi32, #tpu.memory_space<vmem>>)
      %dma_wait3A_370 = arith.constant 0 : i32
      %dma_wait3A_371 = arith.constant 384 : i32
      %dma_wait3A_372 = arith.constant 0 : i32
      %dma_wait3A_373 = tpu.memref_slice %arg10[%dma_wait3A_371, %dma_wait3A_372] : memref<656x16xi32, #tpu.memory_space<vmem>> -> memref<128x16xi32, #tpu.memory_space<vmem>>
      %dma_wait3A_374 = arith.constant 384 : i32
      %dma_wait3A_375 = tpu.memref_slice %arg8[%dma_wait3A_370, %dma_wait3A_374] : memref<32x656xi32, #tpu.memory_space<vmem>> -> memref<1x128xi32, #tpu.memory_space<vmem>>
      %dma_wait3A_376 = tpu.memref_squeeze %dma_wait3A_375 : memref<1x128xi32, #tpu.memory_space<vmem>> -> memref<128xi32, #tpu.memory_space<vmem>>
      %dma_wait3A_377 = arith.constant 0 : i32
      %dma_wait3A_378 = arith.constant 0 : i32
      %dma_wait3A_379 = tpu.memref_slice %arg2[%dma_wait3A_377, %dma_wait3A_378] : memref<676000x16xi32, #tpu.memory_space<hbm>> -> memref<676000x16xi32, #tpu.memory_space<hbm>>
      tpu.wait_indirect_dma semaphore(%arg15 : memref<!tpu.dma_semaphore, #tpu.memory_space<semaphore_mem>>) src(%dma_wait3A_379 : memref<676000x16xi32, #tpu.memory_space<hbm>>) dst(%dma_wait3A_373 : memref<128x16xi32, #tpu.memory_space<vmem>>)
      %dma_wait3A_380 = arith.constant 0 : i32
      %dma_wait3A_381 = arith.constant 512 : i32
      %dma_wait3A_382 = arith.constant 0 : i32
      %dma_wait3A_383 = tpu.memref_slice %arg10[%dma_wait3A_381, %dma_wait3A_382] : memref<656x16xi32, #tpu.memory_space<vmem>> -> memref<128x16xi32, #tpu.memory_space<vmem>>
      %dma_wait3A_384 = arith.constant 512 : i32
      %dma_wait3A_385 = tpu.memref_slice %arg8[%dma_wait3A_380, %dma_wait3A_384] : memref<32x656xi32, #tpu.memory_space<vmem>> -> memref<1x128xi32, #tpu.memory_space<vmem>>
      %dma_wait3A_386 = tpu.memref_squeeze %dma_wait3A_385 : memref<1x128xi32, #tpu.memory_space<vmem>> -> memref<128xi32, #tpu.memory_space<vmem>>
      %dma_wait3A_387 = arith.constant 0 : i32
      %dma_wait3A_388 = arith.constant 0 : i32
      %dma_wait3A_389 = tpu.memref_slice %arg2[%dma_wait3A_387, %dma_wait3A_388] : memref<676000x16xi32, #tpu.memory_space<hbm>> -> memref<676000x16xi32, #tpu.memory_space<hbm>>
      tpu.wait_indirect_dma semaphore(%arg15 : memref<!tpu.dma_semaphore, #tpu.memory_space<semaphore_mem>>) src(%dma_wait3A_389 : memref<676000x16xi32, #tpu.memory_space<hbm>>) dst(%dma_wait3A_383 : memref<128x16xi32, #tpu.memory_space<vmem>>)
      %dma_wait3A_390 = arith.constant 0 : i32
      %dma_wait3A_391 = arith.constant 640 : i32
      %dma_wait3A_392 = arith.constant 0 : i32
      %dma_wait3A_393 = tpu.memref_slice %arg10[%dma_wait3A_391, %dma_wait3A_392] : memref<656x16xi32, #tpu.memory_space<vmem>> -> memref<16x16xi32, #tpu.memory_space<vmem>>
      %dma_wait3A_394 = arith.constant 640 : i32
      %dma_wait3A_395 = tpu.memref_slice %arg8[%dma_wait3A_390, %dma_wait3A_394] : memref<32x656xi32, #tpu.memory_space<vmem>> -> memref<1x16xi32, #tpu.memory_space<vmem>>
      %dma_wait3A_396 = tpu.memref_squeeze %dma_wait3A_395 : memref<1x16xi32, #tpu.memory_space<vmem>> -> memref<16xi32, #tpu.memory_space<vmem>>
      %dma_wait3A_397 = arith.constant 0 : i32
      %dma_wait3A_398 = arith.constant 0 : i32
      %dma_wait3A_399 = tpu.memref_slice %arg2[%dma_wait3A_397, %dma_wait3A_398] : memref<676000x16xi32, #tpu.memory_space<hbm>> -> memref<676000x16xi32, #tpu.memory_space<hbm>>
      tpu.wait_indirect_dma semaphore(%arg15 : memref<!tpu.dma_semaphore, #tpu.memory_space<semaphore_mem>>) src(%dma_wait3A_399 : memref<676000x16xi32, #tpu.memory_space<hbm>>) dst(%dma_wait3A_393 : memref<16x16xi32, #tpu.memory_space<vmem>>)
      %broadcast_in_dim3A_400 = arith.constant 0.000000e+00 : f32
      %broadcast_in_dim3A_401 = vector.broadcast %broadcast_in_dim3A_400 : f32 to vector<16xf32>
      %scan3A_402 = arith.constant 0 : i32
      %scan3A_403 = arith.constant 65 : i32
      %scan3A_404 = arith.addi %scan3A_402, %scan3A_403 : i32
      %scan3A_405 = arith.constant 1 : i32
      %scan3A_406 = scf.for %scan3A_531 = %scan3A_402 to %scan3A_404 step %scan3A_405 iter_args(%scan3A_532 = %broadcast_in_dim3A_401) -> (vector<16xf32>)  : i32 {
        %mul3A_533 = arith.constant 5 : i32
        %mul3A_534 = arith.muli %scan3A_531, %mul3A_533 : i32
        %add3A_535 = arith.constant 0 : i32
        %add3A_536 = arith.addi %mul3A_534, %add3A_535 : i32
        %mul3A_537 = arith.constant 2 : i32
        %mul3A_538 = arith.muli %mul3A_537, %add3A_536 : i32
        %get3A_539 = arith.index_cast %mul3A_538 : i32 to index
        %get3A_540 = arith.constant 0 : index
        %get3A_541 = tpu.vector_load %arg10[%get3A_539, %get3A_540] {strides = array<i32>} : memref<656x16xi32, #tpu.memory_space<vmem>>, vector<16xi32>,
        %bitcast3A = vector.bitcast %get3A_541 : vector<16xi32> to vector<32xbf16>
        %mul3A_542 = arith.constant 2 : i32
        %mul3A_543 = arith.muli %mul3A_542, %add3A_536 : i32
        %add3A_544 = arith.constant 1 : i32
        %add3A_545 = arith.addi %mul3A_543, %add3A_544 : i32
        %get3A_546 = arith.index_cast %add3A_545 : i32 to index
        %get3A_547 = arith.constant 0 : index
        %get3A_548 = tpu.vector_load %arg10[%get3A_546, %get3A_547] {strides = array<i32>} : memref<656x16xi32, #tpu.memory_space<vmem>>, vector<16xi32>,
        %bitcast3A_549 = vector.bitcast %get3A_548 : vector<16xi32> to vector<32xbf16>
        %unpack3A = tpu.unpack_subelements %bitcast3A, 0 {pack_format = #tpu.pack_format<interleaved>} : vector<32xbf16> -> vector<16xf32>
        %unpack3A_550 = tpu.unpack_subelements %bitcast3A, 1 {pack_format = #tpu.pack_format<interleaved>} : vector<32xbf16> -> vector<16xf32>
        %unpack3A_551 = tpu.unpack_subelements %bitcast3A_549, 0 {pack_format = #tpu.pack_format<interleaved>} : vector<32xbf16> -> vector<16xf32>
        %unpack3A_552 = tpu.unpack_subelements %bitcast3A_549, 1 {pack_format = #tpu.pack_format<interleaved>} : vector<32xbf16> -> vector<16xf32>
        %mul3A_553 = arith.mulf %unpack3A, %unpack3A_551 : vector<16xf32>
        %add3A_554 = arith.addf %scan3A_532, %mul3A_553 : vector<16xf32>
        %mul3A_555 = arith.mulf %unpack3A_550, %unpack3A_552 : vector<16xf32>
        %add3A_556 = arith.addf %add3A_554, %mul3A_555 : vector<16xf32>
        %mul3A_557 = arith.constant 5 : i32
        %mul3A_558 = arith.muli %scan3A_531, %mul3A_557 : i32
        %add3A_559 = arith.constant 1 : i32
        %add3A_560 = arith.addi %mul3A_558, %add3A_559 : i32
        %mul3A_561 = arith.constant 2 : i32
        %mul3A_562 = arith.muli %mul3A_561, %add3A_560 : i32
        %get3A_563 = arith.index_cast %mul3A_562 : i32 to index
        %get3A_564 = arith.constant 0 : index
        %get3A_565 = tpu.vector_load %arg10[%get3A_563, %get3A_564] {strides = array<i32>} : memref<656x16xi32, #tpu.memory_space<vmem>>, vector<16xi32>,
        %bitcast3A_566 = vector.bitcast %get3A_565 : vector<16xi32> to vector<32xbf16>
        %mul3A_567 = arith.constant 2 : i32
        %mul3A_568 = arith.muli %mul3A_567, %add3A_560 : i32
        %add3A_569 = arith.constant 1 : i32
        %add3A_570 = arith.addi %mul3A_568, %add3A_569 : i32
        %get3A_571 = arith.index_cast %add3A_570 : i32 to index
        %get3A_572 = arith.constant 0 : index
        %get3A_573 = tpu.vector_load %arg10[%get3A_571, %get3A_572] {strides = array<i32>} : memref<656x16xi32, #tpu.memory_space<vmem>>, vector<16xi32>,
        %bitcast3A_574 = vector.bitcast %get3A_573 : vector<16xi32> to vector<32xbf16>
        %unpack3A_575 = tpu.unpack_subelements %bitcast3A_566, 0 {pack_format = #tpu.pack_format<interleaved>} : vector<32xbf16> -> vector<16xf32>
        %unpack3A_576 = tpu.unpack_subelements %bitcast3A_566, 1 {pack_format = #tpu.pack_format<interleaved>} : vector<32xbf16> -> vector<16xf32>
        %unpack3A_577 = tpu.unpack_subelements %bitcast3A_574, 0 {pack_format = #tpu.pack_format<interleaved>} : vector<32xbf16> -> vector<16xf32>
        %unpack3A_578 = tpu.unpack_subelements %bitcast3A_574, 1 {pack_format = #tpu.pack_format<interleaved>} : vector<32xbf16> -> vector<16xf32>
        %mul3A_579 = arith.mulf %unpack3A_575, %unpack3A_577 : vector<16xf32>
        %add3A_580 = arith.addf %add3A_556, %mul3A_579 : vector<16xf32>
        %mul3A_581 = arith.mulf %unpack3A_576, %unpack3A_578 : vector<16xf32>
        %add3A_582 = arith.addf %add3A_580, %mul3A_581 : vector<16xf32>
        %mul3A_583 = arith.constant 5 : i32
        %mul3A_584 = arith.muli %scan3A_531, %mul3A_583 : i32
        %add3A_585 = arith.constant 2 : i32
        %add3A_586 = arith.addi %mul3A_584, %add3A_585 : i32
        %mul3A_587 = arith.constant 2 : i32
        %mul3A_588 = arith.muli %mul3A_587, %add3A_586 : i32
        %get3A_589 = arith.index_cast %mul3A_588 : i32 to index
        %get3A_590 = arith.constant 0 : index
        %get3A_591 = tpu.vector_load %arg10[%get3A_589, %get3A_590] {strides = array<i32>} : memref<656x16xi32, #tpu.memory_space<vmem>>, vector<16xi32>,
        %bitcast3A_592 = vector.bitcast %get3A_591 : vector<16xi32> to vector<32xbf16>
        %mul3A_593 = arith.constant 2 : i32
        %mul3A_594 = arith.muli %mul3A_593, %add3A_586 : i32
        %add3A_595 = arith.constant 1 : i32
        %add3A_596 = arith.addi %mul3A_594, %add3A_595 : i32
        %get3A_597 = arith.index_cast %add3A_596 : i32 to index
        %get3A_598 = arith.constant 0 : index
        %get3A_599 = tpu.vector_load %arg10[%get3A_597, %get3A_598] {strides = array<i32>} : memref<656x16xi32, #tpu.memory_space<vmem>>, vector<16xi32>,
        %bitcast3A_600 = vector.bitcast %get3A_599 : vector<16xi32> to vector<32xbf16>
        %unpack3A_601 = tpu.unpack_subelements %bitcast3A_592, 0 {pack_format = #tpu.pack_format<interleaved>} : vector<32xbf16> -> vector<16xf32>
        %unpack3A_602 = tpu.unpack_subelements %bitcast3A_592, 1 {pack_format = #tpu.pack_format<interleaved>} : vector<32xbf16> -> vector<16xf32>
        %unpack3A_603 = tpu.unpack_subelements %bitcast3A_600, 0 {pack_format = #tpu.pack_format<interleaved>} : vector<32xbf16> -> vector<16xf32>
        %unpack3A_604 = tpu.unpack_subelements %bitcast3A_600, 1 {pack_format = #tpu.pack_format<interleaved>} : vector<32xbf16> -> vector<16xf32>
        %mul3A_605 = arith.mulf %unpack3A_601, %unpack3A_603 : vector<16xf32>
        %add3A_606 = arith.addf %add3A_582, %mul3A_605 : vector<16xf32>
        %mul3A_607 = arith.mulf %unpack3A_602, %unpack3A_604 : vector<16xf32>
        %add3A_608 = arith.addf %add3A_606, %mul3A_607 : vector<16xf32>
        %mul3A_609 = arith.constant 5 : i32
        %mul3A_610 = arith.muli %scan3A_531, %mul3A_609 : i32
        %add3A_611 = arith.constant 3 : i32
        %add3A_612 = arith.addi %mul3A_610, %add3A_611 : i32
        %mul3A_613 = arith.constant 2 : i32
        %mul3A_614 = arith.muli %mul3A_613, %add3A_612 : i32
        %get3A_615 = arith.index_cast %mul3A_614 : i32 to index
        %get3A_616 = arith.constant 0 : index
        %get3A_617 = tpu.vector_load %arg10[%get3A_615, %get3A_616] {strides = array<i32>} : memref<656x16xi32, #tpu.memory_space<vmem>>, vector<16xi32>,
        %bitcast3A_618 = vector.bitcast %get3A_617 : vector<16xi32> to vector<32xbf16>
        %mul3A_619 = arith.constant 2 : i32
        %mul3A_620 = arith.muli %mul3A_619, %add3A_612 : i32
        %add3A_621 = arith.constant 1 : i32
        %add3A_622 = arith.addi %mul3A_620, %add3A_621 : i32
        %get3A_623 = arith.index_cast %add3A_622 : i32 to index
        %get3A_624 = arith.constant 0 : index
        %get3A_625 = tpu.vector_load %arg10[%get3A_623, %get3A_624] {strides = array<i32>} : memref<656x16xi32, #tpu.memory_space<vmem>>, vector<16xi32>,
        %bitcast3A_626 = vector.bitcast %get3A_625 : vector<16xi32> to vector<32xbf16>
        %unpack3A_627 = tpu.unpack_subelements %bitcast3A_618, 0 {pack_format = #tpu.pack_format<interleaved>} : vector<32xbf16> -> vector<16xf32>
        %unpack3A_628 = tpu.unpack_subelements %bitcast3A_618, 1 {pack_format = #tpu.pack_format<interleaved>} : vector<32xbf16> -> vector<16xf32>
        %unpack3A_629 = tpu.unpack_subelements %bitcast3A_626, 0 {pack_format = #tpu.pack_format<interleaved>} : vector<32xbf16> -> vector<16xf32>
        %unpack3A_630 = tpu.unpack_subelements %bitcast3A_626, 1 {pack_format = #tpu.pack_format<interleaved>} : vector<32xbf16> -> vector<16xf32>
        %mul3A_631 = arith.mulf %unpack3A_627, %unpack3A_629 : vector<16xf32>
        %add3A_632 = arith.addf %add3A_608, %mul3A_631 : vector<16xf32>
        %mul3A_633 = arith.mulf %unpack3A_628, %unpack3A_630 : vector<16xf32>
        %add3A_634 = arith.addf %add3A_632, %mul3A_633 : vector<16xf32>
        %mul3A_635 = arith.constant 5 : i32
        %mul3A_636 = arith.muli %scan3A_531, %mul3A_635 : i32
        %add3A_637 = arith.constant 4 : i32
        %add3A_638 = arith.addi %mul3A_636, %add3A_637 : i32
        %mul3A_639 = arith.constant 2 : i32
        %mul3A_640 = arith.muli %mul3A_639, %add3A_638 : i32
        %get3A_641 = arith.index_cast %mul3A_640 : i32 to index
        %get3A_642 = arith.constant 0 : index
        %get3A_643 = tpu.vector_load %arg10[%get3A_641, %get3A_642] {strides = array<i32>} : memref<656x16xi32, #tpu.memory_space<vmem>>, vector<16xi32>,
        %bitcast3A_644 = vector.bitcast %get3A_643 : vector<16xi32> to vector<32xbf16>
        %mul3A_645 = arith.constant 2 : i32
        %mul3A_646 = arith.muli %mul3A_645, %add3A_638 : i32
        %add3A_647 = arith.constant 1 : i32
        %add3A_648 = arith.addi %mul3A_646, %add3A_647 : i32
        %get3A_649 = arith.index_cast %add3A_648 : i32 to index
        %get3A_650 = arith.constant 0 : index
        %get3A_651 = tpu.vector_load %arg10[%get3A_649, %get3A_650] {strides = array<i32>} : memref<656x16xi32, #tpu.memory_space<vmem>>, vector<16xi32>,
        %bitcast3A_652 = vector.bitcast %get3A_651 : vector<16xi32> to vector<32xbf16>
        %unpack3A_653 = tpu.unpack_subelements %bitcast3A_644, 0 {pack_format = #tpu.pack_format<interleaved>} : vector<32xbf16> -> vector<16xf32>
        %unpack3A_654 = tpu.unpack_subelements %bitcast3A_644, 1 {pack_format = #tpu.pack_format<interleaved>} : vector<32xbf16> -> vector<16xf32>
        %unpack3A_655 = tpu.unpack_subelements %bitcast3A_652, 0 {pack_format = #tpu.pack_format<interleaved>} : vector<32xbf16> -> vector<16xf32>
        %unpack3A_656 = tpu.unpack_subelements %bitcast3A_652, 1 {pack_format = #tpu.pack_format<interleaved>} : vector<32xbf16> -> vector<16xf32>
        %mul3A_657 = arith.mulf %unpack3A_653, %unpack3A_655 : vector<16xf32>
        %add3A_658 = arith.addf %add3A_634, %mul3A_657 : vector<16xf32>
        %mul3A_659 = arith.mulf %unpack3A_654, %unpack3A_656 : vector<16xf32>
        %add3A_660 = arith.addf %add3A_658, %mul3A_659 : vector<16xf32>
        scf.yield %add3A_660 : vector<16xf32>
      }
      %scan3A_407 = arith.constant 65 : i32
      %get3A_408 = arith.index_cast %mul3A_284 : i32 to index
      %get3A_409 = arith.constant 0 : index
      %get3A_410 = tpu.vector_load %arg9[%get3A_408, %get3A_409] {strides = array<i32>} : memref<32x32xi32, #tpu.memory_space<vmem>>, vector<16xi32>,
      %gather3A = tpu.vector_load_idx %arg12[%get3A_410] : memref<26008xf32, #tpu.memory_space<vmem>>[vector<16xi32>], vector<16xf32>,
      %get3A_411 = arith.index_cast %mul3A_284 : i32 to index
      %get3A_412 = arith.constant 16 : index
      %get3A_413 = tpu.vector_load %arg9[%get3A_411, %get3A_412] {strides = array<i32>} : memref<32x32xi32, #tpu.memory_space<vmem>>, vector<16xi32>,
      %gather3A_414 = tpu.vector_load_idx %arg12[%get3A_413] : memref<26008xf32, #tpu.memory_space<vmem>>[vector<16xi32>], vector<16xf32>,
      %add3A_415 = arith.addf %scan3A_406, %gather3A : vector<16xf32>
      %add3A_416 = arith.addf %add3A_415, %gather3A_414 : vector<16xf32>
      %reduce_sum3A = arith.constant true
      %reduce_sum3A_417 = vector.broadcast %reduce_sum3A : i1 to vector<16xi1>
      %reduce_sum3A_418 = tpu.scan <sum>, %add3A_416 masked %reduce_sum3A_417 : vector<16xf32>, vector<16xi1> -> vector<16xf32>
      %reduce_sum3A_419 = vector.extract %reduce_sum3A_418[15] : f32 from vector<16xf32>
      %slice3A = vector.extract_strided_slice %get3A_3 {offsets = [0], sizes = [1], strides = [1]} : vector<16xf32> to vector<1xf32>
      %squeeze3A = vector.extract %slice3A[0] : f32 from vector<1xf32>
      %add3A_420 = arith.addf %reduce_sum3A_419, %squeeze3A : f32
      %and3A = arith.constant 15 : i32
      %and3A_421 = arith.andi %mul3A_284, %and3A : i32
      %eq3A = vector.broadcast %and3A_421 : i32 to vector<16xi32>
      %eq3A_422 = arith.cmpi eq, %iota3A, %eq3A : vector<16xi32>
      %broadcast_in_dim3A_423 = vector.broadcast %add3A_420 : f32 to vector<16xf32>
      %select_n3A = arith.select %eq3A_422, %broadcast_in_dim3A_423, %scan3A_282 : vector<16xi1>, vector<16xf32>
      %and3A_424 = arith.constant 15 : i32
      %and3A_425 = arith.andi %mul3A_284, %and3A_424 : i32
      %eq3A_426 = arith.constant 15 : i32
      %eq3A_427 = arith.cmpi eq, %and3A_425, %eq3A_426 : i32
      %convert_element_type3A = arith.extui %eq3A_427 : i1 to i32
      %cond3A = arith.constant 0 : i32
      %cond3A_428 = arith.cmpi ne, %convert_element_type3A, %cond3A : i32
      scf.if %cond3A_428 {
        %add3A_531 = arith.constant 32 : i32
        %add3A_532 = arith.addi %add3A_531, %mul3A_284 : i32
        %sub3A = arith.constant 15 : i32
        %sub3A_533 = arith.subi %add3A_532, %sub3A : i32
        %swap3A = arith.index_cast %sub3A_533 : i32 to index
        %swap3A_534 = tpu.vector_load %arg14[%swap3A] {strides = array<i32>} : memref<128xf32, #tpu.memory_space<vmem>>, vector<16xf32>,
        tpu.vector_store %arg14[%swap3A], %select_n3A {strides = array<i32>} : memref<128xf32, #tpu.memory_space<vmem>>, vector<16xf32>,
      } else {
      }
      %lt3A = arith.constant 31 : i32
      %lt3A_429 = arith.cmpi slt, %add3A_286, %lt3A : i32
      %convert_element_type3A_430 = arith.extui %lt3A_429 : i1 to i32
      %cond3A_431 = arith.constant 0 : i32
      %cond3A_432 = arith.cmpi ne, %convert_element_type3A_430, %cond3A_431 : i32
      scf.if %cond3A_432 {
        %add3A_531 = arith.constant 2 : i32
        %add3A_532 = arith.addi %mul3A_284, %add3A_531 : i32
        %dma_start3A_533 = arith.constant 0 : i32
        %dma_start3A_534 = arith.constant 0 : i32
        %dma_start3A_535 = tpu.memref_slice %arg10[%dma_start3A_533, %dma_start3A_534] : memref<656x16xi32, #tpu.memory_space<vmem>> -> memref<128x16xi32, #tpu.memory_space<vmem>>
        %dma_start3A_536 = arith.constant 0 : i32
        %dma_start3A_537 = tpu.memref_slice %arg8[%add3A_532, %dma_start3A_536] : memref<32x656xi32, #tpu.memory_space<vmem>> -> memref<1x128xi32, #tpu.memory_space<vmem>>
        %dma_start3A_538 = tpu.memref_squeeze %dma_start3A_537 : memref<1x128xi32, #tpu.memory_space<vmem>> -> memref<128xi32, #tpu.memory_space<vmem>>
        %dma_start3A_539 = arith.constant 0 : i32
        %dma_start3A_540 = arith.constant 0 : i32
        %dma_start3A_541 = tpu.memref_slice %arg2[%dma_start3A_539, %dma_start3A_540] : memref<676000x16xi32, #tpu.memory_space<hbm>> -> memref<676000x16xi32, #tpu.memory_space<hbm>>
        tpu.enqueue_indirect_dma source(%dma_start3A_541 : memref<676000x16xi32, #tpu.memory_space<hbm>>) target(%dma_start3A_535 : memref<128x16xi32, #tpu.memory_space<vmem>>) offsets(%dma_start3A_538 : memref<128xi32, #tpu.memory_space<vmem>>) semaphore(%arg15 : memref<!tpu.dma_semaphore, #tpu.memory_space<semaphore_mem>>)
        %dma_start3A_542 = arith.constant 128 : i32
        %dma_start3A_543 = arith.constant 0 : i32
        %dma_start3A_544 = tpu.memref_slice %arg10[%dma_start3A_542, %dma_start3A_543] : memref<656x16xi32, #tpu.memory_space<vmem>> -> memref<128x16xi32, #tpu.memory_space<vmem>>
        %dma_start3A_545 = arith.constant 128 : i32
        %dma_start3A_546 = tpu.memref_slice %arg8[%add3A_532, %dma_start3A_545] : memref<32x656xi32, #tpu.memory_space<vmem>> -> memref<1x128xi32, #tpu.memory_space<vmem>>
        %dma_start3A_547 = tpu.memref_squeeze %dma_start3A_546 : memref<1x128xi32, #tpu.memory_space<vmem>> -> memref<128xi32, #tpu.memory_space<vmem>>
        %dma_start3A_548 = arith.constant 0 : i32
        %dma_start3A_549 = arith.constant 0 : i32
        %dma_start3A_550 = tpu.memref_slice %arg2[%dma_start3A_548, %dma_start3A_549] : memref<676000x16xi32, #tpu.memory_space<hbm>> -> memref<676000x16xi32, #tpu.memory_space<hbm>>
        tpu.enqueue_indirect_dma source(%dma_start3A_550 : memref<676000x16xi32, #tpu.memory_space<hbm>>) target(%dma_start3A_544 : memref<128x16xi32, #tpu.memory_space<vmem>>) offsets(%dma_start3A_547 : memref<128xi32, #tpu.memory_space<vmem>>) semaphore(%arg15 : memref<!tpu.dma_semaphore, #tpu.memory_space<semaphore_mem>>)
        %dma_start3A_551 = arith.constant 256 : i32
        %dma_start3A_552 = arith.constant 0 : i32
        %dma_start3A_553 = tpu.memref_slice %arg10[%dma_start3A_551, %dma_start3A_552] : memref<656x16xi32, #tpu.memory_space<vmem>> -> memref<128x16xi32, #tpu.memory_space<vmem>>
        %dma_start3A_554 = arith.constant 256 : i32
        %dma_start3A_555 = tpu.memref_slice %arg8[%add3A_532, %dma_start3A_554] : memref<32x656xi32, #tpu.memory_space<vmem>> -> memref<1x128xi32, #tpu.memory_space<vmem>>
        %dma_start3A_556 = tpu.memref_squeeze %dma_start3A_555 : memref<1x128xi32, #tpu.memory_space<vmem>> -> memref<128xi32, #tpu.memory_space<vmem>>
        %dma_start3A_557 = arith.constant 0 : i32
        %dma_start3A_558 = arith.constant 0 : i32
        %dma_start3A_559 = tpu.memref_slice %arg2[%dma_start3A_557, %dma_start3A_558] : memref<676000x16xi32, #tpu.memory_space<hbm>> -> memref<676000x16xi32, #tpu.memory_space<hbm>>
        tpu.enqueue_indirect_dma source(%dma_start3A_559 : memref<676000x16xi32, #tpu.memory_space<hbm>>) target(%dma_start3A_553 : memref<128x16xi32, #tpu.memory_space<vmem>>) offsets(%dma_start3A_556 : memref<128xi32, #tpu.memory_space<vmem>>) semaphore(%arg15 : memref<!tpu.dma_semaphore, #tpu.memory_space<semaphore_mem>>)
        %dma_start3A_560 = arith.constant 384 : i32
        %dma_start3A_561 = arith.constant 0 : i32
        %dma_start3A_562 = tpu.memref_slice %arg10[%dma_start3A_560, %dma_start3A_561] : memref<656x16xi32, #tpu.memory_space<vmem>> -> memref<128x16xi32, #tpu.memory_space<vmem>>
        %dma_start3A_563 = arith.constant 384 : i32
        %dma_start3A_564 = tpu.memref_slice %arg8[%add3A_532, %dma_start3A_563] : memref<32x656xi32, #tpu.memory_space<vmem>> -> memref<1x128xi32, #tpu.memory_space<vmem>>
        %dma_start3A_565 = tpu.memref_squeeze %dma_start3A_564 : memref<1x128xi32, #tpu.memory_space<vmem>> -> memref<128xi32, #tpu.memory_space<vmem>>
        %dma_start3A_566 = arith.constant 0 : i32
        %dma_start3A_567 = arith.constant 0 : i32
        %dma_start3A_568 = tpu.memref_slice %arg2[%dma_start3A_566, %dma_start3A_567] : memref<676000x16xi32, #tpu.memory_space<hbm>> -> memref<676000x16xi32, #tpu.memory_space<hbm>>
        tpu.enqueue_indirect_dma source(%dma_start3A_568 : memref<676000x16xi32, #tpu.memory_space<hbm>>) target(%dma_start3A_562 : memref<128x16xi32, #tpu.memory_space<vmem>>) offsets(%dma_start3A_565 : memref<128xi32, #tpu.memory_space<vmem>>) semaphore(%arg15 : memref<!tpu.dma_semaphore, #tpu.memory_space<semaphore_mem>>)
        %dma_start3A_569 = arith.constant 512 : i32
        %dma_start3A_570 = arith.constant 0 : i32
        %dma_start3A_571 = tpu.memref_slice %arg10[%dma_start3A_569, %dma_start3A_570] : memref<656x16xi32, #tpu.memory_space<vmem>> -> memref<128x16xi32, #tpu.memory_space<vmem>>
        %dma_start3A_572 = arith.constant 512 : i32
        %dma_start3A_573 = tpu.memref_slice %arg8[%add3A_532, %dma_start3A_572] : memref<32x656xi32, #tpu.memory_space<vmem>> -> memref<1x128xi32, #tpu.memory_space<vmem>>
        %dma_start3A_574 = tpu.memref_squeeze %dma_start3A_573 : memref<1x128xi32, #tpu.memory_space<vmem>> -> memref<128xi32, #tpu.memory_space<vmem>>
        %dma_start3A_575 = arith.constant 0 : i32
        %dma_start3A_576 = arith.constant 0 : i32
        %dma_start3A_577 = tpu.memref_slice %arg2[%dma_start3A_575, %dma_start3A_576] : memref<676000x16xi32, #tpu.memory_space<hbm>> -> memref<676000x16xi32, #tpu.memory_space<hbm>>
        tpu.enqueue_indirect_dma source(%dma_start3A_577 : memref<676000x16xi32, #tpu.memory_space<hbm>>) target(%dma_start3A_571 : memref<128x16xi32, #tpu.memory_space<vmem>>) offsets(%dma_start3A_574 : memref<128xi32, #tpu.memory_space<vmem>>) semaphore(%arg15 : memref<!tpu.dma_semaphore, #tpu.memory_space<semaphore_mem>>)
        %dma_start3A_578 = arith.constant 640 : i32
        %dma_start3A_579 = arith.constant 0 : i32
        %dma_start3A_580 = tpu.memref_slice %arg10[%dma_start3A_578, %dma_start3A_579] : memref<656x16xi32, #tpu.memory_space<vmem>> -> memref<16x16xi32, #tpu.memory_space<vmem>>
        %dma_start3A_581 = arith.constant 640 : i32
        %dma_start3A_582 = tpu.memref_slice %arg8[%add3A_532, %dma_start3A_581] : memref<32x656xi32, #tpu.memory_space<vmem>> -> memref<1x16xi32, #tpu.memory_space<vmem>>
        %dma_start3A_583 = tpu.memref_squeeze %dma_start3A_582 : memref<1x16xi32, #tpu.memory_space<vmem>> -> memref<16xi32, #tpu.memory_space<vmem>>
        %dma_start3A_584 = arith.constant 0 : i32
        %dma_start3A_585 = arith.constant 0 : i32
        %dma_start3A_586 = tpu.memref_slice %arg2[%dma_start3A_584, %dma_start3A_585] : memref<676000x16xi32, #tpu.memory_space<hbm>> -> memref<676000x16xi32, #tpu.memory_space<hbm>>
        tpu.enqueue_indirect_dma source(%dma_start3A_586 : memref<676000x16xi32, #tpu.memory_space<hbm>>) target(%dma_start3A_580 : memref<16x16xi32, #tpu.memory_space<vmem>>) offsets(%dma_start3A_583 : memref<16xi32, #tpu.memory_space<vmem>>) semaphore(%arg15 : memref<!tpu.dma_semaphore, #tpu.memory_space<semaphore_mem>>)
      } else {
      }
      %dma_wait3A_433 = arith.constant 0 : i32
      %dma_wait3A_434 = arith.constant 0 : i32
      %dma_wait3A_435 = arith.constant 0 : i32
      %dma_wait3A_436 = tpu.memref_slice %arg11[%dma_wait3A_434, %dma_wait3A_435] : memref<656x16xi32, #tpu.memory_space<vmem>> -> memref<128x16xi32, #tpu.memory_space<vmem>>
      %dma_wait3A_437 = arith.constant 0 : i32
      %dma_wait3A_438 = tpu.memref_slice %arg8[%dma_wait3A_433, %dma_wait3A_437] : memref<32x656xi32, #tpu.memory_space<vmem>> -> memref<1x128xi32, #tpu.memory_space<vmem>>
      %dma_wait3A_439 = tpu.memref_squeeze %dma_wait3A_438 : memref<1x128xi32, #tpu.memory_space<vmem>> -> memref<128xi32, #tpu.memory_space<vmem>>
      %dma_wait3A_440 = arith.constant 0 : i32
      %dma_wait3A_441 = arith.constant 0 : i32
      %dma_wait3A_442 = tpu.memref_slice %arg2[%dma_wait3A_440, %dma_wait3A_441] : memref<676000x16xi32, #tpu.memory_space<hbm>> -> memref<676000x16xi32, #tpu.memory_space<hbm>>
      tpu.wait_indirect_dma semaphore(%arg16 : memref<!tpu.dma_semaphore, #tpu.memory_space<semaphore_mem>>) src(%dma_wait3A_442 : memref<676000x16xi32, #tpu.memory_space<hbm>>) dst(%dma_wait3A_436 : memref<128x16xi32, #tpu.memory_space<vmem>>)
      %dma_wait3A_443 = arith.constant 0 : i32
      %dma_wait3A_444 = arith.constant 128 : i32
      %dma_wait3A_445 = arith.constant 0 : i32
      %dma_wait3A_446 = tpu.memref_slice %arg11[%dma_wait3A_444, %dma_wait3A_445] : memref<656x16xi32, #tpu.memory_space<vmem>> -> memref<128x16xi32, #tpu.memory_space<vmem>>
      %dma_wait3A_447 = arith.constant 128 : i32
      %dma_wait3A_448 = tpu.memref_slice %arg8[%dma_wait3A_443, %dma_wait3A_447] : memref<32x656xi32, #tpu.memory_space<vmem>> -> memref<1x128xi32, #tpu.memory_space<vmem>>
      %dma_wait3A_449 = tpu.memref_squeeze %dma_wait3A_448 : memref<1x128xi32, #tpu.memory_space<vmem>> -> memref<128xi32, #tpu.memory_space<vmem>>
      %dma_wait3A_450 = arith.constant 0 : i32
      %dma_wait3A_451 = arith.constant 0 : i32
      %dma_wait3A_452 = tpu.memref_slice %arg2[%dma_wait3A_450, %dma_wait3A_451] : memref<676000x16xi32, #tpu.memory_space<hbm>> -> memref<676000x16xi32, #tpu.memory_space<hbm>>
      tpu.wait_indirect_dma semaphore(%arg16 : memref<!tpu.dma_semaphore, #tpu.memory_space<semaphore_mem>>) src(%dma_wait3A_452 : memref<676000x16xi32, #tpu.memory_space<hbm>>) dst(%dma_wait3A_446 : memref<128x16xi32, #tpu.memory_space<vmem>>)
      %dma_wait3A_453 = arith.constant 0 : i32
      %dma_wait3A_454 = arith.constant 256 : i32
      %dma_wait3A_455 = arith.constant 0 : i32
      %dma_wait3A_456 = tpu.memref_slice %arg11[%dma_wait3A_454, %dma_wait3A_455] : memref<656x16xi32, #tpu.memory_space<vmem>> -> memref<128x16xi32, #tpu.memory_space<vmem>>
      %dma_wait3A_457 = arith.constant 256 : i32
      %dma_wait3A_458 = tpu.memref_slice %arg8[%dma_wait3A_453, %dma_wait3A_457] : memref<32x656xi32, #tpu.memory_space<vmem>> -> memref<1x128xi32, #tpu.memory_space<vmem>>
      %dma_wait3A_459 = tpu.memref_squeeze %dma_wait3A_458 : memref<1x128xi32, #tpu.memory_space<vmem>> -> memref<128xi32, #tpu.memory_space<vmem>>
      %dma_wait3A_460 = arith.constant 0 : i32
      %dma_wait3A_461 = arith.constant 0 : i32
      %dma_wait3A_462 = tpu.memref_slice %arg2[%dma_wait3A_460, %dma_wait3A_461] : memref<676000x16xi32, #tpu.memory_space<hbm>> -> memref<676000x16xi32, #tpu.memory_space<hbm>>
      tpu.wait_indirect_dma semaphore(%arg16 : memref<!tpu.dma_semaphore, #tpu.memory_space<semaphore_mem>>) src(%dma_wait3A_462 : memref<676000x16xi32, #tpu.memory_space<hbm>>) dst(%dma_wait3A_456 : memref<128x16xi32, #tpu.memory_space<vmem>>)
      %dma_wait3A_463 = arith.constant 0 : i32
      %dma_wait3A_464 = arith.constant 384 : i32
      %dma_wait3A_465 = arith.constant 0 : i32
      %dma_wait3A_466 = tpu.memref_slice %arg11[%dma_wait3A_464, %dma_wait3A_465] : memref<656x16xi32, #tpu.memory_space<vmem>> -> memref<128x16xi32, #tpu.memory_space<vmem>>
      %dma_wait3A_467 = arith.constant 384 : i32
      %dma_wait3A_468 = tpu.memref_slice %arg8[%dma_wait3A_463, %dma_wait3A_467] : memref<32x656xi32, #tpu.memory_space<vmem>> -> memref<1x128xi32, #tpu.memory_space<vmem>>
      %dma_wait3A_469 = tpu.memref_squeeze %dma_wait3A_468 : memref<1x128xi32, #tpu.memory_space<vmem>> -> memref<128xi32, #tpu.memory_space<vmem>>
      %dma_wait3A_470 = arith.constant 0 : i32
      %dma_wait3A_471 = arith.constant 0 : i32
      %dma_wait3A_472 = tpu.memref_slice %arg2[%dma_wait3A_470, %dma_wait3A_471] : memref<676000x16xi32, #tpu.memory_space<hbm>> -> memref<676000x16xi32, #tpu.memory_space<hbm>>
      tpu.wait_indirect_dma semaphore(%arg16 : memref<!tpu.dma_semaphore, #tpu.memory_space<semaphore_mem>>) src(%dma_wait3A_472 : memref<676000x16xi32, #tpu.memory_space<hbm>>) dst(%dma_wait3A_466 : memref<128x16xi32, #tpu.memory_space<vmem>>)
      %dma_wait3A_473 = arith.constant 0 : i32
      %dma_wait3A_474 = arith.constant 512 : i32
      %dma_wait3A_475 = arith.constant 0 : i32
      %dma_wait3A_476 = tpu.memref_slice %arg11[%dma_wait3A_474, %dma_wait3A_475] : memref<656x16xi32, #tpu.memory_space<vmem>> -> memref<128x16xi32, #tpu.memory_space<vmem>>
      %dma_wait3A_477 = arith.constant 512 : i32
      %dma_wait3A_478 = tpu.memref_slice %arg8[%dma_wait3A_473, %dma_wait3A_477] : memref<32x656xi32, #tpu.memory_space<vmem>> -> memref<1x128xi32, #tpu.memory_space<vmem>>
      %dma_wait3A_479 = tpu.memref_squeeze %dma_wait3A_478 : memref<1x128xi32, #tpu.memory_space<vmem>> -> memref<128xi32, #tpu.memory_space<vmem>>
      %dma_wait3A_480 = arith.constant 0 : i32
      %dma_wait3A_481 = arith.constant 0 : i32
      %dma_wait3A_482 = tpu.memref_slice %arg2[%dma_wait3A_480, %dma_wait3A_481] : memref<676000x16xi32, #tpu.memory_space<hbm>> -> memref<676000x16xi32, #tpu.memory_space<hbm>>
      tpu.wait_indirect_dma semaphore(%arg16 : memref<!tpu.dma_semaphore, #tpu.memory_space<semaphore_mem>>) src(%dma_wait3A_482 : memref<676000x16xi32, #tpu.memory_space<hbm>>) dst(%dma_wait3A_476 : memref<128x16xi32, #tpu.memory_space<vmem>>)
      %dma_wait3A_483 = arith.constant 0 : i32
      %dma_wait3A_484 = arith.constant 640 : i32
      %dma_wait3A_485 = arith.constant 0 : i32
      %dma_wait3A_486 = tpu.memref_slice %arg11[%dma_wait3A_484, %dma_wait3A_485] : memref<656x16xi32, #tpu.memory_space<vmem>> -> memref<16x16xi32, #tpu.memory_space<vmem>>
      %dma_wait3A_487 = arith.constant 640 : i32
      %dma_wait3A_488 = tpu.memref_slice %arg8[%dma_wait3A_483, %dma_wait3A_487] : memref<32x656xi32, #tpu.memory_space<vmem>> -> memref<1x16xi32, #tpu.memory_space<vmem>>
      %dma_wait3A_489 = tpu.memref_squeeze %dma_wait3A_488 : memref<1x16xi32, #tpu.memory_space<vmem>> -> memref<16xi32, #tpu.memory_space<vmem>>
      %dma_wait3A_490 = arith.constant 0 : i32
      %dma_wait3A_491 = arith.constant 0 : i32
      %dma_wait3A_492 = tpu.memref_slice %arg2[%dma_wait3A_490, %dma_wait3A_491] : memref<676000x16xi32, #tpu.memory_space<hbm>> -> memref<676000x16xi32, #tpu.memory_space<hbm>>
      tpu.wait_indirect_dma semaphore(%arg16 : memref<!tpu.dma_semaphore, #tpu.memory_space<semaphore_mem>>) src(%dma_wait3A_492 : memref<676000x16xi32, #tpu.memory_space<hbm>>) dst(%dma_wait3A_486 : memref<16x16xi32, #tpu.memory_space<vmem>>)
      %broadcast_in_dim3A_493 = arith.constant 0.000000e+00 : f32
      %broadcast_in_dim3A_494 = vector.broadcast %broadcast_in_dim3A_493 : f32 to vector<16xf32>
      %scan3A_495 = arith.constant 0 : i32
      %scan3A_496 = arith.constant 65 : i32
      %scan3A_497 = arith.addi %scan3A_495, %scan3A_496 : i32
      %scan3A_498 = arith.constant 1 : i32
      %scan3A_499 = scf.for %scan3A_531 = %scan3A_495 to %scan3A_497 step %scan3A_498 iter_args(%scan3A_532 = %broadcast_in_dim3A_494) -> (vector<16xf32>)  : i32 {
        %mul3A_533 = arith.constant 5 : i32
        %mul3A_534 = arith.muli %scan3A_531, %mul3A_533 : i32
        %add3A_535 = arith.constant 0 : i32
        %add3A_536 = arith.addi %mul3A_534, %add3A_535 : i32
        %mul3A_537 = arith.constant 2 : i32
        %mul3A_538 = arith.muli %mul3A_537, %add3A_536 : i32
        %get3A_539 = arith.index_cast %mul3A_538 : i32 to index
        %get3A_540 = arith.constant 0 : index
        %get3A_541 = tpu.vector_load %arg11[%get3A_539, %get3A_540] {strides = array<i32>} : memref<656x16xi32, #tpu.memory_space<vmem>>, vector<16xi32>,
        %bitcast3A = vector.bitcast %get3A_541 : vector<16xi32> to vector<32xbf16>
        %mul3A_542 = arith.constant 2 : i32
        %mul3A_543 = arith.muli %mul3A_542, %add3A_536 : i32
        %add3A_544 = arith.constant 1 : i32
        %add3A_545 = arith.addi %mul3A_543, %add3A_544 : i32
        %get3A_546 = arith.index_cast %add3A_545 : i32 to index
        %get3A_547 = arith.constant 0 : index
        %get3A_548 = tpu.vector_load %arg11[%get3A_546, %get3A_547] {strides = array<i32>} : memref<656x16xi32, #tpu.memory_space<vmem>>, vector<16xi32>,
        %bitcast3A_549 = vector.bitcast %get3A_548 : vector<16xi32> to vector<32xbf16>
        %unpack3A = tpu.unpack_subelements %bitcast3A, 0 {pack_format = #tpu.pack_format<interleaved>} : vector<32xbf16> -> vector<16xf32>
        %unpack3A_550 = tpu.unpack_subelements %bitcast3A, 1 {pack_format = #tpu.pack_format<interleaved>} : vector<32xbf16> -> vector<16xf32>
        %unpack3A_551 = tpu.unpack_subelements %bitcast3A_549, 0 {pack_format = #tpu.pack_format<interleaved>} : vector<32xbf16> -> vector<16xf32>
        %unpack3A_552 = tpu.unpack_subelements %bitcast3A_549, 1 {pack_format = #tpu.pack_format<interleaved>} : vector<32xbf16> -> vector<16xf32>
        %mul3A_553 = arith.mulf %unpack3A, %unpack3A_551 : vector<16xf32>
        %add3A_554 = arith.addf %scan3A_532, %mul3A_553 : vector<16xf32>
        %mul3A_555 = arith.mulf %unpack3A_550, %unpack3A_552 : vector<16xf32>
        %add3A_556 = arith.addf %add3A_554, %mul3A_555 : vector<16xf32>
        %mul3A_557 = arith.constant 5 : i32
        %mul3A_558 = arith.muli %scan3A_531, %mul3A_557 : i32
        %add3A_559 = arith.constant 1 : i32
        %add3A_560 = arith.addi %mul3A_558, %add3A_559 : i32
        %mul3A_561 = arith.constant 2 : i32
        %mul3A_562 = arith.muli %mul3A_561, %add3A_560 : i32
        %get3A_563 = arith.index_cast %mul3A_562 : i32 to index
        %get3A_564 = arith.constant 0 : index
        %get3A_565 = tpu.vector_load %arg11[%get3A_563, %get3A_564] {strides = array<i32>} : memref<656x16xi32, #tpu.memory_space<vmem>>, vector<16xi32>,
        %bitcast3A_566 = vector.bitcast %get3A_565 : vector<16xi32> to vector<32xbf16>
        %mul3A_567 = arith.constant 2 : i32
        %mul3A_568 = arith.muli %mul3A_567, %add3A_560 : i32
        %add3A_569 = arith.constant 1 : i32
        %add3A_570 = arith.addi %mul3A_568, %add3A_569 : i32
        %get3A_571 = arith.index_cast %add3A_570 : i32 to index
        %get3A_572 = arith.constant 0 : index
        %get3A_573 = tpu.vector_load %arg11[%get3A_571, %get3A_572] {strides = array<i32>} : memref<656x16xi32, #tpu.memory_space<vmem>>, vector<16xi32>,
        %bitcast3A_574 = vector.bitcast %get3A_573 : vector<16xi32> to vector<32xbf16>
        %unpack3A_575 = tpu.unpack_subelements %bitcast3A_566, 0 {pack_format = #tpu.pack_format<interleaved>} : vector<32xbf16> -> vector<16xf32>
        %unpack3A_576 = tpu.unpack_subelements %bitcast3A_566, 1 {pack_format = #tpu.pack_format<interleaved>} : vector<32xbf16> -> vector<16xf32>
        %unpack3A_577 = tpu.unpack_subelements %bitcast3A_574, 0 {pack_format = #tpu.pack_format<interleaved>} : vector<32xbf16> -> vector<16xf32>
        %unpack3A_578 = tpu.unpack_subelements %bitcast3A_574, 1 {pack_format = #tpu.pack_format<interleaved>} : vector<32xbf16> -> vector<16xf32>
        %mul3A_579 = arith.mulf %unpack3A_575, %unpack3A_577 : vector<16xf32>
        %add3A_580 = arith.addf %add3A_556, %mul3A_579 : vector<16xf32>
        %mul3A_581 = arith.mulf %unpack3A_576, %unpack3A_578 : vector<16xf32>
        %add3A_582 = arith.addf %add3A_580, %mul3A_581 : vector<16xf32>
        %mul3A_583 = arith.constant 5 : i32
        %mul3A_584 = arith.muli %scan3A_531, %mul3A_583 : i32
        %add3A_585 = arith.constant 2 : i32
        %add3A_586 = arith.addi %mul3A_584, %add3A_585 : i32
        %mul3A_587 = arith.constant 2 : i32
        %mul3A_588 = arith.muli %mul3A_587, %add3A_586 : i32
        %get3A_589 = arith.index_cast %mul3A_588 : i32 to index
        %get3A_590 = arith.constant 0 : index
        %get3A_591 = tpu.vector_load %arg11[%get3A_589, %get3A_590] {strides = array<i32>} : memref<656x16xi32, #tpu.memory_space<vmem>>, vector<16xi32>,
        %bitcast3A_592 = vector.bitcast %get3A_591 : vector<16xi32> to vector<32xbf16>
        %mul3A_593 = arith.constant 2 : i32
        %mul3A_594 = arith.muli %mul3A_593, %add3A_586 : i32
        %add3A_595 = arith.constant 1 : i32
        %add3A_596 = arith.addi %mul3A_594, %add3A_595 : i32
        %get3A_597 = arith.index_cast %add3A_596 : i32 to index
        %get3A_598 = arith.constant 0 : index
        %get3A_599 = tpu.vector_load %arg11[%get3A_597, %get3A_598] {strides = array<i32>} : memref<656x16xi32, #tpu.memory_space<vmem>>, vector<16xi32>,
        %bitcast3A_600 = vector.bitcast %get3A_599 : vector<16xi32> to vector<32xbf16>
        %unpack3A_601 = tpu.unpack_subelements %bitcast3A_592, 0 {pack_format = #tpu.pack_format<interleaved>} : vector<32xbf16> -> vector<16xf32>
        %unpack3A_602 = tpu.unpack_subelements %bitcast3A_592, 1 {pack_format = #tpu.pack_format<interleaved>} : vector<32xbf16> -> vector<16xf32>
        %unpack3A_603 = tpu.unpack_subelements %bitcast3A_600, 0 {pack_format = #tpu.pack_format<interleaved>} : vector<32xbf16> -> vector<16xf32>
        %unpack3A_604 = tpu.unpack_subelements %bitcast3A_600, 1 {pack_format = #tpu.pack_format<interleaved>} : vector<32xbf16> -> vector<16xf32>
        %mul3A_605 = arith.mulf %unpack3A_601, %unpack3A_603 : vector<16xf32>
        %add3A_606 = arith.addf %add3A_582, %mul3A_605 : vector<16xf32>
        %mul3A_607 = arith.mulf %unpack3A_602, %unpack3A_604 : vector<16xf32>
        %add3A_608 = arith.addf %add3A_606, %mul3A_607 : vector<16xf32>
        %mul3A_609 = arith.constant 5 : i32
        %mul3A_610 = arith.muli %scan3A_531, %mul3A_609 : i32
        %add3A_611 = arith.constant 3 : i32
        %add3A_612 = arith.addi %mul3A_610, %add3A_611 : i32
        %mul3A_613 = arith.constant 2 : i32
        %mul3A_614 = arith.muli %mul3A_613, %add3A_612 : i32
        %get3A_615 = arith.index_cast %mul3A_614 : i32 to index
        %get3A_616 = arith.constant 0 : index
        %get3A_617 = tpu.vector_load %arg11[%get3A_615, %get3A_616] {strides = array<i32>} : memref<656x16xi32, #tpu.memory_space<vmem>>, vector<16xi32>,
        %bitcast3A_618 = vector.bitcast %get3A_617 : vector<16xi32> to vector<32xbf16>
        %mul3A_619 = arith.constant 2 : i32
        %mul3A_620 = arith.muli %mul3A_619, %add3A_612 : i32
        %add3A_621 = arith.constant 1 : i32
        %add3A_622 = arith.addi %mul3A_620, %add3A_621 : i32
        %get3A_623 = arith.index_cast %add3A_622 : i32 to index
        %get3A_624 = arith.constant 0 : index
        %get3A_625 = tpu.vector_load %arg11[%get3A_623, %get3A_624] {strides = array<i32>} : memref<656x16xi32, #tpu.memory_space<vmem>>, vector<16xi32>,
        %bitcast3A_626 = vector.bitcast %get3A_625 : vector<16xi32> to vector<32xbf16>
        %unpack3A_627 = tpu.unpack_subelements %bitcast3A_618, 0 {pack_format = #tpu.pack_format<interleaved>} : vector<32xbf16> -> vector<16xf32>
        %unpack3A_628 = tpu.unpack_subelements %bitcast3A_618, 1 {pack_format = #tpu.pack_format<interleaved>} : vector<32xbf16> -> vector<16xf32>
        %unpack3A_629 = tpu.unpack_subelements %bitcast3A_626, 0 {pack_format = #tpu.pack_format<interleaved>} : vector<32xbf16> -> vector<16xf32>
        %unpack3A_630 = tpu.unpack_subelements %bitcast3A_626, 1 {pack_format = #tpu.pack_format<interleaved>} : vector<32xbf16> -> vector<16xf32>
        %mul3A_631 = arith.mulf %unpack3A_627, %unpack3A_629 : vector<16xf32>
        %add3A_632 = arith.addf %add3A_608, %mul3A_631 : vector<16xf32>
        %mul3A_633 = arith.mulf %unpack3A_628, %unpack3A_630 : vector<16xf32>
        %add3A_634 = arith.addf %add3A_632, %mul3A_633 : vector<16xf32>
        %mul3A_635 = arith.constant 5 : i32
        %mul3A_636 = arith.muli %scan3A_531, %mul3A_635 : i32
        %add3A_637 = arith.constant 4 : i32
        %add3A_638 = arith.addi %mul3A_636, %add3A_637 : i32
        %mul3A_639 = arith.constant 2 : i32
        %mul3A_640 = arith.muli %mul3A_639, %add3A_638 : i32
        %get3A_641 = arith.index_cast %mul3A_640 : i32 to index
        %get3A_642 = arith.constant 0 : index
        %get3A_643 = tpu.vector_load %arg11[%get3A_641, %get3A_642] {strides = array<i32>} : memref<656x16xi32, #tpu.memory_space<vmem>>, vector<16xi32>,
        %bitcast3A_644 = vector.bitcast %get3A_643 : vector<16xi32> to vector<32xbf16>
        %mul3A_645 = arith.constant 2 : i32
        %mul3A_646 = arith.muli %mul3A_645, %add3A_638 : i32
        %add3A_647 = arith.constant 1 : i32
        %add3A_648 = arith.addi %mul3A_646, %add3A_647 : i32
        %get3A_649 = arith.index_cast %add3A_648 : i32 to index
        %get3A_650 = arith.constant 0 : index
        %get3A_651 = tpu.vector_load %arg11[%get3A_649, %get3A_650] {strides = array<i32>} : memref<656x16xi32, #tpu.memory_space<vmem>>, vector<16xi32>,
        %bitcast3A_652 = vector.bitcast %get3A_651 : vector<16xi32> to vector<32xbf16>
        %unpack3A_653 = tpu.unpack_subelements %bitcast3A_644, 0 {pack_format = #tpu.pack_format<interleaved>} : vector<32xbf16> -> vector<16xf32>
        %unpack3A_654 = tpu.unpack_subelements %bitcast3A_644, 1 {pack_format = #tpu.pack_format<interleaved>} : vector<32xbf16> -> vector<16xf32>
        %unpack3A_655 = tpu.unpack_subelements %bitcast3A_652, 0 {pack_format = #tpu.pack_format<interleaved>} : vector<32xbf16> -> vector<16xf32>
        %unpack3A_656 = tpu.unpack_subelements %bitcast3A_652, 1 {pack_format = #tpu.pack_format<interleaved>} : vector<32xbf16> -> vector<16xf32>
        %mul3A_657 = arith.mulf %unpack3A_653, %unpack3A_655 : vector<16xf32>
        %add3A_658 = arith.addf %add3A_634, %mul3A_657 : vector<16xf32>
        %mul3A_659 = arith.mulf %unpack3A_654, %unpack3A_656 : vector<16xf32>
        %add3A_660 = arith.addf %add3A_658, %mul3A_659 : vector<16xf32>
        scf.yield %add3A_660 : vector<16xf32>
      }
      %scan3A_500 = arith.constant 65 : i32
      %get3A_501 = arith.index_cast %add3A_286 : i32 to index
      %get3A_502 = arith.constant 0 : index
      %get3A_503 = tpu.vector_load %arg9[%get3A_501, %get3A_502] {strides = array<i32>} : memref<32x32xi32, #tpu.memory_space<vmem>>, vector<16xi32>,
      %gather3A_504 = tpu.vector_load_idx %arg12[%get3A_503] : memref<26008xf32, #tpu.memory_space<vmem>>[vector<16xi32>], vector<16xf32>,
      %get3A_505 = arith.index_cast %add3A_286 : i32 to index
      %get3A_506 = arith.constant 16 : index
      %get3A_507 = tpu.vector_load %arg9[%get3A_505, %get3A_506] {strides = array<i32>} : memref<32x32xi32, #tpu.memory_space<vmem>>, vector<16xi32>,
      %gather3A_508 = tpu.vector_load_idx %arg12[%get3A_507] : memref<26008xf32, #tpu.memory_space<vmem>>[vector<16xi32>], vector<16xf32>,
      %add3A_509 = arith.addf %scan3A_499, %gather3A_504 : vector<16xf32>
      %add3A_510 = arith.addf %add3A_509, %gather3A_508 : vector<16xf32>
      %reduce_sum3A_511 = arith.constant true
      %reduce_sum3A_512 = vector.broadcast %reduce_sum3A_511 : i1 to vector<16xi1>
      %reduce_sum3A_513 = tpu.scan <sum>, %add3A_510 masked %reduce_sum3A_512 : vector<16xf32>, vector<16xi1> -> vector<16xf32>
      %reduce_sum3A_514 = vector.extract %reduce_sum3A_513[15] : f32 from vector<16xf32>
      %slice3A_515 = vector.extract_strided_slice %get3A_3 {offsets = [0], sizes = [1], strides = [1]} : vector<16xf32> to vector<1xf32>
      %squeeze3A_516 = vector.extract %slice3A_515[0] : f32 from vector<1xf32>
      %add3A_517 = arith.addf %reduce_sum3A_514, %squeeze3A_516 : f32
      %and3A_518 = arith.constant 15 : i32
      %and3A_519 = arith.andi %add3A_286, %and3A_518 : i32
      %eq3A_520 = vector.broadcast %and3A_519 : i32 to vector<16xi32>
      %eq3A_521 = arith.cmpi eq, %iota3A, %eq3A_520 : vector<16xi32>
      %broadcast_in_dim3A_522 = vector.broadcast %add3A_517 : f32 to vector<16xf32>
      %select_n3A_523 = arith.select %eq3A_521, %broadcast_in_dim3A_522, %select_n3A : vector<16xi1>, vector<16xf32>
      %and3A_524 = arith.constant 15 : i32
      %and3A_525 = arith.andi %add3A_286, %and3A_524 : i32
      %eq3A_526 = arith.constant 15 : i32
      %eq3A_527 = arith.cmpi eq, %and3A_525, %eq3A_526 : i32
      %convert_element_type3A_528 = arith.extui %eq3A_527 : i1 to i32
      %cond3A_529 = arith.constant 0 : i32
      %cond3A_530 = arith.cmpi ne, %convert_element_type3A_528, %cond3A_529 : i32
      scf.if %cond3A_530 {
        %add3A_531 = arith.constant 32 : i32
        %add3A_532 = arith.addi %add3A_531, %add3A_286 : i32
        %sub3A = arith.constant 15 : i32
        %sub3A_533 = arith.subi %add3A_532, %sub3A : i32
        %swap3A = arith.index_cast %sub3A_533 : i32 to index
        %swap3A_534 = tpu.vector_load %arg14[%swap3A] {strides = array<i32>} : memref<128xf32, #tpu.memory_space<vmem>>, vector<16xf32>,
        tpu.vector_store %arg14[%swap3A], %select_n3A_523 {strides = array<i32>} : memref<128xf32, #tpu.memory_space<vmem>>, vector<16xf32>,
      } else {
      }
      scf.yield %select_n3A_523 : vector<16xf32>
    }
    %scan3A_140 = arith.constant 16 : i32
    %add3A_141 = arith.constant 64 : i32
    %add3A_142 = arith.addi %mul3A_2, %add3A_141 : i32
    "tpu.region"() ({
      %run_scoped3A = tpu.sem_alloc : memref<!tpu.dma_semaphore, #tpu.memory_space<semaphore_mem>>
      %dma_start3A_281 = arith.constant 0 : i32
      %dma_start3A_282 = tpu.memref_slice %arg3[%add3A_142, %dma_start3A_281] : memref<4096x656xi32, #tpu.memory_space<hbm>> -> memref<32x656xi32, #tpu.memory_space<hbm>>
      %dma_start3A_283 = arith.constant 0 : i32
      %dma_start3A_284 = tpu.memref_slice %arg3[%add3A_142, %dma_start3A_283] : memref<4096x656xi32, #tpu.memory_space<hbm>> -> memref<32x656xi32, #tpu.memory_space<hbm>>
      tpu.enqueue_dma source(%dma_start3A_284 : memref<32x656xi32, #tpu.memory_space<hbm>>) target(%arg8 : memref<32x656xi32, #tpu.memory_space<vmem>>) target_semaphore(%run_scoped3A : memref<!tpu.dma_semaphore, #tpu.memory_space<semaphore_mem>>)
      %dma_wait3A = arith.constant 0 : i32
      %dma_wait3A_285 = tpu.memref_slice %arg3[%add3A_142, %dma_wait3A] : memref<4096x656xi32, #tpu.memory_space<hbm>> -> memref<32x656xi32, #tpu.memory_space<hbm>>
      %dma_wait3A_286 = arith.constant 0 : i32
      %dma_wait3A_287 = tpu.memref_slice %arg3[%add3A_142, %dma_wait3A_286] : memref<4096x656xi32, #tpu.memory_space<hbm>> -> memref<32x656xi32, #tpu.memory_space<hbm>>
      tpu.wait_dma2 semaphore(%run_scoped3A : memref<!tpu.dma_semaphore, #tpu.memory_space<semaphore_mem>>) src(%dma_wait3A_287 : memref<32x656xi32, #tpu.memory_space<hbm>>) dst(%arg8 : memref<32x656xi32, #tpu.memory_space<vmem>>)
      tpu.yield
    }) : () -> ()
    "tpu.region"() ({
      %run_scoped3A = tpu.sem_alloc : memref<!tpu.dma_semaphore, #tpu.memory_space<semaphore_mem>>
      %dma_start3A_281 = arith.constant 0 : i32
      %dma_start3A_282 = tpu.memref_slice %arg4[%add3A_142, %dma_start3A_281] : memref<4096x32xi32, #tpu.memory_space<hbm>> -> memref<32x32xi32, #tpu.memory_space<hbm>>
      %dma_start3A_283 = arith.constant 0 : i32
      %dma_start3A_284 = tpu.memref_slice %arg4[%add3A_142, %dma_start3A_283] : memref<4096x32xi32, #tpu.memory_space<hbm>> -> memref<32x32xi32, #tpu.memory_space<hbm>>
      tpu.enqueue_dma source(%dma_start3A_284 : memref<32x32xi32, #tpu.memory_space<hbm>>) target(%arg9 : memref<32x32xi32, #tpu.memory_space<vmem>>) target_semaphore(%run_scoped3A : memref<!tpu.dma_semaphore, #tpu.memory_space<semaphore_mem>>)
      %dma_wait3A = arith.constant 0 : i32
      %dma_wait3A_285 = tpu.memref_slice %arg4[%add3A_142, %dma_wait3A] : memref<4096x32xi32, #tpu.memory_space<hbm>> -> memref<32x32xi32, #tpu.memory_space<hbm>>
      %dma_wait3A_286 = arith.constant 0 : i32
      %dma_wait3A_287 = tpu.memref_slice %arg4[%add3A_142, %dma_wait3A_286] : memref<4096x32xi32, #tpu.memory_space<hbm>> -> memref<32x32xi32, #tpu.memory_space<hbm>>
      tpu.wait_dma2 semaphore(%run_scoped3A : memref<!tpu.dma_semaphore, #tpu.memory_space<semaphore_mem>>) src(%dma_wait3A_287 : memref<32x32xi32, #tpu.memory_space<hbm>>) dst(%arg9 : memref<32x32xi32, #tpu.memory_space<vmem>>)
      tpu.yield
    }) : () -> ()
    %dma_start3A_143 = arith.constant 0 : i32
    %dma_start3A_144 = arith.constant 0 : i32
    %dma_start3A_145 = arith.constant 0 : i32
    %dma_start3A_146 = tpu.memref_slice %arg10[%dma_start3A_144, %dma_start3A_145] : memref<656x16xi32, #tpu.memory_space<vmem>> -> memref<128x16xi32, #tpu.memory_space<vmem>>
    %dma_start3A_147 = arith.constant 0 : i32
    %dma_start3A_148 = tpu.memref_slice %arg8[%dma_start3A_143, %dma_start3A_147] : memref<32x656xi32, #tpu.memory_space<vmem>> -> memref<1x128xi32, #tpu.memory_space<vmem>>
    %dma_start3A_149 = tpu.memref_squeeze %dma_start3A_148 : memref<1x128xi32, #tpu.memory_space<vmem>> -> memref<128xi32, #tpu.memory_space<vmem>>
    %dma_start3A_150 = arith.constant 0 : i32
    %dma_start3A_151 = arith.constant 0 : i32
    %dma_start3A_152 = tpu.memref_slice %arg2[%dma_start3A_150, %dma_start3A_151] : memref<676000x16xi32, #tpu.memory_space<hbm>> -> memref<676000x16xi32, #tpu.memory_space<hbm>>
    tpu.enqueue_indirect_dma source(%dma_start3A_152 : memref<676000x16xi32, #tpu.memory_space<hbm>>) target(%dma_start3A_146 : memref<128x16xi32, #tpu.memory_space<vmem>>) offsets(%dma_start3A_149 : memref<128xi32, #tpu.memory_space<vmem>>) semaphore(%arg15 : memref<!tpu.dma_semaphore, #tpu.memory_space<semaphore_mem>>)
    %dma_start3A_153 = arith.constant 0 : i32
    %dma_start3A_154 = arith.constant 128 : i32
    %dma_start3A_155 = arith.constant 0 : i32
    %dma_start3A_156 = tpu.memref_slice %arg10[%dma_start3A_154, %dma_start3A_155] : memref<656x16xi32, #tpu.memory_space<vmem>> -> memref<128x16xi32, #tpu.memory_space<vmem>>
    %dma_start3A_157 = arith.constant 128 : i32
    %dma_start3A_158 = tpu.memref_slice %arg8[%dma_start3A_153, %dma_start3A_157] : memref<32x656xi32, #tpu.memory_space<vmem>> -> memref<1x128xi32, #tpu.memory_space<vmem>>
    %dma_start3A_159 = tpu.memref_squeeze %dma_start3A_158 : memref<1x128xi32, #tpu.memory_space<vmem>> -> memref<128xi32, #tpu.memory_space<vmem>>
    %dma_start3A_160 = arith.constant 0 : i32
    %dma_start3A_161 = arith.constant 0 : i32
    %dma_start3A_162 = tpu.memref_slice %arg2[%dma_start3A_160, %dma_start3A_161] : memref<676000x16xi32, #tpu.memory_space<hbm>> -> memref<676000x16xi32, #tpu.memory_space<hbm>>
    tpu.enqueue_indirect_dma source(%dma_start3A_162 : memref<676000x16xi32, #tpu.memory_space<hbm>>) target(%dma_start3A_156 : memref<128x16xi32, #tpu.memory_space<vmem>>) offsets(%dma_start3A_159 : memref<128xi32, #tpu.memory_space<vmem>>) semaphore(%arg15 : memref<!tpu.dma_semaphore, #tpu.memory_space<semaphore_mem>>)
    %dma_start3A_163 = arith.constant 0 : i32
    %dma_start3A_164 = arith.constant 256 : i32
    %dma_start3A_165 = arith.constant 0 : i32
    %dma_start3A_166 = tpu.memref_slice %arg10[%dma_start3A_164, %dma_start3A_165] : memref<656x16xi32, #tpu.memory_space<vmem>> -> memref<128x16xi32, #tpu.memory_space<vmem>>
    %dma_start3A_167 = arith.constant 256 : i32
    %dma_start3A_168 = tpu.memref_slice %arg8[%dma_start3A_163, %dma_start3A_167] : memref<32x656xi32, #tpu.memory_space<vmem>> -> memref<1x128xi32, #tpu.memory_space<vmem>>
    %dma_start3A_169 = tpu.memref_squeeze %dma_start3A_168 : memref<1x128xi32, #tpu.memory_space<vmem>> -> memref<128xi32, #tpu.memory_space<vmem>>
    %dma_start3A_170 = arith.constant 0 : i32
    %dma_start3A_171 = arith.constant 0 : i32
    %dma_start3A_172 = tpu.memref_slice %arg2[%dma_start3A_170, %dma_start3A_171] : memref<676000x16xi32, #tpu.memory_space<hbm>> -> memref<676000x16xi32, #tpu.memory_space<hbm>>
    tpu.enqueue_indirect_dma source(%dma_start3A_172 : memref<676000x16xi32, #tpu.memory_space<hbm>>) target(%dma_start3A_166 : memref<128x16xi32, #tpu.memory_space<vmem>>) offsets(%dma_start3A_169 : memref<128xi32, #tpu.memory_space<vmem>>) semaphore(%arg15 : memref<!tpu.dma_semaphore, #tpu.memory_space<semaphore_mem>>)
    %dma_start3A_173 = arith.constant 0 : i32
    %dma_start3A_174 = arith.constant 384 : i32
    %dma_start3A_175 = arith.constant 0 : i32
    %dma_start3A_176 = tpu.memref_slice %arg10[%dma_start3A_174, %dma_start3A_175] : memref<656x16xi32, #tpu.memory_space<vmem>> -> memref<128x16xi32, #tpu.memory_space<vmem>>
    %dma_start3A_177 = arith.constant 384 : i32
    %dma_start3A_178 = tpu.memref_slice %arg8[%dma_start3A_173, %dma_start3A_177] : memref<32x656xi32, #tpu.memory_space<vmem>> -> memref<1x128xi32, #tpu.memory_space<vmem>>
    %dma_start3A_179 = tpu.memref_squeeze %dma_start3A_178 : memref<1x128xi32, #tpu.memory_space<vmem>> -> memref<128xi32, #tpu.memory_space<vmem>>
    %dma_start3A_180 = arith.constant 0 : i32
    %dma_start3A_181 = arith.constant 0 : i32
    %dma_start3A_182 = tpu.memref_slice %arg2[%dma_start3A_180, %dma_start3A_181] : memref<676000x16xi32, #tpu.memory_space<hbm>> -> memref<676000x16xi32, #tpu.memory_space<hbm>>
    tpu.enqueue_indirect_dma source(%dma_start3A_182 : memref<676000x16xi32, #tpu.memory_space<hbm>>) target(%dma_start3A_176 : memref<128x16xi32, #tpu.memory_space<vmem>>) offsets(%dma_start3A_179 : memref<128xi32, #tpu.memory_space<vmem>>) semaphore(%arg15 : memref<!tpu.dma_semaphore, #tpu.memory_space<semaphore_mem>>)
    %dma_start3A_183 = arith.constant 0 : i32
    %dma_start3A_184 = arith.constant 512 : i32
    %dma_start3A_185 = arith.constant 0 : i32
    %dma_start3A_186 = tpu.memref_slice %arg10[%dma_start3A_184, %dma_start3A_185] : memref<656x16xi32, #tpu.memory_space<vmem>> -> memref<128x16xi32, #tpu.memory_space<vmem>>
    %dma_start3A_187 = arith.constant 512 : i32
    %dma_start3A_188 = tpu.memref_slice %arg8[%dma_start3A_183, %dma_start3A_187] : memref<32x656xi32, #tpu.memory_space<vmem>> -> memref<1x128xi32, #tpu.memory_space<vmem>>
    %dma_start3A_189 = tpu.memref_squeeze %dma_start3A_188 : memref<1x128xi32, #tpu.memory_space<vmem>> -> memref<128xi32, #tpu.memory_space<vmem>>
    %dma_start3A_190 = arith.constant 0 : i32
    %dma_start3A_191 = arith.constant 0 : i32
    %dma_start3A_192 = tpu.memref_slice %arg2[%dma_start3A_190, %dma_start3A_191] : memref<676000x16xi32, #tpu.memory_space<hbm>> -> memref<676000x16xi32, #tpu.memory_space<hbm>>
    tpu.enqueue_indirect_dma source(%dma_start3A_192 : memref<676000x16xi32, #tpu.memory_space<hbm>>) target(%dma_start3A_186 : memref<128x16xi32, #tpu.memory_space<vmem>>) offsets(%dma_start3A_189 : memref<128xi32, #tpu.memory_space<vmem>>) semaphore(%arg15 : memref<!tpu.dma_semaphore, #tpu.memory_space<semaphore_mem>>)
    %dma_start3A_193 = arith.constant 0 : i32
    %dma_start3A_194 = arith.constant 640 : i32
    %dma_start3A_195 = arith.constant 0 : i32
    %dma_start3A_196 = tpu.memref_slice %arg10[%dma_start3A_194, %dma_start3A_195] : memref<656x16xi32, #tpu.memory_space<vmem>> -> memref<16x16xi32, #tpu.memory_space<vmem>>
    %dma_start3A_197 = arith.constant 640 : i32
    %dma_start3A_198 = tpu.memref_slice %arg8[%dma_start3A_193, %dma_start3A_197] : memref<32x656xi32, #tpu.memory_space<vmem>> -> memref<1x16xi32, #tpu.memory_space<vmem>>
    %dma_start3A_199 = tpu.memref_squeeze %dma_start3A_198 : memref<1x16xi32, #tpu.memory_space<vmem>> -> memref<16xi32, #tpu.memory_space<vmem>>
    %dma_start3A_200 = arith.constant 0 : i32
    %dma_start3A_201 = arith.constant 0 : i32
    %dma_start3A_202 = tpu.memref_slice %arg2[%dma_start3A_200, %dma_start3A_201] : memref<676000x16xi32, #tpu.memory_space<hbm>> -> memref<676000x16xi32, #tpu.memory_space<hbm>>
    tpu.enqueue_indirect_dma source(%dma_start3A_202 : memref<676000x16xi32, #tpu.memory_space<hbm>>) target(%dma_start3A_196 : memref<16x16xi32, #tpu.memory_space<vmem>>) offsets(%dma_start3A_199 : memref<16xi32, #tpu.memory_space<vmem>>) semaphore(%arg15 : memref<!tpu.dma_semaphore, #tpu.memory_space<semaphore_mem>>)
    %broadcast_in_dim3A_203 = arith.constant 0.000000e+00 : f32
    %broadcast_in_dim3A_204 = vector.broadcast %broadcast_in_dim3A_203 : f32 to vector<16xf32>
    %scan3A_205 = arith.constant 0 : i32
    %scan3A_206 = arith.constant 16 : i32
    %scan3A_207 = arith.addi %scan3A_205, %scan3A_206 : i32
    %scan3A_208 = arith.constant 1 : i32
    %scan3A_209 = scf.for %scan3A_281 = %scan3A_205 to %scan3A_207 step %scan3A_208 iter_args(%scan3A_282 = %broadcast_in_dim3A_204) -> (vector<16xf32>)  : i32 {
      %mul3A_283 = arith.constant 2 : i32
      %mul3A_284 = arith.muli %mul3A_283, %scan3A_281 : i32
      %add3A_285 = arith.constant 1 : i32
      %add3A_286 = arith.addi %mul3A_284, %add3A_285 : i32
      %dma_start3A_287 = arith.constant 0 : i32
      %dma_start3A_288 = arith.constant 0 : i32
      %dma_start3A_289 = tpu.memref_slice %arg11[%dma_start3A_287, %dma_start3A_288] : memref<656x16xi32, #tpu.memory_space<vmem>> -> memref<128x16xi32, #tpu.memory_space<vmem>>
      %dma_start3A_290 = arith.constant 0 : i32
      %dma_start3A_291 = tpu.memref_slice %arg8[%add3A_286, %dma_start3A_290] : memref<32x656xi32, #tpu.memory_space<vmem>> -> memref<1x128xi32, #tpu.memory_space<vmem>>
      %dma_start3A_292 = tpu.memref_squeeze %dma_start3A_291 : memref<1x128xi32, #tpu.memory_space<vmem>> -> memref<128xi32, #tpu.memory_space<vmem>>
      %dma_start3A_293 = arith.constant 0 : i32
      %dma_start3A_294 = arith.constant 0 : i32
      %dma_start3A_295 = tpu.memref_slice %arg2[%dma_start3A_293, %dma_start3A_294] : memref<676000x16xi32, #tpu.memory_space<hbm>> -> memref<676000x16xi32, #tpu.memory_space<hbm>>
      tpu.enqueue_indirect_dma source(%dma_start3A_295 : memref<676000x16xi32, #tpu.memory_space<hbm>>) target(%dma_start3A_289 : memref<128x16xi32, #tpu.memory_space<vmem>>) offsets(%dma_start3A_292 : memref<128xi32, #tpu.memory_space<vmem>>) semaphore(%arg16 : memref<!tpu.dma_semaphore, #tpu.memory_space<semaphore_mem>>)
      %dma_start3A_296 = arith.constant 128 : i32
      %dma_start3A_297 = arith.constant 0 : i32
      %dma_start3A_298 = tpu.memref_slice %arg11[%dma_start3A_296, %dma_start3A_297] : memref<656x16xi32, #tpu.memory_space<vmem>> -> memref<128x16xi32, #tpu.memory_space<vmem>>
      %dma_start3A_299 = arith.constant 128 : i32
      %dma_start3A_300 = tpu.memref_slice %arg8[%add3A_286, %dma_start3A_299] : memref<32x656xi32, #tpu.memory_space<vmem>> -> memref<1x128xi32, #tpu.memory_space<vmem>>
      %dma_start3A_301 = tpu.memref_squeeze %dma_start3A_300 : memref<1x128xi32, #tpu.memory_space<vmem>> -> memref<128xi32, #tpu.memory_space<vmem>>
      %dma_start3A_302 = arith.constant 0 : i32
      %dma_start3A_303 = arith.constant 0 : i32
      %dma_start3A_304 = tpu.memref_slice %arg2[%dma_start3A_302, %dma_start3A_303] : memref<676000x16xi32, #tpu.memory_space<hbm>> -> memref<676000x16xi32, #tpu.memory_space<hbm>>
      tpu.enqueue_indirect_dma source(%dma_start3A_304 : memref<676000x16xi32, #tpu.memory_space<hbm>>) target(%dma_start3A_298 : memref<128x16xi32, #tpu.memory_space<vmem>>) offsets(%dma_start3A_301 : memref<128xi32, #tpu.memory_space<vmem>>) semaphore(%arg16 : memref<!tpu.dma_semaphore, #tpu.memory_space<semaphore_mem>>)
      %dma_start3A_305 = arith.constant 256 : i32
      %dma_start3A_306 = arith.constant 0 : i32
      %dma_start3A_307 = tpu.memref_slice %arg11[%dma_start3A_305, %dma_start3A_306] : memref<656x16xi32, #tpu.memory_space<vmem>> -> memref<128x16xi32, #tpu.memory_space<vmem>>
      %dma_start3A_308 = arith.constant 256 : i32
      %dma_start3A_309 = tpu.memref_slice %arg8[%add3A_286, %dma_start3A_308] : memref<32x656xi32, #tpu.memory_space<vmem>> -> memref<1x128xi32, #tpu.memory_space<vmem>>
      %dma_start3A_310 = tpu.memref_squeeze %dma_start3A_309 : memref<1x128xi32, #tpu.memory_space<vmem>> -> memref<128xi32, #tpu.memory_space<vmem>>
      %dma_start3A_311 = arith.constant 0 : i32
      %dma_start3A_312 = arith.constant 0 : i32
      %dma_start3A_313 = tpu.memref_slice %arg2[%dma_start3A_311, %dma_start3A_312] : memref<676000x16xi32, #tpu.memory_space<hbm>> -> memref<676000x16xi32, #tpu.memory_space<hbm>>
      tpu.enqueue_indirect_dma source(%dma_start3A_313 : memref<676000x16xi32, #tpu.memory_space<hbm>>) target(%dma_start3A_307 : memref<128x16xi32, #tpu.memory_space<vmem>>) offsets(%dma_start3A_310 : memref<128xi32, #tpu.memory_space<vmem>>) semaphore(%arg16 : memref<!tpu.dma_semaphore, #tpu.memory_space<semaphore_mem>>)
      %dma_start3A_314 = arith.constant 384 : i32
      %dma_start3A_315 = arith.constant 0 : i32
      %dma_start3A_316 = tpu.memref_slice %arg11[%dma_start3A_314, %dma_start3A_315] : memref<656x16xi32, #tpu.memory_space<vmem>> -> memref<128x16xi32, #tpu.memory_space<vmem>>
      %dma_start3A_317 = arith.constant 384 : i32
      %dma_start3A_318 = tpu.memref_slice %arg8[%add3A_286, %dma_start3A_317] : memref<32x656xi32, #tpu.memory_space<vmem>> -> memref<1x128xi32, #tpu.memory_space<vmem>>
      %dma_start3A_319 = tpu.memref_squeeze %dma_start3A_318 : memref<1x128xi32, #tpu.memory_space<vmem>> -> memref<128xi32, #tpu.memory_space<vmem>>
      %dma_start3A_320 = arith.constant 0 : i32
      %dma_start3A_321 = arith.constant 0 : i32
      %dma_start3A_322 = tpu.memref_slice %arg2[%dma_start3A_320, %dma_start3A_321] : memref<676000x16xi32, #tpu.memory_space<hbm>> -> memref<676000x16xi32, #tpu.memory_space<hbm>>
      tpu.enqueue_indirect_dma source(%dma_start3A_322 : memref<676000x16xi32, #tpu.memory_space<hbm>>) target(%dma_start3A_316 : memref<128x16xi32, #tpu.memory_space<vmem>>) offsets(%dma_start3A_319 : memref<128xi32, #tpu.memory_space<vmem>>) semaphore(%arg16 : memref<!tpu.dma_semaphore, #tpu.memory_space<semaphore_mem>>)
      %dma_start3A_323 = arith.constant 512 : i32
      %dma_start3A_324 = arith.constant 0 : i32
      %dma_start3A_325 = tpu.memref_slice %arg11[%dma_start3A_323, %dma_start3A_324] : memref<656x16xi32, #tpu.memory_space<vmem>> -> memref<128x16xi32, #tpu.memory_space<vmem>>
      %dma_start3A_326 = arith.constant 512 : i32
      %dma_start3A_327 = tpu.memref_slice %arg8[%add3A_286, %dma_start3A_326] : memref<32x656xi32, #tpu.memory_space<vmem>> -> memref<1x128xi32, #tpu.memory_space<vmem>>
      %dma_start3A_328 = tpu.memref_squeeze %dma_start3A_327 : memref<1x128xi32, #tpu.memory_space<vmem>> -> memref<128xi32, #tpu.memory_space<vmem>>
      %dma_start3A_329 = arith.constant 0 : i32
      %dma_start3A_330 = arith.constant 0 : i32
      %dma_start3A_331 = tpu.memref_slice %arg2[%dma_start3A_329, %dma_start3A_330] : memref<676000x16xi32, #tpu.memory_space<hbm>> -> memref<676000x16xi32, #tpu.memory_space<hbm>>
      tpu.enqueue_indirect_dma source(%dma_start3A_331 : memref<676000x16xi32, #tpu.memory_space<hbm>>) target(%dma_start3A_325 : memref<128x16xi32, #tpu.memory_space<vmem>>) offsets(%dma_start3A_328 : memref<128xi32, #tpu.memory_space<vmem>>) semaphore(%arg16 : memref<!tpu.dma_semaphore, #tpu.memory_space<semaphore_mem>>)
      %dma_start3A_332 = arith.constant 640 : i32
      %dma_start3A_333 = arith.constant 0 : i32
      %dma_start3A_334 = tpu.memref_slice %arg11[%dma_start3A_332, %dma_start3A_333] : memref<656x16xi32, #tpu.memory_space<vmem>> -> memref<16x16xi32, #tpu.memory_space<vmem>>
      %dma_start3A_335 = arith.constant 640 : i32
      %dma_start3A_336 = tpu.memref_slice %arg8[%add3A_286, %dma_start3A_335] : memref<32x656xi32, #tpu.memory_space<vmem>> -> memref<1x16xi32, #tpu.memory_space<vmem>>
      %dma_start3A_337 = tpu.memref_squeeze %dma_start3A_336 : memref<1x16xi32, #tpu.memory_space<vmem>> -> memref<16xi32, #tpu.memory_space<vmem>>
      %dma_start3A_338 = arith.constant 0 : i32
      %dma_start3A_339 = arith.constant 0 : i32
      %dma_start3A_340 = tpu.memref_slice %arg2[%dma_start3A_338, %dma_start3A_339] : memref<676000x16xi32, #tpu.memory_space<hbm>> -> memref<676000x16xi32, #tpu.memory_space<hbm>>
      tpu.enqueue_indirect_dma source(%dma_start3A_340 : memref<676000x16xi32, #tpu.memory_space<hbm>>) target(%dma_start3A_334 : memref<16x16xi32, #tpu.memory_space<vmem>>) offsets(%dma_start3A_337 : memref<16xi32, #tpu.memory_space<vmem>>) semaphore(%arg16 : memref<!tpu.dma_semaphore, #tpu.memory_space<semaphore_mem>>)
      %dma_wait3A = arith.constant 0 : i32
      %dma_wait3A_341 = arith.constant 0 : i32
      %dma_wait3A_342 = arith.constant 0 : i32
      %dma_wait3A_343 = tpu.memref_slice %arg10[%dma_wait3A_341, %dma_wait3A_342] : memref<656x16xi32, #tpu.memory_space<vmem>> -> memref<128x16xi32, #tpu.memory_space<vmem>>
      %dma_wait3A_344 = arith.constant 0 : i32
      %dma_wait3A_345 = tpu.memref_slice %arg8[%dma_wait3A, %dma_wait3A_344] : memref<32x656xi32, #tpu.memory_space<vmem>> -> memref<1x128xi32, #tpu.memory_space<vmem>>
      %dma_wait3A_346 = tpu.memref_squeeze %dma_wait3A_345 : memref<1x128xi32, #tpu.memory_space<vmem>> -> memref<128xi32, #tpu.memory_space<vmem>>
      %dma_wait3A_347 = arith.constant 0 : i32
      %dma_wait3A_348 = arith.constant 0 : i32
      %dma_wait3A_349 = tpu.memref_slice %arg2[%dma_wait3A_347, %dma_wait3A_348] : memref<676000x16xi32, #tpu.memory_space<hbm>> -> memref<676000x16xi32, #tpu.memory_space<hbm>>
      tpu.wait_indirect_dma semaphore(%arg15 : memref<!tpu.dma_semaphore, #tpu.memory_space<semaphore_mem>>) src(%dma_wait3A_349 : memref<676000x16xi32, #tpu.memory_space<hbm>>) dst(%dma_wait3A_343 : memref<128x16xi32, #tpu.memory_space<vmem>>)
      %dma_wait3A_350 = arith.constant 0 : i32
      %dma_wait3A_351 = arith.constant 128 : i32
      %dma_wait3A_352 = arith.constant 0 : i32
      %dma_wait3A_353 = tpu.memref_slice %arg10[%dma_wait3A_351, %dma_wait3A_352] : memref<656x16xi32, #tpu.memory_space<vmem>> -> memref<128x16xi32, #tpu.memory_space<vmem>>
      %dma_wait3A_354 = arith.constant 128 : i32
      %dma_wait3A_355 = tpu.memref_slice %arg8[%dma_wait3A_350, %dma_wait3A_354] : memref<32x656xi32, #tpu.memory_space<vmem>> -> memref<1x128xi32, #tpu.memory_space<vmem>>
      %dma_wait3A_356 = tpu.memref_squeeze %dma_wait3A_355 : memref<1x128xi32, #tpu.memory_space<vmem>> -> memref<128xi32, #tpu.memory_space<vmem>>
      %dma_wait3A_357 = arith.constant 0 : i32
      %dma_wait3A_358 = arith.constant 0 : i32
      %dma_wait3A_359 = tpu.memref_slice %arg2[%dma_wait3A_357, %dma_wait3A_358] : memref<676000x16xi32, #tpu.memory_space<hbm>> -> memref<676000x16xi32, #tpu.memory_space<hbm>>
      tpu.wait_indirect_dma semaphore(%arg15 : memref<!tpu.dma_semaphore, #tpu.memory_space<semaphore_mem>>) src(%dma_wait3A_359 : memref<676000x16xi32, #tpu.memory_space<hbm>>) dst(%dma_wait3A_353 : memref<128x16xi32, #tpu.memory_space<vmem>>)
      %dma_wait3A_360 = arith.constant 0 : i32
      %dma_wait3A_361 = arith.constant 256 : i32
      %dma_wait3A_362 = arith.constant 0 : i32
      %dma_wait3A_363 = tpu.memref_slice %arg10[%dma_wait3A_361, %dma_wait3A_362] : memref<656x16xi32, #tpu.memory_space<vmem>> -> memref<128x16xi32, #tpu.memory_space<vmem>>
      %dma_wait3A_364 = arith.constant 256 : i32
      %dma_wait3A_365 = tpu.memref_slice %arg8[%dma_wait3A_360, %dma_wait3A_364] : memref<32x656xi32, #tpu.memory_space<vmem>> -> memref<1x128xi32, #tpu.memory_space<vmem>>
      %dma_wait3A_366 = tpu.memref_squeeze %dma_wait3A_365 : memref<1x128xi32, #tpu.memory_space<vmem>> -> memref<128xi32, #tpu.memory_space<vmem>>
      %dma_wait3A_367 = arith.constant 0 : i32
      %dma_wait3A_368 = arith.constant 0 : i32
      %dma_wait3A_369 = tpu.memref_slice %arg2[%dma_wait3A_367, %dma_wait3A_368] : memref<676000x16xi32, #tpu.memory_space<hbm>> -> memref<676000x16xi32, #tpu.memory_space<hbm>>
      tpu.wait_indirect_dma semaphore(%arg15 : memref<!tpu.dma_semaphore, #tpu.memory_space<semaphore_mem>>) src(%dma_wait3A_369 : memref<676000x16xi32, #tpu.memory_space<hbm>>) dst(%dma_wait3A_363 : memref<128x16xi32, #tpu.memory_space<vmem>>)
      %dma_wait3A_370 = arith.constant 0 : i32
      %dma_wait3A_371 = arith.constant 384 : i32
      %dma_wait3A_372 = arith.constant 0 : i32
      %dma_wait3A_373 = tpu.memref_slice %arg10[%dma_wait3A_371, %dma_wait3A_372] : memref<656x16xi32, #tpu.memory_space<vmem>> -> memref<128x16xi32, #tpu.memory_space<vmem>>
      %dma_wait3A_374 = arith.constant 384 : i32
      %dma_wait3A_375 = tpu.memref_slice %arg8[%dma_wait3A_370, %dma_wait3A_374] : memref<32x656xi32, #tpu.memory_space<vmem>> -> memref<1x128xi32, #tpu.memory_space<vmem>>
      %dma_wait3A_376 = tpu.memref_squeeze %dma_wait3A_375 : memref<1x128xi32, #tpu.memory_space<vmem>> -> memref<128xi32, #tpu.memory_space<vmem>>
      %dma_wait3A_377 = arith.constant 0 : i32
      %dma_wait3A_378 = arith.constant 0 : i32
      %dma_wait3A_379 = tpu.memref_slice %arg2[%dma_wait3A_377, %dma_wait3A_378] : memref<676000x16xi32, #tpu.memory_space<hbm>> -> memref<676000x16xi32, #tpu.memory_space<hbm>>
      tpu.wait_indirect_dma semaphore(%arg15 : memref<!tpu.dma_semaphore, #tpu.memory_space<semaphore_mem>>) src(%dma_wait3A_379 : memref<676000x16xi32, #tpu.memory_space<hbm>>) dst(%dma_wait3A_373 : memref<128x16xi32, #tpu.memory_space<vmem>>)
      %dma_wait3A_380 = arith.constant 0 : i32
      %dma_wait3A_381 = arith.constant 512 : i32
      %dma_wait3A_382 = arith.constant 0 : i32
      %dma_wait3A_383 = tpu.memref_slice %arg10[%dma_wait3A_381, %dma_wait3A_382] : memref<656x16xi32, #tpu.memory_space<vmem>> -> memref<128x16xi32, #tpu.memory_space<vmem>>
      %dma_wait3A_384 = arith.constant 512 : i32
      %dma_wait3A_385 = tpu.memref_slice %arg8[%dma_wait3A_380, %dma_wait3A_384] : memref<32x656xi32, #tpu.memory_space<vmem>> -> memref<1x128xi32, #tpu.memory_space<vmem>>
      %dma_wait3A_386 = tpu.memref_squeeze %dma_wait3A_385 : memref<1x128xi32, #tpu.memory_space<vmem>> -> memref<128xi32, #tpu.memory_space<vmem>>
      %dma_wait3A_387 = arith.constant 0 : i32
      %dma_wait3A_388 = arith.constant 0 : i32
      %dma_wait3A_389 = tpu.memref_slice %arg2[%dma_wait3A_387, %dma_wait3A_388] : memref<676000x16xi32, #tpu.memory_space<hbm>> -> memref<676000x16xi32, #tpu.memory_space<hbm>>
      tpu.wait_indirect_dma semaphore(%arg15 : memref<!tpu.dma_semaphore, #tpu.memory_space<semaphore_mem>>) src(%dma_wait3A_389 : memref<676000x16xi32, #tpu.memory_space<hbm>>) dst(%dma_wait3A_383 : memref<128x16xi32, #tpu.memory_space<vmem>>)
      %dma_wait3A_390 = arith.constant 0 : i32
      %dma_wait3A_391 = arith.constant 640 : i32
      %dma_wait3A_392 = arith.constant 0 : i32
      %dma_wait3A_393 = tpu.memref_slice %arg10[%dma_wait3A_391, %dma_wait3A_392] : memref<656x16xi32, #tpu.memory_space<vmem>> -> memref<16x16xi32, #tpu.memory_space<vmem>>
      %dma_wait3A_394 = arith.constant 640 : i32
      %dma_wait3A_395 = tpu.memref_slice %arg8[%dma_wait3A_390, %dma_wait3A_394] : memref<32x656xi32, #tpu.memory_space<vmem>> -> memref<1x16xi32, #tpu.memory_space<vmem>>
      %dma_wait3A_396 = tpu.memref_squeeze %dma_wait3A_395 : memref<1x16xi32, #tpu.memory_space<vmem>> -> memref<16xi32, #tpu.memory_space<vmem>>
      %dma_wait3A_397 = arith.constant 0 : i32
      %dma_wait3A_398 = arith.constant 0 : i32
      %dma_wait3A_399 = tpu.memref_slice %arg2[%dma_wait3A_397, %dma_wait3A_398] : memref<676000x16xi32, #tpu.memory_space<hbm>> -> memref<676000x16xi32, #tpu.memory_space<hbm>>
      tpu.wait_indirect_dma semaphore(%arg15 : memref<!tpu.dma_semaphore, #tpu.memory_space<semaphore_mem>>) src(%dma_wait3A_399 : memref<676000x16xi32, #tpu.memory_space<hbm>>) dst(%dma_wait3A_393 : memref<16x16xi32, #tpu.memory_space<vmem>>)
      %broadcast_in_dim3A_400 = arith.constant 0.000000e+00 : f32
      %broadcast_in_dim3A_401 = vector.broadcast %broadcast_in_dim3A_400 : f32 to vector<16xf32>
      %scan3A_402 = arith.constant 0 : i32
      %scan3A_403 = arith.constant 65 : i32
      %scan3A_404 = arith.addi %scan3A_402, %scan3A_403 : i32
      %scan3A_405 = arith.constant 1 : i32
      %scan3A_406 = scf.for %scan3A_531 = %scan3A_402 to %scan3A_404 step %scan3A_405 iter_args(%scan3A_532 = %broadcast_in_dim3A_401) -> (vector<16xf32>)  : i32 {
        %mul3A_533 = arith.constant 5 : i32
        %mul3A_534 = arith.muli %scan3A_531, %mul3A_533 : i32
        %add3A_535 = arith.constant 0 : i32
        %add3A_536 = arith.addi %mul3A_534, %add3A_535 : i32
        %mul3A_537 = arith.constant 2 : i32
        %mul3A_538 = arith.muli %mul3A_537, %add3A_536 : i32
        %get3A_539 = arith.index_cast %mul3A_538 : i32 to index
        %get3A_540 = arith.constant 0 : index
        %get3A_541 = tpu.vector_load %arg10[%get3A_539, %get3A_540] {strides = array<i32>} : memref<656x16xi32, #tpu.memory_space<vmem>>, vector<16xi32>,
        %bitcast3A = vector.bitcast %get3A_541 : vector<16xi32> to vector<32xbf16>
        %mul3A_542 = arith.constant 2 : i32
        %mul3A_543 = arith.muli %mul3A_542, %add3A_536 : i32
        %add3A_544 = arith.constant 1 : i32
        %add3A_545 = arith.addi %mul3A_543, %add3A_544 : i32
        %get3A_546 = arith.index_cast %add3A_545 : i32 to index
        %get3A_547 = arith.constant 0 : index
        %get3A_548 = tpu.vector_load %arg10[%get3A_546, %get3A_547] {strides = array<i32>} : memref<656x16xi32, #tpu.memory_space<vmem>>, vector<16xi32>,
        %bitcast3A_549 = vector.bitcast %get3A_548 : vector<16xi32> to vector<32xbf16>
        %unpack3A = tpu.unpack_subelements %bitcast3A, 0 {pack_format = #tpu.pack_format<interleaved>} : vector<32xbf16> -> vector<16xf32>
        %unpack3A_550 = tpu.unpack_subelements %bitcast3A, 1 {pack_format = #tpu.pack_format<interleaved>} : vector<32xbf16> -> vector<16xf32>
        %unpack3A_551 = tpu.unpack_subelements %bitcast3A_549, 0 {pack_format = #tpu.pack_format<interleaved>} : vector<32xbf16> -> vector<16xf32>
        %unpack3A_552 = tpu.unpack_subelements %bitcast3A_549, 1 {pack_format = #tpu.pack_format<interleaved>} : vector<32xbf16> -> vector<16xf32>
        %mul3A_553 = arith.mulf %unpack3A, %unpack3A_551 : vector<16xf32>
        %add3A_554 = arith.addf %scan3A_532, %mul3A_553 : vector<16xf32>
        %mul3A_555 = arith.mulf %unpack3A_550, %unpack3A_552 : vector<16xf32>
        %add3A_556 = arith.addf %add3A_554, %mul3A_555 : vector<16xf32>
        %mul3A_557 = arith.constant 5 : i32
        %mul3A_558 = arith.muli %scan3A_531, %mul3A_557 : i32
        %add3A_559 = arith.constant 1 : i32
        %add3A_560 = arith.addi %mul3A_558, %add3A_559 : i32
        %mul3A_561 = arith.constant 2 : i32
        %mul3A_562 = arith.muli %mul3A_561, %add3A_560 : i32
        %get3A_563 = arith.index_cast %mul3A_562 : i32 to index
        %get3A_564 = arith.constant 0 : index
        %get3A_565 = tpu.vector_load %arg10[%get3A_563, %get3A_564] {strides = array<i32>} : memref<656x16xi32, #tpu.memory_space<vmem>>, vector<16xi32>,
        %bitcast3A_566 = vector.bitcast %get3A_565 : vector<16xi32> to vector<32xbf16>
        %mul3A_567 = arith.constant 2 : i32
        %mul3A_568 = arith.muli %mul3A_567, %add3A_560 : i32
        %add3A_569 = arith.constant 1 : i32
        %add3A_570 = arith.addi %mul3A_568, %add3A_569 : i32
        %get3A_571 = arith.index_cast %add3A_570 : i32 to index
        %get3A_572 = arith.constant 0 : index
        %get3A_573 = tpu.vector_load %arg10[%get3A_571, %get3A_572] {strides = array<i32>} : memref<656x16xi32, #tpu.memory_space<vmem>>, vector<16xi32>,
        %bitcast3A_574 = vector.bitcast %get3A_573 : vector<16xi32> to vector<32xbf16>
        %unpack3A_575 = tpu.unpack_subelements %bitcast3A_566, 0 {pack_format = #tpu.pack_format<interleaved>} : vector<32xbf16> -> vector<16xf32>
        %unpack3A_576 = tpu.unpack_subelements %bitcast3A_566, 1 {pack_format = #tpu.pack_format<interleaved>} : vector<32xbf16> -> vector<16xf32>
        %unpack3A_577 = tpu.unpack_subelements %bitcast3A_574, 0 {pack_format = #tpu.pack_format<interleaved>} : vector<32xbf16> -> vector<16xf32>
        %unpack3A_578 = tpu.unpack_subelements %bitcast3A_574, 1 {pack_format = #tpu.pack_format<interleaved>} : vector<32xbf16> -> vector<16xf32>
        %mul3A_579 = arith.mulf %unpack3A_575, %unpack3A_577 : vector<16xf32>
        %add3A_580 = arith.addf %add3A_556, %mul3A_579 : vector<16xf32>
        %mul3A_581 = arith.mulf %unpack3A_576, %unpack3A_578 : vector<16xf32>
        %add3A_582 = arith.addf %add3A_580, %mul3A_581 : vector<16xf32>
        %mul3A_583 = arith.constant 5 : i32
        %mul3A_584 = arith.muli %scan3A_531, %mul3A_583 : i32
        %add3A_585 = arith.constant 2 : i32
        %add3A_586 = arith.addi %mul3A_584, %add3A_585 : i32
        %mul3A_587 = arith.constant 2 : i32
        %mul3A_588 = arith.muli %mul3A_587, %add3A_586 : i32
        %get3A_589 = arith.index_cast %mul3A_588 : i32 to index
        %get3A_590 = arith.constant 0 : index
        %get3A_591 = tpu.vector_load %arg10[%get3A_589, %get3A_590] {strides = array<i32>} : memref<656x16xi32, #tpu.memory_space<vmem>>, vector<16xi32>,
        %bitcast3A_592 = vector.bitcast %get3A_591 : vector<16xi32> to vector<32xbf16>
        %mul3A_593 = arith.constant 2 : i32
        %mul3A_594 = arith.muli %mul3A_593, %add3A_586 : i32
        %add3A_595 = arith.constant 1 : i32
        %add3A_596 = arith.addi %mul3A_594, %add3A_595 : i32
        %get3A_597 = arith.index_cast %add3A_596 : i32 to index
        %get3A_598 = arith.constant 0 : index
        %get3A_599 = tpu.vector_load %arg10[%get3A_597, %get3A_598] {strides = array<i32>} : memref<656x16xi32, #tpu.memory_space<vmem>>, vector<16xi32>,
        %bitcast3A_600 = vector.bitcast %get3A_599 : vector<16xi32> to vector<32xbf16>
        %unpack3A_601 = tpu.unpack_subelements %bitcast3A_592, 0 {pack_format = #tpu.pack_format<interleaved>} : vector<32xbf16> -> vector<16xf32>
        %unpack3A_602 = tpu.unpack_subelements %bitcast3A_592, 1 {pack_format = #tpu.pack_format<interleaved>} : vector<32xbf16> -> vector<16xf32>
        %unpack3A_603 = tpu.unpack_subelements %bitcast3A_600, 0 {pack_format = #tpu.pack_format<interleaved>} : vector<32xbf16> -> vector<16xf32>
        %unpack3A_604 = tpu.unpack_subelements %bitcast3A_600, 1 {pack_format = #tpu.pack_format<interleaved>} : vector<32xbf16> -> vector<16xf32>
        %mul3A_605 = arith.mulf %unpack3A_601, %unpack3A_603 : vector<16xf32>
        %add3A_606 = arith.addf %add3A_582, %mul3A_605 : vector<16xf32>
        %mul3A_607 = arith.mulf %unpack3A_602, %unpack3A_604 : vector<16xf32>
        %add3A_608 = arith.addf %add3A_606, %mul3A_607 : vector<16xf32>
        %mul3A_609 = arith.constant 5 : i32
        %mul3A_610 = arith.muli %scan3A_531, %mul3A_609 : i32
        %add3A_611 = arith.constant 3 : i32
        %add3A_612 = arith.addi %mul3A_610, %add3A_611 : i32
        %mul3A_613 = arith.constant 2 : i32
        %mul3A_614 = arith.muli %mul3A_613, %add3A_612 : i32
        %get3A_615 = arith.index_cast %mul3A_614 : i32 to index
        %get3A_616 = arith.constant 0 : index
        %get3A_617 = tpu.vector_load %arg10[%get3A_615, %get3A_616] {strides = array<i32>} : memref<656x16xi32, #tpu.memory_space<vmem>>, vector<16xi32>,
        %bitcast3A_618 = vector.bitcast %get3A_617 : vector<16xi32> to vector<32xbf16>
        %mul3A_619 = arith.constant 2 : i32
        %mul3A_620 = arith.muli %mul3A_619, %add3A_612 : i32
        %add3A_621 = arith.constant 1 : i32
        %add3A_622 = arith.addi %mul3A_620, %add3A_621 : i32
        %get3A_623 = arith.index_cast %add3A_622 : i32 to index
        %get3A_624 = arith.constant 0 : index
        %get3A_625 = tpu.vector_load %arg10[%get3A_623, %get3A_624] {strides = array<i32>} : memref<656x16xi32, #tpu.memory_space<vmem>>, vector<16xi32>,
        %bitcast3A_626 = vector.bitcast %get3A_625 : vector<16xi32> to vector<32xbf16>
        %unpack3A_627 = tpu.unpack_subelements %bitcast3A_618, 0 {pack_format = #tpu.pack_format<interleaved>} : vector<32xbf16> -> vector<16xf32>
        %unpack3A_628 = tpu.unpack_subelements %bitcast3A_618, 1 {pack_format = #tpu.pack_format<interleaved>} : vector<32xbf16> -> vector<16xf32>
        %unpack3A_629 = tpu.unpack_subelements %bitcast3A_626, 0 {pack_format = #tpu.pack_format<interleaved>} : vector<32xbf16> -> vector<16xf32>
        %unpack3A_630 = tpu.unpack_subelements %bitcast3A_626, 1 {pack_format = #tpu.pack_format<interleaved>} : vector<32xbf16> -> vector<16xf32>
        %mul3A_631 = arith.mulf %unpack3A_627, %unpack3A_629 : vector<16xf32>
        %add3A_632 = arith.addf %add3A_608, %mul3A_631 : vector<16xf32>
        %mul3A_633 = arith.mulf %unpack3A_628, %unpack3A_630 : vector<16xf32>
        %add3A_634 = arith.addf %add3A_632, %mul3A_633 : vector<16xf32>
        %mul3A_635 = arith.constant 5 : i32
        %mul3A_636 = arith.muli %scan3A_531, %mul3A_635 : i32
        %add3A_637 = arith.constant 4 : i32
        %add3A_638 = arith.addi %mul3A_636, %add3A_637 : i32
        %mul3A_639 = arith.constant 2 : i32
        %mul3A_640 = arith.muli %mul3A_639, %add3A_638 : i32
        %get3A_641 = arith.index_cast %mul3A_640 : i32 to index
        %get3A_642 = arith.constant 0 : index
        %get3A_643 = tpu.vector_load %arg10[%get3A_641, %get3A_642] {strides = array<i32>} : memref<656x16xi32, #tpu.memory_space<vmem>>, vector<16xi32>,
        %bitcast3A_644 = vector.bitcast %get3A_643 : vector<16xi32> to vector<32xbf16>
        %mul3A_645 = arith.constant 2 : i32
        %mul3A_646 = arith.muli %mul3A_645, %add3A_638 : i32
        %add3A_647 = arith.constant 1 : i32
        %add3A_648 = arith.addi %mul3A_646, %add3A_647 : i32
        %get3A_649 = arith.index_cast %add3A_648 : i32 to index
        %get3A_650 = arith.constant 0 : index
        %get3A_651 = tpu.vector_load %arg10[%get3A_649, %get3A_650] {strides = array<i32>} : memref<656x16xi32, #tpu.memory_space<vmem>>, vector<16xi32>,
        %bitcast3A_652 = vector.bitcast %get3A_651 : vector<16xi32> to vector<32xbf16>
        %unpack3A_653 = tpu.unpack_subelements %bitcast3A_644, 0 {pack_format = #tpu.pack_format<interleaved>} : vector<32xbf16> -> vector<16xf32>
        %unpack3A_654 = tpu.unpack_subelements %bitcast3A_644, 1 {pack_format = #tpu.pack_format<interleaved>} : vector<32xbf16> -> vector<16xf32>
        %unpack3A_655 = tpu.unpack_subelements %bitcast3A_652, 0 {pack_format = #tpu.pack_format<interleaved>} : vector<32xbf16> -> vector<16xf32>
        %unpack3A_656 = tpu.unpack_subelements %bitcast3A_652, 1 {pack_format = #tpu.pack_format<interleaved>} : vector<32xbf16> -> vector<16xf32>
        %mul3A_657 = arith.mulf %unpack3A_653, %unpack3A_655 : vector<16xf32>
        %add3A_658 = arith.addf %add3A_634, %mul3A_657 : vector<16xf32>
        %mul3A_659 = arith.mulf %unpack3A_654, %unpack3A_656 : vector<16xf32>
        %add3A_660 = arith.addf %add3A_658, %mul3A_659 : vector<16xf32>
        scf.yield %add3A_660 : vector<16xf32>
      }
      %scan3A_407 = arith.constant 65 : i32
      %get3A_408 = arith.index_cast %mul3A_284 : i32 to index
      %get3A_409 = arith.constant 0 : index
      %get3A_410 = tpu.vector_load %arg9[%get3A_408, %get3A_409] {strides = array<i32>} : memref<32x32xi32, #tpu.memory_space<vmem>>, vector<16xi32>,
      %gather3A = tpu.vector_load_idx %arg12[%get3A_410] : memref<26008xf32, #tpu.memory_space<vmem>>[vector<16xi32>], vector<16xf32>,
      %get3A_411 = arith.index_cast %mul3A_284 : i32 to index
      %get3A_412 = arith.constant 16 : index
      %get3A_413 = tpu.vector_load %arg9[%get3A_411, %get3A_412] {strides = array<i32>} : memref<32x32xi32, #tpu.memory_space<vmem>>, vector<16xi32>,
      %gather3A_414 = tpu.vector_load_idx %arg12[%get3A_413] : memref<26008xf32, #tpu.memory_space<vmem>>[vector<16xi32>], vector<16xf32>,
      %add3A_415 = arith.addf %scan3A_406, %gather3A : vector<16xf32>
      %add3A_416 = arith.addf %add3A_415, %gather3A_414 : vector<16xf32>
      %reduce_sum3A = arith.constant true
      %reduce_sum3A_417 = vector.broadcast %reduce_sum3A : i1 to vector<16xi1>
      %reduce_sum3A_418 = tpu.scan <sum>, %add3A_416 masked %reduce_sum3A_417 : vector<16xf32>, vector<16xi1> -> vector<16xf32>
      %reduce_sum3A_419 = vector.extract %reduce_sum3A_418[15] : f32 from vector<16xf32>
      %slice3A = vector.extract_strided_slice %get3A_3 {offsets = [0], sizes = [1], strides = [1]} : vector<16xf32> to vector<1xf32>
      %squeeze3A = vector.extract %slice3A[0] : f32 from vector<1xf32>
      %add3A_420 = arith.addf %reduce_sum3A_419, %squeeze3A : f32
      %and3A = arith.constant 15 : i32
      %and3A_421 = arith.andi %mul3A_284, %and3A : i32
      %eq3A = vector.broadcast %and3A_421 : i32 to vector<16xi32>
      %eq3A_422 = arith.cmpi eq, %iota3A, %eq3A : vector<16xi32>
      %broadcast_in_dim3A_423 = vector.broadcast %add3A_420 : f32 to vector<16xf32>
      %select_n3A = arith.select %eq3A_422, %broadcast_in_dim3A_423, %scan3A_282 : vector<16xi1>, vector<16xf32>
      %and3A_424 = arith.constant 15 : i32
      %and3A_425 = arith.andi %mul3A_284, %and3A_424 : i32
      %eq3A_426 = arith.constant 15 : i32
      %eq3A_427 = arith.cmpi eq, %and3A_425, %eq3A_426 : i32
      %convert_element_type3A = arith.extui %eq3A_427 : i1 to i32
      %cond3A = arith.constant 0 : i32
      %cond3A_428 = arith.cmpi ne, %convert_element_type3A, %cond3A : i32
      scf.if %cond3A_428 {
        %add3A_531 = arith.constant 64 : i32
        %add3A_532 = arith.addi %add3A_531, %mul3A_284 : i32
        %sub3A = arith.constant 15 : i32
        %sub3A_533 = arith.subi %add3A_532, %sub3A : i32
        %swap3A = arith.index_cast %sub3A_533 : i32 to index
        %swap3A_534 = tpu.vector_load %arg14[%swap3A] {strides = array<i32>} : memref<128xf32, #tpu.memory_space<vmem>>, vector<16xf32>,
        tpu.vector_store %arg14[%swap3A], %select_n3A {strides = array<i32>} : memref<128xf32, #tpu.memory_space<vmem>>, vector<16xf32>,
      } else {
      }
      %lt3A = arith.constant 31 : i32
      %lt3A_429 = arith.cmpi slt, %add3A_286, %lt3A : i32
      %convert_element_type3A_430 = arith.extui %lt3A_429 : i1 to i32
      %cond3A_431 = arith.constant 0 : i32
      %cond3A_432 = arith.cmpi ne, %convert_element_type3A_430, %cond3A_431 : i32
      scf.if %cond3A_432 {
        %add3A_531 = arith.constant 2 : i32
        %add3A_532 = arith.addi %mul3A_284, %add3A_531 : i32
        %dma_start3A_533 = arith.constant 0 : i32
        %dma_start3A_534 = arith.constant 0 : i32
        %dma_start3A_535 = tpu.memref_slice %arg10[%dma_start3A_533, %dma_start3A_534] : memref<656x16xi32, #tpu.memory_space<vmem>> -> memref<128x16xi32, #tpu.memory_space<vmem>>
        %dma_start3A_536 = arith.constant 0 : i32
        %dma_start3A_537 = tpu.memref_slice %arg8[%add3A_532, %dma_start3A_536] : memref<32x656xi32, #tpu.memory_space<vmem>> -> memref<1x128xi32, #tpu.memory_space<vmem>>
        %dma_start3A_538 = tpu.memref_squeeze %dma_start3A_537 : memref<1x128xi32, #tpu.memory_space<vmem>> -> memref<128xi32, #tpu.memory_space<vmem>>
        %dma_start3A_539 = arith.constant 0 : i32
        %dma_start3A_540 = arith.constant 0 : i32
        %dma_start3A_541 = tpu.memref_slice %arg2[%dma_start3A_539, %dma_start3A_540] : memref<676000x16xi32, #tpu.memory_space<hbm>> -> memref<676000x16xi32, #tpu.memory_space<hbm>>
        tpu.enqueue_indirect_dma source(%dma_start3A_541 : memref<676000x16xi32, #tpu.memory_space<hbm>>) target(%dma_start3A_535 : memref<128x16xi32, #tpu.memory_space<vmem>>) offsets(%dma_start3A_538 : memref<128xi32, #tpu.memory_space<vmem>>) semaphore(%arg15 : memref<!tpu.dma_semaphore, #tpu.memory_space<semaphore_mem>>)
        %dma_start3A_542 = arith.constant 128 : i32
        %dma_start3A_543 = arith.constant 0 : i32
        %dma_start3A_544 = tpu.memref_slice %arg10[%dma_start3A_542, %dma_start3A_543] : memref<656x16xi32, #tpu.memory_space<vmem>> -> memref<128x16xi32, #tpu.memory_space<vmem>>
        %dma_start3A_545 = arith.constant 128 : i32
        %dma_start3A_546 = tpu.memref_slice %arg8[%add3A_532, %dma_start3A_545] : memref<32x656xi32, #tpu.memory_space<vmem>> -> memref<1x128xi32, #tpu.memory_space<vmem>>
        %dma_start3A_547 = tpu.memref_squeeze %dma_start3A_546 : memref<1x128xi32, #tpu.memory_space<vmem>> -> memref<128xi32, #tpu.memory_space<vmem>>
        %dma_start3A_548 = arith.constant 0 : i32
        %dma_start3A_549 = arith.constant 0 : i32
        %dma_start3A_550 = tpu.memref_slice %arg2[%dma_start3A_548, %dma_start3A_549] : memref<676000x16xi32, #tpu.memory_space<hbm>> -> memref<676000x16xi32, #tpu.memory_space<hbm>>
        tpu.enqueue_indirect_dma source(%dma_start3A_550 : memref<676000x16xi32, #tpu.memory_space<hbm>>) target(%dma_start3A_544 : memref<128x16xi32, #tpu.memory_space<vmem>>) offsets(%dma_start3A_547 : memref<128xi32, #tpu.memory_space<vmem>>) semaphore(%arg15 : memref<!tpu.dma_semaphore, #tpu.memory_space<semaphore_mem>>)
        %dma_start3A_551 = arith.constant 256 : i32
        %dma_start3A_552 = arith.constant 0 : i32
        %dma_start3A_553 = tpu.memref_slice %arg10[%dma_start3A_551, %dma_start3A_552] : memref<656x16xi32, #tpu.memory_space<vmem>> -> memref<128x16xi32, #tpu.memory_space<vmem>>
        %dma_start3A_554 = arith.constant 256 : i32
        %dma_start3A_555 = tpu.memref_slice %arg8[%add3A_532, %dma_start3A_554] : memref<32x656xi32, #tpu.memory_space<vmem>> -> memref<1x128xi32, #tpu.memory_space<vmem>>
        %dma_start3A_556 = tpu.memref_squeeze %dma_start3A_555 : memref<1x128xi32, #tpu.memory_space<vmem>> -> memref<128xi32, #tpu.memory_space<vmem>>
        %dma_start3A_557 = arith.constant 0 : i32
        %dma_start3A_558 = arith.constant 0 : i32
        %dma_start3A_559 = tpu.memref_slice %arg2[%dma_start3A_557, %dma_start3A_558] : memref<676000x16xi32, #tpu.memory_space<hbm>> -> memref<676000x16xi32, #tpu.memory_space<hbm>>
        tpu.enqueue_indirect_dma source(%dma_start3A_559 : memref<676000x16xi32, #tpu.memory_space<hbm>>) target(%dma_start3A_553 : memref<128x16xi32, #tpu.memory_space<vmem>>) offsets(%dma_start3A_556 : memref<128xi32, #tpu.memory_space<vmem>>) semaphore(%arg15 : memref<!tpu.dma_semaphore, #tpu.memory_space<semaphore_mem>>)
        %dma_start3A_560 = arith.constant 384 : i32
        %dma_start3A_561 = arith.constant 0 : i32
        %dma_start3A_562 = tpu.memref_slice %arg10[%dma_start3A_560, %dma_start3A_561] : memref<656x16xi32, #tpu.memory_space<vmem>> -> memref<128x16xi32, #tpu.memory_space<vmem>>
        %dma_start3A_563 = arith.constant 384 : i32
        %dma_start3A_564 = tpu.memref_slice %arg8[%add3A_532, %dma_start3A_563] : memref<32x656xi32, #tpu.memory_space<vmem>> -> memref<1x128xi32, #tpu.memory_space<vmem>>
        %dma_start3A_565 = tpu.memref_squeeze %dma_start3A_564 : memref<1x128xi32, #tpu.memory_space<vmem>> -> memref<128xi32, #tpu.memory_space<vmem>>
        %dma_start3A_566 = arith.constant 0 : i32
        %dma_start3A_567 = arith.constant 0 : i32
        %dma_start3A_568 = tpu.memref_slice %arg2[%dma_start3A_566, %dma_start3A_567] : memref<676000x16xi32, #tpu.memory_space<hbm>> -> memref<676000x16xi32, #tpu.memory_space<hbm>>
        tpu.enqueue_indirect_dma source(%dma_start3A_568 : memref<676000x16xi32, #tpu.memory_space<hbm>>) target(%dma_start3A_562 : memref<128x16xi32, #tpu.memory_space<vmem>>) offsets(%dma_start3A_565 : memref<128xi32, #tpu.memory_space<vmem>>) semaphore(%arg15 : memref<!tpu.dma_semaphore, #tpu.memory_space<semaphore_mem>>)
        %dma_start3A_569 = arith.constant 512 : i32
        %dma_start3A_570 = arith.constant 0 : i32
        %dma_start3A_571 = tpu.memref_slice %arg10[%dma_start3A_569, %dma_start3A_570] : memref<656x16xi32, #tpu.memory_space<vmem>> -> memref<128x16xi32, #tpu.memory_space<vmem>>
        %dma_start3A_572 = arith.constant 512 : i32
        %dma_start3A_573 = tpu.memref_slice %arg8[%add3A_532, %dma_start3A_572] : memref<32x656xi32, #tpu.memory_space<vmem>> -> memref<1x128xi32, #tpu.memory_space<vmem>>
        %dma_start3A_574 = tpu.memref_squeeze %dma_start3A_573 : memref<1x128xi32, #tpu.memory_space<vmem>> -> memref<128xi32, #tpu.memory_space<vmem>>
        %dma_start3A_575 = arith.constant 0 : i32
        %dma_start3A_576 = arith.constant 0 : i32
        %dma_start3A_577 = tpu.memref_slice %arg2[%dma_start3A_575, %dma_start3A_576] : memref<676000x16xi32, #tpu.memory_space<hbm>> -> memref<676000x16xi32, #tpu.memory_space<hbm>>
        tpu.enqueue_indirect_dma source(%dma_start3A_577 : memref<676000x16xi32, #tpu.memory_space<hbm>>) target(%dma_start3A_571 : memref<128x16xi32, #tpu.memory_space<vmem>>) offsets(%dma_start3A_574 : memref<128xi32, #tpu.memory_space<vmem>>) semaphore(%arg15 : memref<!tpu.dma_semaphore, #tpu.memory_space<semaphore_mem>>)
        %dma_start3A_578 = arith.constant 640 : i32
        %dma_start3A_579 = arith.constant 0 : i32
        %dma_start3A_580 = tpu.memref_slice %arg10[%dma_start3A_578, %dma_start3A_579] : memref<656x16xi32, #tpu.memory_space<vmem>> -> memref<16x16xi32, #tpu.memory_space<vmem>>
        %dma_start3A_581 = arith.constant 640 : i32
        %dma_start3A_582 = tpu.memref_slice %arg8[%add3A_532, %dma_start3A_581] : memref<32x656xi32, #tpu.memory_space<vmem>> -> memref<1x16xi32, #tpu.memory_space<vmem>>
        %dma_start3A_583 = tpu.memref_squeeze %dma_start3A_582 : memref<1x16xi32, #tpu.memory_space<vmem>> -> memref<16xi32, #tpu.memory_space<vmem>>
        %dma_start3A_584 = arith.constant 0 : i32
        %dma_start3A_585 = arith.constant 0 : i32
        %dma_start3A_586 = tpu.memref_slice %arg2[%dma_start3A_584, %dma_start3A_585] : memref<676000x16xi32, #tpu.memory_space<hbm>> -> memref<676000x16xi32, #tpu.memory_space<hbm>>
        tpu.enqueue_indirect_dma source(%dma_start3A_586 : memref<676000x16xi32, #tpu.memory_space<hbm>>) target(%dma_start3A_580 : memref<16x16xi32, #tpu.memory_space<vmem>>) offsets(%dma_start3A_583 : memref<16xi32, #tpu.memory_space<vmem>>) semaphore(%arg15 : memref<!tpu.dma_semaphore, #tpu.memory_space<semaphore_mem>>)
      } else {
      }
      %dma_wait3A_433 = arith.constant 0 : i32
      %dma_wait3A_434 = arith.constant 0 : i32
      %dma_wait3A_435 = arith.constant 0 : i32
      %dma_wait3A_436 = tpu.memref_slice %arg11[%dma_wait3A_434, %dma_wait3A_435] : memref<656x16xi32, #tpu.memory_space<vmem>> -> memref<128x16xi32, #tpu.memory_space<vmem>>
      %dma_wait3A_437 = arith.constant 0 : i32
      %dma_wait3A_438 = tpu.memref_slice %arg8[%dma_wait3A_433, %dma_wait3A_437] : memref<32x656xi32, #tpu.memory_space<vmem>> -> memref<1x128xi32, #tpu.memory_space<vmem>>
      %dma_wait3A_439 = tpu.memref_squeeze %dma_wait3A_438 : memref<1x128xi32, #tpu.memory_space<vmem>> -> memref<128xi32, #tpu.memory_space<vmem>>
      %dma_wait3A_440 = arith.constant 0 : i32
      %dma_wait3A_441 = arith.constant 0 : i32
      %dma_wait3A_442 = tpu.memref_slice %arg2[%dma_wait3A_440, %dma_wait3A_441] : memref<676000x16xi32, #tpu.memory_space<hbm>> -> memref<676000x16xi32, #tpu.memory_space<hbm>>
      tpu.wait_indirect_dma semaphore(%arg16 : memref<!tpu.dma_semaphore, #tpu.memory_space<semaphore_mem>>) src(%dma_wait3A_442 : memref<676000x16xi32, #tpu.memory_space<hbm>>) dst(%dma_wait3A_436 : memref<128x16xi32, #tpu.memory_space<vmem>>)
      %dma_wait3A_443 = arith.constant 0 : i32
      %dma_wait3A_444 = arith.constant 128 : i32
      %dma_wait3A_445 = arith.constant 0 : i32
      %dma_wait3A_446 = tpu.memref_slice %arg11[%dma_wait3A_444, %dma_wait3A_445] : memref<656x16xi32, #tpu.memory_space<vmem>> -> memref<128x16xi32, #tpu.memory_space<vmem>>
      %dma_wait3A_447 = arith.constant 128 : i32
      %dma_wait3A_448 = tpu.memref_slice %arg8[%dma_wait3A_443, %dma_wait3A_447] : memref<32x656xi32, #tpu.memory_space<vmem>> -> memref<1x128xi32, #tpu.memory_space<vmem>>
      %dma_wait3A_449 = tpu.memref_squeeze %dma_wait3A_448 : memref<1x128xi32, #tpu.memory_space<vmem>> -> memref<128xi32, #tpu.memory_space<vmem>>
      %dma_wait3A_450 = arith.constant 0 : i32
      %dma_wait3A_451 = arith.constant 0 : i32
      %dma_wait3A_452 = tpu.memref_slice %arg2[%dma_wait3A_450, %dma_wait3A_451] : memref<676000x16xi32, #tpu.memory_space<hbm>> -> memref<676000x16xi32, #tpu.memory_space<hbm>>
      tpu.wait_indirect_dma semaphore(%arg16 : memref<!tpu.dma_semaphore, #tpu.memory_space<semaphore_mem>>) src(%dma_wait3A_452 : memref<676000x16xi32, #tpu.memory_space<hbm>>) dst(%dma_wait3A_446 : memref<128x16xi32, #tpu.memory_space<vmem>>)
      %dma_wait3A_453 = arith.constant 0 : i32
      %dma_wait3A_454 = arith.constant 256 : i32
      %dma_wait3A_455 = arith.constant 0 : i32
      %dma_wait3A_456 = tpu.memref_slice %arg11[%dma_wait3A_454, %dma_wait3A_455] : memref<656x16xi32, #tpu.memory_space<vmem>> -> memref<128x16xi32, #tpu.memory_space<vmem>>
      %dma_wait3A_457 = arith.constant 256 : i32
      %dma_wait3A_458 = tpu.memref_slice %arg8[%dma_wait3A_453, %dma_wait3A_457] : memref<32x656xi32, #tpu.memory_space<vmem>> -> memref<1x128xi32, #tpu.memory_space<vmem>>
      %dma_wait3A_459 = tpu.memref_squeeze %dma_wait3A_458 : memref<1x128xi32, #tpu.memory_space<vmem>> -> memref<128xi32, #tpu.memory_space<vmem>>
      %dma_wait3A_460 = arith.constant 0 : i32
      %dma_wait3A_461 = arith.constant 0 : i32
      %dma_wait3A_462 = tpu.memref_slice %arg2[%dma_wait3A_460, %dma_wait3A_461] : memref<676000x16xi32, #tpu.memory_space<hbm>> -> memref<676000x16xi32, #tpu.memory_space<hbm>>
      tpu.wait_indirect_dma semaphore(%arg16 : memref<!tpu.dma_semaphore, #tpu.memory_space<semaphore_mem>>) src(%dma_wait3A_462 : memref<676000x16xi32, #tpu.memory_space<hbm>>) dst(%dma_wait3A_456 : memref<128x16xi32, #tpu.memory_space<vmem>>)
      %dma_wait3A_463 = arith.constant 0 : i32
      %dma_wait3A_464 = arith.constant 384 : i32
      %dma_wait3A_465 = arith.constant 0 : i32
      %dma_wait3A_466 = tpu.memref_slice %arg11[%dma_wait3A_464, %dma_wait3A_465] : memref<656x16xi32, #tpu.memory_space<vmem>> -> memref<128x16xi32, #tpu.memory_space<vmem>>
      %dma_wait3A_467 = arith.constant 384 : i32
      %dma_wait3A_468 = tpu.memref_slice %arg8[%dma_wait3A_463, %dma_wait3A_467] : memref<32x656xi32, #tpu.memory_space<vmem>> -> memref<1x128xi32, #tpu.memory_space<vmem>>
      %dma_wait3A_469 = tpu.memref_squeeze %dma_wait3A_468 : memref<1x128xi32, #tpu.memory_space<vmem>> -> memref<128xi32, #tpu.memory_space<vmem>>
      %dma_wait3A_470 = arith.constant 0 : i32
      %dma_wait3A_471 = arith.constant 0 : i32
      %dma_wait3A_472 = tpu.memref_slice %arg2[%dma_wait3A_470, %dma_wait3A_471] : memref<676000x16xi32, #tpu.memory_space<hbm>> -> memref<676000x16xi32, #tpu.memory_space<hbm>>
      tpu.wait_indirect_dma semaphore(%arg16 : memref<!tpu.dma_semaphore, #tpu.memory_space<semaphore_mem>>) src(%dma_wait3A_472 : memref<676000x16xi32, #tpu.memory_space<hbm>>) dst(%dma_wait3A_466 : memref<128x16xi32, #tpu.memory_space<vmem>>)
      %dma_wait3A_473 = arith.constant 0 : i32
      %dma_wait3A_474 = arith.constant 512 : i32
      %dma_wait3A_475 = arith.constant 0 : i32
      %dma_wait3A_476 = tpu.memref_slice %arg11[%dma_wait3A_474, %dma_wait3A_475] : memref<656x16xi32, #tpu.memory_space<vmem>> -> memref<128x16xi32, #tpu.memory_space<vmem>>
      %dma_wait3A_477 = arith.constant 512 : i32
      %dma_wait3A_478 = tpu.memref_slice %arg8[%dma_wait3A_473, %dma_wait3A_477] : memref<32x656xi32, #tpu.memory_space<vmem>> -> memref<1x128xi32, #tpu.memory_space<vmem>>
      %dma_wait3A_479 = tpu.memref_squeeze %dma_wait3A_478 : memref<1x128xi32, #tpu.memory_space<vmem>> -> memref<128xi32, #tpu.memory_space<vmem>>
      %dma_wait3A_480 = arith.constant 0 : i32
      %dma_wait3A_481 = arith.constant 0 : i32
      %dma_wait3A_482 = tpu.memref_slice %arg2[%dma_wait3A_480, %dma_wait3A_481] : memref<676000x16xi32, #tpu.memory_space<hbm>> -> memref<676000x16xi32, #tpu.memory_space<hbm>>
      tpu.wait_indirect_dma semaphore(%arg16 : memref<!tpu.dma_semaphore, #tpu.memory_space<semaphore_mem>>) src(%dma_wait3A_482 : memref<676000x16xi32, #tpu.memory_space<hbm>>) dst(%dma_wait3A_476 : memref<128x16xi32, #tpu.memory_space<vmem>>)
      %dma_wait3A_483 = arith.constant 0 : i32
      %dma_wait3A_484 = arith.constant 640 : i32
      %dma_wait3A_485 = arith.constant 0 : i32
      %dma_wait3A_486 = tpu.memref_slice %arg11[%dma_wait3A_484, %dma_wait3A_485] : memref<656x16xi32, #tpu.memory_space<vmem>> -> memref<16x16xi32, #tpu.memory_space<vmem>>
      %dma_wait3A_487 = arith.constant 640 : i32
      %dma_wait3A_488 = tpu.memref_slice %arg8[%dma_wait3A_483, %dma_wait3A_487] : memref<32x656xi32, #tpu.memory_space<vmem>> -> memref<1x16xi32, #tpu.memory_space<vmem>>
      %dma_wait3A_489 = tpu.memref_squeeze %dma_wait3A_488 : memref<1x16xi32, #tpu.memory_space<vmem>> -> memref<16xi32, #tpu.memory_space<vmem>>
      %dma_wait3A_490 = arith.constant 0 : i32
      %dma_wait3A_491 = arith.constant 0 : i32
      %dma_wait3A_492 = tpu.memref_slice %arg2[%dma_wait3A_490, %dma_wait3A_491] : memref<676000x16xi32, #tpu.memory_space<hbm>> -> memref<676000x16xi32, #tpu.memory_space<hbm>>
      tpu.wait_indirect_dma semaphore(%arg16 : memref<!tpu.dma_semaphore, #tpu.memory_space<semaphore_mem>>) src(%dma_wait3A_492 : memref<676000x16xi32, #tpu.memory_space<hbm>>) dst(%dma_wait3A_486 : memref<16x16xi32, #tpu.memory_space<vmem>>)
      %broadcast_in_dim3A_493 = arith.constant 0.000000e+00 : f32
      %broadcast_in_dim3A_494 = vector.broadcast %broadcast_in_dim3A_493 : f32 to vector<16xf32>
      %scan3A_495 = arith.constant 0 : i32
      %scan3A_496 = arith.constant 65 : i32
      %scan3A_497 = arith.addi %scan3A_495, %scan3A_496 : i32
      %scan3A_498 = arith.constant 1 : i32
      %scan3A_499 = scf.for %scan3A_531 = %scan3A_495 to %scan3A_497 step %scan3A_498 iter_args(%scan3A_532 = %broadcast_in_dim3A_494) -> (vector<16xf32>)  : i32 {
        %mul3A_533 = arith.constant 5 : i32
        %mul3A_534 = arith.muli %scan3A_531, %mul3A_533 : i32
        %add3A_535 = arith.constant 0 : i32
        %add3A_536 = arith.addi %mul3A_534, %add3A_535 : i32
        %mul3A_537 = arith.constant 2 : i32
        %mul3A_538 = arith.muli %mul3A_537, %add3A_536 : i32
        %get3A_539 = arith.index_cast %mul3A_538 : i32 to index
        %get3A_540 = arith.constant 0 : index
        %get3A_541 = tpu.vector_load %arg11[%get3A_539, %get3A_540] {strides = array<i32>} : memref<656x16xi32, #tpu.memory_space<vmem>>, vector<16xi32>,
        %bitcast3A = vector.bitcast %get3A_541 : vector<16xi32> to vector<32xbf16>
        %mul3A_542 = arith.constant 2 : i32
        %mul3A_543 = arith.muli %mul3A_542, %add3A_536 : i32
        %add3A_544 = arith.constant 1 : i32
        %add3A_545 = arith.addi %mul3A_543, %add3A_544 : i32
        %get3A_546 = arith.index_cast %add3A_545 : i32 to index
        %get3A_547 = arith.constant 0 : index
        %get3A_548 = tpu.vector_load %arg11[%get3A_546, %get3A_547] {strides = array<i32>} : memref<656x16xi32, #tpu.memory_space<vmem>>, vector<16xi32>,
        %bitcast3A_549 = vector.bitcast %get3A_548 : vector<16xi32> to vector<32xbf16>
        %unpack3A = tpu.unpack_subelements %bitcast3A, 0 {pack_format = #tpu.pack_format<interleaved>} : vector<32xbf16> -> vector<16xf32>
        %unpack3A_550 = tpu.unpack_subelements %bitcast3A, 1 {pack_format = #tpu.pack_format<interleaved>} : vector<32xbf16> -> vector<16xf32>
        %unpack3A_551 = tpu.unpack_subelements %bitcast3A_549, 0 {pack_format = #tpu.pack_format<interleaved>} : vector<32xbf16> -> vector<16xf32>
        %unpack3A_552 = tpu.unpack_subelements %bitcast3A_549, 1 {pack_format = #tpu.pack_format<interleaved>} : vector<32xbf16> -> vector<16xf32>
        %mul3A_553 = arith.mulf %unpack3A, %unpack3A_551 : vector<16xf32>
        %add3A_554 = arith.addf %scan3A_532, %mul3A_553 : vector<16xf32>
        %mul3A_555 = arith.mulf %unpack3A_550, %unpack3A_552 : vector<16xf32>
        %add3A_556 = arith.addf %add3A_554, %mul3A_555 : vector<16xf32>
        %mul3A_557 = arith.constant 5 : i32
        %mul3A_558 = arith.muli %scan3A_531, %mul3A_557 : i32
        %add3A_559 = arith.constant 1 : i32
        %add3A_560 = arith.addi %mul3A_558, %add3A_559 : i32
        %mul3A_561 = arith.constant 2 : i32
        %mul3A_562 = arith.muli %mul3A_561, %add3A_560 : i32
        %get3A_563 = arith.index_cast %mul3A_562 : i32 to index
        %get3A_564 = arith.constant 0 : index
        %get3A_565 = tpu.vector_load %arg11[%get3A_563, %get3A_564] {strides = array<i32>} : memref<656x16xi32, #tpu.memory_space<vmem>>, vector<16xi32>,
        %bitcast3A_566 = vector.bitcast %get3A_565 : vector<16xi32> to vector<32xbf16>
        %mul3A_567 = arith.constant 2 : i32
        %mul3A_568 = arith.muli %mul3A_567, %add3A_560 : i32
        %add3A_569 = arith.constant 1 : i32
        %add3A_570 = arith.addi %mul3A_568, %add3A_569 : i32
        %get3A_571 = arith.index_cast %add3A_570 : i32 to index
        %get3A_572 = arith.constant 0 : index
        %get3A_573 = tpu.vector_load %arg11[%get3A_571, %get3A_572] {strides = array<i32>} : memref<656x16xi32, #tpu.memory_space<vmem>>, vector<16xi32>,
        %bitcast3A_574 = vector.bitcast %get3A_573 : vector<16xi32> to vector<32xbf16>
        %unpack3A_575 = tpu.unpack_subelements %bitcast3A_566, 0 {pack_format = #tpu.pack_format<interleaved>} : vector<32xbf16> -> vector<16xf32>
        %unpack3A_576 = tpu.unpack_subelements %bitcast3A_566, 1 {pack_format = #tpu.pack_format<interleaved>} : vector<32xbf16> -> vector<16xf32>
        %unpack3A_577 = tpu.unpack_subelements %bitcast3A_574, 0 {pack_format = #tpu.pack_format<interleaved>} : vector<32xbf16> -> vector<16xf32>
        %unpack3A_578 = tpu.unpack_subelements %bitcast3A_574, 1 {pack_format = #tpu.pack_format<interleaved>} : vector<32xbf16> -> vector<16xf32>
        %mul3A_579 = arith.mulf %unpack3A_575, %unpack3A_577 : vector<16xf32>
        %add3A_580 = arith.addf %add3A_556, %mul3A_579 : vector<16xf32>
        %mul3A_581 = arith.mulf %unpack3A_576, %unpack3A_578 : vector<16xf32>
        %add3A_582 = arith.addf %add3A_580, %mul3A_581 : vector<16xf32>
        %mul3A_583 = arith.constant 5 : i32
        %mul3A_584 = arith.muli %scan3A_531, %mul3A_583 : i32
        %add3A_585 = arith.constant 2 : i32
        %add3A_586 = arith.addi %mul3A_584, %add3A_585 : i32
        %mul3A_587 = arith.constant 2 : i32
        %mul3A_588 = arith.muli %mul3A_587, %add3A_586 : i32
        %get3A_589 = arith.index_cast %mul3A_588 : i32 to index
        %get3A_590 = arith.constant 0 : index
        %get3A_591 = tpu.vector_load %arg11[%get3A_589, %get3A_590] {strides = array<i32>} : memref<656x16xi32, #tpu.memory_space<vmem>>, vector<16xi32>,
        %bitcast3A_592 = vector.bitcast %get3A_591 : vector<16xi32> to vector<32xbf16>
        %mul3A_593 = arith.constant 2 : i32
        %mul3A_594 = arith.muli %mul3A_593, %add3A_586 : i32
        %add3A_595 = arith.constant 1 : i32
        %add3A_596 = arith.addi %mul3A_594, %add3A_595 : i32
        %get3A_597 = arith.index_cast %add3A_596 : i32 to index
        %get3A_598 = arith.constant 0 : index
        %get3A_599 = tpu.vector_load %arg11[%get3A_597, %get3A_598] {strides = array<i32>} : memref<656x16xi32, #tpu.memory_space<vmem>>, vector<16xi32>,
        %bitcast3A_600 = vector.bitcast %get3A_599 : vector<16xi32> to vector<32xbf16>
        %unpack3A_601 = tpu.unpack_subelements %bitcast3A_592, 0 {pack_format = #tpu.pack_format<interleaved>} : vector<32xbf16> -> vector<16xf32>
        %unpack3A_602 = tpu.unpack_subelements %bitcast3A_592, 1 {pack_format = #tpu.pack_format<interleaved>} : vector<32xbf16> -> vector<16xf32>
        %unpack3A_603 = tpu.unpack_subelements %bitcast3A_600, 0 {pack_format = #tpu.pack_format<interleaved>} : vector<32xbf16> -> vector<16xf32>
        %unpack3A_604 = tpu.unpack_subelements %bitcast3A_600, 1 {pack_format = #tpu.pack_format<interleaved>} : vector<32xbf16> -> vector<16xf32>
        %mul3A_605 = arith.mulf %unpack3A_601, %unpack3A_603 : vector<16xf32>
        %add3A_606 = arith.addf %add3A_582, %mul3A_605 : vector<16xf32>
        %mul3A_607 = arith.mulf %unpack3A_602, %unpack3A_604 : vector<16xf32>
        %add3A_608 = arith.addf %add3A_606, %mul3A_607 : vector<16xf32>
        %mul3A_609 = arith.constant 5 : i32
        %mul3A_610 = arith.muli %scan3A_531, %mul3A_609 : i32
        %add3A_611 = arith.constant 3 : i32
        %add3A_612 = arith.addi %mul3A_610, %add3A_611 : i32
        %mul3A_613 = arith.constant 2 : i32
        %mul3A_614 = arith.muli %mul3A_613, %add3A_612 : i32
        %get3A_615 = arith.index_cast %mul3A_614 : i32 to index
        %get3A_616 = arith.constant 0 : index
        %get3A_617 = tpu.vector_load %arg11[%get3A_615, %get3A_616] {strides = array<i32>} : memref<656x16xi32, #tpu.memory_space<vmem>>, vector<16xi32>,
        %bitcast3A_618 = vector.bitcast %get3A_617 : vector<16xi32> to vector<32xbf16>
        %mul3A_619 = arith.constant 2 : i32
        %mul3A_620 = arith.muli %mul3A_619, %add3A_612 : i32
        %add3A_621 = arith.constant 1 : i32
        %add3A_622 = arith.addi %mul3A_620, %add3A_621 : i32
        %get3A_623 = arith.index_cast %add3A_622 : i32 to index
        %get3A_624 = arith.constant 0 : index
        %get3A_625 = tpu.vector_load %arg11[%get3A_623, %get3A_624] {strides = array<i32>} : memref<656x16xi32, #tpu.memory_space<vmem>>, vector<16xi32>,
        %bitcast3A_626 = vector.bitcast %get3A_625 : vector<16xi32> to vector<32xbf16>
        %unpack3A_627 = tpu.unpack_subelements %bitcast3A_618, 0 {pack_format = #tpu.pack_format<interleaved>} : vector<32xbf16> -> vector<16xf32>
        %unpack3A_628 = tpu.unpack_subelements %bitcast3A_618, 1 {pack_format = #tpu.pack_format<interleaved>} : vector<32xbf16> -> vector<16xf32>
        %unpack3A_629 = tpu.unpack_subelements %bitcast3A_626, 0 {pack_format = #tpu.pack_format<interleaved>} : vector<32xbf16> -> vector<16xf32>
        %unpack3A_630 = tpu.unpack_subelements %bitcast3A_626, 1 {pack_format = #tpu.pack_format<interleaved>} : vector<32xbf16> -> vector<16xf32>
        %mul3A_631 = arith.mulf %unpack3A_627, %unpack3A_629 : vector<16xf32>
        %add3A_632 = arith.addf %add3A_608, %mul3A_631 : vector<16xf32>
        %mul3A_633 = arith.mulf %unpack3A_628, %unpack3A_630 : vector<16xf32>
        %add3A_634 = arith.addf %add3A_632, %mul3A_633 : vector<16xf32>
        %mul3A_635 = arith.constant 5 : i32
        %mul3A_636 = arith.muli %scan3A_531, %mul3A_635 : i32
        %add3A_637 = arith.constant 4 : i32
        %add3A_638 = arith.addi %mul3A_636, %add3A_637 : i32
        %mul3A_639 = arith.constant 2 : i32
        %mul3A_640 = arith.muli %mul3A_639, %add3A_638 : i32
        %get3A_641 = arith.index_cast %mul3A_640 : i32 to index
        %get3A_642 = arith.constant 0 : index
        %get3A_643 = tpu.vector_load %arg11[%get3A_641, %get3A_642] {strides = array<i32>} : memref<656x16xi32, #tpu.memory_space<vmem>>, vector<16xi32>,
        %bitcast3A_644 = vector.bitcast %get3A_643 : vector<16xi32> to vector<32xbf16>
        %mul3A_645 = arith.constant 2 : i32
        %mul3A_646 = arith.muli %mul3A_645, %add3A_638 : i32
        %add3A_647 = arith.constant 1 : i32
        %add3A_648 = arith.addi %mul3A_646, %add3A_647 : i32
        %get3A_649 = arith.index_cast %add3A_648 : i32 to index
        %get3A_650 = arith.constant 0 : index
        %get3A_651 = tpu.vector_load %arg11[%get3A_649, %get3A_650] {strides = array<i32>} : memref<656x16xi32, #tpu.memory_space<vmem>>, vector<16xi32>,
        %bitcast3A_652 = vector.bitcast %get3A_651 : vector<16xi32> to vector<32xbf16>
        %unpack3A_653 = tpu.unpack_subelements %bitcast3A_644, 0 {pack_format = #tpu.pack_format<interleaved>} : vector<32xbf16> -> vector<16xf32>
        %unpack3A_654 = tpu.unpack_subelements %bitcast3A_644, 1 {pack_format = #tpu.pack_format<interleaved>} : vector<32xbf16> -> vector<16xf32>
        %unpack3A_655 = tpu.unpack_subelements %bitcast3A_652, 0 {pack_format = #tpu.pack_format<interleaved>} : vector<32xbf16> -> vector<16xf32>
        %unpack3A_656 = tpu.unpack_subelements %bitcast3A_652, 1 {pack_format = #tpu.pack_format<interleaved>} : vector<32xbf16> -> vector<16xf32>
        %mul3A_657 = arith.mulf %unpack3A_653, %unpack3A_655 : vector<16xf32>
        %add3A_658 = arith.addf %add3A_634, %mul3A_657 : vector<16xf32>
        %mul3A_659 = arith.mulf %unpack3A_654, %unpack3A_656 : vector<16xf32>
        %add3A_660 = arith.addf %add3A_658, %mul3A_659 : vector<16xf32>
        scf.yield %add3A_660 : vector<16xf32>
      }
      %scan3A_500 = arith.constant 65 : i32
      %get3A_501 = arith.index_cast %add3A_286 : i32 to index
      %get3A_502 = arith.constant 0 : index
      %get3A_503 = tpu.vector_load %arg9[%get3A_501, %get3A_502] {strides = array<i32>} : memref<32x32xi32, #tpu.memory_space<vmem>>, vector<16xi32>,
      %gather3A_504 = tpu.vector_load_idx %arg12[%get3A_503] : memref<26008xf32, #tpu.memory_space<vmem>>[vector<16xi32>], vector<16xf32>,
      %get3A_505 = arith.index_cast %add3A_286 : i32 to index
      %get3A_506 = arith.constant 16 : index
      %get3A_507 = tpu.vector_load %arg9[%get3A_505, %get3A_506] {strides = array<i32>} : memref<32x32xi32, #tpu.memory_space<vmem>>, vector<16xi32>,
      %gather3A_508 = tpu.vector_load_idx %arg12[%get3A_507] : memref<26008xf32, #tpu.memory_space<vmem>>[vector<16xi32>], vector<16xf32>,
      %add3A_509 = arith.addf %scan3A_499, %gather3A_504 : vector<16xf32>
      %add3A_510 = arith.addf %add3A_509, %gather3A_508 : vector<16xf32>
      %reduce_sum3A_511 = arith.constant true
      %reduce_sum3A_512 = vector.broadcast %reduce_sum3A_511 : i1 to vector<16xi1>
      %reduce_sum3A_513 = tpu.scan <sum>, %add3A_510 masked %reduce_sum3A_512 : vector<16xf32>, vector<16xi1> -> vector<16xf32>
      %reduce_sum3A_514 = vector.extract %reduce_sum3A_513[15] : f32 from vector<16xf32>
      %slice3A_515 = vector.extract_strided_slice %get3A_3 {offsets = [0], sizes = [1], strides = [1]} : vector<16xf32> to vector<1xf32>
      %squeeze3A_516 = vector.extract %slice3A_515[0] : f32 from vector<1xf32>
      %add3A_517 = arith.addf %reduce_sum3A_514, %squeeze3A_516 : f32
      %and3A_518 = arith.constant 15 : i32
      %and3A_519 = arith.andi %add3A_286, %and3A_518 : i32
      %eq3A_520 = vector.broadcast %and3A_519 : i32 to vector<16xi32>
      %eq3A_521 = arith.cmpi eq, %iota3A, %eq3A_520 : vector<16xi32>
      %broadcast_in_dim3A_522 = vector.broadcast %add3A_517 : f32 to vector<16xf32>
      %select_n3A_523 = arith.select %eq3A_521, %broadcast_in_dim3A_522, %select_n3A : vector<16xi1>, vector<16xf32>
      %and3A_524 = arith.constant 15 : i32
      %and3A_525 = arith.andi %add3A_286, %and3A_524 : i32
      %eq3A_526 = arith.constant 15 : i32
      %eq3A_527 = arith.cmpi eq, %and3A_525, %eq3A_526 : i32
      %convert_element_type3A_528 = arith.extui %eq3A_527 : i1 to i32
      %cond3A_529 = arith.constant 0 : i32
      %cond3A_530 = arith.cmpi ne, %convert_element_type3A_528, %cond3A_529 : i32
      scf.if %cond3A_530 {
        %add3A_531 = arith.constant 64 : i32
        %add3A_532 = arith.addi %add3A_531, %add3A_286 : i32
        %sub3A = arith.constant 15 : i32
        %sub3A_533 = arith.subi %add3A_532, %sub3A : i32
        %swap3A = arith.index_cast %sub3A_533 : i32 to index
        %swap3A_534 = tpu.vector_load %arg14[%swap3A] {strides = array<i32>} : memref<128xf32, #tpu.memory_space<vmem>>, vector<16xf32>,
        tpu.vector_store %arg14[%swap3A], %select_n3A_523 {strides = array<i32>} : memref<128xf32, #tpu.memory_space<vmem>>, vector<16xf32>,
      } else {
      }
      scf.yield %select_n3A_523 : vector<16xf32>
    }
    %scan3A_210 = arith.constant 16 : i32
    %add3A_211 = arith.constant 96 : i32
    %add3A_212 = arith.addi %mul3A_2, %add3A_211 : i32
    "tpu.region"() ({
      %run_scoped3A = tpu.sem_alloc : memref<!tpu.dma_semaphore, #tpu.memory_space<semaphore_mem>>
      %dma_start3A_281 = arith.constant 0 : i32
      %dma_start3A_282 = tpu.memref_slice %arg3[%add3A_212, %dma_start3A_281] : memref<4096x656xi32, #tpu.memory_space<hbm>> -> memref<32x656xi32, #tpu.memory_space<hbm>>
      %dma_start3A_283 = arith.constant 0 : i32
      %dma_start3A_284 = tpu.memref_slice %arg3[%add3A_212, %dma_start3A_283] : memref<4096x656xi32, #tpu.memory_space<hbm>> -> memref<32x656xi32, #tpu.memory_space<hbm>>
      tpu.enqueue_dma source(%dma_start3A_284 : memref<32x656xi32, #tpu.memory_space<hbm>>) target(%arg8 : memref<32x656xi32, #tpu.memory_space<vmem>>) target_semaphore(%run_scoped3A : memref<!tpu.dma_semaphore, #tpu.memory_space<semaphore_mem>>)
      %dma_wait3A = arith.constant 0 : i32
      %dma_wait3A_285 = tpu.memref_slice %arg3[%add3A_212, %dma_wait3A] : memref<4096x656xi32, #tpu.memory_space<hbm>> -> memref<32x656xi32, #tpu.memory_space<hbm>>
      %dma_wait3A_286 = arith.constant 0 : i32
      %dma_wait3A_287 = tpu.memref_slice %arg3[%add3A_212, %dma_wait3A_286] : memref<4096x656xi32, #tpu.memory_space<hbm>> -> memref<32x656xi32, #tpu.memory_space<hbm>>
      tpu.wait_dma2 semaphore(%run_scoped3A : memref<!tpu.dma_semaphore, #tpu.memory_space<semaphore_mem>>) src(%dma_wait3A_287 : memref<32x656xi32, #tpu.memory_space<hbm>>) dst(%arg8 : memref<32x656xi32, #tpu.memory_space<vmem>>)
      tpu.yield
    }) : () -> ()
    "tpu.region"() ({
      %run_scoped3A = tpu.sem_alloc : memref<!tpu.dma_semaphore, #tpu.memory_space<semaphore_mem>>
      %dma_start3A_281 = arith.constant 0 : i32
      %dma_start3A_282 = tpu.memref_slice %arg4[%add3A_212, %dma_start3A_281] : memref<4096x32xi32, #tpu.memory_space<hbm>> -> memref<32x32xi32, #tpu.memory_space<hbm>>
      %dma_start3A_283 = arith.constant 0 : i32
      %dma_start3A_284 = tpu.memref_slice %arg4[%add3A_212, %dma_start3A_283] : memref<4096x32xi32, #tpu.memory_space<hbm>> -> memref<32x32xi32, #tpu.memory_space<hbm>>
      tpu.enqueue_dma source(%dma_start3A_284 : memref<32x32xi32, #tpu.memory_space<hbm>>) target(%arg9 : memref<32x32xi32, #tpu.memory_space<vmem>>) target_semaphore(%run_scoped3A : memref<!tpu.dma_semaphore, #tpu.memory_space<semaphore_mem>>)
      %dma_wait3A = arith.constant 0 : i32
      %dma_wait3A_285 = tpu.memref_slice %arg4[%add3A_212, %dma_wait3A] : memref<4096x32xi32, #tpu.memory_space<hbm>> -> memref<32x32xi32, #tpu.memory_space<hbm>>
      %dma_wait3A_286 = arith.constant 0 : i32
      %dma_wait3A_287 = tpu.memref_slice %arg4[%add3A_212, %dma_wait3A_286] : memref<4096x32xi32, #tpu.memory_space<hbm>> -> memref<32x32xi32, #tpu.memory_space<hbm>>
      tpu.wait_dma2 semaphore(%run_scoped3A : memref<!tpu.dma_semaphore, #tpu.memory_space<semaphore_mem>>) src(%dma_wait3A_287 : memref<32x32xi32, #tpu.memory_space<hbm>>) dst(%arg9 : memref<32x32xi32, #tpu.memory_space<vmem>>)
      tpu.yield
    }) : () -> ()
    %dma_start3A_213 = arith.constant 0 : i32
    %dma_start3A_214 = arith.constant 0 : i32
    %dma_start3A_215 = arith.constant 0 : i32
    %dma_start3A_216 = tpu.memref_slice %arg10[%dma_start3A_214, %dma_start3A_215] : memref<656x16xi32, #tpu.memory_space<vmem>> -> memref<128x16xi32, #tpu.memory_space<vmem>>
    %dma_start3A_217 = arith.constant 0 : i32
    %dma_start3A_218 = tpu.memref_slice %arg8[%dma_start3A_213, %dma_start3A_217] : memref<32x656xi32, #tpu.memory_space<vmem>> -> memref<1x128xi32, #tpu.memory_space<vmem>>
    %dma_start3A_219 = tpu.memref_squeeze %dma_start3A_218 : memref<1x128xi32, #tpu.memory_space<vmem>> -> memref<128xi32, #tpu.memory_space<vmem>>
    %dma_start3A_220 = arith.constant 0 : i32
    %dma_start3A_221 = arith.constant 0 : i32
    %dma_start3A_222 = tpu.memref_slice %arg2[%dma_start3A_220, %dma_start3A_221] : memref<676000x16xi32, #tpu.memory_space<hbm>> -> memref<676000x16xi32, #tpu.memory_space<hbm>>
    tpu.enqueue_indirect_dma source(%dma_start3A_222 : memref<676000x16xi32, #tpu.memory_space<hbm>>) target(%dma_start3A_216 : memref<128x16xi32, #tpu.memory_space<vmem>>) offsets(%dma_start3A_219 : memref<128xi32, #tpu.memory_space<vmem>>) semaphore(%arg15 : memref<!tpu.dma_semaphore, #tpu.memory_space<semaphore_mem>>)
    %dma_start3A_223 = arith.constant 0 : i32
    %dma_start3A_224 = arith.constant 128 : i32
    %dma_start3A_225 = arith.constant 0 : i32
    %dma_start3A_226 = tpu.memref_slice %arg10[%dma_start3A_224, %dma_start3A_225] : memref<656x16xi32, #tpu.memory_space<vmem>> -> memref<128x16xi32, #tpu.memory_space<vmem>>
    %dma_start3A_227 = arith.constant 128 : i32
    %dma_start3A_228 = tpu.memref_slice %arg8[%dma_start3A_223, %dma_start3A_227] : memref<32x656xi32, #tpu.memory_space<vmem>> -> memref<1x128xi32, #tpu.memory_space<vmem>>
    %dma_start3A_229 = tpu.memref_squeeze %dma_start3A_228 : memref<1x128xi32, #tpu.memory_space<vmem>> -> memref<128xi32, #tpu.memory_space<vmem>>
    %dma_start3A_230 = arith.constant 0 : i32
    %dma_start3A_231 = arith.constant 0 : i32
    %dma_start3A_232 = tpu.memref_slice %arg2[%dma_start3A_230, %dma_start3A_231] : memref<676000x16xi32, #tpu.memory_space<hbm>> -> memref<676000x16xi32, #tpu.memory_space<hbm>>
    tpu.enqueue_indirect_dma source(%dma_start3A_232 : memref<676000x16xi32, #tpu.memory_space<hbm>>) target(%dma_start3A_226 : memref<128x16xi32, #tpu.memory_space<vmem>>) offsets(%dma_start3A_229 : memref<128xi32, #tpu.memory_space<vmem>>) semaphore(%arg15 : memref<!tpu.dma_semaphore, #tpu.memory_space<semaphore_mem>>)
    %dma_start3A_233 = arith.constant 0 : i32
    %dma_start3A_234 = arith.constant 256 : i32
    %dma_start3A_235 = arith.constant 0 : i32
    %dma_start3A_236 = tpu.memref_slice %arg10[%dma_start3A_234, %dma_start3A_235] : memref<656x16xi32, #tpu.memory_space<vmem>> -> memref<128x16xi32, #tpu.memory_space<vmem>>
    %dma_start3A_237 = arith.constant 256 : i32
    %dma_start3A_238 = tpu.memref_slice %arg8[%dma_start3A_233, %dma_start3A_237] : memref<32x656xi32, #tpu.memory_space<vmem>> -> memref<1x128xi32, #tpu.memory_space<vmem>>
    %dma_start3A_239 = tpu.memref_squeeze %dma_start3A_238 : memref<1x128xi32, #tpu.memory_space<vmem>> -> memref<128xi32, #tpu.memory_space<vmem>>
    %dma_start3A_240 = arith.constant 0 : i32
    %dma_start3A_241 = arith.constant 0 : i32
    %dma_start3A_242 = tpu.memref_slice %arg2[%dma_start3A_240, %dma_start3A_241] : memref<676000x16xi32, #tpu.memory_space<hbm>> -> memref<676000x16xi32, #tpu.memory_space<hbm>>
    tpu.enqueue_indirect_dma source(%dma_start3A_242 : memref<676000x16xi32, #tpu.memory_space<hbm>>) target(%dma_start3A_236 : memref<128x16xi32, #tpu.memory_space<vmem>>) offsets(%dma_start3A_239 : memref<128xi32, #tpu.memory_space<vmem>>) semaphore(%arg15 : memref<!tpu.dma_semaphore, #tpu.memory_space<semaphore_mem>>)
    %dma_start3A_243 = arith.constant 0 : i32
    %dma_start3A_244 = arith.constant 384 : i32
    %dma_start3A_245 = arith.constant 0 : i32
    %dma_start3A_246 = tpu.memref_slice %arg10[%dma_start3A_244, %dma_start3A_245] : memref<656x16xi32, #tpu.memory_space<vmem>> -> memref<128x16xi32, #tpu.memory_space<vmem>>
    %dma_start3A_247 = arith.constant 384 : i32
    %dma_start3A_248 = tpu.memref_slice %arg8[%dma_start3A_243, %dma_start3A_247] : memref<32x656xi32, #tpu.memory_space<vmem>> -> memref<1x128xi32, #tpu.memory_space<vmem>>
    %dma_start3A_249 = tpu.memref_squeeze %dma_start3A_248 : memref<1x128xi32, #tpu.memory_space<vmem>> -> memref<128xi32, #tpu.memory_space<vmem>>
    %dma_start3A_250 = arith.constant 0 : i32
    %dma_start3A_251 = arith.constant 0 : i32
    %dma_start3A_252 = tpu.memref_slice %arg2[%dma_start3A_250, %dma_start3A_251] : memref<676000x16xi32, #tpu.memory_space<hbm>> -> memref<676000x16xi32, #tpu.memory_space<hbm>>
    tpu.enqueue_indirect_dma source(%dma_start3A_252 : memref<676000x16xi32, #tpu.memory_space<hbm>>) target(%dma_start3A_246 : memref<128x16xi32, #tpu.memory_space<vmem>>) offsets(%dma_start3A_249 : memref<128xi32, #tpu.memory_space<vmem>>) semaphore(%arg15 : memref<!tpu.dma_semaphore, #tpu.memory_space<semaphore_mem>>)
    %dma_start3A_253 = arith.constant 0 : i32
    %dma_start3A_254 = arith.constant 512 : i32
    %dma_start3A_255 = arith.constant 0 : i32
    %dma_start3A_256 = tpu.memref_slice %arg10[%dma_start3A_254, %dma_start3A_255] : memref<656x16xi32, #tpu.memory_space<vmem>> -> memref<128x16xi32, #tpu.memory_space<vmem>>
    %dma_start3A_257 = arith.constant 512 : i32
    %dma_start3A_258 = tpu.memref_slice %arg8[%dma_start3A_253, %dma_start3A_257] : memref<32x656xi32, #tpu.memory_space<vmem>> -> memref<1x128xi32, #tpu.memory_space<vmem>>
    %dma_start3A_259 = tpu.memref_squeeze %dma_start3A_258 : memref<1x128xi32, #tpu.memory_space<vmem>> -> memref<128xi32, #tpu.memory_space<vmem>>
    %dma_start3A_260 = arith.constant 0 : i32
    %dma_start3A_261 = arith.constant 0 : i32
    %dma_start3A_262 = tpu.memref_slice %arg2[%dma_start3A_260, %dma_start3A_261] : memref<676000x16xi32, #tpu.memory_space<hbm>> -> memref<676000x16xi32, #tpu.memory_space<hbm>>
    tpu.enqueue_indirect_dma source(%dma_start3A_262 : memref<676000x16xi32, #tpu.memory_space<hbm>>) target(%dma_start3A_256 : memref<128x16xi32, #tpu.memory_space<vmem>>) offsets(%dma_start3A_259 : memref<128xi32, #tpu.memory_space<vmem>>) semaphore(%arg15 : memref<!tpu.dma_semaphore, #tpu.memory_space<semaphore_mem>>)
    %dma_start3A_263 = arith.constant 0 : i32
    %dma_start3A_264 = arith.constant 640 : i32
    %dma_start3A_265 = arith.constant 0 : i32
    %dma_start3A_266 = tpu.memref_slice %arg10[%dma_start3A_264, %dma_start3A_265] : memref<656x16xi32, #tpu.memory_space<vmem>> -> memref<16x16xi32, #tpu.memory_space<vmem>>
    %dma_start3A_267 = arith.constant 640 : i32
    %dma_start3A_268 = tpu.memref_slice %arg8[%dma_start3A_263, %dma_start3A_267] : memref<32x656xi32, #tpu.memory_space<vmem>> -> memref<1x16xi32, #tpu.memory_space<vmem>>
    %dma_start3A_269 = tpu.memref_squeeze %dma_start3A_268 : memref<1x16xi32, #tpu.memory_space<vmem>> -> memref<16xi32, #tpu.memory_space<vmem>>
    %dma_start3A_270 = arith.constant 0 : i32
    %dma_start3A_271 = arith.constant 0 : i32
    %dma_start3A_272 = tpu.memref_slice %arg2[%dma_start3A_270, %dma_start3A_271] : memref<676000x16xi32, #tpu.memory_space<hbm>> -> memref<676000x16xi32, #tpu.memory_space<hbm>>
    tpu.enqueue_indirect_dma source(%dma_start3A_272 : memref<676000x16xi32, #tpu.memory_space<hbm>>) target(%dma_start3A_266 : memref<16x16xi32, #tpu.memory_space<vmem>>) offsets(%dma_start3A_269 : memref<16xi32, #tpu.memory_space<vmem>>) semaphore(%arg15 : memref<!tpu.dma_semaphore, #tpu.memory_space<semaphore_mem>>)
    %broadcast_in_dim3A_273 = arith.constant 0.000000e+00 : f32
    %broadcast_in_dim3A_274 = vector.broadcast %broadcast_in_dim3A_273 : f32 to vector<16xf32>
    %scan3A_275 = arith.constant 0 : i32
    %scan3A_276 = arith.constant 16 : i32
    %scan3A_277 = arith.addi %scan3A_275, %scan3A_276 : i32
    %scan3A_278 = arith.constant 1 : i32
    %scan3A_279 = scf.for %scan3A_281 = %scan3A_275 to %scan3A_277 step %scan3A_278 iter_args(%scan3A_282 = %broadcast_in_dim3A_274) -> (vector<16xf32>)  : i32 {
      %mul3A_283 = arith.constant 2 : i32
      %mul3A_284 = arith.muli %mul3A_283, %scan3A_281 : i32
      %add3A_285 = arith.constant 1 : i32
      %add3A_286 = arith.addi %mul3A_284, %add3A_285 : i32
      %dma_start3A_287 = arith.constant 0 : i32
      %dma_start3A_288 = arith.constant 0 : i32
      %dma_start3A_289 = tpu.memref_slice %arg11[%dma_start3A_287, %dma_start3A_288] : memref<656x16xi32, #tpu.memory_space<vmem>> -> memref<128x16xi32, #tpu.memory_space<vmem>>
      %dma_start3A_290 = arith.constant 0 : i32
      %dma_start3A_291 = tpu.memref_slice %arg8[%add3A_286, %dma_start3A_290] : memref<32x656xi32, #tpu.memory_space<vmem>> -> memref<1x128xi32, #tpu.memory_space<vmem>>
      %dma_start3A_292 = tpu.memref_squeeze %dma_start3A_291 : memref<1x128xi32, #tpu.memory_space<vmem>> -> memref<128xi32, #tpu.memory_space<vmem>>
      %dma_start3A_293 = arith.constant 0 : i32
      %dma_start3A_294 = arith.constant 0 : i32
      %dma_start3A_295 = tpu.memref_slice %arg2[%dma_start3A_293, %dma_start3A_294] : memref<676000x16xi32, #tpu.memory_space<hbm>> -> memref<676000x16xi32, #tpu.memory_space<hbm>>
      tpu.enqueue_indirect_dma source(%dma_start3A_295 : memref<676000x16xi32, #tpu.memory_space<hbm>>) target(%dma_start3A_289 : memref<128x16xi32, #tpu.memory_space<vmem>>) offsets(%dma_start3A_292 : memref<128xi32, #tpu.memory_space<vmem>>) semaphore(%arg16 : memref<!tpu.dma_semaphore, #tpu.memory_space<semaphore_mem>>)
      %dma_start3A_296 = arith.constant 128 : i32
      %dma_start3A_297 = arith.constant 0 : i32
      %dma_start3A_298 = tpu.memref_slice %arg11[%dma_start3A_296, %dma_start3A_297] : memref<656x16xi32, #tpu.memory_space<vmem>> -> memref<128x16xi32, #tpu.memory_space<vmem>>
      %dma_start3A_299 = arith.constant 128 : i32
      %dma_start3A_300 = tpu.memref_slice %arg8[%add3A_286, %dma_start3A_299] : memref<32x656xi32, #tpu.memory_space<vmem>> -> memref<1x128xi32, #tpu.memory_space<vmem>>
      %dma_start3A_301 = tpu.memref_squeeze %dma_start3A_300 : memref<1x128xi32, #tpu.memory_space<vmem>> -> memref<128xi32, #tpu.memory_space<vmem>>
      %dma_start3A_302 = arith.constant 0 : i32
      %dma_start3A_303 = arith.constant 0 : i32
      %dma_start3A_304 = tpu.memref_slice %arg2[%dma_start3A_302, %dma_start3A_303] : memref<676000x16xi32, #tpu.memory_space<hbm>> -> memref<676000x16xi32, #tpu.memory_space<hbm>>
      tpu.enqueue_indirect_dma source(%dma_start3A_304 : memref<676000x16xi32, #tpu.memory_space<hbm>>) target(%dma_start3A_298 : memref<128x16xi32, #tpu.memory_space<vmem>>) offsets(%dma_start3A_301 : memref<128xi32, #tpu.memory_space<vmem>>) semaphore(%arg16 : memref<!tpu.dma_semaphore, #tpu.memory_space<semaphore_mem>>)
      %dma_start3A_305 = arith.constant 256 : i32
      %dma_start3A_306 = arith.constant 0 : i32
      %dma_start3A_307 = tpu.memref_slice %arg11[%dma_start3A_305, %dma_start3A_306] : memref<656x16xi32, #tpu.memory_space<vmem>> -> memref<128x16xi32, #tpu.memory_space<vmem>>
      %dma_start3A_308 = arith.constant 256 : i32
      %dma_start3A_309 = tpu.memref_slice %arg8[%add3A_286, %dma_start3A_308] : memref<32x656xi32, #tpu.memory_space<vmem>> -> memref<1x128xi32, #tpu.memory_space<vmem>>
      %dma_start3A_310 = tpu.memref_squeeze %dma_start3A_309 : memref<1x128xi32, #tpu.memory_space<vmem>> -> memref<128xi32, #tpu.memory_space<vmem>>
      %dma_start3A_311 = arith.constant 0 : i32
      %dma_start3A_312 = arith.constant 0 : i32
      %dma_start3A_313 = tpu.memref_slice %arg2[%dma_start3A_311, %dma_start3A_312] : memref<676000x16xi32, #tpu.memory_space<hbm>> -> memref<676000x16xi32, #tpu.memory_space<hbm>>
      tpu.enqueue_indirect_dma source(%dma_start3A_313 : memref<676000x16xi32, #tpu.memory_space<hbm>>) target(%dma_start3A_307 : memref<128x16xi32, #tpu.memory_space<vmem>>) offsets(%dma_start3A_310 : memref<128xi32, #tpu.memory_space<vmem>>) semaphore(%arg16 : memref<!tpu.dma_semaphore, #tpu.memory_space<semaphore_mem>>)
      %dma_start3A_314 = arith.constant 384 : i32
      %dma_start3A_315 = arith.constant 0 : i32
      %dma_start3A_316 = tpu.memref_slice %arg11[%dma_start3A_314, %dma_start3A_315] : memref<656x16xi32, #tpu.memory_space<vmem>> -> memref<128x16xi32, #tpu.memory_space<vmem>>
      %dma_start3A_317 = arith.constant 384 : i32
      %dma_start3A_318 = tpu.memref_slice %arg8[%add3A_286, %dma_start3A_317] : memref<32x656xi32, #tpu.memory_space<vmem>> -> memref<1x128xi32, #tpu.memory_space<vmem>>
      %dma_start3A_319 = tpu.memref_squeeze %dma_start3A_318 : memref<1x128xi32, #tpu.memory_space<vmem>> -> memref<128xi32, #tpu.memory_space<vmem>>
      %dma_start3A_320 = arith.constant 0 : i32
      %dma_start3A_321 = arith.constant 0 : i32
      %dma_start3A_322 = tpu.memref_slice %arg2[%dma_start3A_320, %dma_start3A_321] : memref<676000x16xi32, #tpu.memory_space<hbm>> -> memref<676000x16xi32, #tpu.memory_space<hbm>>
      tpu.enqueue_indirect_dma source(%dma_start3A_322 : memref<676000x16xi32, #tpu.memory_space<hbm>>) target(%dma_start3A_316 : memref<128x16xi32, #tpu.memory_space<vmem>>) offsets(%dma_start3A_319 : memref<128xi32, #tpu.memory_space<vmem>>) semaphore(%arg16 : memref<!tpu.dma_semaphore, #tpu.memory_space<semaphore_mem>>)
      %dma_start3A_323 = arith.constant 512 : i32
      %dma_start3A_324 = arith.constant 0 : i32
      %dma_start3A_325 = tpu.memref_slice %arg11[%dma_start3A_323, %dma_start3A_324] : memref<656x16xi32, #tpu.memory_space<vmem>> -> memref<128x16xi32, #tpu.memory_space<vmem>>
      %dma_start3A_326 = arith.constant 512 : i32
      %dma_start3A_327 = tpu.memref_slice %arg8[%add3A_286, %dma_start3A_326] : memref<32x656xi32, #tpu.memory_space<vmem>> -> memref<1x128xi32, #tpu.memory_space<vmem>>
      %dma_start3A_328 = tpu.memref_squeeze %dma_start3A_327 : memref<1x128xi32, #tpu.memory_space<vmem>> -> memref<128xi32, #tpu.memory_space<vmem>>
      %dma_start3A_329 = arith.constant 0 : i32
      %dma_start3A_330 = arith.constant 0 : i32
      %dma_start3A_331 = tpu.memref_slice %arg2[%dma_start3A_329, %dma_start3A_330] : memref<676000x16xi32, #tpu.memory_space<hbm>> -> memref<676000x16xi32, #tpu.memory_space<hbm>>
      tpu.enqueue_indirect_dma source(%dma_start3A_331 : memref<676000x16xi32, #tpu.memory_space<hbm>>) target(%dma_start3A_325 : memref<128x16xi32, #tpu.memory_space<vmem>>) offsets(%dma_start3A_328 : memref<128xi32, #tpu.memory_space<vmem>>) semaphore(%arg16 : memref<!tpu.dma_semaphore, #tpu.memory_space<semaphore_mem>>)
      %dma_start3A_332 = arith.constant 640 : i32
      %dma_start3A_333 = arith.constant 0 : i32
      %dma_start3A_334 = tpu.memref_slice %arg11[%dma_start3A_332, %dma_start3A_333] : memref<656x16xi32, #tpu.memory_space<vmem>> -> memref<16x16xi32, #tpu.memory_space<vmem>>
      %dma_start3A_335 = arith.constant 640 : i32
      %dma_start3A_336 = tpu.memref_slice %arg8[%add3A_286, %dma_start3A_335] : memref<32x656xi32, #tpu.memory_space<vmem>> -> memref<1x16xi32, #tpu.memory_space<vmem>>
      %dma_start3A_337 = tpu.memref_squeeze %dma_start3A_336 : memref<1x16xi32, #tpu.memory_space<vmem>> -> memref<16xi32, #tpu.memory_space<vmem>>
      %dma_start3A_338 = arith.constant 0 : i32
      %dma_start3A_339 = arith.constant 0 : i32
      %dma_start3A_340 = tpu.memref_slice %arg2[%dma_start3A_338, %dma_start3A_339] : memref<676000x16xi32, #tpu.memory_space<hbm>> -> memref<676000x16xi32, #tpu.memory_space<hbm>>
      tpu.enqueue_indirect_dma source(%dma_start3A_340 : memref<676000x16xi32, #tpu.memory_space<hbm>>) target(%dma_start3A_334 : memref<16x16xi32, #tpu.memory_space<vmem>>) offsets(%dma_start3A_337 : memref<16xi32, #tpu.memory_space<vmem>>) semaphore(%arg16 : memref<!tpu.dma_semaphore, #tpu.memory_space<semaphore_mem>>)
      %dma_wait3A = arith.constant 0 : i32
      %dma_wait3A_341 = arith.constant 0 : i32
      %dma_wait3A_342 = arith.constant 0 : i32
      %dma_wait3A_343 = tpu.memref_slice %arg10[%dma_wait3A_341, %dma_wait3A_342] : memref<656x16xi32, #tpu.memory_space<vmem>> -> memref<128x16xi32, #tpu.memory_space<vmem>>
      %dma_wait3A_344 = arith.constant 0 : i32
      %dma_wait3A_345 = tpu.memref_slice %arg8[%dma_wait3A, %dma_wait3A_344] : memref<32x656xi32, #tpu.memory_space<vmem>> -> memref<1x128xi32, #tpu.memory_space<vmem>>
      %dma_wait3A_346 = tpu.memref_squeeze %dma_wait3A_345 : memref<1x128xi32, #tpu.memory_space<vmem>> -> memref<128xi32, #tpu.memory_space<vmem>>
      %dma_wait3A_347 = arith.constant 0 : i32
      %dma_wait3A_348 = arith.constant 0 : i32
      %dma_wait3A_349 = tpu.memref_slice %arg2[%dma_wait3A_347, %dma_wait3A_348] : memref<676000x16xi32, #tpu.memory_space<hbm>> -> memref<676000x16xi32, #tpu.memory_space<hbm>>
      tpu.wait_indirect_dma semaphore(%arg15 : memref<!tpu.dma_semaphore, #tpu.memory_space<semaphore_mem>>) src(%dma_wait3A_349 : memref<676000x16xi32, #tpu.memory_space<hbm>>) dst(%dma_wait3A_343 : memref<128x16xi32, #tpu.memory_space<vmem>>)
      %dma_wait3A_350 = arith.constant 0 : i32
      %dma_wait3A_351 = arith.constant 128 : i32
      %dma_wait3A_352 = arith.constant 0 : i32
      %dma_wait3A_353 = tpu.memref_slice %arg10[%dma_wait3A_351, %dma_wait3A_352] : memref<656x16xi32, #tpu.memory_space<vmem>> -> memref<128x16xi32, #tpu.memory_space<vmem>>
      %dma_wait3A_354 = arith.constant 128 : i32
      %dma_wait3A_355 = tpu.memref_slice %arg8[%dma_wait3A_350, %dma_wait3A_354] : memref<32x656xi32, #tpu.memory_space<vmem>> -> memref<1x128xi32, #tpu.memory_space<vmem>>
      %dma_wait3A_356 = tpu.memref_squeeze %dma_wait3A_355 : memref<1x128xi32, #tpu.memory_space<vmem>> -> memref<128xi32, #tpu.memory_space<vmem>>
      %dma_wait3A_357 = arith.constant 0 : i32
      %dma_wait3A_358 = arith.constant 0 : i32
      %dma_wait3A_359 = tpu.memref_slice %arg2[%dma_wait3A_357, %dma_wait3A_358] : memref<676000x16xi32, #tpu.memory_space<hbm>> -> memref<676000x16xi32, #tpu.memory_space<hbm>>
      tpu.wait_indirect_dma semaphore(%arg15 : memref<!tpu.dma_semaphore, #tpu.memory_space<semaphore_mem>>) src(%dma_wait3A_359 : memref<676000x16xi32, #tpu.memory_space<hbm>>) dst(%dma_wait3A_353 : memref<128x16xi32, #tpu.memory_space<vmem>>)
      %dma_wait3A_360 = arith.constant 0 : i32
      %dma_wait3A_361 = arith.constant 256 : i32
      %dma_wait3A_362 = arith.constant 0 : i32
      %dma_wait3A_363 = tpu.memref_slice %arg10[%dma_wait3A_361, %dma_wait3A_362] : memref<656x16xi32, #tpu.memory_space<vmem>> -> memref<128x16xi32, #tpu.memory_space<vmem>>
      %dma_wait3A_364 = arith.constant 256 : i32
      %dma_wait3A_365 = tpu.memref_slice %arg8[%dma_wait3A_360, %dma_wait3A_364] : memref<32x656xi32, #tpu.memory_space<vmem>> -> memref<1x128xi32, #tpu.memory_space<vmem>>
      %dma_wait3A_366 = tpu.memref_squeeze %dma_wait3A_365 : memref<1x128xi32, #tpu.memory_space<vmem>> -> memref<128xi32, #tpu.memory_space<vmem>>
      %dma_wait3A_367 = arith.constant 0 : i32
      %dma_wait3A_368 = arith.constant 0 : i32
      %dma_wait3A_369 = tpu.memref_slice %arg2[%dma_wait3A_367, %dma_wait3A_368] : memref<676000x16xi32, #tpu.memory_space<hbm>> -> memref<676000x16xi32, #tpu.memory_space<hbm>>
      tpu.wait_indirect_dma semaphore(%arg15 : memref<!tpu.dma_semaphore, #tpu.memory_space<semaphore_mem>>) src(%dma_wait3A_369 : memref<676000x16xi32, #tpu.memory_space<hbm>>) dst(%dma_wait3A_363 : memref<128x16xi32, #tpu.memory_space<vmem>>)
      %dma_wait3A_370 = arith.constant 0 : i32
      %dma_wait3A_371 = arith.constant 384 : i32
      %dma_wait3A_372 = arith.constant 0 : i32
      %dma_wait3A_373 = tpu.memref_slice %arg10[%dma_wait3A_371, %dma_wait3A_372] : memref<656x16xi32, #tpu.memory_space<vmem>> -> memref<128x16xi32, #tpu.memory_space<vmem>>
      %dma_wait3A_374 = arith.constant 384 : i32
      %dma_wait3A_375 = tpu.memref_slice %arg8[%dma_wait3A_370, %dma_wait3A_374] : memref<32x656xi32, #tpu.memory_space<vmem>> -> memref<1x128xi32, #tpu.memory_space<vmem>>
      %dma_wait3A_376 = tpu.memref_squeeze %dma_wait3A_375 : memref<1x128xi32, #tpu.memory_space<vmem>> -> memref<128xi32, #tpu.memory_space<vmem>>
      %dma_wait3A_377 = arith.constant 0 : i32
      %dma_wait3A_378 = arith.constant 0 : i32
      %dma_wait3A_379 = tpu.memref_slice %arg2[%dma_wait3A_377, %dma_wait3A_378] : memref<676000x16xi32, #tpu.memory_space<hbm>> -> memref<676000x16xi32, #tpu.memory_space<hbm>>
      tpu.wait_indirect_dma semaphore(%arg15 : memref<!tpu.dma_semaphore, #tpu.memory_space<semaphore_mem>>) src(%dma_wait3A_379 : memref<676000x16xi32, #tpu.memory_space<hbm>>) dst(%dma_wait3A_373 : memref<128x16xi32, #tpu.memory_space<vmem>>)
      %dma_wait3A_380 = arith.constant 0 : i32
      %dma_wait3A_381 = arith.constant 512 : i32
      %dma_wait3A_382 = arith.constant 0 : i32
      %dma_wait3A_383 = tpu.memref_slice %arg10[%dma_wait3A_381, %dma_wait3A_382] : memref<656x16xi32, #tpu.memory_space<vmem>> -> memref<128x16xi32, #tpu.memory_space<vmem>>
      %dma_wait3A_384 = arith.constant 512 : i32
      %dma_wait3A_385 = tpu.memref_slice %arg8[%dma_wait3A_380, %dma_wait3A_384] : memref<32x656xi32, #tpu.memory_space<vmem>> -> memref<1x128xi32, #tpu.memory_space<vmem>>
      %dma_wait3A_386 = tpu.memref_squeeze %dma_wait3A_385 : memref<1x128xi32, #tpu.memory_space<vmem>> -> memref<128xi32, #tpu.memory_space<vmem>>
      %dma_wait3A_387 = arith.constant 0 : i32
      %dma_wait3A_388 = arith.constant 0 : i32
      %dma_wait3A_389 = tpu.memref_slice %arg2[%dma_wait3A_387, %dma_wait3A_388] : memref<676000x16xi32, #tpu.memory_space<hbm>> -> memref<676000x16xi32, #tpu.memory_space<hbm>>
      tpu.wait_indirect_dma semaphore(%arg15 : memref<!tpu.dma_semaphore, #tpu.memory_space<semaphore_mem>>) src(%dma_wait3A_389 : memref<676000x16xi32, #tpu.memory_space<hbm>>) dst(%dma_wait3A_383 : memref<128x16xi32, #tpu.memory_space<vmem>>)
      %dma_wait3A_390 = arith.constant 0 : i32
      %dma_wait3A_391 = arith.constant 640 : i32
      %dma_wait3A_392 = arith.constant 0 : i32
      %dma_wait3A_393 = tpu.memref_slice %arg10[%dma_wait3A_391, %dma_wait3A_392] : memref<656x16xi32, #tpu.memory_space<vmem>> -> memref<16x16xi32, #tpu.memory_space<vmem>>
      %dma_wait3A_394 = arith.constant 640 : i32
      %dma_wait3A_395 = tpu.memref_slice %arg8[%dma_wait3A_390, %dma_wait3A_394] : memref<32x656xi32, #tpu.memory_space<vmem>> -> memref<1x16xi32, #tpu.memory_space<vmem>>
      %dma_wait3A_396 = tpu.memref_squeeze %dma_wait3A_395 : memref<1x16xi32, #tpu.memory_space<vmem>> -> memref<16xi32, #tpu.memory_space<vmem>>
      %dma_wait3A_397 = arith.constant 0 : i32
      %dma_wait3A_398 = arith.constant 0 : i32
      %dma_wait3A_399 = tpu.memref_slice %arg2[%dma_wait3A_397, %dma_wait3A_398] : memref<676000x16xi32, #tpu.memory_space<hbm>> -> memref<676000x16xi32, #tpu.memory_space<hbm>>
      tpu.wait_indirect_dma semaphore(%arg15 : memref<!tpu.dma_semaphore, #tpu.memory_space<semaphore_mem>>) src(%dma_wait3A_399 : memref<676000x16xi32, #tpu.memory_space<hbm>>) dst(%dma_wait3A_393 : memref<16x16xi32, #tpu.memory_space<vmem>>)
      %broadcast_in_dim3A_400 = arith.constant 0.000000e+00 : f32
      %broadcast_in_dim3A_401 = vector.broadcast %broadcast_in_dim3A_400 : f32 to vector<16xf32>
      %scan3A_402 = arith.constant 0 : i32
      %scan3A_403 = arith.constant 65 : i32
      %scan3A_404 = arith.addi %scan3A_402, %scan3A_403 : i32
      %scan3A_405 = arith.constant 1 : i32
      %scan3A_406 = scf.for %scan3A_531 = %scan3A_402 to %scan3A_404 step %scan3A_405 iter_args(%scan3A_532 = %broadcast_in_dim3A_401) -> (vector<16xf32>)  : i32 {
        %mul3A_533 = arith.constant 5 : i32
        %mul3A_534 = arith.muli %scan3A_531, %mul3A_533 : i32
        %add3A_535 = arith.constant 0 : i32
        %add3A_536 = arith.addi %mul3A_534, %add3A_535 : i32
        %mul3A_537 = arith.constant 2 : i32
        %mul3A_538 = arith.muli %mul3A_537, %add3A_536 : i32
        %get3A_539 = arith.index_cast %mul3A_538 : i32 to index
        %get3A_540 = arith.constant 0 : index
        %get3A_541 = tpu.vector_load %arg10[%get3A_539, %get3A_540] {strides = array<i32>} : memref<656x16xi32, #tpu.memory_space<vmem>>, vector<16xi32>,
        %bitcast3A = vector.bitcast %get3A_541 : vector<16xi32> to vector<32xbf16>
        %mul3A_542 = arith.constant 2 : i32
        %mul3A_543 = arith.muli %mul3A_542, %add3A_536 : i32
        %add3A_544 = arith.constant 1 : i32
        %add3A_545 = arith.addi %mul3A_543, %add3A_544 : i32
        %get3A_546 = arith.index_cast %add3A_545 : i32 to index
        %get3A_547 = arith.constant 0 : index
        %get3A_548 = tpu.vector_load %arg10[%get3A_546, %get3A_547] {strides = array<i32>} : memref<656x16xi32, #tpu.memory_space<vmem>>, vector<16xi32>,
        %bitcast3A_549 = vector.bitcast %get3A_548 : vector<16xi32> to vector<32xbf16>
        %unpack3A = tpu.unpack_subelements %bitcast3A, 0 {pack_format = #tpu.pack_format<interleaved>} : vector<32xbf16> -> vector<16xf32>
        %unpack3A_550 = tpu.unpack_subelements %bitcast3A, 1 {pack_format = #tpu.pack_format<interleaved>} : vector<32xbf16> -> vector<16xf32>
        %unpack3A_551 = tpu.unpack_subelements %bitcast3A_549, 0 {pack_format = #tpu.pack_format<interleaved>} : vector<32xbf16> -> vector<16xf32>
        %unpack3A_552 = tpu.unpack_subelements %bitcast3A_549, 1 {pack_format = #tpu.pack_format<interleaved>} : vector<32xbf16> -> vector<16xf32>
        %mul3A_553 = arith.mulf %unpack3A, %unpack3A_551 : vector<16xf32>
        %add3A_554 = arith.addf %scan3A_532, %mul3A_553 : vector<16xf32>
        %mul3A_555 = arith.mulf %unpack3A_550, %unpack3A_552 : vector<16xf32>
        %add3A_556 = arith.addf %add3A_554, %mul3A_555 : vector<16xf32>
        %mul3A_557 = arith.constant 5 : i32
        %mul3A_558 = arith.muli %scan3A_531, %mul3A_557 : i32
        %add3A_559 = arith.constant 1 : i32
        %add3A_560 = arith.addi %mul3A_558, %add3A_559 : i32
        %mul3A_561 = arith.constant 2 : i32
        %mul3A_562 = arith.muli %mul3A_561, %add3A_560 : i32
        %get3A_563 = arith.index_cast %mul3A_562 : i32 to index
        %get3A_564 = arith.constant 0 : index
        %get3A_565 = tpu.vector_load %arg10[%get3A_563, %get3A_564] {strides = array<i32>} : memref<656x16xi32, #tpu.memory_space<vmem>>, vector<16xi32>,
        %bitcast3A_566 = vector.bitcast %get3A_565 : vector<16xi32> to vector<32xbf16>
        %mul3A_567 = arith.constant 2 : i32
        %mul3A_568 = arith.muli %mul3A_567, %add3A_560 : i32
        %add3A_569 = arith.constant 1 : i32
        %add3A_570 = arith.addi %mul3A_568, %add3A_569 : i32
        %get3A_571 = arith.index_cast %add3A_570 : i32 to index
        %get3A_572 = arith.constant 0 : index
        %get3A_573 = tpu.vector_load %arg10[%get3A_571, %get3A_572] {strides = array<i32>} : memref<656x16xi32, #tpu.memory_space<vmem>>, vector<16xi32>,
        %bitcast3A_574 = vector.bitcast %get3A_573 : vector<16xi32> to vector<32xbf16>
        %unpack3A_575 = tpu.unpack_subelements %bitcast3A_566, 0 {pack_format = #tpu.pack_format<interleaved>} : vector<32xbf16> -> vector<16xf32>
        %unpack3A_576 = tpu.unpack_subelements %bitcast3A_566, 1 {pack_format = #tpu.pack_format<interleaved>} : vector<32xbf16> -> vector<16xf32>
        %unpack3A_577 = tpu.unpack_subelements %bitcast3A_574, 0 {pack_format = #tpu.pack_format<interleaved>} : vector<32xbf16> -> vector<16xf32>
        %unpack3A_578 = tpu.unpack_subelements %bitcast3A_574, 1 {pack_format = #tpu.pack_format<interleaved>} : vector<32xbf16> -> vector<16xf32>
        %mul3A_579 = arith.mulf %unpack3A_575, %unpack3A_577 : vector<16xf32>
        %add3A_580 = arith.addf %add3A_556, %mul3A_579 : vector<16xf32>
        %mul3A_581 = arith.mulf %unpack3A_576, %unpack3A_578 : vector<16xf32>
        %add3A_582 = arith.addf %add3A_580, %mul3A_581 : vector<16xf32>
        %mul3A_583 = arith.constant 5 : i32
        %mul3A_584 = arith.muli %scan3A_531, %mul3A_583 : i32
        %add3A_585 = arith.constant 2 : i32
        %add3A_586 = arith.addi %mul3A_584, %add3A_585 : i32
        %mul3A_587 = arith.constant 2 : i32
        %mul3A_588 = arith.muli %mul3A_587, %add3A_586 : i32
        %get3A_589 = arith.index_cast %mul3A_588 : i32 to index
        %get3A_590 = arith.constant 0 : index
        %get3A_591 = tpu.vector_load %arg10[%get3A_589, %get3A_590] {strides = array<i32>} : memref<656x16xi32, #tpu.memory_space<vmem>>, vector<16xi32>,
        %bitcast3A_592 = vector.bitcast %get3A_591 : vector<16xi32> to vector<32xbf16>
        %mul3A_593 = arith.constant 2 : i32
        %mul3A_594 = arith.muli %mul3A_593, %add3A_586 : i32
        %add3A_595 = arith.constant 1 : i32
        %add3A_596 = arith.addi %mul3A_594, %add3A_595 : i32
        %get3A_597 = arith.index_cast %add3A_596 : i32 to index
        %get3A_598 = arith.constant 0 : index
        %get3A_599 = tpu.vector_load %arg10[%get3A_597, %get3A_598] {strides = array<i32>} : memref<656x16xi32, #tpu.memory_space<vmem>>, vector<16xi32>,
        %bitcast3A_600 = vector.bitcast %get3A_599 : vector<16xi32> to vector<32xbf16>
        %unpack3A_601 = tpu.unpack_subelements %bitcast3A_592, 0 {pack_format = #tpu.pack_format<interleaved>} : vector<32xbf16> -> vector<16xf32>
        %unpack3A_602 = tpu.unpack_subelements %bitcast3A_592, 1 {pack_format = #tpu.pack_format<interleaved>} : vector<32xbf16> -> vector<16xf32>
        %unpack3A_603 = tpu.unpack_subelements %bitcast3A_600, 0 {pack_format = #tpu.pack_format<interleaved>} : vector<32xbf16> -> vector<16xf32>
        %unpack3A_604 = tpu.unpack_subelements %bitcast3A_600, 1 {pack_format = #tpu.pack_format<interleaved>} : vector<32xbf16> -> vector<16xf32>
        %mul3A_605 = arith.mulf %unpack3A_601, %unpack3A_603 : vector<16xf32>
        %add3A_606 = arith.addf %add3A_582, %mul3A_605 : vector<16xf32>
        %mul3A_607 = arith.mulf %unpack3A_602, %unpack3A_604 : vector<16xf32>
        %add3A_608 = arith.addf %add3A_606, %mul3A_607 : vector<16xf32>
        %mul3A_609 = arith.constant 5 : i32
        %mul3A_610 = arith.muli %scan3A_531, %mul3A_609 : i32
        %add3A_611 = arith.constant 3 : i32
        %add3A_612 = arith.addi %mul3A_610, %add3A_611 : i32
        %mul3A_613 = arith.constant 2 : i32
        %mul3A_614 = arith.muli %mul3A_613, %add3A_612 : i32
        %get3A_615 = arith.index_cast %mul3A_614 : i32 to index
        %get3A_616 = arith.constant 0 : index
        %get3A_617 = tpu.vector_load %arg10[%get3A_615, %get3A_616] {strides = array<i32>} : memref<656x16xi32, #tpu.memory_space<vmem>>, vector<16xi32>,
        %bitcast3A_618 = vector.bitcast %get3A_617 : vector<16xi32> to vector<32xbf16>
        %mul3A_619 = arith.constant 2 : i32
        %mul3A_620 = arith.muli %mul3A_619, %add3A_612 : i32
        %add3A_621 = arith.constant 1 : i32
        %add3A_622 = arith.addi %mul3A_620, %add3A_621 : i32
        %get3A_623 = arith.index_cast %add3A_622 : i32 to index
        %get3A_624 = arith.constant 0 : index
        %get3A_625 = tpu.vector_load %arg10[%get3A_623, %get3A_624] {strides = array<i32>} : memref<656x16xi32, #tpu.memory_space<vmem>>, vector<16xi32>,
        %bitcast3A_626 = vector.bitcast %get3A_625 : vector<16xi32> to vector<32xbf16>
        %unpack3A_627 = tpu.unpack_subelements %bitcast3A_618, 0 {pack_format = #tpu.pack_format<interleaved>} : vector<32xbf16> -> vector<16xf32>
        %unpack3A_628 = tpu.unpack_subelements %bitcast3A_618, 1 {pack_format = #tpu.pack_format<interleaved>} : vector<32xbf16> -> vector<16xf32>
        %unpack3A_629 = tpu.unpack_subelements %bitcast3A_626, 0 {pack_format = #tpu.pack_format<interleaved>} : vector<32xbf16> -> vector<16xf32>
        %unpack3A_630 = tpu.unpack_subelements %bitcast3A_626, 1 {pack_format = #tpu.pack_format<interleaved>} : vector<32xbf16> -> vector<16xf32>
        %mul3A_631 = arith.mulf %unpack3A_627, %unpack3A_629 : vector<16xf32>
        %add3A_632 = arith.addf %add3A_608, %mul3A_631 : vector<16xf32>
        %mul3A_633 = arith.mulf %unpack3A_628, %unpack3A_630 : vector<16xf32>
        %add3A_634 = arith.addf %add3A_632, %mul3A_633 : vector<16xf32>
        %mul3A_635 = arith.constant 5 : i32
        %mul3A_636 = arith.muli %scan3A_531, %mul3A_635 : i32
        %add3A_637 = arith.constant 4 : i32
        %add3A_638 = arith.addi %mul3A_636, %add3A_637 : i32
        %mul3A_639 = arith.constant 2 : i32
        %mul3A_640 = arith.muli %mul3A_639, %add3A_638 : i32
        %get3A_641 = arith.index_cast %mul3A_640 : i32 to index
        %get3A_642 = arith.constant 0 : index
        %get3A_643 = tpu.vector_load %arg10[%get3A_641, %get3A_642] {strides = array<i32>} : memref<656x16xi32, #tpu.memory_space<vmem>>, vector<16xi32>,
        %bitcast3A_644 = vector.bitcast %get3A_643 : vector<16xi32> to vector<32xbf16>
        %mul3A_645 = arith.constant 2 : i32
        %mul3A_646 = arith.muli %mul3A_645, %add3A_638 : i32
        %add3A_647 = arith.constant 1 : i32
        %add3A_648 = arith.addi %mul3A_646, %add3A_647 : i32
        %get3A_649 = arith.index_cast %add3A_648 : i32 to index
        %get3A_650 = arith.constant 0 : index
        %get3A_651 = tpu.vector_load %arg10[%get3A_649, %get3A_650] {strides = array<i32>} : memref<656x16xi32, #tpu.memory_space<vmem>>, vector<16xi32>,
        %bitcast3A_652 = vector.bitcast %get3A_651 : vector<16xi32> to vector<32xbf16>
        %unpack3A_653 = tpu.unpack_subelements %bitcast3A_644, 0 {pack_format = #tpu.pack_format<interleaved>} : vector<32xbf16> -> vector<16xf32>
        %unpack3A_654 = tpu.unpack_subelements %bitcast3A_644, 1 {pack_format = #tpu.pack_format<interleaved>} : vector<32xbf16> -> vector<16xf32>
        %unpack3A_655 = tpu.unpack_subelements %bitcast3A_652, 0 {pack_format = #tpu.pack_format<interleaved>} : vector<32xbf16> -> vector<16xf32>
        %unpack3A_656 = tpu.unpack_subelements %bitcast3A_652, 1 {pack_format = #tpu.pack_format<interleaved>} : vector<32xbf16> -> vector<16xf32>
        %mul3A_657 = arith.mulf %unpack3A_653, %unpack3A_655 : vector<16xf32>
        %add3A_658 = arith.addf %add3A_634, %mul3A_657 : vector<16xf32>
        %mul3A_659 = arith.mulf %unpack3A_654, %unpack3A_656 : vector<16xf32>
        %add3A_660 = arith.addf %add3A_658, %mul3A_659 : vector<16xf32>
        scf.yield %add3A_660 : vector<16xf32>
      }
      %scan3A_407 = arith.constant 65 : i32
      %get3A_408 = arith.index_cast %mul3A_284 : i32 to index
      %get3A_409 = arith.constant 0 : index
      %get3A_410 = tpu.vector_load %arg9[%get3A_408, %get3A_409] {strides = array<i32>} : memref<32x32xi32, #tpu.memory_space<vmem>>, vector<16xi32>,
      %gather3A = tpu.vector_load_idx %arg12[%get3A_410] : memref<26008xf32, #tpu.memory_space<vmem>>[vector<16xi32>], vector<16xf32>,
      %get3A_411 = arith.index_cast %mul3A_284 : i32 to index
      %get3A_412 = arith.constant 16 : index
      %get3A_413 = tpu.vector_load %arg9[%get3A_411, %get3A_412] {strides = array<i32>} : memref<32x32xi32, #tpu.memory_space<vmem>>, vector<16xi32>,
      %gather3A_414 = tpu.vector_load_idx %arg12[%get3A_413] : memref<26008xf32, #tpu.memory_space<vmem>>[vector<16xi32>], vector<16xf32>,
      %add3A_415 = arith.addf %scan3A_406, %gather3A : vector<16xf32>
      %add3A_416 = arith.addf %add3A_415, %gather3A_414 : vector<16xf32>
      %reduce_sum3A = arith.constant true
      %reduce_sum3A_417 = vector.broadcast %reduce_sum3A : i1 to vector<16xi1>
      %reduce_sum3A_418 = tpu.scan <sum>, %add3A_416 masked %reduce_sum3A_417 : vector<16xf32>, vector<16xi1> -> vector<16xf32>
      %reduce_sum3A_419 = vector.extract %reduce_sum3A_418[15] : f32 from vector<16xf32>
      %slice3A = vector.extract_strided_slice %get3A_3 {offsets = [0], sizes = [1], strides = [1]} : vector<16xf32> to vector<1xf32>
      %squeeze3A = vector.extract %slice3A[0] : f32 from vector<1xf32>
      %add3A_420 = arith.addf %reduce_sum3A_419, %squeeze3A : f32
      %and3A = arith.constant 15 : i32
      %and3A_421 = arith.andi %mul3A_284, %and3A : i32
      %eq3A = vector.broadcast %and3A_421 : i32 to vector<16xi32>
      %eq3A_422 = arith.cmpi eq, %iota3A, %eq3A : vector<16xi32>
      %broadcast_in_dim3A_423 = vector.broadcast %add3A_420 : f32 to vector<16xf32>
      %select_n3A = arith.select %eq3A_422, %broadcast_in_dim3A_423, %scan3A_282 : vector<16xi1>, vector<16xf32>
      %and3A_424 = arith.constant 15 : i32
      %and3A_425 = arith.andi %mul3A_284, %and3A_424 : i32
      %eq3A_426 = arith.constant 15 : i32
      %eq3A_427 = arith.cmpi eq, %and3A_425, %eq3A_426 : i32
      %convert_element_type3A = arith.extui %eq3A_427 : i1 to i32
      %cond3A = arith.constant 0 : i32
      %cond3A_428 = arith.cmpi ne, %convert_element_type3A, %cond3A : i32
      scf.if %cond3A_428 {
        %add3A_531 = arith.constant 96 : i32
        %add3A_532 = arith.addi %add3A_531, %mul3A_284 : i32
        %sub3A = arith.constant 15 : i32
        %sub3A_533 = arith.subi %add3A_532, %sub3A : i32
        %swap3A = arith.index_cast %sub3A_533 : i32 to index
        %swap3A_534 = tpu.vector_load %arg14[%swap3A] {strides = array<i32>} : memref<128xf32, #tpu.memory_space<vmem>>, vector<16xf32>,
        tpu.vector_store %arg14[%swap3A], %select_n3A {strides = array<i32>} : memref<128xf32, #tpu.memory_space<vmem>>, vector<16xf32>,
      } else {
      }
      %lt3A = arith.constant 31 : i32
      %lt3A_429 = arith.cmpi slt, %add3A_286, %lt3A : i32
      %convert_element_type3A_430 = arith.extui %lt3A_429 : i1 to i32
      %cond3A_431 = arith.constant 0 : i32
      %cond3A_432 = arith.cmpi ne, %convert_element_type3A_430, %cond3A_431 : i32
      scf.if %cond3A_432 {
        %add3A_531 = arith.constant 2 : i32
        %add3A_532 = arith.addi %mul3A_284, %add3A_531 : i32
        %dma_start3A_533 = arith.constant 0 : i32
        %dma_start3A_534 = arith.constant 0 : i32
        %dma_start3A_535 = tpu.memref_slice %arg10[%dma_start3A_533, %dma_start3A_534] : memref<656x16xi32, #tpu.memory_space<vmem>> -> memref<128x16xi32, #tpu.memory_space<vmem>>
        %dma_start3A_536 = arith.constant 0 : i32
        %dma_start3A_537 = tpu.memref_slice %arg8[%add3A_532, %dma_start3A_536] : memref<32x656xi32, #tpu.memory_space<vmem>> -> memref<1x128xi32, #tpu.memory_space<vmem>>
        %dma_start3A_538 = tpu.memref_squeeze %dma_start3A_537 : memref<1x128xi32, #tpu.memory_space<vmem>> -> memref<128xi32, #tpu.memory_space<vmem>>
        %dma_start3A_539 = arith.constant 0 : i32
        %dma_start3A_540 = arith.constant 0 : i32
        %dma_start3A_541 = tpu.memref_slice %arg2[%dma_start3A_539, %dma_start3A_540] : memref<676000x16xi32, #tpu.memory_space<hbm>> -> memref<676000x16xi32, #tpu.memory_space<hbm>>
        tpu.enqueue_indirect_dma source(%dma_start3A_541 : memref<676000x16xi32, #tpu.memory_space<hbm>>) target(%dma_start3A_535 : memref<128x16xi32, #tpu.memory_space<vmem>>) offsets(%dma_start3A_538 : memref<128xi32, #tpu.memory_space<vmem>>) semaphore(%arg15 : memref<!tpu.dma_semaphore, #tpu.memory_space<semaphore_mem>>)
        %dma_start3A_542 = arith.constant 128 : i32
        %dma_start3A_543 = arith.constant 0 : i32
        %dma_start3A_544 = tpu.memref_slice %arg10[%dma_start3A_542, %dma_start3A_543] : memref<656x16xi32, #tpu.memory_space<vmem>> -> memref<128x16xi32, #tpu.memory_space<vmem>>
        %dma_start3A_545 = arith.constant 128 : i32
        %dma_start3A_546 = tpu.memref_slice %arg8[%add3A_532, %dma_start3A_545] : memref<32x656xi32, #tpu.memory_space<vmem>> -> memref<1x128xi32, #tpu.memory_space<vmem>>
        %dma_start3A_547 = tpu.memref_squeeze %dma_start3A_546 : memref<1x128xi32, #tpu.memory_space<vmem>> -> memref<128xi32, #tpu.memory_space<vmem>>
        %dma_start3A_548 = arith.constant 0 : i32
        %dma_start3A_549 = arith.constant 0 : i32
        %dma_start3A_550 = tpu.memref_slice %arg2[%dma_start3A_548, %dma_start3A_549] : memref<676000x16xi32, #tpu.memory_space<hbm>> -> memref<676000x16xi32, #tpu.memory_space<hbm>>
        tpu.enqueue_indirect_dma source(%dma_start3A_550 : memref<676000x16xi32, #tpu.memory_space<hbm>>) target(%dma_start3A_544 : memref<128x16xi32, #tpu.memory_space<vmem>>) offsets(%dma_start3A_547 : memref<128xi32, #tpu.memory_space<vmem>>) semaphore(%arg15 : memref<!tpu.dma_semaphore, #tpu.memory_space<semaphore_mem>>)
        %dma_start3A_551 = arith.constant 256 : i32
        %dma_start3A_552 = arith.constant 0 : i32
        %dma_start3A_553 = tpu.memref_slice %arg10[%dma_start3A_551, %dma_start3A_552] : memref<656x16xi32, #tpu.memory_space<vmem>> -> memref<128x16xi32, #tpu.memory_space<vmem>>
        %dma_start3A_554 = arith.constant 256 : i32
        %dma_start3A_555 = tpu.memref_slice %arg8[%add3A_532, %dma_start3A_554] : memref<32x656xi32, #tpu.memory_space<vmem>> -> memref<1x128xi32, #tpu.memory_space<vmem>>
        %dma_start3A_556 = tpu.memref_squeeze %dma_start3A_555 : memref<1x128xi32, #tpu.memory_space<vmem>> -> memref<128xi32, #tpu.memory_space<vmem>>
        %dma_start3A_557 = arith.constant 0 : i32
        %dma_start3A_558 = arith.constant 0 : i32
        %dma_start3A_559 = tpu.memref_slice %arg2[%dma_start3A_557, %dma_start3A_558] : memref<676000x16xi32, #tpu.memory_space<hbm>> -> memref<676000x16xi32, #tpu.memory_space<hbm>>
        tpu.enqueue_indirect_dma source(%dma_start3A_559 : memref<676000x16xi32, #tpu.memory_space<hbm>>) target(%dma_start3A_553 : memref<128x16xi32, #tpu.memory_space<vmem>>) offsets(%dma_start3A_556 : memref<128xi32, #tpu.memory_space<vmem>>) semaphore(%arg15 : memref<!tpu.dma_semaphore, #tpu.memory_space<semaphore_mem>>)
        %dma_start3A_560 = arith.constant 384 : i32
        %dma_start3A_561 = arith.constant 0 : i32
        %dma_start3A_562 = tpu.memref_slice %arg10[%dma_start3A_560, %dma_start3A_561] : memref<656x16xi32, #tpu.memory_space<vmem>> -> memref<128x16xi32, #tpu.memory_space<vmem>>
        %dma_start3A_563 = arith.constant 384 : i32
        %dma_start3A_564 = tpu.memref_slice %arg8[%add3A_532, %dma_start3A_563] : memref<32x656xi32, #tpu.memory_space<vmem>> -> memref<1x128xi32, #tpu.memory_space<vmem>>
        %dma_start3A_565 = tpu.memref_squeeze %dma_start3A_564 : memref<1x128xi32, #tpu.memory_space<vmem>> -> memref<128xi32, #tpu.memory_space<vmem>>
        %dma_start3A_566 = arith.constant 0 : i32
        %dma_start3A_567 = arith.constant 0 : i32
        %dma_start3A_568 = tpu.memref_slice %arg2[%dma_start3A_566, %dma_start3A_567] : memref<676000x16xi32, #tpu.memory_space<hbm>> -> memref<676000x16xi32, #tpu.memory_space<hbm>>
        tpu.enqueue_indirect_dma source(%dma_start3A_568 : memref<676000x16xi32, #tpu.memory_space<hbm>>) target(%dma_start3A_562 : memref<128x16xi32, #tpu.memory_space<vmem>>) offsets(%dma_start3A_565 : memref<128xi32, #tpu.memory_space<vmem>>) semaphore(%arg15 : memref<!tpu.dma_semaphore, #tpu.memory_space<semaphore_mem>>)
        %dma_start3A_569 = arith.constant 512 : i32
        %dma_start3A_570 = arith.constant 0 : i32
        %dma_start3A_571 = tpu.memref_slice %arg10[%dma_start3A_569, %dma_start3A_570] : memref<656x16xi32, #tpu.memory_space<vmem>> -> memref<128x16xi32, #tpu.memory_space<vmem>>
        %dma_start3A_572 = arith.constant 512 : i32
        %dma_start3A_573 = tpu.memref_slice %arg8[%add3A_532, %dma_start3A_572] : memref<32x656xi32, #tpu.memory_space<vmem>> -> memref<1x128xi32, #tpu.memory_space<vmem>>
        %dma_start3A_574 = tpu.memref_squeeze %dma_start3A_573 : memref<1x128xi32, #tpu.memory_space<vmem>> -> memref<128xi32, #tpu.memory_space<vmem>>
        %dma_start3A_575 = arith.constant 0 : i32
        %dma_start3A_576 = arith.constant 0 : i32
        %dma_start3A_577 = tpu.memref_slice %arg2[%dma_start3A_575, %dma_start3A_576] : memref<676000x16xi32, #tpu.memory_space<hbm>> -> memref<676000x16xi32, #tpu.memory_space<hbm>>
        tpu.enqueue_indirect_dma source(%dma_start3A_577 : memref<676000x16xi32, #tpu.memory_space<hbm>>) target(%dma_start3A_571 : memref<128x16xi32, #tpu.memory_space<vmem>>) offsets(%dma_start3A_574 : memref<128xi32, #tpu.memory_space<vmem>>) semaphore(%arg15 : memref<!tpu.dma_semaphore, #tpu.memory_space<semaphore_mem>>)
        %dma_start3A_578 = arith.constant 640 : i32
        %dma_start3A_579 = arith.constant 0 : i32
        %dma_start3A_580 = tpu.memref_slice %arg10[%dma_start3A_578, %dma_start3A_579] : memref<656x16xi32, #tpu.memory_space<vmem>> -> memref<16x16xi32, #tpu.memory_space<vmem>>
        %dma_start3A_581 = arith.constant 640 : i32
        %dma_start3A_582 = tpu.memref_slice %arg8[%add3A_532, %dma_start3A_581] : memref<32x656xi32, #tpu.memory_space<vmem>> -> memref<1x16xi32, #tpu.memory_space<vmem>>
        %dma_start3A_583 = tpu.memref_squeeze %dma_start3A_582 : memref<1x16xi32, #tpu.memory_space<vmem>> -> memref<16xi32, #tpu.memory_space<vmem>>
        %dma_start3A_584 = arith.constant 0 : i32
        %dma_start3A_585 = arith.constant 0 : i32
        %dma_start3A_586 = tpu.memref_slice %arg2[%dma_start3A_584, %dma_start3A_585] : memref<676000x16xi32, #tpu.memory_space<hbm>> -> memref<676000x16xi32, #tpu.memory_space<hbm>>
        tpu.enqueue_indirect_dma source(%dma_start3A_586 : memref<676000x16xi32, #tpu.memory_space<hbm>>) target(%dma_start3A_580 : memref<16x16xi32, #tpu.memory_space<vmem>>) offsets(%dma_start3A_583 : memref<16xi32, #tpu.memory_space<vmem>>) semaphore(%arg15 : memref<!tpu.dma_semaphore, #tpu.memory_space<semaphore_mem>>)
      } else {
      }
      %dma_wait3A_433 = arith.constant 0 : i32
      %dma_wait3A_434 = arith.constant 0 : i32
      %dma_wait3A_435 = arith.constant 0 : i32
      %dma_wait3A_436 = tpu.memref_slice %arg11[%dma_wait3A_434, %dma_wait3A_435] : memref<656x16xi32, #tpu.memory_space<vmem>> -> memref<128x16xi32, #tpu.memory_space<vmem>>
      %dma_wait3A_437 = arith.constant 0 : i32
      %dma_wait3A_438 = tpu.memref_slice %arg8[%dma_wait3A_433, %dma_wait3A_437] : memref<32x656xi32, #tpu.memory_space<vmem>> -> memref<1x128xi32, #tpu.memory_space<vmem>>
      %dma_wait3A_439 = tpu.memref_squeeze %dma_wait3A_438 : memref<1x128xi32, #tpu.memory_space<vmem>> -> memref<128xi32, #tpu.memory_space<vmem>>
      %dma_wait3A_440 = arith.constant 0 : i32
      %dma_wait3A_441 = arith.constant 0 : i32
      %dma_wait3A_442 = tpu.memref_slice %arg2[%dma_wait3A_440, %dma_wait3A_441] : memref<676000x16xi32, #tpu.memory_space<hbm>> -> memref<676000x16xi32, #tpu.memory_space<hbm>>
      tpu.wait_indirect_dma semaphore(%arg16 : memref<!tpu.dma_semaphore, #tpu.memory_space<semaphore_mem>>) src(%dma_wait3A_442 : memref<676000x16xi32, #tpu.memory_space<hbm>>) dst(%dma_wait3A_436 : memref<128x16xi32, #tpu.memory_space<vmem>>)
      %dma_wait3A_443 = arith.constant 0 : i32
      %dma_wait3A_444 = arith.constant 128 : i32
      %dma_wait3A_445 = arith.constant 0 : i32
      %dma_wait3A_446 = tpu.memref_slice %arg11[%dma_wait3A_444, %dma_wait3A_445] : memref<656x16xi32, #tpu.memory_space<vmem>> -> memref<128x16xi32, #tpu.memory_space<vmem>>
      %dma_wait3A_447 = arith.constant 128 : i32
      %dma_wait3A_448 = tpu.memref_slice %arg8[%dma_wait3A_443, %dma_wait3A_447] : memref<32x656xi32, #tpu.memory_space<vmem>> -> memref<1x128xi32, #tpu.memory_space<vmem>>
      %dma_wait3A_449 = tpu.memref_squeeze %dma_wait3A_448 : memref<1x128xi32, #tpu.memory_space<vmem>> -> memref<128xi32, #tpu.memory_space<vmem>>
      %dma_wait3A_450 = arith.constant 0 : i32
      %dma_wait3A_451 = arith.constant 0 : i32
      %dma_wait3A_452 = tpu.memref_slice %arg2[%dma_wait3A_450, %dma_wait3A_451] : memref<676000x16xi32, #tpu.memory_space<hbm>> -> memref<676000x16xi32, #tpu.memory_space<hbm>>
      tpu.wait_indirect_dma semaphore(%arg16 : memref<!tpu.dma_semaphore, #tpu.memory_space<semaphore_mem>>) src(%dma_wait3A_452 : memref<676000x16xi32, #tpu.memory_space<hbm>>) dst(%dma_wait3A_446 : memref<128x16xi32, #tpu.memory_space<vmem>>)
      %dma_wait3A_453 = arith.constant 0 : i32
      %dma_wait3A_454 = arith.constant 256 : i32
      %dma_wait3A_455 = arith.constant 0 : i32
      %dma_wait3A_456 = tpu.memref_slice %arg11[%dma_wait3A_454, %dma_wait3A_455] : memref<656x16xi32, #tpu.memory_space<vmem>> -> memref<128x16xi32, #tpu.memory_space<vmem>>
      %dma_wait3A_457 = arith.constant 256 : i32
      %dma_wait3A_458 = tpu.memref_slice %arg8[%dma_wait3A_453, %dma_wait3A_457] : memref<32x656xi32, #tpu.memory_space<vmem>> -> memref<1x128xi32, #tpu.memory_space<vmem>>
      %dma_wait3A_459 = tpu.memref_squeeze %dma_wait3A_458 : memref<1x128xi32, #tpu.memory_space<vmem>> -> memref<128xi32, #tpu.memory_space<vmem>>
      %dma_wait3A_460 = arith.constant 0 : i32
      %dma_wait3A_461 = arith.constant 0 : i32
      %dma_wait3A_462 = tpu.memref_slice %arg2[%dma_wait3A_460, %dma_wait3A_461] : memref<676000x16xi32, #tpu.memory_space<hbm>> -> memref<676000x16xi32, #tpu.memory_space<hbm>>
      tpu.wait_indirect_dma semaphore(%arg16 : memref<!tpu.dma_semaphore, #tpu.memory_space<semaphore_mem>>) src(%dma_wait3A_462 : memref<676000x16xi32, #tpu.memory_space<hbm>>) dst(%dma_wait3A_456 : memref<128x16xi32, #tpu.memory_space<vmem>>)
      %dma_wait3A_463 = arith.constant 0 : i32
      %dma_wait3A_464 = arith.constant 384 : i32
      %dma_wait3A_465 = arith.constant 0 : i32
      %dma_wait3A_466 = tpu.memref_slice %arg11[%dma_wait3A_464, %dma_wait3A_465] : memref<656x16xi32, #tpu.memory_space<vmem>> -> memref<128x16xi32, #tpu.memory_space<vmem>>
      %dma_wait3A_467 = arith.constant 384 : i32
      %dma_wait3A_468 = tpu.memref_slice %arg8[%dma_wait3A_463, %dma_wait3A_467] : memref<32x656xi32, #tpu.memory_space<vmem>> -> memref<1x128xi32, #tpu.memory_space<vmem>>
      %dma_wait3A_469 = tpu.memref_squeeze %dma_wait3A_468 : memref<1x128xi32, #tpu.memory_space<vmem>> -> memref<128xi32, #tpu.memory_space<vmem>>
      %dma_wait3A_470 = arith.constant 0 : i32
      %dma_wait3A_471 = arith.constant 0 : i32
      %dma_wait3A_472 = tpu.memref_slice %arg2[%dma_wait3A_470, %dma_wait3A_471] : memref<676000x16xi32, #tpu.memory_space<hbm>> -> memref<676000x16xi32, #tpu.memory_space<hbm>>
      tpu.wait_indirect_dma semaphore(%arg16 : memref<!tpu.dma_semaphore, #tpu.memory_space<semaphore_mem>>) src(%dma_wait3A_472 : memref<676000x16xi32, #tpu.memory_space<hbm>>) dst(%dma_wait3A_466 : memref<128x16xi32, #tpu.memory_space<vmem>>)
      %dma_wait3A_473 = arith.constant 0 : i32
      %dma_wait3A_474 = arith.constant 512 : i32
      %dma_wait3A_475 = arith.constant 0 : i32
      %dma_wait3A_476 = tpu.memref_slice %arg11[%dma_wait3A_474, %dma_wait3A_475] : memref<656x16xi32, #tpu.memory_space<vmem>> -> memref<128x16xi32, #tpu.memory_space<vmem>>
      %dma_wait3A_477 = arith.constant 512 : i32
      %dma_wait3A_478 = tpu.memref_slice %arg8[%dma_wait3A_473, %dma_wait3A_477] : memref<32x656xi32, #tpu.memory_space<vmem>> -> memref<1x128xi32, #tpu.memory_space<vmem>>
      %dma_wait3A_479 = tpu.memref_squeeze %dma_wait3A_478 : memref<1x128xi32, #tpu.memory_space<vmem>> -> memref<128xi32, #tpu.memory_space<vmem>>
      %dma_wait3A_480 = arith.constant 0 : i32
      %dma_wait3A_481 = arith.constant 0 : i32
      %dma_wait3A_482 = tpu.memref_slice %arg2[%dma_wait3A_480, %dma_wait3A_481] : memref<676000x16xi32, #tpu.memory_space<hbm>> -> memref<676000x16xi32, #tpu.memory_space<hbm>>
      tpu.wait_indirect_dma semaphore(%arg16 : memref<!tpu.dma_semaphore, #tpu.memory_space<semaphore_mem>>) src(%dma_wait3A_482 : memref<676000x16xi32, #tpu.memory_space<hbm>>) dst(%dma_wait3A_476 : memref<128x16xi32, #tpu.memory_space<vmem>>)
      %dma_wait3A_483 = arith.constant 0 : i32
      %dma_wait3A_484 = arith.constant 640 : i32
      %dma_wait3A_485 = arith.constant 0 : i32
      %dma_wait3A_486 = tpu.memref_slice %arg11[%dma_wait3A_484, %dma_wait3A_485] : memref<656x16xi32, #tpu.memory_space<vmem>> -> memref<16x16xi32, #tpu.memory_space<vmem>>
      %dma_wait3A_487 = arith.constant 640 : i32
      %dma_wait3A_488 = tpu.memref_slice %arg8[%dma_wait3A_483, %dma_wait3A_487] : memref<32x656xi32, #tpu.memory_space<vmem>> -> memref<1x16xi32, #tpu.memory_space<vmem>>
      %dma_wait3A_489 = tpu.memref_squeeze %dma_wait3A_488 : memref<1x16xi32, #tpu.memory_space<vmem>> -> memref<16xi32, #tpu.memory_space<vmem>>
      %dma_wait3A_490 = arith.constant 0 : i32
      %dma_wait3A_491 = arith.constant 0 : i32
      %dma_wait3A_492 = tpu.memref_slice %arg2[%dma_wait3A_490, %dma_wait3A_491] : memref<676000x16xi32, #tpu.memory_space<hbm>> -> memref<676000x16xi32, #tpu.memory_space<hbm>>
      tpu.wait_indirect_dma semaphore(%arg16 : memref<!tpu.dma_semaphore, #tpu.memory_space<semaphore_mem>>) src(%dma_wait3A_492 : memref<676000x16xi32, #tpu.memory_space<hbm>>) dst(%dma_wait3A_486 : memref<16x16xi32, #tpu.memory_space<vmem>>)
      %broadcast_in_dim3A_493 = arith.constant 0.000000e+00 : f32
      %broadcast_in_dim3A_494 = vector.broadcast %broadcast_in_dim3A_493 : f32 to vector<16xf32>
      %scan3A_495 = arith.constant 0 : i32
      %scan3A_496 = arith.constant 65 : i32
      %scan3A_497 = arith.addi %scan3A_495, %scan3A_496 : i32
      %scan3A_498 = arith.constant 1 : i32
      %scan3A_499 = scf.for %scan3A_531 = %scan3A_495 to %scan3A_497 step %scan3A_498 iter_args(%scan3A_532 = %broadcast_in_dim3A_494) -> (vector<16xf32>)  : i32 {
        %mul3A_533 = arith.constant 5 : i32
        %mul3A_534 = arith.muli %scan3A_531, %mul3A_533 : i32
        %add3A_535 = arith.constant 0 : i32
        %add3A_536 = arith.addi %mul3A_534, %add3A_535 : i32
        %mul3A_537 = arith.constant 2 : i32
        %mul3A_538 = arith.muli %mul3A_537, %add3A_536 : i32
        %get3A_539 = arith.index_cast %mul3A_538 : i32 to index
        %get3A_540 = arith.constant 0 : index
        %get3A_541 = tpu.vector_load %arg11[%get3A_539, %get3A_540] {strides = array<i32>} : memref<656x16xi32, #tpu.memory_space<vmem>>, vector<16xi32>,
        %bitcast3A = vector.bitcast %get3A_541 : vector<16xi32> to vector<32xbf16>
        %mul3A_542 = arith.constant 2 : i32
        %mul3A_543 = arith.muli %mul3A_542, %add3A_536 : i32
        %add3A_544 = arith.constant 1 : i32
        %add3A_545 = arith.addi %mul3A_543, %add3A_544 : i32
        %get3A_546 = arith.index_cast %add3A_545 : i32 to index
        %get3A_547 = arith.constant 0 : index
        %get3A_548 = tpu.vector_load %arg11[%get3A_546, %get3A_547] {strides = array<i32>} : memref<656x16xi32, #tpu.memory_space<vmem>>, vector<16xi32>,
        %bitcast3A_549 = vector.bitcast %get3A_548 : vector<16xi32> to vector<32xbf16>
        %unpack3A = tpu.unpack_subelements %bitcast3A, 0 {pack_format = #tpu.pack_format<interleaved>} : vector<32xbf16> -> vector<16xf32>
        %unpack3A_550 = tpu.unpack_subelements %bitcast3A, 1 {pack_format = #tpu.pack_format<interleaved>} : vector<32xbf16> -> vector<16xf32>
        %unpack3A_551 = tpu.unpack_subelements %bitcast3A_549, 0 {pack_format = #tpu.pack_format<interleaved>} : vector<32xbf16> -> vector<16xf32>
        %unpack3A_552 = tpu.unpack_subelements %bitcast3A_549, 1 {pack_format = #tpu.pack_format<interleaved>} : vector<32xbf16> -> vector<16xf32>
        %mul3A_553 = arith.mulf %unpack3A, %unpack3A_551 : vector<16xf32>
        %add3A_554 = arith.addf %scan3A_532, %mul3A_553 : vector<16xf32>
        %mul3A_555 = arith.mulf %unpack3A_550, %unpack3A_552 : vector<16xf32>
        %add3A_556 = arith.addf %add3A_554, %mul3A_555 : vector<16xf32>
        %mul3A_557 = arith.constant 5 : i32
        %mul3A_558 = arith.muli %scan3A_531, %mul3A_557 : i32
        %add3A_559 = arith.constant 1 : i32
        %add3A_560 = arith.addi %mul3A_558, %add3A_559 : i32
        %mul3A_561 = arith.constant 2 : i32
        %mul3A_562 = arith.muli %mul3A_561, %add3A_560 : i32
        %get3A_563 = arith.index_cast %mul3A_562 : i32 to index
        %get3A_564 = arith.constant 0 : index
        %get3A_565 = tpu.vector_load %arg11[%get3A_563, %get3A_564] {strides = array<i32>} : memref<656x16xi32, #tpu.memory_space<vmem>>, vector<16xi32>,
        %bitcast3A_566 = vector.bitcast %get3A_565 : vector<16xi32> to vector<32xbf16>
        %mul3A_567 = arith.constant 2 : i32
        %mul3A_568 = arith.muli %mul3A_567, %add3A_560 : i32
        %add3A_569 = arith.constant 1 : i32
        %add3A_570 = arith.addi %mul3A_568, %add3A_569 : i32
        %get3A_571 = arith.index_cast %add3A_570 : i32 to index
        %get3A_572 = arith.constant 0 : index
        %get3A_573 = tpu.vector_load %arg11[%get3A_571, %get3A_572] {strides = array<i32>} : memref<656x16xi32, #tpu.memory_space<vmem>>, vector<16xi32>,
        %bitcast3A_574 = vector.bitcast %get3A_573 : vector<16xi32> to vector<32xbf16>
        %unpack3A_575 = tpu.unpack_subelements %bitcast3A_566, 0 {pack_format = #tpu.pack_format<interleaved>} : vector<32xbf16> -> vector<16xf32>
        %unpack3A_576 = tpu.unpack_subelements %bitcast3A_566, 1 {pack_format = #tpu.pack_format<interleaved>} : vector<32xbf16> -> vector<16xf32>
        %unpack3A_577 = tpu.unpack_subelements %bitcast3A_574, 0 {pack_format = #tpu.pack_format<interleaved>} : vector<32xbf16> -> vector<16xf32>
        %unpack3A_578 = tpu.unpack_subelements %bitcast3A_574, 1 {pack_format = #tpu.pack_format<interleaved>} : vector<32xbf16> -> vector<16xf32>
        %mul3A_579 = arith.mulf %unpack3A_575, %unpack3A_577 : vector<16xf32>
        %add3A_580 = arith.addf %add3A_556, %mul3A_579 : vector<16xf32>
        %mul3A_581 = arith.mulf %unpack3A_576, %unpack3A_578 : vector<16xf32>
        %add3A_582 = arith.addf %add3A_580, %mul3A_581 : vector<16xf32>
        %mul3A_583 = arith.constant 5 : i32
        %mul3A_584 = arith.muli %scan3A_531, %mul3A_583 : i32
        %add3A_585 = arith.constant 2 : i32
        %add3A_586 = arith.addi %mul3A_584, %add3A_585 : i32
        %mul3A_587 = arith.constant 2 : i32
        %mul3A_588 = arith.muli %mul3A_587, %add3A_586 : i32
        %get3A_589 = arith.index_cast %mul3A_588 : i32 to index
        %get3A_590 = arith.constant 0 : index
        %get3A_591 = tpu.vector_load %arg11[%get3A_589, %get3A_590] {strides = array<i32>} : memref<656x16xi32, #tpu.memory_space<vmem>>, vector<16xi32>,
        %bitcast3A_592 = vector.bitcast %get3A_591 : vector<16xi32> to vector<32xbf16>
        %mul3A_593 = arith.constant 2 : i32
        %mul3A_594 = arith.muli %mul3A_593, %add3A_586 : i32
        %add3A_595 = arith.constant 1 : i32
        %add3A_596 = arith.addi %mul3A_594, %add3A_595 : i32
        %get3A_597 = arith.index_cast %add3A_596 : i32 to index
        %get3A_598 = arith.constant 0 : index
        %get3A_599 = tpu.vector_load %arg11[%get3A_597, %get3A_598] {strides = array<i32>} : memref<656x16xi32, #tpu.memory_space<vmem>>, vector<16xi32>,
        %bitcast3A_600 = vector.bitcast %get3A_599 : vector<16xi32> to vector<32xbf16>
        %unpack3A_601 = tpu.unpack_subelements %bitcast3A_592, 0 {pack_format = #tpu.pack_format<interleaved>} : vector<32xbf16> -> vector<16xf32>
        %unpack3A_602 = tpu.unpack_subelements %bitcast3A_592, 1 {pack_format = #tpu.pack_format<interleaved>} : vector<32xbf16> -> vector<16xf32>
        %unpack3A_603 = tpu.unpack_subelements %bitcast3A_600, 0 {pack_format = #tpu.pack_format<interleaved>} : vector<32xbf16> -> vector<16xf32>
        %unpack3A_604 = tpu.unpack_subelements %bitcast3A_600, 1 {pack_format = #tpu.pack_format<interleaved>} : vector<32xbf16> -> vector<16xf32>
        %mul3A_605 = arith.mulf %unpack3A_601, %unpack3A_603 : vector<16xf32>
        %add3A_606 = arith.addf %add3A_582, %mul3A_605 : vector<16xf32>
        %mul3A_607 = arith.mulf %unpack3A_602, %unpack3A_604 : vector<16xf32>
        %add3A_608 = arith.addf %add3A_606, %mul3A_607 : vector<16xf32>
        %mul3A_609 = arith.constant 5 : i32
        %mul3A_610 = arith.muli %scan3A_531, %mul3A_609 : i32
        %add3A_611 = arith.constant 3 : i32
        %add3A_612 = arith.addi %mul3A_610, %add3A_611 : i32
        %mul3A_613 = arith.constant 2 : i32
        %mul3A_614 = arith.muli %mul3A_613, %add3A_612 : i32
        %get3A_615 = arith.index_cast %mul3A_614 : i32 to index
        %get3A_616 = arith.constant 0 : index
        %get3A_617 = tpu.vector_load %arg11[%get3A_615, %get3A_616] {strides = array<i32>} : memref<656x16xi32, #tpu.memory_space<vmem>>, vector<16xi32>,
        %bitcast3A_618 = vector.bitcast %get3A_617 : vector<16xi32> to vector<32xbf16>
        %mul3A_619 = arith.constant 2 : i32
        %mul3A_620 = arith.muli %mul3A_619, %add3A_612 : i32
        %add3A_621 = arith.constant 1 : i32
        %add3A_622 = arith.addi %mul3A_620, %add3A_621 : i32
        %get3A_623 = arith.index_cast %add3A_622 : i32 to index
        %get3A_624 = arith.constant 0 : index
        %get3A_625 = tpu.vector_load %arg11[%get3A_623, %get3A_624] {strides = array<i32>} : memref<656x16xi32, #tpu.memory_space<vmem>>, vector<16xi32>,
        %bitcast3A_626 = vector.bitcast %get3A_625 : vector<16xi32> to vector<32xbf16>
        %unpack3A_627 = tpu.unpack_subelements %bitcast3A_618, 0 {pack_format = #tpu.pack_format<interleaved>} : vector<32xbf16> -> vector<16xf32>
        %unpack3A_628 = tpu.unpack_subelements %bitcast3A_618, 1 {pack_format = #tpu.pack_format<interleaved>} : vector<32xbf16> -> vector<16xf32>
        %unpack3A_629 = tpu.unpack_subelements %bitcast3A_626, 0 {pack_format = #tpu.pack_format<interleaved>} : vector<32xbf16> -> vector<16xf32>
        %unpack3A_630 = tpu.unpack_subelements %bitcast3A_626, 1 {pack_format = #tpu.pack_format<interleaved>} : vector<32xbf16> -> vector<16xf32>
        %mul3A_631 = arith.mulf %unpack3A_627, %unpack3A_629 : vector<16xf32>
        %add3A_632 = arith.addf %add3A_608, %mul3A_631 : vector<16xf32>
        %mul3A_633 = arith.mulf %unpack3A_628, %unpack3A_630 : vector<16xf32>
        %add3A_634 = arith.addf %add3A_632, %mul3A_633 : vector<16xf32>
        %mul3A_635 = arith.constant 5 : i32
        %mul3A_636 = arith.muli %scan3A_531, %mul3A_635 : i32
        %add3A_637 = arith.constant 4 : i32
        %add3A_638 = arith.addi %mul3A_636, %add3A_637 : i32
        %mul3A_639 = arith.constant 2 : i32
        %mul3A_640 = arith.muli %mul3A_639, %add3A_638 : i32
        %get3A_641 = arith.index_cast %mul3A_640 : i32 to index
        %get3A_642 = arith.constant 0 : index
        %get3A_643 = tpu.vector_load %arg11[%get3A_641, %get3A_642] {strides = array<i32>} : memref<656x16xi32, #tpu.memory_space<vmem>>, vector<16xi32>,
        %bitcast3A_644 = vector.bitcast %get3A_643 : vector<16xi32> to vector<32xbf16>
        %mul3A_645 = arith.constant 2 : i32
        %mul3A_646 = arith.muli %mul3A_645, %add3A_638 : i32
        %add3A_647 = arith.constant 1 : i32
        %add3A_648 = arith.addi %mul3A_646, %add3A_647 : i32
        %get3A_649 = arith.index_cast %add3A_648 : i32 to index
        %get3A_650 = arith.constant 0 : index
        %get3A_651 = tpu.vector_load %arg11[%get3A_649, %get3A_650] {strides = array<i32>} : memref<656x16xi32, #tpu.memory_space<vmem>>, vector<16xi32>,
        %bitcast3A_652 = vector.bitcast %get3A_651 : vector<16xi32> to vector<32xbf16>
        %unpack3A_653 = tpu.unpack_subelements %bitcast3A_644, 0 {pack_format = #tpu.pack_format<interleaved>} : vector<32xbf16> -> vector<16xf32>
        %unpack3A_654 = tpu.unpack_subelements %bitcast3A_644, 1 {pack_format = #tpu.pack_format<interleaved>} : vector<32xbf16> -> vector<16xf32>
        %unpack3A_655 = tpu.unpack_subelements %bitcast3A_652, 0 {pack_format = #tpu.pack_format<interleaved>} : vector<32xbf16> -> vector<16xf32>
        %unpack3A_656 = tpu.unpack_subelements %bitcast3A_652, 1 {pack_format = #tpu.pack_format<interleaved>} : vector<32xbf16> -> vector<16xf32>
        %mul3A_657 = arith.mulf %unpack3A_653, %unpack3A_655 : vector<16xf32>
        %add3A_658 = arith.addf %add3A_634, %mul3A_657 : vector<16xf32>
        %mul3A_659 = arith.mulf %unpack3A_654, %unpack3A_656 : vector<16xf32>
        %add3A_660 = arith.addf %add3A_658, %mul3A_659 : vector<16xf32>
        scf.yield %add3A_660 : vector<16xf32>
      }
      %scan3A_500 = arith.constant 65 : i32
      %get3A_501 = arith.index_cast %add3A_286 : i32 to index
      %get3A_502 = arith.constant 0 : index
      %get3A_503 = tpu.vector_load %arg9[%get3A_501, %get3A_502] {strides = array<i32>} : memref<32x32xi32, #tpu.memory_space<vmem>>, vector<16xi32>,
      %gather3A_504 = tpu.vector_load_idx %arg12[%get3A_503] : memref<26008xf32, #tpu.memory_space<vmem>>[vector<16xi32>], vector<16xf32>,
      %get3A_505 = arith.index_cast %add3A_286 : i32 to index
      %get3A_506 = arith.constant 16 : index
      %get3A_507 = tpu.vector_load %arg9[%get3A_505, %get3A_506] {strides = array<i32>} : memref<32x32xi32, #tpu.memory_space<vmem>>, vector<16xi32>,
      %gather3A_508 = tpu.vector_load_idx %arg12[%get3A_507] : memref<26008xf32, #tpu.memory_space<vmem>>[vector<16xi32>], vector<16xf32>,
      %add3A_509 = arith.addf %scan3A_499, %gather3A_504 : vector<16xf32>
      %add3A_510 = arith.addf %add3A_509, %gather3A_508 : vector<16xf32>
      %reduce_sum3A_511 = arith.constant true
      %reduce_sum3A_512 = vector.broadcast %reduce_sum3A_511 : i1 to vector<16xi1>
      %reduce_sum3A_513 = tpu.scan <sum>, %add3A_510 masked %reduce_sum3A_512 : vector<16xf32>, vector<16xi1> -> vector<16xf32>
      %reduce_sum3A_514 = vector.extract %reduce_sum3A_513[15] : f32 from vector<16xf32>
      %slice3A_515 = vector.extract_strided_slice %get3A_3 {offsets = [0], sizes = [1], strides = [1]} : vector<16xf32> to vector<1xf32>
      %squeeze3A_516 = vector.extract %slice3A_515[0] : f32 from vector<1xf32>
      %add3A_517 = arith.addf %reduce_sum3A_514, %squeeze3A_516 : f32
      %and3A_518 = arith.constant 15 : i32
      %and3A_519 = arith.andi %add3A_286, %and3A_518 : i32
      %eq3A_520 = vector.broadcast %and3A_519 : i32 to vector<16xi32>
      %eq3A_521 = arith.cmpi eq, %iota3A, %eq3A_520 : vector<16xi32>
      %broadcast_in_dim3A_522 = vector.broadcast %add3A_517 : f32 to vector<16xf32>
      %select_n3A_523 = arith.select %eq3A_521, %broadcast_in_dim3A_522, %select_n3A : vector<16xi1>, vector<16xf32>
      %and3A_524 = arith.constant 15 : i32
      %and3A_525 = arith.andi %add3A_286, %and3A_524 : i32
      %eq3A_526 = arith.constant 15 : i32
      %eq3A_527 = arith.cmpi eq, %and3A_525, %eq3A_526 : i32
      %convert_element_type3A_528 = arith.extui %eq3A_527 : i1 to i32
      %cond3A_529 = arith.constant 0 : i32
      %cond3A_530 = arith.cmpi ne, %convert_element_type3A_528, %cond3A_529 : i32
      scf.if %cond3A_530 {
        %add3A_531 = arith.constant 96 : i32
        %add3A_532 = arith.addi %add3A_531, %add3A_286 : i32
        %sub3A = arith.constant 15 : i32
        %sub3A_533 = arith.subi %add3A_532, %sub3A : i32
        %swap3A = arith.index_cast %sub3A_533 : i32 to index
        %swap3A_534 = tpu.vector_load %arg14[%swap3A] {strides = array<i32>} : memref<128xf32, #tpu.memory_space<vmem>>, vector<16xf32>,
        tpu.vector_store %arg14[%swap3A], %select_n3A_523 {strides = array<i32>} : memref<128xf32, #tpu.memory_space<vmem>>, vector<16xf32>,
      } else {
      }
      scf.yield %select_n3A_523 : vector<16xf32>
    }
    %scan3A_280 = arith.constant 16 : i32
    "tpu.region"() ({
      %run_scoped3A = tpu.sem_alloc : memref<!tpu.dma_semaphore, #tpu.memory_space<semaphore_mem>>
      %dma_start3A_281 = tpu.memref_slice %arg7[%mul3A_2] : memref<4096xf32, #tpu.memory_space<hbm>> -> memref<128xf32, #tpu.memory_space<hbm>>
      %dma_start3A_282 = tpu.memref_slice %arg7[%mul3A_2] : memref<4096xf32, #tpu.memory_space<hbm>> -> memref<128xf32, #tpu.memory_space<hbm>>
      tpu.enqueue_dma source(%arg14 : memref<128xf32, #tpu.memory_space<vmem>>) target(%dma_start3A_282 : memref<128xf32, #tpu.memory_space<hbm>>) target_semaphore(%run_scoped3A : memref<!tpu.dma_semaphore, #tpu.memory_space<semaphore_mem>>)
      %dma_wait3A = tpu.memref_slice %arg7[%mul3A_2] : memref<4096xf32, #tpu.memory_space<hbm>> -> memref<128xf32, #tpu.memory_space<hbm>>
      %dma_wait3A_283 = tpu.memref_slice %arg7[%mul3A_2] : memref<4096xf32, #tpu.memory_space<hbm>> -> memref<128xf32, #tpu.memory_space<hbm>>
      tpu.wait_dma2 semaphore(%run_scoped3A : memref<!tpu.dma_semaphore, #tpu.memory_space<semaphore_mem>>) src(%arg14 : memref<128xf32, #tpu.memory_space<vmem>>) dst(%dma_wait3A_283 : memref<128xf32, #tpu.memory_space<hbm>>)
      tpu.yield
    }) : () -> ()
    return
  }
}

</mosaic_0001>

<sc_bundles>
// kernel: kernel.3.cloned.1.call-start
scs
__scs_entry_jumppad:
0x0: {  	(pc) =	sbr.rel $0x88, $3  }
0x1: {  	(tag) =	ssettag $0x0;
	lr =	simm.s32 $0x1  }
0x2: {  	[smem:$0x3F9D] =	sst lr;
	_ =	strace $0xD0000000  }
0x3: {  	_ = 	snop  }
0x4: {  	_ = 	snop  }
0x5: {  	_ = 	snop  }
0x6: {  	_ = 	snop  }
0x7: {  	_ = 	snop  }
__scs_overlays_trampoline_lowered:
0x8: {  	[smem:$0x3FAC] =	sst s0  }
0x9: {  	[smem:$0x3FAD] =	sst s1  }
0xa: {  	[smem:$0x3FAE] =	sst s2  }
0xb: {  	[smem:$0x3FAF] =	sst s3  }
0xc: {  	[smem:$0x3FB0] =	sst s4  }
0xd: {  	[smem:$0x3FB1] =	sst s5  }
0xe: {  	[smem:$0x3FB2] =	sst s6  }
0xf: {  	[smem:$0x3FB3] =	sst s7  }
0x10: {  	[smem:$0x3FB4] =	sst s8  }
0x11: {  	[smem:$0x3FB5] =	sst s9;
	s0 =	simm.s32 @!p0 $0x0  }
0x12: {  	s1 =	sld [smem:$0x3F9B];
	s0 =	simm.s32 @p0 $0x1  }
0x13: {  	[smem:$0x3FB6] =	sst s0;
	s0 =	simm.s32 @!p1 $0x0  }
0x14: {  	s2 =	sld [smem:$0x3F9A];
	s0 =	simm.s32 @p1 $0x1  }
0x15: {  	[smem:$0x3FB7] =	sst s0;
	s0 =	simm.s32 @!p2 $0x0  }
0x16: {  	s3 =	sld [smem:$0x3FDB];
	s0 =	simm.s32 @p2 $0x1  }
0x17: {  	s4 =	simm.s32 $0x1BF5;
	[smem:$0x3FB9] =	sst s0  }
0x18: {  	s0 =	sld [smem:$0x3F9C];
	_ =	swait.ge [sflag:s4], $0x0  }
0x19: {  	s7 =	sld [smem:$0x3F9D]  }
0x1a: {  	s8 =	sadd.s32 $0xFFFFE003, lr  }
0x1b: {  	s9 =	sadd.s32 $0xFFFFFEF7, lr;
	s5 =	simm.s32 $0xFFFFFFFF;
	p2 =	slt.u32 s8, $0xFFFFF086  }
0x1c: {  	p1 =	slt.u32 s9, $0xF7A;
	s5 =	simm.s32 @!p2 $0x0  }
0x1d: {  	s5 =	simm.s32 @p1 $0x1;
	p0 =	seq.s32 s7, s2  }
0x1e: {  	s7 =	smul.u32 @!p0 $0xF7A, s2;
	p2 =	seq.s32 @!p0 s5, $0x0  }
0x1f: {  	s9 =	smul.u32 $0xF7A, s1;
	s8 =	simm.s32 @!p0 $0x1BF5;
	p2 =	por !p2, p0  }
0x20: {  	[sflag:s8] =	ssyncset.s32 @!p0 $0xFFFFF086;
	s6 =	sadd.s32 @!p0 s3, s7;
	s7 =	simm.s32 @!p0 $0x108  }
0x21: {  	s3 =	sadd.s32 s3, s9;
	s6 =	sadd.s32 @!p0 $0x88, s6;
	s7 =	simm.s32 @p2 $0x1082  }
0x22: {  	[simem:s7], [sflag:s8] =	dma.local @!p0 [hbm:s6], $0xF7A  }
0x23: {  	s9 =	sor.u32 $0xD0000000, s2;
	s6 =	simm.s32 $0x108;
	_ =	swait.ge @!p0 [sflag:s8], $0x0  }
0x24: {  	s3 =	sadd.s32 $0x88, s3;
	s6 =	simm.s32 @!p1 $0x1082;
	[sflag:s4] =	ssyncset.s32 $0xFFFFF086  }
0x25: {  	[simem:s6], [sflag:s4] =	dma.local [hbm:s3], $0xF7A  }
0x26: {  	[smem:$0x3F9D] =	sst s1;
	(tag) =	ssettag s2;
	_ =	strace s9  }
0x27: {  	s1 =	sld [smem:$0x3FAD]  }
0x28: {  	s2 =	sld [smem:$0x3FAE]  }
0x29: {  	s4 =	sld [smem:$0x3FB0]  }
0x2a: {  	p0 =	seq.s32 s5, $0x0;
	s5 =	sld [smem:$0x3FB1]  }
0x2b: {  	s6 =	sld [smem:$0x3FB2]  }
0x2c: {  	s7 =	sld [smem:$0x3FB3]  }
0x2d: {  	s3 =	simm.s32 $0x108;
	s8 =	sld [smem:$0x3FB4]  }
0x2e: {  	s3 =	simm.s32 @!p0 $0x1082;
	s9 =	sld [smem:$0x3FB5]  }
0x2f: {  	lr =	sadd.s32 s0, s3;
	s0 =	sld [smem:$0x3FAC]  }
0x30: {  	s3 =	sld [smem:$0x3FAF]  }
0x31: {  	[smem:$0x3FB8] =	sst s10  }
0x32: {  	s10 =	sld [smem:$0x3FB6];
	_ =	sdelay $0x3  }
0x33: {  	p0 =	seq.s32 s10, $0x1;
	s10 =	sld [smem:$0x3FB8];
	_ =	sdelay $0x3  }
0x34: {  	[smem:$0x3FB8] =	sst s10  }
0x35: {  	s10 =	sld [smem:$0x3FB7];
	_ =	sdelay $0x3  }
0x36: {  	p1 =	seq.s32 s10, $0x1;
	s10 =	sld [smem:$0x3FB8];
	_ =	sdelay $0x3  }
0x37: {  	[smem:$0x3FB8] =	sst s10  }
0x38: {  	s10 =	sld [smem:$0x3FB9]  }
0x39: {  	_ = 	snop;
	(pc) =	sbr.ind lr, $3  }
0x3a: {  	_ = 	snop  }
0x3b: {  	_ = 	snop  }
0x3c: {  	p2 =	seq.s32 s10, $0x1;
	s10 =	sld [smem:$0x3FB8]  }
0x3d: {  	_ =	shalt  }
0x3e: {  	_ =	shalt  }
0x3f: {  	_ =	shalt  }
0x40: {  	_ =	shalt  }
0x41: {  	_ =	shalt  }
0x42: {  	_ =	shalt  }
0x43: {  	_ =	shalt  }
0x44: {  	_ =	shalt  }
0x45: {  	_ =	shalt  }
0x46: {  	_ =	shalt  }
0x47: {  	_ =	shalt  }
0x48: {  	_ =	shalt  }
0x49: {  	_ =	shalt  }
0x4a: {  	_ =	shalt  }
0x4b: {  	_ =	shalt  }
0x4c: {  	_ =	shalt  }
0x4d: {  	_ =	shalt  }
0x4e: {  	_ =	shalt  }
0x4f: {  	_ =	shalt  }
0x50: {  	_ =	shalt  }
0x51: {  	_ =	shalt  }
0x52: {  	_ =	shalt  }
0x53: {  	_ =	shalt  }
0x54: {  	_ =	shalt  }
0x55: {  	_ =	shalt  }
0x56: {  	_ =	shalt  }
0x57: {  	_ =	shalt  }
0x58: {  	_ =	shalt  }
0x59: {  	_ =	shalt  }
0x5a: {  	_ =	shalt  }
0x5b: {  	_ =	shalt  }
0x5c: {  	_ =	shalt  }
0x5d: {  	_ =	shalt  }
0x5e: {  	_ =	shalt  }
0x5f: {  	_ =	shalt  }
0x60: {  	_ =	shalt  }
0x61: {  	_ =	shalt  }
0x62: {  	_ =	shalt  }
0x63: {  	_ =	shalt  }
0x64: {  	_ =	shalt  }
0x65: {  	_ =	shalt  }
0x66: {  	_ =	shalt  }
0x67: {  	_ =	shalt  }
0x68: {  	_ =	shalt  }
0x69: {  	_ =	shalt  }
0x6a: {  	_ =	shalt  }
0x6b: {  	_ =	shalt  }
0x6c: {  	_ =	shalt  }
0x6d: {  	_ =	shalt  }
0x6e: {  	_ =	shalt  }
0x6f: {  	_ =	shalt  }
0x70: {  	_ =	shalt  }
0x71: {  	_ =	shalt  }
0x72: {  	_ =	shalt  }
0x73: {  	_ =	shalt  }
0x74: {  	_ =	shalt  }
0x75: {  	_ =	shalt  }
0x76: {  	_ =	shalt  }
0x77: {  	_ =	shalt  }
0x78: {  	_ =	shalt  }
0x79: {  	_ =	shalt  }
0x7a: {  	_ =	shalt  }
0x7b: {  	_ =	shalt  }
0x7c: {  	_ =	shalt  }
0x7d: {  	_ =	shalt  }
0x7e: {  	_ =	shalt  }
0x7f: {  	_ =	shalt  }
0x80: {  	_ =	shalt  }
0x81: {  	_ =	shalt  }
0x82: {  	_ =	shalt  }
0x83: {  	_ =	shalt  }
0x84: {  	_ =	shalt  }
0x85: {  	_ =	shalt  }
0x86: {  	_ =	shalt  }
0x87: {  	_ =	shalt  }
.Lfunc_end0:
.L_simem_size_0:
called_computation.2_lowered:
.L_overlay_start_0:
0x88: {  	s2 =	sld [smem:$0x3FD9]  }
0x89: {  	s3 =	sld [smem:$0x3FFE];
	_ =	sdelay $0x1  }
0x8a: {  	s1 =	srdreg.scid  }
0x8b: {  	s0 =	sand.u32 $0x1, s1  }
0x8c: {  	s17 =	sshll.u32 s0, $0xA;
	s2 =	sadd.s32 s3, s2  }
0x8d: {  	s2 =	sadd.s32 s2, s17  }
0x8e: {  	[smem:$0x3FC4] =	sst s2  }
0x8f: {  	_ = 	snop  }
0x90: {  	s2 =	sld [smem:$0x3FD0];
	(tm) =	ssettm $0x1  }
0x91: {  	s18 =	sld [smem:$0x3FFB];
	_ =	sdelay $0x3  }
0x92: {  	_ =	strace s18  }
0x93: {  	s3 =	sld [smem:$0x3FFC];
	_ =	sdelay $0x3  }
0x94: {  	_ =	strace s3  }
0x95: {  	s3 =	sld [smem:$0x3FFD];
	_ =	sdelay $0x3  }
0x96: {  	_ =	strace s3  }
0x97: {  	_ =	strace $0x8FFFFFFF  }
0x98: {  	s19 =	sld [smem:$0x3FDB];
	_ =	sdelay $0x1  }
0x99: {  	s4 =	simm.s32 $_scs_section_size  }
0x9a: {  	s5 =	simm.s32 $_size__tile_overlayer_lowered;
	s6 =	simm.s32 $_tile_overlayer_lowered  }
0x9b: {  	s22 =	simm.s32 $0x1BFF;
	s21 =	sshll.u32 s6, $0x1;
	s3 =	sadd.s32 s4, s19  }
0x9c: {  	s7 =	simm.s32 $0x0;
	s20 =	sshll.u32 s5, $0x1;
	s5 =	sadd.s32 s21, s3  }
0x9d: {  	[timem:s7], [sflag:s22] =	dma.local [hbm:s5], s20  }
0x9e: {  	_ =	swait.ge [sflag:s22], s20  }
0x9f: {  	s4 =	ssub.s32 $0x0, s20;
	[sflag:s22] =	ssyncset.done $0x0  }
0xa0: {  	[sflag:s22] =	ssyncadd.s32 s4;
	_ =	sdelay $0x1  }
0xa1: {  	s23 =	simm.s32 $0x1B8B  }
0xa2: {  	_ =	swait.ge [sflag:s23], $0x1  }
0xa3: {  	[sflag:s23] =	ssyncset.done $0x0  }
0xa4: {  	s25 =	simm.s32 $0x1B8E;
	s24 =	sld [smem:$0x3FFE];
	[sflag:s23] =	ssyncadd.s32 $0xFFFFFFFF  }
0xa5: {  	s26 =	simm.s32 $execute0_lowered;
	[smem:$0x3FD2] =	sst s25  }
0xa6: {  	s5 =	sshll.u32 s26, $0x1;
	_ =	strace $0x8000004C;
	[dreg:$0x1] =	wrdreg $0xFFFFFFFF  }
0xa7: {  	s28 =	simm.s32 $_size_execute0_lowered;
	s3 =	sadd.s32 s3, s5;
	[dreg:$0x0] =	wrdreg $0x0  }
0xa8: {  	s5 =	sshll.u32 s28, $0x1;
	[dreg:$0x2] =	wrdreg s3  }
0xa9: {  	[dreg:$0x3] =	wrdreg s5  }
0xaa: {  	[dreg:$0x4] =	wrdreg $0xC0  }
0xab: {  	_ =	task [dreg:s7], $0x5FFFF  }
0xac: {  	[dreg:$0x1] =	wrdreg $0xFFFFFFFF  }
0xad: {  	[dreg:$0x0] =	wrdreg $0x60  }
0xae: {  	[dreg:$0x2] =	wrdreg s24  }
0xaf: {  	[dreg:$0x3] =	wrdreg s2  }
0xb0: {  	[dreg:$0x4] =	wrdreg $0x9  }
0xb1: {  	_ =	task.clear_ibuf [dreg:s7], $0x5FFFF;
	_ =	strace $0x9000004C  }
0xb2: {  	s29 =	simm.s32 $0x9;
	_ =	strace $0x8000004E  }
0xb3: {  	_ =	swait.ge [sflag:s29], $0x1  }
0xb4: {  	[sflag:s29] =	ssyncadd.s32 $0xFFFFFFFF  }
0xb5: {  	_ =	strace $0x9000004E  }
0xb6: {  	_ =	sfence  }
0xb7: {  	s30 =	sld [smem:$0x0];
	_ =	sdelay $0x2  }
0xb8: {  	s31 =	sshll.u32 s1, $0xD;
	s1 =	sshrl.u32 s1, $0x2  }
0xb9: {  	s3 =	sand.u32 $0x4000, s31;
	s1 =	sadd.s32 s1, s30  }
0xba: {  	s0 =	sor.u32 s3, s0;
	s1 =	sshll.u32 s1, $0x11  }
0xbb: {  	s0 =	sor.u32 s1, s0  }
0xbc: {  	s0 =	sadd.s32 $0x8F2B, s0  }
0xbd: {  	[sflag:s0] =	ssyncadd.remote.s32 $0x1  }
0xbe: {  	_ =	sfence.sel $0xFFFF  }
0xbf: {  	[dreg:$0x0] =	wrdreg $0xFFFFFFFF;
	(pc) =	sbr.abs _section_cstart, $3  }
0xc0: {  	[dreg:$0x1] =	wrdreg $0xFFFFFFFF  }
0xc1: {  	_ =	task.clear_ibuf [dreg:s7], $0x2FFFF;
	_ =	strace $0x9FFFFFFF  }
0xc2: {  	(tm) =	ssettm $0x7FFFFFFF  }
0xc3: {  	_ =	shalt  }
tec
execute0_lowered:
.L_overlay_start_1:
0x0: {  	(tag) =	ssettag $0x1  }
0x1: {  	s0 =	rddreg [dreg:$0x0]  }
0x2: {  	s1 =	rddreg [dreg:$0x1]  }
0x3: {  	s2 =	simm.s32 $0x0;
	s3 =	srdreg.scid;
	s5 =	stileid.u32  }
0x4: {  	s16 =	simm.s32 $0xA800;
	s28 =	simm.s32 $0x200;
	s29 =	simm.s32 $0x7600  }
0x5: {  	s30 =	simm.s32 $0x10;
	s31 =	simm.s32 $0x280;
	[smem:$0x7FF] =	sst s2  }
0x6: {  	s4 =	sand.u32 $0x1, s3;
	s3 =	sadd.s32 $0x1800, s0;
	s7 =	sadd.s32 $0xB9C400, s0  }
0x7: {  	s5 =	sshll.u32 s5, $0x8;
	s17 =	sadd.s32 $0xBEE400, s0;
	s9 =	sadd.s32 $0xBF2400, s0  }
0x8: {  	s0 =	sadd.s32 $0xBF3200, s0;
	_ =	strace $0x8000004D;
	[dreg:$0x3] =	wrdreg s9  }
0x9: {  	s6 =	sshll.u32 s4, $0x7;
	s4 =	ssub.s32 $0x2, s4;
	[dreg:$0x4] =	wrdreg s0  }
0xa: {  	s5 =	sor.u32 s6, s5;
	s18 =	sshrl.u32 s4, $0x1;
	s6 =	simm.s32 $0x9F00  }
0xb: {  	s8 =	smul.u32 $0x52, s5;
	s0 =	ssub.s32 s4, s18;
	s20 =	sor.u32 $0x20, s5  }
0xc: {  	s21 =	sshll.u32 s5, $0x2;
	s10 =	sor.u32 $0x40, s5;
	s24 =	sor.u32 $0x60, s5  }
0xd: {  	s5 =	sshrl.u32 s5, $0x3;
	s18 =	simm.s32 $0x8700;
	s22 =	smul.u32 $0x52, s20  }
0xe: {  	s4 =	sshll.u32 s20, $0x2;
	s23 =	smul.u32 $0x52, s10;
	s25 =	sshll.u32 s10, $0x2  }
0xf: {  	s26 =	smul.u32 $0x52, s24;
	s1 =	sadd.s32 s1, s5;
	s0 =	smax.u32 s0, $0x1  }
0x10: {  	s20 =	simm.s32 $0x80;
	s5 =	simm.s32 $0x9700;
	[dreg:$0xd] =	wrdreg s1  }
0x11: {  	s10 =	simm.s32 $0x0;
	s19 =	sadd.s32 s7, s8;
	[dreg:$0xe] =	wrdreg s0  }
0x12: {  	s8 =	sadd.s32 s17, s21;
	s4 =	sadd.s32 s17, s4;
	[dreg:$0x5] =	wrdreg s19  }
0x13: {  	s0 =	simm.s32 $0x7E00;
	s1 =	simm.s32 $0x7F00;
	[dreg:$0x6] =	wrdreg s8  }
0x14: {  	s9 =	sadd.s32 s7, s22;
	[dreg:$0x8] =	wrdreg s4;
	s8 =	sadd.s32 s7, s23  }
0x15: {  	s4 =	sshll.u32 s24, $0x2;
	s7 =	sadd.s32 s7, s26;
	[dreg:$0x7] =	wrdreg s9  }
0x16: {  	s23 =	simm.s32 $0x100;
	s24 =	simm.s32 $0x6600;
	[dreg:$0x9] =	wrdreg s8  }
0x17: {  	s26 =	simm.s32 $0x6E00;
	s8 =	sadd.s32 s17, s25;
	[dreg:$0xb] =	wrdreg s7  }
0x18: {  	s4 =	sadd.s32 s17, s4;
	s17 =	simm.s32 $0x3;
	s25 =	simm.s32 $0x180  }
0x19: {  	s7 =	simm.s32 $0xA700;
	s9 =	simm.s32 $0x2;
	[dreg:$0xa] =	wrdreg s8  }
0x1a: {  	v0 =	vlaneseq.u32;
	[dreg:$0xc] =	wrdreg s4;
	s4 =	simm.s32 $0x8F00;
	s8 =	simm.s32 $0x1  }
.LBB2_1:
0x1b: {  	s11 =	rddreg [dreg:$0x3]  }
0x1c: {  	[tilespmem:s16], [sflag:$0x3] =	stream.linear.gather [hbm4b:s11+s2], $0x6598, $0x38;
	[tilespmem:$0x10E28] =	vst v63  }
0x1d: {  	_ =	swait.ge [sflag:s17], $0x6598  }
0x1e: {  	[sflag:s17] =	ssyncset.done $0x0  }
0x1f: {  	s12 =	simm.s32 $0x10D98;
	s13 =	rddreg [dreg:$0x4];
	[sflag:s17] =	ssyncadd.s32 $0xFFFF9A68  }
0x20: {  	[tilespmem:s12], [sflag:$0x3] =	stream.linear.gather [hbm4b:s13+s2], $0x10, $0x38;
	[tilespmem:$0x10E28] =	vst v63  }
0x21: {  	_ =	swait.ge [sflag:s17], $0x10  }
0x22: {  	[sflag:s17] =	ssyncset.done $0x0  }
0x23: {  	s14 =	rddreg [dreg:$0x5];
	[sflag:s17] =	ssyncadd.s32 $0xFFFFFFF0  }
0x24: {  	v1 =	vld [tilespmem:$0x10D98];
	[tilespmem:s2], [sflag:$0x3] =	stream.linear.gather [hbm4b:s14+s2], $0x5200, $0x38  }
0x25: {  	_ =	swait.ge [sflag:s17], $0x5200  }
0x26: {  	[sflag:s17] =	ssyncset.done $0x0  }
0x27: {  	s19 =	simm.s32 $0x5200;
	s15 =	rddreg [dreg:$0x6];
	[sflag:s17] =	ssyncadd.s32 $0xFFFFAE00  }
0x28: {  	[tilespmem:s19], [sflag:$0x3] =	stream.linear.gather [hbm4b:s15+s2], $0x400, $0x38;
	[tilespmem:$0x10E28] =	vst v63  }
0x29: {  	_ =	swait.ge [sflag:s17], $0x400  }
0x2a: {  	(v2sf) =	vpush v1, $0x0;
	_ =	sdelay $0x1  }
0x2b: {  	[sflag:s17] =	ssyncset.done $0x0  }
0x2c: {  	s21 =	simm.s32 $0x5600;
	[sflag:s17] =	ssyncadd.s32 $0xFFFFFC00  }
0x2d: {  	[tilespmem:s21], [sflag:$0x1] =	stream.indirect.gather [hbm4b:s3+s20], $0x10, s2, s20, $0xb8;
	[tilespmem:$0x10E28] =	vst v63  }
0x2e: {  	s22 =	simm.s32 $0x5E00  }
0x2f: {  	[tilespmem:s22], [sflag:$0x1] =	stream.indirect.gather [hbm4b:s3+s20], $0x10, s20, s20, $0xb8;
	[tilespmem:$0x10E28] =	vst v63  }
0x30: {  	_ = 	snop  }
0x31: {  	[tilespmem:s24], [sflag:$0x1] =	stream.indirect.gather [hbm4b:s3+s20], $0x10, s23, s20, $0xb8;
	[tilespmem:$0x10E28] =	vst v63  }
0x32: {  	_ = 	snop  }
0x33: {  	[tilespmem:s26], [sflag:$0x1] =	stream.indirect.gather [hbm4b:s3+s20], $0x10, s25, s20, $0xb8;
	[tilespmem:$0x10E28] =	vst v63  }
0x34: {  	_ = 	snop  }
0x35: {  	[tilespmem:s29], [sflag:$0x1] =	stream.indirect.gather [hbm4b:s3+s20], $0x10, s28, s20, $0xb8;
	[tilespmem:$0x10E28] =	vst v63  }
0x36: {  	_ = 	snop  }
0x37: {  	[tilespmem:s0], [sflag:$0x1] =	stream.indirect.gather [hbm4b:s3+s30], $0x10, s31, s30, $0xb8;
	[tilespmem:$0x10E28] =	vst v63  }
0x38: {  	v2 =	vimm.f32 $0.0e+00;
	s12 =	simm.s32 $0x0;
	v1 =	vimm.f32 $0.0e+00;
	s11 =	spop (v2sf)  }
.LBB2_2:
0x39: {  	s13 =	sshllo.u32 s12, $0x1  }
0x3a: {  	s14 =	smul.u32 $0xA40, s13;
	_ =	sdelay $0x1  }
0x3b: {  	s14 =	sshra.s32 s14, $0x2  }
0x3c: {  	[tilespmem:s1], [sflag:$0x2] =	stream.indirect.gather [hbm4b:s3+s20], $0x10, s14, s20, $0xb8;
	[tilespmem:$0x10E28] =	vst v63  }
0x3d: {  	s15 =	sadd.s32 $0x80, s14  }
0x3e: {  	[tilespmem:s18], [sflag:$0x2] =	stream.indirect.gather [hbm4b:s3+s20], $0x10, s15, s20, $0xb8;
	[tilespmem:$0x10E28] =	vst v63  }
0x3f: {  	s22 =	sadd.s32 $0x100, s14  }
0x40: {  	[tilespmem:s4], [sflag:$0x2] =	stream.indirect.gather [hbm4b:s3+s20], $0x10, s22, s20, $0xb8;
	[tilespmem:$0x10E28] =	vst v63  }
0x41: {  	s19 =	sadd.s32 $0x180, s14  }
0x42: {  	[tilespmem:s5], [sflag:$0x2] =	stream.indirect.gather [hbm4b:s3+s20], $0x10, s19, s20, $0xb8;
	[tilespmem:$0x10E28] =	vst v63  }
0x43: {  	s21 =	sadd.s32 $0x200, s14  }
0x44: {  	[tilespmem:s6], [sflag:$0x2] =	stream.indirect.gather [hbm4b:s3+s20], $0x10, s21, s20, $0xb8;
	[tilespmem:$0x10E28] =	vst v63  }
0x45: {  	s14 =	sadd.s32 $0x280, s14  }
0x46: {  	[tilespmem:s7], [sflag:$0x2] =	stream.indirect.gather [hbm4b:s3+s30], $0x10, s14, s30, $0xb8;
	[tilespmem:$0x10E28] =	vst v63  }
0x47: {  	_ =	swait.ge [sflag:s8], $0x800  }
0x48: {  	[sflag:s8] =	ssyncset.done $0x0  }
0x49: {  	[sflag:s8] =	ssyncadd.s32 $0xFFFFF800  }
0x4a: {  	_ =	swait.ge [sflag:s8], $0x800  }
0x4b: {  	[sflag:s8] =	ssyncset.done $0x0  }
0x4c: {  	[sflag:s8] =	ssyncadd.s32 $0xFFFFF800  }
0x4d: {  	_ =	swait.ge [sflag:s8], $0x800  }
0x4e: {  	[sflag:s8] =	ssyncset.done $0x0  }
0x4f: {  	[sflag:s8] =	ssyncadd.s32 $0xFFFFF800  }
0x50: {  	_ =	swait.ge [sflag:s8], $0x800  }
0x51: {  	[sflag:s8] =	ssyncset.done $0x0  }
0x52: {  	[sflag:s8] =	ssyncadd.s32 $0xFFFFF800  }
0x53: {  	_ =	swait.ge [sflag:s8], $0x800  }
0x54: {  	[sflag:s8] =	ssyncset.done $0x0  }
0x55: {  	[sflag:s8] =	ssyncadd.s32 $0xFFFFF800  }
0x56: {  	_ =	swait.ge [sflag:s8], $0x100  }
0x57: {  	[sflag:s8] =	ssyncset.done $0x0  }
0x58: {  	s22 =	simm.s32 $0x0;
	[sflag:s8] =	ssyncadd.s32 $0xFFFFFF00  }
0x59: {  	v3 =	vld [tilespmem:s22+$0x5600]  }
0x5a: {  	v4 =	vld [tilespmem:s22+$0x5610];
	_ =	sdelay $0x2  }
0x5b: {  	v5 =	vld [tilespmem:s22+$0x5620]  }
0x5c: {  	v6 =	vld [tilespmem:s22+$0x5630]  }
0x5d: {  	v7 =	vunpack.i.l.bf16.f32 v3;
	v8 =	vunpack.i.l.bf16.f32 v4  }
0x5e: {  	v7 =	vmul.f32 v8, v7  }
0x5f: {  	v3 =	vunpack.i.u.bf16.f32 v3;
	v4 =	vunpack.i.u.bf16.f32 v4;
	v8 =	vld [tilespmem:s22+$0x5640]  }
0x60: {  	v3 =	vmul.f32 v4, v3;
	v4 =	vld [tilespmem:s22+$0x5650];
	v7 =	vadd.f32 v7, v1  }
0x61: {  	v9 =	vunpack.i.l.bf16.f32 v5;
	v10 =	vunpack.i.l.bf16.f32 v6  }
0x62: {  	v3 =	vadd.f32 v7, v3;
	v7 =	vmul.f32 v10, v9  }
0x63: {  	v5 =	vunpack.i.u.bf16.f32 v5;
	v6 =	vunpack.i.u.bf16.f32 v6;
	v9 =	vld [tilespmem:s22+$0x5660]  }
0x64: {  	v5 =	vmul.f32 v6, v5;
	v10 =	vld [tilespmem:s22+$0x5670];
	v3 =	vadd.f32 v7, v3  }
0x65: {  	v6 =	vunpack.i.l.bf16.f32 v8;
	v7 =	vunpack.i.l.bf16.f32 v4;
	v4 =	vunpack.i.u.bf16.f32 v4  }
0x66: {  	v3 =	vadd.f32 v3, v5;
	v5 =	vmul.f32 v7, v6;
	v6 =	vunpack.i.u.bf16.f32 v8  }
0x67: {  	v6 =	vmul.f32 v4, v6;
	v4 =	vld [tilespmem:s22+$0x5680]  }
0x68: {  	v3 =	vadd.f32 v5, v3;
	v5 =	vld [tilespmem:s22+$0x5690]  }
0x69: {  	v7 =	vunpack.i.l.bf16.f32 v9;
	v8 =	vunpack.i.l.bf16.f32 v10  }
0x6a: {  	s15 =	simm.s32 $0xA0;
	v7 =	vmul.f32 v8, v7;
	v6 =	vadd.f32 v3, v6  }
0x6b: {  	s19 =	simm.s32 $0x500;
	s14 =	sshll.u32 s12, $0x1;
	v8 =	vunpack.i.u.bf16.f32 v9;
	v9 =	vunpack.i.u.bf16.f32 v10;
	v3 =	vld [tilespmem:s15+$0x5600]  }
.LBB2_3:
0x6c: {  	p0 =	sne.s32 s19, $0xA000;
	v10 =	vld [tilespmem:s15+$0x5610];
	v6 =	vadd.f32 v7, v6;
	v7 =	vmul.f32 v9, v8  }
0x6d: {  	v8 =	vunpack.i.l.bf16.f32 v4;
	v9 =	vunpack.i.l.bf16.f32 v5  }
0x6e: {  	v6 =	vadd.f32 v6, v7;
	v7 =	vmul.f32 v9, v8  }
0x6f: {  	v4 =	vunpack.i.u.bf16.f32 v4;
	v5 =	vunpack.i.u.bf16.f32 v5;
	v8 =	vld [tilespmem:s15+$0x5620]  }
0x70: {  	v4 =	vmul.f32 v5, v4;
	v9 =	vld [tilespmem:s15+$0x5630];
	v6 =	vadd.f32 v7, v6  }
0x71: {  	v5 =	vunpack.i.l.bf16.f32 v3;
	v7 =	vunpack.i.l.bf16.f32 v10  }
0x72: {  	v5 =	vmul.f32 v7, v5;
	v4 =	vadd.f32 v6, v4  }
0x73: {  	v3 =	vunpack.i.u.bf16.f32 v3;
	v6 =	vunpack.i.u.bf16.f32 v10;
	v7 =	vld [tilespmem:s15+$0x5640]  }
0x74: {  	v3 =	vmul.f32 v6, v3;
	v4 =	vadd.f32 v5, v4;
	v5 =	vld [tilespmem:s15+$0x5650]  }
0x75: {  	v6 =	vunpack.i.l.bf16.f32 v8;
	v10 =	vunpack.i.l.bf16.f32 v9  }
0x76: {  	v3 =	vadd.f32 v4, v3;
	v4 =	vmul.f32 v10, v6  }
0x77: {  	v6 =	vunpack.i.u.bf16.f32 v8;
	v8 =	vunpack.i.u.bf16.f32 v9;
	v9 =	vld [tilespmem:s15+$0x5660]  }
0x78: {  	v3 =	vadd.f32 v4, v3;
	v4 =	vmul.f32 v8, v6;
	v10 =	vld [tilespmem:s15+$0x5670]  }
0x79: {  	v6 =	vunpack.i.l.bf16.f32 v7;
	v8 =	vunpack.i.l.bf16.f32 v5  }
0x7a: {  	v3 =	vadd.f32 v3, v4;
	v6 =	vmul.f32 v8, v6  }
.Ltmp0:
0x7b: {  	v7 =	vunpack.i.u.bf16.f32 v7;
	v5 =	vunpack.i.u.bf16.f32 v5;
	v4 =	vld [tilespmem:s15+$0x5680];
	(pc) =	sbr.rel @p0 .LBB2_3-.Ltmp0, $4  }
0x7c: {  	v3 =	vadd.f32 v6, v3;
	v6 =	vmul.f32 v5, v7;
	v5 =	vld [tilespmem:s15+$0x5690]  }
0x7d: {  	v7 =	vunpack.i.l.bf16.f32 v9;
	v8 =	vunpack.i.l.bf16.f32 v10  }
0x7e: {  	s15 =	sshra.s32 s19, $0x2;
	v6 =	vadd.f32 v3, v6;
	v7 =	vmul.f32 v8, v7  }
0x7f: {  	s19 =	sadd.s32 $0x280, s19;
	v8 =	vunpack.i.u.bf16.f32 v9;
	v9 =	vunpack.i.u.bf16.f32 v10;
	v3 =	vld [tilespmem:s15+$0x5600]  }
0x80: {  	v10 =	vld [tilespmem:s15+$0x5610];
	v6 =	vadd.f32 v7, v6;
	v7 =	vmul.f32 v9, v8  }
0x81: {  	v8 =	vunpack.i.l.bf16.f32 v4;
	v9 =	vunpack.i.l.bf16.f32 v5  }
0x82: {  	v6 =	vadd.f32 v6, v7;
	v7 =	vmul.f32 v9, v8  }
0x83: {  	v4 =	vunpack.i.u.bf16.f32 v4;
	v5 =	vunpack.i.u.bf16.f32 v5;
	v8 =	vld [tilespmem:s15+$0x5620]  }
0x84: {  	v9 =	vld [tilespmem:s15+$0x5630];
	v4 =	vmul.f32 v5, v4;
	v6 =	vadd.f32 v7, v6  }
0x85: {  	v5 =	vunpack.i.l.bf16.f32 v3;
	v7 =	vunpack.i.l.bf16.f32 v10  }
0x86: {  	v5 =	vmul.f32 v7, v5;
	v4 =	vadd.f32 v6, v4  }
0x87: {  	v3 =	vunpack.i.u.bf16.f32 v3;
	v6 =	vunpack.i.u.bf16.f32 v10;
	v7 =	vld [tilespmem:s15+$0x5640]  }
0x88: {  	v3 =	vmul.f32 v6, v3;
	v4 =	vadd.f32 v5, v4;
	v5 =	vld [tilespmem:s15+$0x5650]  }
0x89: {  	v6 =	vunpack.i.l.bf16.f32 v8;
	v10 =	vunpack.i.l.bf16.f32 v9  }
0x8a: {  	v3 =	vadd.f32 v4, v3;
	v4 =	vmul.f32 v10, v6  }
0x8b: {  	v6 =	vunpack.i.u.bf16.f32 v8;
	v8 =	vunpack.i.u.bf16.f32 v9;
	v9 =	vld [tilespmem:s15+$0x5660]  }
0x8c: {  	v3 =	vadd.f32 v4, v3;
	v4 =	vmul.f32 v8, v6;
	v6 =	vld [tilespmem:s15+$0x5670]  }
0x8d: {  	s19 =	sshll.u32 s12, $0x6;
	v8 =	vunpack.i.l.bf16.f32 v7;
	v10 =	vunpack.i.l.bf16.f32 v5  }
0x8e: {  	s19 =	sand.u32 $0x3FFFFFC0, s19;
	v3 =	vadd.f32 v3, v4;
	v4 =	vmul.f32 v10, v8;
	v8 =	vld [tilespmem:s15+$0x5680]  }
0x8f: {  	v7 =	vunpack.i.u.bf16.f32 v7;
	v5 =	vunpack.i.u.bf16.f32 v5;
	v10 =	vld [tilespmem:s19+$0x5200]  }
0x90: {  	v3 =	vadd.f32 v4, v3;
	v4 =	vmul.f32 v5, v7;
	v5 =	vld [tilespmem:s15+$0x5690]  }
0x91: {  	v12 =	vld [tilespmem:s19+$0x5210];
	v7 =	vunpack.i.l.bf16.f32 v9;
	v11 =	vunpack.i.l.bf16.f32 v6  }
0x92: {  	v3 =	vadd.f32 v3, v4;
	v4 =	vmul.f32 v11, v7  }
0x93: {  	v6 =	vunpack.i.u.bf16.f32 v6;
	v7 =	vunpack.i.u.bf16.f32 v9  }
0x94: {  	v3 =	vadd.f32 v4, v3;
	v4 =	vmul.f32 v6, v7  }
0x95: {  	v6 =	vunpack.i.l.bf16.f32 v8;
	v7 =	vunpack.i.l.bf16.f32 v5  }
0x96: {  	v3 =	vadd.f32 v3, v4;
	v4 =	vmul.f32 v7, v6  }
0x97: {  	v5 =	vunpack.i.u.bf16.f32 v5;
	v6 =	vunpack.i.u.bf16.f32 v8;
	v7 =	vld.idx.msk [tilespmem:v10+s16+$0x0], $0xffff  }
0x98: {  	v3 =	vadd.f32 v4, v3;
	v4 =	vmul.f32 v5, v6  }
0x99: {  	v5 =	vld.idx.msk [tilespmem:v12+s16+$0x0], $0xffff  }
0x9a: {  	v3 =	vadd.f32 v3, v4;
	_ =	sdelay $0x1  }
0x9b: {  	v3 =	vadd.f32 v7, v3;
	_ =	sdelay $0x1  }
0x9c: {  	v3 =	vadd.f32 v5, v3;
	_ =	sdelay $0x1  }
0x9d: {  	(xrf2) =	vadd.scan.msk.f32 $0xffff, v3;
	_ =	sdelay $0x9  }
0x9e: {  	p0 =	sgt.u32 s13, $0x1E;
	v3, _, _ =	vpop (xrf2)  }
0x9f: {  	s15 =	smul.u32 @!p0 $0x1480, s12;
	(v2sf) =	vpush v3, $0xF;
	_ =	sdelay $0x1  }
0xa0: {  	s15 =	sshra.s32 @!p0 s15, $0x2  }
0xa1: {  	s21 =	simm.s32 @!p0 $0x80;
	s22 =	simm.s32 @!p0 $0x5600;
	s19 =	sadd.s32 @!p0 $0x520, s15  }
0xa2: {  	[tilespmem:s22], [sflag:$0x1] =	stream.indirect.gather @!p0 [hbm4b:s3+s21], $0x10, s19, s21, $0xb8;
	[tilespmem:$0x10E28] =	vst v63  }
0xa3: {  	s19 =	sadd.s32 @!p0 $0x5A0, s15;
	s22 =	simm.s32 @!p0 $0x5E00  }
0xa4: {  	[tilespmem:s22], [sflag:$0x1] =	stream.indirect.gather @!p0 [hbm4b:s3+s21], $0x10, s19, s21, $0xb8;
	[tilespmem:$0x10E28] =	vst v63  }
0xa5: {  	s19 =	sadd.s32 @!p0 $0x620, s15;
	s22 =	simm.s32 @!p0 $0x6600  }
0xa6: {  	[tilespmem:s22], [sflag:$0x1] =	stream.indirect.gather @!p0 [hbm4b:s3+s21], $0x10, s19, s21, $0xb8;
	[tilespmem:$0x10E28] =	vst v63  }
0xa7: {  	s19 =	sadd.s32 @!p0 $0x6A0, s15;
	s22 =	simm.s32 @!p0 $0x6E00  }
0xa8: {  	[tilespmem:s22], [sflag:$0x1] =	stream.indirect.gather @!p0 [hbm4b:s3+s21], $0x10, s19, s21, $0xb8;
	[tilespmem:$0x10E28] =	vst v63  }
0xa9: {  	s19 =	sadd.s32 @!p0 $0x720, s15;
	s22 =	simm.s32 @!p0 $0x7600  }
0xaa: {  	[tilespmem:s22], [sflag:$0x1] =	stream.indirect.gather @!p0 [hbm4b:s3+s21], $0x10, s19, s21, $0xb8;
	[tilespmem:$0x10E28] =	vst v63  }
0xab: {  	s15 =	sadd.s32 @!p0 $0x7A0, s15;
	s21 =	simm.s32 @!p0 $0x10;
	s22 =	simm.s32 @!p0 $0x7E00  }
0xac: {  	[tilespmem:s22], [sflag:$0x1] =	stream.indirect.gather @!p0 [hbm4b:s3+s21], $0x10, s15, s21, $0xb8;
	[tilespmem:$0x10E28] =	vst v63  }
0xad: {  	s19 =	spop (v2sf)  }
0xae: {  	_ =	swait.ge [sflag:s9], $0x800  }
0xaf: {  	[sflag:s9] =	ssyncset.done $0x0  }
0xb0: {  	[sflag:s9] =	ssyncadd.s32 $0xFFFFF800  }
0xb1: {  	_ =	swait.ge [sflag:s9], $0x800  }
0xb2: {  	[sflag:s9] =	ssyncset.done $0x0  }
0xb3: {  	[sflag:s9] =	ssyncadd.s32 $0xFFFFF800  }
0xb4: {  	_ =	swait.ge [sflag:s9], $0x800  }
0xb5: {  	[sflag:s9] =	ssyncset.done $0x0  }
0xb6: {  	[sflag:s9] =	ssyncadd.s32 $0xFFFFF800  }
0xb7: {  	_ =	swait.ge [sflag:s9], $0x800  }
0xb8: {  	[sflag:s9] =	ssyncset.done $0x0  }
0xb9: {  	[sflag:s9] =	ssyncadd.s32 $0xFFFFF800  }
0xba: {  	_ =	swait.ge [sflag:s9], $0x800  }
0xbb: {  	[sflag:s9] =	ssyncset.done $0x0  }
0xbc: {  	[sflag:s9] =	ssyncadd.s32 $0xFFFFF800  }
0xbd: {  	_ =	swait.ge [sflag:s9], $0x100  }
0xbe: {  	[sflag:s9] =	ssyncset.done $0x0  }
0xbf: {  	s15 =	simm.s32 $0x0;
	[sflag:s9] =	ssyncadd.s32 $0xFFFFFF00  }
0xc0: {  	v3 =	vld [tilespmem:s15+$0x7F00]  }
0xc1: {  	v4 =	vld [tilespmem:s15+$0x7F10];
	_ =	sdelay $0x2  }
0xc2: {  	v5 =	vld [tilespmem:s15+$0x7F20]  }
0xc3: {  	v6 =	vld [tilespmem:s15+$0x7F30]  }
0xc4: {  	v7 =	vunpack.i.l.bf16.f32 v3;
	v8 =	vunpack.i.l.bf16.f32 v4  }
0xc5: {  	v7 =	vmul.f32 v8, v7  }
0xc6: {  	v3 =	vunpack.i.u.bf16.f32 v3;
	v4 =	vunpack.i.u.bf16.f32 v4;
	v8 =	vimm.f32 $0.0e+00  }
0xc7: {  	v9 =	vld [tilespmem:s15+$0x7F40];
	v3 =	vmul.f32 v4, v3;
	v7 =	vadd.f32 v7, v8  }
0xc8: {  	v10 =	vunpack.i.l.bf16.f32 v6;
	v4 =	vld [tilespmem:s15+$0x7F50];
	v8 =	vunpack.i.l.bf16.f32 v5  }
0xc9: {  	v3 =	vadd.f32 v7, v3;
	v7 =	vmul.f32 v10, v8  }
0xca: {  	v6 =	vunpack.i.u.bf16.f32 v6;
	v5 =	vunpack.i.u.bf16.f32 v5  }
0xcb: {  	v5 =	vmul.f32 v6, v5;
	v8 =	vld [tilespmem:s15+$0x7F60];
	v3 =	vadd.f32 v7, v3  }
0xcc: {  	v6 =	vunpack.i.l.bf16.f32 v9;
	v10 =	vld [tilespmem:s15+$0x7F70]  }
0xcd: {  	s22 =	sand.u32 $0xE, s14;
	v7 =	vunpack.i.l.bf16.f32 v4;
	v4 =	vunpack.i.u.bf16.f32 v4;
	v3 =	vadd.f32 v3, v5  }
0xce: {  	v5 =	vmul.f32 v7, v6;
	v6 =	vmov s22;
	v7 =	vunpack.i.u.bf16.f32 v9  }
0xcf: {  	vm0 =	veq.s32 v6, v0;
	v6 =	vmul.f32 v4, v7;
	v4 =	vld [tilespmem:s15+$0x7F80]  }
0xd0: {  	v3 =	vadd.f32 v5, v3;
	v5 =	vld [tilespmem:s15+$0x7F90]  }
0xd1: {  	s19 =	sadd.f32 s19, s11;
	v7 =	vunpack.i.l.bf16.f32 v8;
	v9 =	vunpack.i.l.bf16.f32 v10  }
0xd2: {  	s15 =	simm.s32 $0xA0;
	v7 =	vmul.f32 v9, v7;
	v6 =	vadd.f32 v3, v6  }
0xd3: {  	v8 =	vunpack.i.u.bf16.f32 v8;
	v2 =	vsel vm0, s19, v2;
	s19 =	simm.s32 $0x500;
	v9 =	vunpack.i.u.bf16.f32 v10;
	v3 =	vld [tilespmem:s15+$0x7F00]  }
.LBB2_5:
0xd4: {  	p0 =	sne.s32 s19, $0xA000;
	v10 =	vld [tilespmem:s15+$0x7F10];
	v6 =	vadd.f32 v7, v6;
	v7 =	vmul.f32 v9, v8  }
0xd5: {  	v8 =	vunpack.i.l.bf16.f32 v4;
	v9 =	vunpack.i.l.bf16.f32 v5  }
0xd6: {  	v6 =	vadd.f32 v6, v7;
	v7 =	vmul.f32 v9, v8  }
0xd7: {  	v4 =	vunpack.i.u.bf16.f32 v4;
	v5 =	vunpack.i.u.bf16.f32 v5;
	v8 =	vld [tilespmem:s15+$0x7F20]  }
0xd8: {  	v4 =	vmul.f32 v5, v4;
	v9 =	vld [tilespmem:s15+$0x7F30];
	v6 =	vadd.f32 v7, v6  }
0xd9: {  	v5 =	vunpack.i.l.bf16.f32 v3;
	v7 =	vunpack.i.l.bf16.f32 v10  }
0xda: {  	v5 =	vmul.f32 v7, v5;
	v4 =	vadd.f32 v6, v4  }
0xdb: {  	v3 =	vunpack.i.u.bf16.f32 v3;
	v6 =	vunpack.i.u.bf16.f32 v10;
	v7 =	vld [tilespmem:s15+$0x7F40]  }
0xdc: {  	v3 =	vmul.f32 v6, v3;
	v4 =	vadd.f32 v5, v4;
	v5 =	vld [tilespmem:s15+$0x7F50]  }
0xdd: {  	v6 =	vunpack.i.l.bf16.f32 v8;
	v10 =	vunpack.i.l.bf16.f32 v9  }
0xde: {  	v3 =	vadd.f32 v4, v3;
	v4 =	vmul.f32 v10, v6  }
0xdf: {  	v6 =	vunpack.i.u.bf16.f32 v8;
	v8 =	vunpack.i.u.bf16.f32 v9;
	v9 =	vld [tilespmem:s15+$0x7F60]  }
0xe0: {  	v3 =	vadd.f32 v4, v3;
	v4 =	vmul.f32 v8, v6;
	v10 =	vld [tilespmem:s15+$0x7F70]  }
0xe1: {  	v6 =	vunpack.i.l.bf16.f32 v7;
	v8 =	vunpack.i.l.bf16.f32 v5  }
0xe2: {  	v3 =	vadd.f32 v3, v4;
	v6 =	vmul.f32 v8, v6  }
.Ltmp1:
0xe3: {  	v7 =	vunpack.i.u.bf16.f32 v7;
	v5 =	vunpack.i.u.bf16.f32 v5;
	v4 =	vld [tilespmem:s15+$0x7F80];
	(pc) =	sbr.rel @p0 .LBB2_5-.Ltmp1, $4  }
0xe4: {  	v3 =	vadd.f32 v6, v3;
	v6 =	vmul.f32 v5, v7;
	v5 =	vld [tilespmem:s15+$0x7F90]  }
0xe5: {  	v7 =	vunpack.i.l.bf16.f32 v9;
	v8 =	vunpack.i.l.bf16.f32 v10  }
0xe6: {  	s15 =	sshra.s32 s19, $0x2;
	v6 =	vadd.f32 v3, v6;
	v7 =	vmul.f32 v8, v7  }
0xe7: {  	s19 =	sadd.s32 $0x280, s19;
	v8 =	vunpack.i.u.bf16.f32 v9;
	v9 =	vunpack.i.u.bf16.f32 v10;
	v3 =	vld [tilespmem:s15+$0x7F00]  }
0xe8: {  	v10 =	vld [tilespmem:s15+$0x7F10];
	v6 =	vadd.f32 v7, v6;
	v24 =	vmul.f32 v9, v8  }
0xe9: {  	v25 =	vunpack.i.l.bf16.f32 v4;
	v26 =	vunpack.i.l.bf16.f32 v5  }
0xea: {  	v6 =	vadd.f32 v6, v24;
	v27 =	vmul.f32 v26, v25  }
0xeb: {  	v28 =	vld [tilespmem:s15+$0x7F20];
	v29 =	vunpack.i.u.bf16.f32 v4;
	v30 =	vunpack.i.u.bf16.f32 v5  }
0xec: {  	v31 =	vld [tilespmem:s15+$0x7F30];
	v4 =	vmul.f32 v30, v29;
	v6 =	vadd.f32 v27, v6  }
0xed: {  	v32 =	vunpack.i.l.bf16.f32 v3;
	v33 =	vunpack.i.l.bf16.f32 v10  }
0xee: {  	v5 =	vmul.f32 v33, v32;
	v4 =	vadd.f32 v6, v4  }
0xef: {  	v35 =	vld [tilespmem:s15+$0x7F40];
	v3 =	vunpack.i.u.bf16.f32 v3;
	v34 =	vunpack.i.u.bf16.f32 v10  }
0xf0: {  	v36 =	vld [tilespmem:s15+$0x7F50];
	v3 =	vmul.f32 v34, v3;
	v4 =	vadd.f32 v5, v4  }
0xf1: {  	v37 =	vunpack.i.l.bf16.f32 v28;
	v38 =	vunpack.i.l.bf16.f32 v31  }
0xf2: {  	v39 =	vmul.f32 v38, v37;
	v3 =	vadd.f32 v4, v3  }
0xf3: {  	v42 =	vld [tilespmem:s15+$0x7F60];
	v40 =	vunpack.i.u.bf16.f32 v28;
	v41 =	vunpack.i.u.bf16.f32 v31  }
0xf4: {  	v44 =	vld [tilespmem:s15+$0x7F70];
	v43 =	vmul.f32 v41, v40;
	v3 =	vadd.f32 v39, v3  }
0xf5: {  	s19 =	sshll.u32 s13, $0x5;
	v45 =	vunpack.i.l.bf16.f32 v35;
	v46 =	vunpack.i.l.bf16.f32 v36  }
0xf6: {  	v48 =	vld [tilespmem:s15+$0x7F80];
	s19 =	sand.u32 $0x3FFFFFE0, s19;
	v47 =	vmul.f32 v46, v45;
	v3 =	vadd.f32 v3, v43  }
0xf7: {  	v49 =	vld [tilespmem:s19+$0x5200];
	v7 =	vunpack.i.u.bf16.f32 v35;
	v5 =	vunpack.i.u.bf16.f32 v36  }
0xf8: {  	v11 =	vld [tilespmem:s15+$0x7F90];
	v50 =	vmul.f32 v5, v7;
	v3 =	vadd.f32 v47, v3  }
0xf9: {  	v12 =	vld [tilespmem:s19+$0x5210];
	v51 =	vunpack.i.l.bf16.f32 v42;
	v52 =	vunpack.i.l.bf16.f32 v44  }
0xfa: {  	v53 =	vmul.f32 v52, v51;
	v3 =	vadd.f32 v3, v50  }
0xfb: {  	v54 =	vunpack.i.u.bf16.f32 v42;
	v6 =	vunpack.i.u.bf16.f32 v44  }
0xfc: {  	v55 =	vmul.f32 v6, v54;
	v3 =	vadd.f32 v53, v3  }
0xfd: {  	v56 =	vunpack.i.l.bf16.f32 v48;
	v57 =	vunpack.i.l.bf16.f32 v11  }
0xfe: {  	v58 =	vmul.f32 v57, v56;
	v3 =	vadd.f32 v3, v55  }
0xff: {  	v59 =	vunpack.i.u.bf16.f32 v48;
	v60 =	vunpack.i.u.bf16.f32 v11;
	v61 =	vld.idx.msk [tilespmem:v49+s16+$0x0], $0xffff  }
0x100: {  	v62 =	vmul.f32 v60, v59;
	v3 =	vadd.f32 v58, v3  }
0x101: {  	v63 =	vld.idx.msk [tilespmem:v12+s16+$0x0], $0xffff  }
0x102: {  	v3 =	vadd.f32 v3, v62;
	_ =	sdelay $0x1  }
0x103: {  	v3 =	vadd.f32 v61, v3;
	_ =	sdelay $0x1  }
0x104: {  	v3 =	vadd.f32 v63, v3;
	_ =	sdelay $0x1  }
0x105: {  	(xrf2) =	vadd.scan.msk.f32 $0xffff, v3;
	_ =	sdelay $0x9  }
0x106: {  	v3, _, _ =	vpop (xrf2)  }
0x107: {  	(v2sf) =	vpush v3, $0xF;
	_ =	sdelay $0xc  }
0x108: {  	s12 =	sadd.s32 $0x1, s12  }
0x109: {  	p1 =	sne.s32 s12, $0x10  }
.Ltmp2:
0x10a: {  	s22 =	sand.u32 $0xF, s13;
	s21 =	spop (v2sf);
	(pc) =	sbr.rel @p1 .LBB2_2-.Ltmp2, $4  }
0x10b: {  	v3 =	vmov s22;
	s15 =	sadd.f32 s21, s11  }
0x10c: {  	vm0 =	veq.s32 v3, v0  }
0x10d: {  	p0 =	sne.s32 s22, $0xF;
	v2 =	vsel vm0, s15, v2  }
0x10e: {  	[tilespmem:s14+$0x10D9A] =	vst @!p0 v2  }
0x10f: {  	s12 =	simm.s32 $0x0;
	s13 =	rddreg [dreg:$0x7]  }
0x110: {  	[tilespmem:s12], [sflag:$0x3] =	stream.linear.gather [hbm4b:s13+s12], $0x5200, $0x38;
	[tilespmem:$0x10E28] =	vst v63  }
0x111: {  	_ =	swait.ge [sflag:s17], $0x5200  }
0x112: {  	[sflag:s17] =	ssyncset.done $0x0  }
0x113: {  	s14 =	simm.s32 $0x5200;
	s19 =	rddreg [dreg:$0x8];
	[sflag:s17] =	ssyncadd.s32 $0xFFFFAE00  }
0x114: {  	[tilespmem:s14], [sflag:$0x3] =	stream.linear.gather [hbm4b:s19+s12], $0x400, $0x38;
	[tilespmem:$0x10E28] =	vst v63  }
0x115: {  	_ =	swait.ge [sflag:s17], $0x400  }
0x116: {  	[sflag:s17] =	ssyncset.done $0x0  }
0x117: {  	s21 =	simm.s32 $0x5600;
	[sflag:s17] =	ssyncadd.s32 $0xFFFFFC00  }
0x118: {  	[tilespmem:s21], [sflag:$0x1] =	stream.indirect.gather [hbm4b:s3+s20], $0x10, s12, s20, $0xb8;
	[tilespmem:$0x10E28] =	vst v63  }
0x119: {  	s22 =	simm.s32 $0x5E00  }
0x11a: {  	[tilespmem:s22], [sflag:$0x1] =	stream.indirect.gather [hbm4b:s3+s20], $0x10, s20, s20, $0xb8;
	[tilespmem:$0x10E28] =	vst v63  }
0x11b: {  	_ = 	snop  }
0x11c: {  	[tilespmem:s24], [sflag:$0x1] =	stream.indirect.gather [hbm4b:s3+s20], $0x10, s23, s20, $0xb8;
	[tilespmem:$0x10E28] =	vst v63  }
0x11d: {  	_ = 	snop  }
0x11e: {  	[tilespmem:s26], [sflag:$0x1] =	stream.indirect.gather [hbm4b:s3+s20], $0x10, s25, s20, $0xb8;
	[tilespmem:$0x10E28] =	vst v63  }
0x11f: {  	_ = 	snop  }
0x120: {  	[tilespmem:s29], [sflag:$0x1] =	stream.indirect.gather [hbm4b:s3+s20], $0x10, s28, s20, $0xb8;
	[tilespmem:$0x10E28] =	vst v63  }
0x121: {  	_ = 	snop  }
0x122: {  	v1 =	vimm.f32 $0.0e+00;
	v2 =	vimm.f32 $0.0e+00;
	[tilespmem:s0], [sflag:$0x1] =	stream.indirect.gather [hbm4b:s3+s30], $0x10, s31, s30, $0xb8;
	[tilespmem:$0x10E28] =	vst v63  }
.LBB2_8:
0x123: {  	s13 =	sshllo.u32 s12, $0x1  }
0x124: {  	s14 =	smul.u32 $0xA40, s13;
	_ =	sdelay $0x1  }
0x125: {  	s14 =	sshra.s32 s14, $0x2  }
0x126: {  	[tilespmem:s1], [sflag:$0x2] =	stream.indirect.gather [hbm4b:s3+s20], $0x10, s14, s20, $0xb8;
	[tilespmem:$0x10E28] =	vst v63  }
0x127: {  	s15 =	sadd.s32 $0x80, s14  }
0x128: {  	[tilespmem:s18], [sflag:$0x2] =	stream.indirect.gather [hbm4b:s3+s20], $0x10, s15, s20, $0xb8;
	[tilespmem:$0x10E28] =	vst v63  }
0x129: {  	s22 =	sadd.s32 $0x100, s14  }
0x12a: {  	[tilespmem:s4], [sflag:$0x2] =	stream.indirect.gather [hbm4b:s3+s20], $0x10, s22, s20, $0xb8;
	[tilespmem:$0x10E28] =	vst v63  }
0x12b: {  	s19 =	sadd.s32 $0x180, s14  }
0x12c: {  	[tilespmem:s5], [sflag:$0x2] =	stream.indirect.gather [hbm4b:s3+s20], $0x10, s19, s20, $0xb8;
	[tilespmem:$0x10E28] =	vst v63  }
0x12d: {  	s21 =	sadd.s32 $0x200, s14  }
0x12e: {  	[tilespmem:s6], [sflag:$0x2] =	stream.indirect.gather [hbm4b:s3+s20], $0x10, s21, s20, $0xb8;
	[tilespmem:$0x10E28] =	vst v63  }
0x12f: {  	s14 =	sadd.s32 $0x280, s14  }
0x130: {  	[tilespmem:s7], [sflag:$0x2] =	stream.indirect.gather [hbm4b:s3+s30], $0x10, s14, s30, $0xb8;
	[tilespmem:$0x10E28] =	vst v63  }
0x131: {  	_ =	swait.ge [sflag:s8], $0x800  }
0x132: {  	[sflag:s8] =	ssyncset.done $0x0  }
0x133: {  	[sflag:s8] =	ssyncadd.s32 $0xFFFFF800  }
0x134: {  	_ =	swait.ge [sflag:s8], $0x800  }
0x135: {  	[sflag:s8] =	ssyncset.done $0x0  }
0x136: {  	[sflag:s8] =	ssyncadd.s32 $0xFFFFF800  }
0x137: {  	_ =	swait.ge [sflag:s8], $0x800  }
0x138: {  	[sflag:s8] =	ssyncset.done $0x0  }
0x139: {  	[sflag:s8] =	ssyncadd.s32 $0xFFFFF800  }
0x13a: {  	_ =	swait.ge [sflag:s8], $0x800  }
0x13b: {  	[sflag:s8] =	ssyncset.done $0x0  }
0x13c: {  	[sflag:s8] =	ssyncadd.s32 $0xFFFFF800  }
0x13d: {  	_ =	swait.ge [sflag:s8], $0x800  }
0x13e: {  	[sflag:s8] =	ssyncset.done $0x0  }
0x13f: {  	[sflag:s8] =	ssyncadd.s32 $0xFFFFF800  }
0x140: {  	_ =	swait.ge [sflag:s8], $0x100  }
0x141: {  	[sflag:s8] =	ssyncset.done $0x0  }
0x142: {  	s22 =	simm.s32 $0x0;
	[sflag:s8] =	ssyncadd.s32 $0xFFFFFF00  }
0x143: {  	v3 =	vld [tilespmem:s22+$0x5600]  }
0x144: {  	v4 =	vld [tilespmem:s22+$0x5610];
	_ =	sdelay $0x2  }
0x145: {  	v5 =	vld [tilespmem:s22+$0x5620]  }
0x146: {  	v6 =	vld [tilespmem:s22+$0x5630]  }
0x147: {  	v7 =	vunpack.i.l.bf16.f32 v3;
	v8 =	vunpack.i.l.bf16.f32 v4  }
0x148: {  	v7 =	vmul.f32 v8, v7  }
0x149: {  	v3 =	vunpack.i.u.bf16.f32 v3;
	v4 =	vunpack.i.u.bf16.f32 v4;
	v8 =	vld [tilespmem:s22+$0x5640]  }
0x14a: {  	v3 =	vmul.f32 v4, v3;
	v4 =	vld [tilespmem:s22+$0x5650];
	v7 =	vadd.f32 v7, v1  }
0x14b: {  	v9 =	vunpack.i.l.bf16.f32 v5;
	v10 =	vunpack.i.l.bf16.f32 v6  }
0x14c: {  	v3 =	vadd.f32 v7, v3;
	v7 =	vmul.f32 v10, v9  }
0x14d: {  	v5 =	vunpack.i.u.bf16.f32 v5;
	v6 =	vunpack.i.u.bf16.f32 v6;
	v9 =	vld [tilespmem:s22+$0x5660]  }
0x14e: {  	v5 =	vmul.f32 v6, v5;
	v10 =	vld [tilespmem:s22+$0x5670];
	v3 =	vadd.f32 v7, v3  }
0x14f: {  	v6 =	vunpack.i.l.bf16.f32 v8;
	v7 =	vunpack.i.l.bf16.f32 v4;
	v4 =	vunpack.i.u.bf16.f32 v4  }
0x150: {  	v3 =	vadd.f32 v3, v5;
	v5 =	vmul.f32 v7, v6;
	v6 =	vunpack.i.u.bf16.f32 v8  }
0x151: {  	v6 =	vmul.f32 v4, v6;
	v4 =	vld [tilespmem:s22+$0x5680]  }
0x152: {  	v3 =	vadd.f32 v5, v3;
	v5 =	vld [tilespmem:s22+$0x5690]  }
0x153: {  	v7 =	vunpack.i.l.bf16.f32 v9;
	v8 =	vunpack.i.l.bf16.f32 v10  }
0x154: {  	s15 =	simm.s32 $0xA0;
	v7 =	vmul.f32 v8, v7;
	v6 =	vadd.f32 v3, v6  }
0x155: {  	s19 =	simm.s32 $0x500;
	s14 =	sshll.u32 s12, $0x1;
	v8 =	vunpack.i.u.bf16.f32 v9;
	v9 =	vunpack.i.u.bf16.f32 v10;
	v3 =	vld [tilespmem:s15+$0x5600]  }
.LBB2_9:
0x156: {  	p0 =	sne.s32 s19, $0xA000;
	v10 =	vld [tilespmem:s15+$0x5610];
	v6 =	vadd.f32 v7, v6;
	v7 =	vmul.f32 v9, v8  }
0x157: {  	v8 =	vunpack.i.l.bf16.f32 v4;
	v9 =	vunpack.i.l.bf16.f32 v5  }
0x158: {  	v6 =	vadd.f32 v6, v7;
	v7 =	vmul.f32 v9, v8  }
0x159: {  	v4 =	vunpack.i.u.bf16.f32 v4;
	v5 =	vunpack.i.u.bf16.f32 v5;
	v8 =	vld [tilespmem:s15+$0x5620]  }
0x15a: {  	v4 =	vmul.f32 v5, v4;
	v9 =	vld [tilespmem:s15+$0x5630];
	v6 =	vadd.f32 v7, v6  }
0x15b: {  	v5 =	vunpack.i.l.bf16.f32 v3;
	v7 =	vunpack.i.l.bf16.f32 v10  }
0x15c: {  	v5 =	vmul.f32 v7, v5;
	v4 =	vadd.f32 v6, v4  }
0x15d: {  	v3 =	vunpack.i.u.bf16.f32 v3;
	v6 =	vunpack.i.u.bf16.f32 v10;
	v7 =	vld [tilespmem:s15+$0x5640]  }
0x15e: {  	v3 =	vmul.f32 v6, v3;
	v4 =	vadd.f32 v5, v4;
	v5 =	vld [tilespmem:s15+$0x5650]  }
0x15f: {  	v6 =	vunpack.i.l.bf16.f32 v8;
	v10 =	vunpack.i.l.bf16.f32 v9  }
0x160: {  	v3 =	vadd.f32 v4, v3;
	v4 =	vmul.f32 v10, v6  }
0x161: {  	v6 =	vunpack.i.u.bf16.f32 v8;
	v8 =	vunpack.i.u.bf16.f32 v9;
	v9 =	vld [tilespmem:s15+$0x5660]  }
0x162: {  	v3 =	vadd.f32 v4, v3;
	v4 =	vmul.f32 v8, v6;
	v10 =	vld [tilespmem:s15+$0x5670]  }
0x163: {  	v6 =	vunpack.i.l.bf16.f32 v7;
	v8 =	vunpack.i.l.bf16.f32 v5  }
0x164: {  	v3 =	vadd.f32 v3, v4;
	v6 =	vmul.f32 v8, v6  }
.Ltmp3:
0x165: {  	v7 =	vunpack.i.u.bf16.f32 v7;
	v5 =	vunpack.i.u.bf16.f32 v5;
	v4 =	vld [tilespmem:s15+$0x5680];
	(pc) =	sbr.rel @p0 .LBB2_9-.Ltmp3, $4  }
0x166: {  	v3 =	vadd.f32 v6, v3;
	v6 =	vmul.f32 v5, v7;
	v5 =	vld [tilespmem:s15+$0x5690]  }
0x167: {  	v7 =	vunpack.i.l.bf16.f32 v9;
	v8 =	vunpack.i.l.bf16.f32 v10  }
0x168: {  	s15 =	sshra.s32 s19, $0x2;
	v6 =	vadd.f32 v3, v6;
	v7 =	vmul.f32 v8, v7  }
0x169: {  	s19 =	sadd.s32 $0x280, s19;
	v8 =	vunpack.i.u.bf16.f32 v9;
	v9 =	vunpack.i.u.bf16.f32 v10;
	v3 =	vld [tilespmem:s15+$0x5600]  }
0x16a: {  	v10 =	vld [tilespmem:s15+$0x5610];
	v6 =	vadd.f32 v7, v6;
	v7 =	vmul.f32 v9, v8  }
0x16b: {  	v8 =	vunpack.i.l.bf16.f32 v4;
	v9 =	vunpack.i.l.bf16.f32 v5  }
0x16c: {  	v6 =	vadd.f32 v6, v7;
	v7 =	vmul.f32 v9, v8  }
0x16d: {  	v4 =	vunpack.i.u.bf16.f32 v4;
	v5 =	vunpack.i.u.bf16.f32 v5;
	v8 =	vld [tilespmem:s15+$0x5620]  }
0x16e: {  	v9 =	vld [tilespmem:s15+$0x5630];
	v4 =	vmul.f32 v5, v4;
	v6 =	vadd.f32 v7, v6  }
0x16f: {  	v5 =	vunpack.i.l.bf16.f32 v3;
	v7 =	vunpack.i.l.bf16.f32 v10  }
0x170: {  	v5 =	vmul.f32 v7, v5;
	v4 =	vadd.f32 v6, v4  }
0x171: {  	v3 =	vunpack.i.u.bf16.f32 v3;
	v6 =	vunpack.i.u.bf16.f32 v10;
	v7 =	vld [tilespmem:s15+$0x5640]  }
0x172: {  	v3 =	vmul.f32 v6, v3;
	v4 =	vadd.f32 v5, v4;
	v5 =	vld [tilespmem:s15+$0x5650]  }
0x173: {  	v6 =	vunpack.i.l.bf16.f32 v8;
	v10 =	vunpack.i.l.bf16.f32 v9  }
0x174: {  	v3 =	vadd.f32 v4, v3;
	v4 =	vmul.f32 v10, v6  }
0x175: {  	v6 =	vunpack.i.u.bf16.f32 v8;
	v8 =	vunpack.i.u.bf16.f32 v9;
	v9 =	vld [tilespmem:s15+$0x5660]  }
0x176: {  	v3 =	vadd.f32 v4, v3;
	v4 =	vmul.f32 v8, v6;
	v6 =	vld [tilespmem:s15+$0x5670]  }
0x177: {  	s19 =	sshll.u32 s12, $0x6;
	v8 =	vunpack.i.l.bf16.f32 v7;
	v10 =	vunpack.i.l.bf16.f32 v5  }
0x178: {  	s19 =	sand.u32 $0x3FFFFFC0, s19;
	v3 =	vadd.f32 v3, v4;
	v4 =	vmul.f32 v10, v8;
	v8 =	vld [tilespmem:s15+$0x5680]  }
0x179: {  	v7 =	vunpack.i.u.bf16.f32 v7;
	v5 =	vunpack.i.u.bf16.f32 v5;
	v10 =	vld [tilespmem:s19+$0x5200]  }
0x17a: {  	v3 =	vadd.f32 v4, v3;
	v4 =	vmul.f32 v5, v7;
	v5 =	vld [tilespmem:s15+$0x5690]  }
0x17b: {  	v12 =	vld [tilespmem:s19+$0x5210];
	v7 =	vunpack.i.l.bf16.f32 v9;
	v11 =	vunpack.i.l.bf16.f32 v6  }
0x17c: {  	v3 =	vadd.f32 v3, v4;
	v4 =	vmul.f32 v11, v7  }
0x17d: {  	v6 =	vunpack.i.u.bf16.f32 v6;
	v7 =	vunpack.i.u.bf16.f32 v9  }
0x17e: {  	v3 =	vadd.f32 v4, v3;
	v4 =	vmul.f32 v6, v7  }
0x17f: {  	v6 =	vunpack.i.l.bf16.f32 v8;
	v7 =	vunpack.i.l.bf16.f32 v5  }
0x180: {  	v3 =	vadd.f32 v3, v4;
	v4 =	vmul.f32 v7, v6  }
0x181: {  	v5 =	vunpack.i.u.bf16.f32 v5;
	v6 =	vunpack.i.u.bf16.f32 v8;
	v7 =	vld.idx.msk [tilespmem:v10+s16+$0x0], $0xffff  }
0x182: {  	v3 =	vadd.f32 v4, v3;
	v4 =	vmul.f32 v5, v6  }
0x183: {  	v5 =	vld.idx.msk [tilespmem:v12+s16+$0x0], $0xffff  }
0x184: {  	v3 =	vadd.f32 v3, v4;
	_ =	sdelay $0x1  }
0x185: {  	v3 =	vadd.f32 v7, v3;
	_ =	sdelay $0x1  }
0x186: {  	v3 =	vadd.f32 v5, v3;
	_ =	sdelay $0x1  }
0x187: {  	(xrf2) =	vadd.scan.msk.f32 $0xffff, v3;
	_ =	sdelay $0x9  }
0x188: {  	p0 =	sgt.u32 s13, $0x1E;
	v3, _, _ =	vpop (xrf2)  }
0x189: {  	s15 =	smul.u32 @!p0 $0x1480, s12;
	(v2sf) =	vpush v3, $0xF;
	_ =	sdelay $0x1  }
0x18a: {  	s15 =	sshra.s32 @!p0 s15, $0x2  }
0x18b: {  	s21 =	simm.s32 @!p0 $0x80;
	s22 =	simm.s32 @!p0 $0x5600;
	s19 =	sadd.s32 @!p0 $0x520, s15  }
0x18c: {  	[tilespmem:s22], [sflag:$0x1] =	stream.indirect.gather @!p0 [hbm4b:s3+s21], $0x10, s19, s21, $0xb8;
	[tilespmem:$0x10E28] =	vst v63  }
0x18d: {  	s19 =	sadd.s32 @!p0 $0x5A0, s15;
	s22 =	simm.s32 @!p0 $0x5E00  }
0x18e: {  	[tilespmem:s22], [sflag:$0x1] =	stream.indirect.gather @!p0 [hbm4b:s3+s21], $0x10, s19, s21, $0xb8;
	[tilespmem:$0x10E28] =	vst v63  }
0x18f: {  	s19 =	sadd.s32 @!p0 $0x620, s15;
	s22 =	simm.s32 @!p0 $0x6600  }
0x190: {  	[tilespmem:s22], [sflag:$0x1] =	stream.indirect.gather @!p0 [hbm4b:s3+s21], $0x10, s19, s21, $0xb8;
	[tilespmem:$0x10E28] =	vst v63  }
0x191: {  	s19 =	sadd.s32 @!p0 $0x6A0, s15;
	s22 =	simm.s32 @!p0 $0x6E00  }
0x192: {  	[tilespmem:s22], [sflag:$0x1] =	stream.indirect.gather @!p0 [hbm4b:s3+s21], $0x10, s19, s21, $0xb8;
	[tilespmem:$0x10E28] =	vst v63  }
0x193: {  	s19 =	sadd.s32 @!p0 $0x720, s15;
	s22 =	simm.s32 @!p0 $0x7600  }
0x194: {  	[tilespmem:s22], [sflag:$0x1] =	stream.indirect.gather @!p0 [hbm4b:s3+s21], $0x10, s19, s21, $0xb8;
	[tilespmem:$0x10E28] =	vst v63  }
0x195: {  	s15 =	sadd.s32 @!p0 $0x7A0, s15;
	s21 =	simm.s32 @!p0 $0x10;
	s22 =	simm.s32 @!p0 $0x7E00  }
0x196: {  	[tilespmem:s22], [sflag:$0x1] =	stream.indirect.gather @!p0 [hbm4b:s3+s21], $0x10, s15, s21, $0xb8;
	[tilespmem:$0x10E28] =	vst v63  }
0x197: {  	s19 =	spop (v2sf)  }
0x198: {  	_ =	swait.ge [sflag:s9], $0x800  }
0x199: {  	[sflag:s9] =	ssyncset.done $0x0  }
0x19a: {  	[sflag:s9] =	ssyncadd.s32 $0xFFFFF800  }
0x19b: {  	_ =	swait.ge [sflag:s9], $0x800  }
0x19c: {  	[sflag:s9] =	ssyncset.done $0x0  }
0x19d: {  	[sflag:s9] =	ssyncadd.s32 $0xFFFFF800  }
0x19e: {  	_ =	swait.ge [sflag:s9], $0x800  }
0x19f: {  	[sflag:s9] =	ssyncset.done $0x0  }
0x1a0: {  	[sflag:s9] =	ssyncadd.s32 $0xFFFFF800  }
0x1a1: {  	_ =	swait.ge [sflag:s9], $0x800  }
0x1a2: {  	[sflag:s9] =	ssyncset.done $0x0  }
0x1a3: {  	[sflag:s9] =	ssyncadd.s32 $0xFFFFF800  }
0x1a4: {  	_ =	swait.ge [sflag:s9], $0x800  }
0x1a5: {  	[sflag:s9] =	ssyncset.done $0x0  }
0x1a6: {  	[sflag:s9] =	ssyncadd.s32 $0xFFFFF800  }
0x1a7: {  	_ =	swait.ge [sflag:s9], $0x100  }
0x1a8: {  	[sflag:s9] =	ssyncset.done $0x0  }
0x1a9: {  	s15 =	simm.s32 $0x0;
	[sflag:s9] =	ssyncadd.s32 $0xFFFFFF00  }
0x1aa: {  	v3 =	vld [tilespmem:s15+$0x7F00]  }
0x1ab: {  	v4 =	vld [tilespmem:s15+$0x7F10];
	_ =	sdelay $0x2  }
0x1ac: {  	v5 =	vld [tilespmem:s15+$0x7F20]  }
0x1ad: {  	v6 =	vld [tilespmem:s15+$0x7F30]  }
0x1ae: {  	v7 =	vunpack.i.l.bf16.f32 v3;
	v8 =	vunpack.i.l.bf16.f32 v4  }
0x1af: {  	v7 =	vmul.f32 v8, v7  }
0x1b0: {  	v3 =	vunpack.i.u.bf16.f32 v3;
	v4 =	vunpack.i.u.bf16.f32 v4;
	v8 =	vimm.f32 $0.0e+00  }
0x1b1: {  	v9 =	vld [tilespmem:s15+$0x7F40];
	v3 =	vmul.f32 v4, v3;
	v7 =	vadd.f32 v7, v8  }
0x1b2: {  	v10 =	vunpack.i.l.bf16.f32 v6;
	v4 =	vld [tilespmem:s15+$0x7F50];
	v8 =	vunpack.i.l.bf16.f32 v5  }
0x1b3: {  	v3 =	vadd.f32 v7, v3;
	v7 =	vmul.f32 v10, v8  }
0x1b4: {  	v6 =	vunpack.i.u.bf16.f32 v6;
	v5 =	vunpack.i.u.bf16.f32 v5  }
0x1b5: {  	v5 =	vmul.f32 v6, v5;
	v8 =	vld [tilespmem:s15+$0x7F60];
	v3 =	vadd.f32 v7, v3  }
0x1b6: {  	v6 =	vunpack.i.l.bf16.f32 v9;
	v10 =	vld [tilespmem:s15+$0x7F70]  }
0x1b7: {  	s22 =	sand.u32 $0xE, s14;
	v7 =	vunpack.i.l.bf16.f32 v4;
	v4 =	vunpack.i.u.bf16.f32 v4;
	v3 =	vadd.f32 v3, v5  }
0x1b8: {  	v5 =	vmul.f32 v7, v6;
	v6 =	vmov s22;
	v7 =	vunpack.i.u.bf16.f32 v9  }
0x1b9: {  	vm0 =	veq.s32 v6, v0;
	v6 =	vmul.f32 v4, v7;
	v4 =	vld [tilespmem:s15+$0x7F80]  }
0x1ba: {  	v3 =	vadd.f32 v5, v3;
	v5 =	vld [tilespmem:s15+$0x7F90]  }
0x1bb: {  	s19 =	sadd.f32 s19, s11;
	v7 =	vunpack.i.l.bf16.f32 v8;
	v9 =	vunpack.i.l.bf16.f32 v10  }
0x1bc: {  	s15 =	simm.s32 $0xA0;
	v7 =	vmul.f32 v9, v7;
	v6 =	vadd.f32 v3, v6  }
0x1bd: {  	v8 =	vunpack.i.u.bf16.f32 v8;
	v2 =	vsel vm0, s19, v2;
	s19 =	simm.s32 $0x500;
	v9 =	vunpack.i.u.bf16.f32 v10;
	v3 =	vld [tilespmem:s15+$0x7F00]  }
.LBB2_11:
0x1be: {  	p0 =	sne.s32 s19, $0xA000;
	v10 =	vld [tilespmem:s15+$0x7F10];
	v6 =	vadd.f32 v7, v6;
	v7 =	vmul.f32 v9, v8  }
0x1bf: {  	v8 =	vunpack.i.l.bf16.f32 v4;
	v9 =	vunpack.i.l.bf16.f32 v5  }
0x1c0: {  	v6 =	vadd.f32 v6, v7;
	v7 =	vmul.f32 v9, v8  }
0x1c1: {  	v4 =	vunpack.i.u.bf16.f32 v4;
	v5 =	vunpack.i.u.bf16.f32 v5;
	v8 =	vld [tilespmem:s15+$0x7F20]  }
0x1c2: {  	v4 =	vmul.f32 v5, v4;
	v9 =	vld [tilespmem:s15+$0x7F30];
	v6 =	vadd.f32 v7, v6  }
0x1c3: {  	v5 =	vunpack.i.l.bf16.f32 v3;
	v7 =	vunpack.i.l.bf16.f32 v10  }
0x1c4: {  	v5 =	vmul.f32 v7, v5;
	v4 =	vadd.f32 v6, v4  }
0x1c5: {  	v3 =	vunpack.i.u.bf16.f32 v3;
	v6 =	vunpack.i.u.bf16.f32 v10;
	v7 =	vld [tilespmem:s15+$0x7F40]  }
0x1c6: {  	v3 =	vmul.f32 v6, v3;
	v4 =	vadd.f32 v5, v4;
	v5 =	vld [tilespmem:s15+$0x7F50]  }
0x1c7: {  	v6 =	vunpack.i.l.bf16.f32 v8;
	v10 =	vunpack.i.l.bf16.f32 v9  }
0x1c8: {  	v3 =	vadd.f32 v4, v3;
	v4 =	vmul.f32 v10, v6  }
0x1c9: {  	v6 =	vunpack.i.u.bf16.f32 v8;
	v8 =	vunpack.i.u.bf16.f32 v9;
	v9 =	vld [tilespmem:s15+$0x7F60]  }
0x1ca: {  	v3 =	vadd.f32 v4, v3;
	v4 =	vmul.f32 v8, v6;
	v10 =	vld [tilespmem:s15+$0x7F70]  }
0x1cb: {  	v6 =	vunpack.i.l.bf16.f32 v7;
	v8 =	vunpack.i.l.bf16.f32 v5  }
0x1cc: {  	v3 =	vadd.f32 v3, v4;
	v6 =	vmul.f32 v8, v6  }
.Ltmp4:
0x1cd: {  	v7 =	vunpack.i.u.bf16.f32 v7;
	v5 =	vunpack.i.u.bf16.f32 v5;
	v4 =	vld [tilespmem:s15+$0x7F80];
	(pc) =	sbr.rel @p0 .LBB2_11-.Ltmp4, $4  }
0x1ce: {  	v3 =	vadd.f32 v6, v3;
	v6 =	vmul.f32 v5, v7;
	v5 =	vld [tilespmem:s15+$0x7F90]  }
0x1cf: {  	v7 =	vunpack.i.l.bf16.f32 v9;
	v8 =	vunpack.i.l.bf16.f32 v10  }
0x1d0: {  	s15 =	sshra.s32 s19, $0x2;
	v6 =	vadd.f32 v3, v6;
	v7 =	vmul.f32 v8, v7  }
0x1d1: {  	s19 =	sadd.s32 $0x280, s19;
	v8 =	vunpack.i.u.bf16.f32 v9;
	v9 =	vunpack.i.u.bf16.f32 v10;
	v3 =	vld [tilespmem:s15+$0x7F00]  }
0x1d2: {  	v10 =	vld [tilespmem:s15+$0x7F10];
	v6 =	vadd.f32 v7, v6;
	v24 =	vmul.f32 v9, v8  }
0x1d3: {  	v25 =	vunpack.i.l.bf16.f32 v4;
	v26 =	vunpack.i.l.bf16.f32 v5  }
0x1d4: {  	v6 =	vadd.f32 v6, v24;
	v27 =	vmul.f32 v26, v25  }
0x1d5: {  	v28 =	vld [tilespmem:s15+$0x7F20];
	v29 =	vunpack.i.u.bf16.f32 v4;
	v30 =	vunpack.i.u.bf16.f32 v5  }
0x1d6: {  	v31 =	vld [tilespmem:s15+$0x7F30];
	v4 =	vmul.f32 v30, v29;
	v6 =	vadd.f32 v27, v6  }
0x1d7: {  	v32 =	vunpack.i.l.bf16.f32 v3;
	v33 =	vunpack.i.l.bf16.f32 v10  }
0x1d8: {  	v5 =	vmul.f32 v33, v32;
	v4 =	vadd.f32 v6, v4  }
0x1d9: {  	v35 =	vld [tilespmem:s15+$0x7F40];
	v3 =	vunpack.i.u.bf16.f32 v3;
	v34 =	vunpack.i.u.bf16.f32 v10  }
0x1da: {  	v36 =	vld [tilespmem:s15+$0x7F50];
	v3 =	vmul.f32 v34, v3;
	v4 =	vadd.f32 v5, v4  }
0x1db: {  	v37 =	vunpack.i.l.bf16.f32 v28;
	v38 =	vunpack.i.l.bf16.f32 v31  }
0x1dc: {  	v39 =	vmul.f32 v38, v37;
	v3 =	vadd.f32 v4, v3  }
0x1dd: {  	v42 =	vld [tilespmem:s15+$0x7F60];
	v40 =	vunpack.i.u.bf16.f32 v28;
	v41 =	vunpack.i.u.bf16.f32 v31  }
0x1de: {  	v44 =	vld [tilespmem:s15+$0x7F70];
	v43 =	vmul.f32 v41, v40;
	v3 =	vadd.f32 v39, v3  }
0x1df: {  	s19 =	sshll.u32 s13, $0x5;
	v45 =	vunpack.i.l.bf16.f32 v35;
	v46 =	vunpack.i.l.bf16.f32 v36  }
0x1e0: {  	v48 =	vld [tilespmem:s15+$0x7F80];
	s19 =	sand.u32 $0x3FFFFFE0, s19;
	v47 =	vmul.f32 v46, v45;
	v3 =	vadd.f32 v3, v43  }
0x1e1: {  	v49 =	vld [tilespmem:s19+$0x5200];
	v7 =	vunpack.i.u.bf16.f32 v35;
	v5 =	vunpack.i.u.bf16.f32 v36  }
0x1e2: {  	v11 =	vld [tilespmem:s15+$0x7F90];
	v50 =	vmul.f32 v5, v7;
	v3 =	vadd.f32 v47, v3  }
0x1e3: {  	v12 =	vld [tilespmem:s19+$0x5210];
	v51 =	vunpack.i.l.bf16.f32 v42;
	v52 =	vunpack.i.l.bf16.f32 v44  }
0x1e4: {  	v53 =	vmul.f32 v52, v51;
	v3 =	vadd.f32 v3, v50  }
0x1e5: {  	v54 =	vunpack.i.u.bf16.f32 v42;
	v6 =	vunpack.i.u.bf16.f32 v44  }
0x1e6: {  	v55 =	vmul.f32 v6, v54;
	v3 =	vadd.f32 v53, v3  }
0x1e7: {  	v56 =	vunpack.i.l.bf16.f32 v48;
	v57 =	vunpack.i.l.bf16.f32 v11  }
0x1e8: {  	v58 =	vmul.f32 v57, v56;
	v3 =	vadd.f32 v3, v55  }
0x1e9: {  	v59 =	vunpack.i.u.bf16.f32 v48;
	v60 =	vunpack.i.u.bf16.f32 v11;
	v61 =	vld.idx.msk [tilespmem:v49+s16+$0x0], $0xffff  }
0x1ea: {  	v62 =	vmul.f32 v60, v59;
	v3 =	vadd.f32 v58, v3  }
0x1eb: {  	v63 =	vld.idx.msk [tilespmem:v12+s16+$0x0], $0xffff  }
0x1ec: {  	v3 =	vadd.f32 v3, v62;
	_ =	sdelay $0x1  }
0x1ed: {  	v3 =	vadd.f32 v61, v3;
	_ =	sdelay $0x1  }
0x1ee: {  	v3 =	vadd.f32 v63, v3;
	_ =	sdelay $0x1  }
0x1ef: {  	(xrf2) =	vadd.scan.msk.f32 $0xffff, v3;
	_ =	sdelay $0x9  }
0x1f0: {  	v3, _, _ =	vpop (xrf2)  }
0x1f1: {  	(v2sf) =	vpush v3, $0xF;
	_ =	sdelay $0xc  }
0x1f2: {  	s12 =	sadd.s32 $0x1, s12  }
0x1f3: {  	p1 =	sne.s32 s12, $0x10  }
.Ltmp5:
0x1f4: {  	s22 =	sand.u32 $0xF, s13;
	s21 =	spop (v2sf);
	(pc) =	sbr.rel @p1 .LBB2_8-.Ltmp5, $4  }
0x1f5: {  	v3 =	vmov s22;
	s15 =	sadd.f32 s21, s11  }
0x1f6: {  	vm0 =	veq.s32 v3, v0  }
0x1f7: {  	p0 =	sne.s32 s22, $0xF;
	v2 =	vsel vm0, s15, v2  }
0x1f8: {  	[tilespmem:s14+$0x10DBA] =	vst @!p0 v2  }
0x1f9: {  	s12 =	simm.s32 $0x0;
	s13 =	rddreg [dreg:$0x9]  }
0x1fa: {  	[tilespmem:s12], [sflag:$0x3] =	stream.linear.gather [hbm4b:s13+s12], $0x5200, $0x38;
	[tilespmem:$0x10E28] =	vst v63  }
0x1fb: {  	_ =	swait.ge [sflag:s17], $0x5200  }
0x1fc: {  	[sflag:s17] =	ssyncset.done $0x0  }
0x1fd: {  	s14 =	simm.s32 $0x5200;
	s19 =	rddreg [dreg:$0xa];
	[sflag:s17] =	ssyncadd.s32 $0xFFFFAE00  }
0x1fe: {  	[tilespmem:s14], [sflag:$0x3] =	stream.linear.gather [hbm4b:s19+s12], $0x400, $0x38;
	[tilespmem:$0x10E28] =	vst v63  }
0x1ff: {  	_ =	swait.ge [sflag:s17], $0x400  }
0x200: {  	[sflag:s17] =	ssyncset.done $0x0  }
0x201: {  	s21 =	simm.s32 $0x5600;
	[sflag:s17] =	ssyncadd.s32 $0xFFFFFC00  }
0x202: {  	[tilespmem:s21], [sflag:$0x1] =	stream.indirect.gather [hbm4b:s3+s20], $0x10, s12, s20, $0xb8;
	[tilespmem:$0x10E28] =	vst v63  }
0x203: {  	s22 =	simm.s32 $0x5E00  }
0x204: {  	[tilespmem:s22], [sflag:$0x1] =	stream.indirect.gather [hbm4b:s3+s20], $0x10, s20, s20, $0xb8;
	[tilespmem:$0x10E28] =	vst v63  }
0x205: {  	_ = 	snop  }
0x206: {  	[tilespmem:s24], [sflag:$0x1] =	stream.indirect.gather [hbm4b:s3+s20], $0x10, s23, s20, $0xb8;
	[tilespmem:$0x10E28] =	vst v63  }
0x207: {  	_ = 	snop  }
0x208: {  	[tilespmem:s26], [sflag:$0x1] =	stream.indirect.gather [hbm4b:s3+s20], $0x10, s25, s20, $0xb8;
	[tilespmem:$0x10E28] =	vst v63  }
0x209: {  	_ = 	snop  }
0x20a: {  	[tilespmem:s29], [sflag:$0x1] =	stream.indirect.gather [hbm4b:s3+s20], $0x10, s28, s20, $0xb8;
	[tilespmem:$0x10E28] =	vst v63  }
0x20b: {  	_ = 	snop  }
0x20c: {  	v1 =	vimm.f32 $0.0e+00;
	v2 =	vimm.f32 $0.0e+00;
	[tilespmem:s0], [sflag:$0x1] =	stream.indirect.gather [hbm4b:s3+s30], $0x10, s31, s30, $0xb8;
	[tilespmem:$0x10E28] =	vst v63  }
.LBB2_14:
0x20d: {  	s13 =	sshllo.u32 s12, $0x1  }
0x20e: {  	s14 =	smul.u32 $0xA40, s13;
	_ =	sdelay $0x1  }
0x20f: {  	s14 =	sshra.s32 s14, $0x2  }
0x210: {  	[tilespmem:s1], [sflag:$0x2] =	stream.indirect.gather [hbm4b:s3+s20], $0x10, s14, s20, $0xb8;
	[tilespmem:$0x10E28] =	vst v63  }
0x211: {  	s15 =	sadd.s32 $0x80, s14  }
0x212: {  	[tilespmem:s18], [sflag:$0x2] =	stream.indirect.gather [hbm4b:s3+s20], $0x10, s15, s20, $0xb8;
	[tilespmem:$0x10E28] =	vst v63  }
0x213: {  	s22 =	sadd.s32 $0x100, s14  }
0x214: {  	[tilespmem:s4], [sflag:$0x2] =	stream.indirect.gather [hbm4b:s3+s20], $0x10, s22, s20, $0xb8;
	[tilespmem:$0x10E28] =	vst v63  }
0x215: {  	s19 =	sadd.s32 $0x180, s14  }
0x216: {  	[tilespmem:s5], [sflag:$0x2] =	stream.indirect.gather [hbm4b:s3+s20], $0x10, s19, s20, $0xb8;
	[tilespmem:$0x10E28] =	vst v63  }
0x217: {  	s21 =	sadd.s32 $0x200, s14  }
0x218: {  	[tilespmem:s6], [sflag:$0x2] =	stream.indirect.gather [hbm4b:s3+s20], $0x10, s21, s20, $0xb8;
	[tilespmem:$0x10E28] =	vst v63  }
0x219: {  	s14 =	sadd.s32 $0x280, s14  }
0x21a: {  	[tilespmem:s7], [sflag:$0x2] =	stream.indirect.gather [hbm4b:s3+s30], $0x10, s14, s30, $0xb8;
	[tilespmem:$0x10E28] =	vst v63  }
0x21b: {  	_ =	swait.ge [sflag:s8], $0x800  }
0x21c: {  	[sflag:s8] =	ssyncset.done $0x0  }
0x21d: {  	[sflag:s8] =	ssyncadd.s32 $0xFFFFF800  }
0x21e: {  	_ =	swait.ge [sflag:s8], $0x800  }
0x21f: {  	[sflag:s8] =	ssyncset.done $0x0  }
0x220: {  	[sflag:s8] =	ssyncadd.s32 $0xFFFFF800  }
0x221: {  	_ =	swait.ge [sflag:s8], $0x800  }
0x222: {  	[sflag:s8] =	ssyncset.done $0x0  }
0x223: {  	[sflag:s8] =	ssyncadd.s32 $0xFFFFF800  }
0x224: {  	_ =	swait.ge [sflag:s8], $0x800  }
0x225: {  	[sflag:s8] =	ssyncset.done $0x0  }
0x226: {  	[sflag:s8] =	ssyncadd.s32 $0xFFFFF800  }
0x227: {  	_ =	swait.ge [sflag:s8], $0x800  }
0x228: {  	[sflag:s8] =	ssyncset.done $0x0  }
0x229: {  	[sflag:s8] =	ssyncadd.s32 $0xFFFFF800  }
0x22a: {  	_ =	swait.ge [sflag:s8], $0x100  }
0x22b: {  	[sflag:s8] =	ssyncset.done $0x0  }
0x22c: {  	s22 =	simm.s32 $0x0;
	[sflag:s8] =	ssyncadd.s32 $0xFFFFFF00  }
0x22d: {  	v3 =	vld [tilespmem:s22+$0x5600]  }
0x22e: {  	v4 =	vld [tilespmem:s22+$0x5610];
	_ =	sdelay $0x2  }
0x22f: {  	v5 =	vld [tilespmem:s22+$0x5620]  }
0x230: {  	v6 =	vld [tilespmem:s22+$0x5630]  }
0x231: {  	v7 =	vunpack.i.l.bf16.f32 v3;
	v8 =	vunpack.i.l.bf16.f32 v4  }
0x232: {  	v7 =	vmul.f32 v8, v7  }
0x233: {  	v3 =	vunpack.i.u.bf16.f32 v3;
	v4 =	vunpack.i.u.bf16.f32 v4;
	v8 =	vld [tilespmem:s22+$0x5640]  }
0x234: {  	v3 =	vmul.f32 v4, v3;
	v4 =	vld [tilespmem:s22+$0x5650];
	v7 =	vadd.f32 v7, v1  }
0x235: {  	v9 =	vunpack.i.l.bf16.f32 v5;
	v10 =	vunpack.i.l.bf16.f32 v6  }
0x236: {  	v3 =	vadd.f32 v7, v3;
	v7 =	vmul.f32 v10, v9  }
0x237: {  	v5 =	vunpack.i.u.bf16.f32 v5;
	v6 =	vunpack.i.u.bf16.f32 v6;
	v9 =	vld [tilespmem:s22+$0x5660]  }
0x238: {  	v5 =	vmul.f32 v6, v5;
	v10 =	vld [tilespmem:s22+$0x5670];
	v3 =	vadd.f32 v7, v3  }
0x239: {  	v6 =	vunpack.i.l.bf16.f32 v8;
	v7 =	vunpack.i.l.bf16.f32 v4;
	v4 =	vunpack.i.u.bf16.f32 v4  }
0x23a: {  	v3 =	vadd.f32 v3, v5;
	v5 =	vmul.f32 v7, v6;
	v6 =	vunpack.i.u.bf16.f32 v8  }
0x23b: {  	v6 =	vmul.f32 v4, v6;
	v4 =	vld [tilespmem:s22+$0x5680]  }
0x23c: {  	v3 =	vadd.f32 v5, v3;
	v5 =	vld [tilespmem:s22+$0x5690]  }
0x23d: {  	v7 =	vunpack.i.l.bf16.f32 v9;
	v8 =	vunpack.i.l.bf16.f32 v10  }
0x23e: {  	s15 =	simm.s32 $0xA0;
	v7 =	vmul.f32 v8, v7;
	v6 =	vadd.f32 v3, v6  }
0x23f: {  	s19 =	simm.s32 $0x500;
	s14 =	sshll.u32 s12, $0x1;
	v8 =	vunpack.i.u.bf16.f32 v9;
	v9 =	vunpack.i.u.bf16.f32 v10;
	v3 =	vld [tilespmem:s15+$0x5600]  }
.LBB2_15:
0x240: {  	p0 =	sne.s32 s19, $0xA000;
	v10 =	vld [tilespmem:s15+$0x5610];
	v6 =	vadd.f32 v7, v6;
	v7 =	vmul.f32 v9, v8  }
0x241: {  	v8 =	vunpack.i.l.bf16.f32 v4;
	v9 =	vunpack.i.l.bf16.f32 v5  }
0x242: {  	v6 =	vadd.f32 v6, v7;
	v7 =	vmul.f32 v9, v8  }
0x243: {  	v4 =	vunpack.i.u.bf16.f32 v4;
	v5 =	vunpack.i.u.bf16.f32 v5;
	v8 =	vld [tilespmem:s15+$0x5620]  }
0x244: {  	v4 =	vmul.f32 v5, v4;
	v9 =	vld [tilespmem:s15+$0x5630];
	v6 =	vadd.f32 v7, v6  }
0x245: {  	v5 =	vunpack.i.l.bf16.f32 v3;
	v7 =	vunpack.i.l.bf16.f32 v10  }
0x246: {  	v5 =	vmul.f32 v7, v5;
	v4 =	vadd.f32 v6, v4  }
0x247: {  	v3 =	vunpack.i.u.bf16.f32 v3;
	v6 =	vunpack.i.u.bf16.f32 v10;
	v7 =	vld [tilespmem:s15+$0x5640]  }
0x248: {  	v3 =	vmul.f32 v6, v3;
	v4 =	vadd.f32 v5, v4;
	v5 =	vld [tilespmem:s15+$0x5650]  }
0x249: {  	v6 =	vunpack.i.l.bf16.f32 v8;
	v10 =	vunpack.i.l.bf16.f32 v9  }
0x24a: {  	v3 =	vadd.f32 v4, v3;
	v4 =	vmul.f32 v10, v6  }
0x24b: {  	v6 =	vunpack.i.u.bf16.f32 v8;
	v8 =	vunpack.i.u.bf16.f32 v9;
	v9 =	vld [tilespmem:s15+$0x5660]  }
0x24c: {  	v3 =	vadd.f32 v4, v3;
	v4 =	vmul.f32 v8, v6;
	v10 =	vld [tilespmem:s15+$0x5670]  }
0x24d: {  	v6 =	vunpack.i.l.bf16.f32 v7;
	v8 =	vunpack.i.l.bf16.f32 v5  }
0x24e: {  	v3 =	vadd.f32 v3, v4;
	v6 =	vmul.f32 v8, v6  }
.Ltmp6:
0x24f: {  	v7 =	vunpack.i.u.bf16.f32 v7;
	v5 =	vunpack.i.u.bf16.f32 v5;
	v4 =	vld [tilespmem:s15+$0x5680];
	(pc) =	sbr.rel @p0 .LBB2_15-.Ltmp6, $4  }
0x250: {  	v3 =	vadd.f32 v6, v3;
	v6 =	vmul.f32 v5, v7;
	v5 =	vld [tilespmem:s15+$0x5690]  }
0x251: {  	v7 =	vunpack.i.l.bf16.f32 v9;
	v8 =	vunpack.i.l.bf16.f32 v10  }
0x252: {  	s15 =	sshra.s32 s19, $0x2;
	v6 =	vadd.f32 v3, v6;
	v7 =	vmul.f32 v8, v7  }
0x253: {  	s19 =	sadd.s32 $0x280, s19;
	v8 =	vunpack.i.u.bf16.f32 v9;
	v9 =	vunpack.i.u.bf16.f32 v10;
	v3 =	vld [tilespmem:s15+$0x5600]  }
0x254: {  	v10 =	vld [tilespmem:s15+$0x5610];
	v6 =	vadd.f32 v7, v6;
	v7 =	vmul.f32 v9, v8  }
0x255: {  	v8 =	vunpack.i.l.bf16.f32 v4;
	v9 =	vunpack.i.l.bf16.f32 v5  }
0x256: {  	v6 =	vadd.f32 v6, v7;
	v7 =	vmul.f32 v9, v8  }
0x257: {  	v4 =	vunpack.i.u.bf16.f32 v4;
	v5 =	vunpack.i.u.bf16.f32 v5;
	v8 =	vld [tilespmem:s15+$0x5620]  }
0x258: {  	v9 =	vld [tilespmem:s15+$0x5630];
	v4 =	vmul.f32 v5, v4;
	v6 =	vadd.f32 v7, v6  }
0x259: {  	v5 =	vunpack.i.l.bf16.f32 v3;
	v7 =	vunpack.i.l.bf16.f32 v10  }
0x25a: {  	v5 =	vmul.f32 v7, v5;
	v4 =	vadd.f32 v6, v4  }
0x25b: {  	v3 =	vunpack.i.u.bf16.f32 v3;
	v6 =	vunpack.i.u.bf16.f32 v10;
	v7 =	vld [tilespmem:s15+$0x5640]  }
0x25c: {  	v3 =	vmul.f32 v6, v3;
	v4 =	vadd.f32 v5, v4;
	v5 =	vld [tilespmem:s15+$0x5650]  }
0x25d: {  	v6 =	vunpack.i.l.bf16.f32 v8;
	v10 =	vunpack.i.l.bf16.f32 v9  }
0x25e: {  	v3 =	vadd.f32 v4, v3;
	v4 =	vmul.f32 v10, v6  }
0x25f: {  	v6 =	vunpack.i.u.bf16.f32 v8;
	v8 =	vunpack.i.u.bf16.f32 v9;
	v9 =	vld [tilespmem:s15+$0x5660]  }
0x260: {  	v3 =	vadd.f32 v4, v3;
	v4 =	vmul.f32 v8, v6;
	v6 =	vld [tilespmem:s15+$0x5670]  }
0x261: {  	s19 =	sshll.u32 s12, $0x6;
	v8 =	vunpack.i.l.bf16.f32 v7;
	v10 =	vunpack.i.l.bf16.f32 v5  }
0x262: {  	s19 =	sand.u32 $0x3FFFFFC0, s19;
	v3 =	vadd.f32 v3, v4;
	v4 =	vmul.f32 v10, v8;
	v8 =	vld [tilespmem:s15+$0x5680]  }
0x263: {  	v7 =	vunpack.i.u.bf16.f32 v7;
	v5 =	vunpack.i.u.bf16.f32 v5;
	v10 =	vld [tilespmem:s19+$0x5200]  }
0x264: {  	v3 =	vadd.f32 v4, v3;
	v4 =	vmul.f32 v5, v7;
	v5 =	vld [tilespmem:s15+$0x5690]  }
0x265: {  	v12 =	vld [tilespmem:s19+$0x5210];
	v7 =	vunpack.i.l.bf16.f32 v9;
	v11 =	vunpack.i.l.bf16.f32 v6  }
0x266: {  	v3 =	vadd.f32 v3, v4;
	v4 =	vmul.f32 v11, v7  }
0x267: {  	v6 =	vunpack.i.u.bf16.f32 v6;
	v7 =	vunpack.i.u.bf16.f32 v9  }
0x268: {  	v3 =	vadd.f32 v4, v3;
	v4 =	vmul.f32 v6, v7  }
0x269: {  	v6 =	vunpack.i.l.bf16.f32 v8;
	v7 =	vunpack.i.l.bf16.f32 v5  }
0x26a: {  	v3 =	vadd.f32 v3, v4;
	v4 =	vmul.f32 v7, v6  }
0x26b: {  	v5 =	vunpack.i.u.bf16.f32 v5;
	v6 =	vunpack.i.u.bf16.f32 v8;
	v7 =	vld.idx.msk [tilespmem:v10+s16+$0x0], $0xffff  }
0x26c: {  	v3 =	vadd.f32 v4, v3;
	v4 =	vmul.f32 v5, v6  }
0x26d: {  	v5 =	vld.idx.msk [tilespmem:v12+s16+$0x0], $0xffff  }
0x26e: {  	v3 =	vadd.f32 v3, v4;
	_ =	sdelay $0x1  }
0x26f: {  	v3 =	vadd.f32 v7, v3;
	_ =	sdelay $0x1  }
0x270: {  	v3 =	vadd.f32 v5, v3;
	_ =	sdelay $0x1  }
0x271: {  	(xrf2) =	vadd.scan.msk.f32 $0xffff, v3;
	_ =	sdelay $0x9  }
0x272: {  	p0 =	sgt.u32 s13, $0x1E;
	v3, _, _ =	vpop (xrf2)  }
0x273: {  	s15 =	smul.u32 @!p0 $0x1480, s12;
	(v2sf) =	vpush v3, $0xF;
	_ =	sdelay $0x1  }
0x274: {  	s15 =	sshra.s32 @!p0 s15, $0x2  }
0x275: {  	s21 =	simm.s32 @!p0 $0x80;
	s22 =	simm.s32 @!p0 $0x5600;
	s19 =	sadd.s32 @!p0 $0x520, s15  }
0x276: {  	[tilespmem:s22], [sflag:$0x1] =	stream.indirect.gather @!p0 [hbm4b:s3+s21], $0x10, s19, s21, $0xb8;
	[tilespmem:$0x10E28] =	vst v63  }
0x277: {  	s19 =	sadd.s32 @!p0 $0x5A0, s15;
	s22 =	simm.s32 @!p0 $0x5E00  }
0x278: {  	[tilespmem:s22], [sflag:$0x1] =	stream.indirect.gather @!p0 [hbm4b:s3+s21], $0x10, s19, s21, $0xb8;
	[tilespmem:$0x10E28] =	vst v63  }
0x279: {  	s19 =	sadd.s32 @!p0 $0x620, s15;
	s22 =	simm.s32 @!p0 $0x6600  }
0x27a: {  	[tilespmem:s22], [sflag:$0x1] =	stream.indirect.gather @!p0 [hbm4b:s3+s21], $0x10, s19, s21, $0xb8;
	[tilespmem:$0x10E28] =	vst v63  }
0x27b: {  	s19 =	sadd.s32 @!p0 $0x6A0, s15;
	s22 =	simm.s32 @!p0 $0x6E00  }
0x27c: {  	[tilespmem:s22], [sflag:$0x1] =	stream.indirect.gather @!p0 [hbm4b:s3+s21], $0x10, s19, s21, $0xb8;
	[tilespmem:$0x10E28] =	vst v63  }
0x27d: {  	s19 =	sadd.s32 @!p0 $0x720, s15;
	s22 =	simm.s32 @!p0 $0x7600  }
0x27e: {  	[tilespmem:s22], [sflag:$0x1] =	stream.indirect.gather @!p0 [hbm4b:s3+s21], $0x10, s19, s21, $0xb8;
	[tilespmem:$0x10E28] =	vst v63  }
0x27f: {  	s15 =	sadd.s32 @!p0 $0x7A0, s15;
	s21 =	simm.s32 @!p0 $0x10;
	s22 =	simm.s32 @!p0 $0x7E00  }
0x280: {  	[tilespmem:s22], [sflag:$0x1] =	stream.indirect.gather @!p0 [hbm4b:s3+s21], $0x10, s15, s21, $0xb8;
	[tilespmem:$0x10E28] =	vst v63  }
0x281: {  	s19 =	spop (v2sf)  }
0x282: {  	_ =	swait.ge [sflag:s9], $0x800  }
0x283: {  	[sflag:s9] =	ssyncset.done $0x0  }
0x284: {  	[sflag:s9] =	ssyncadd.s32 $0xFFFFF800  }
0x285: {  	_ =	swait.ge [sflag:s9], $0x800  }
0x286: {  	[sflag:s9] =	ssyncset.done $0x0  }
0x287: {  	[sflag:s9] =	ssyncadd.s32 $0xFFFFF800  }
0x288: {  	_ =	swait.ge [sflag:s9], $0x800  }
0x289: {  	[sflag:s9] =	ssyncset.done $0x0  }
0x28a: {  	[sflag:s9] =	ssyncadd.s32 $0xFFFFF800  }
0x28b: {  	_ =	swait.ge [sflag:s9], $0x800  }
0x28c: {  	[sflag:s9] =	ssyncset.done $0x0  }
0x28d: {  	[sflag:s9] =	ssyncadd.s32 $0xFFFFF800  }
0x28e: {  	_ =	swait.ge [sflag:s9], $0x800  }
0x28f: {  	[sflag:s9] =	ssyncset.done $0x0  }
0x290: {  	[sflag:s9] =	ssyncadd.s32 $0xFFFFF800  }
0x291: {  	_ =	swait.ge [sflag:s9], $0x100  }
0x292: {  	[sflag:s9] =	ssyncset.done $0x0  }
0x293: {  	s15 =	simm.s32 $0x0;
	[sflag:s9] =	ssyncadd.s32 $0xFFFFFF00  }
0x294: {  	v3 =	vld [tilespmem:s15+$0x7F00]  }
0x295: {  	v4 =	vld [tilespmem:s15+$0x7F10];
	_ =	sdelay $0x2  }
0x296: {  	v5 =	vld [tilespmem:s15+$0x7F20]  }
0x297: {  	v6 =	vld [tilespmem:s15+$0x7F30]  }
0x298: {  	v7 =	vunpack.i.l.bf16.f32 v3;
	v8 =	vunpack.i.l.bf16.f32 v4  }
0x299: {  	v7 =	vmul.f32 v8, v7  }
0x29a: {  	v3 =	vunpack.i.u.bf16.f32 v3;
	v4 =	vunpack.i.u.bf16.f32 v4;
	v8 =	vimm.f32 $0.0e+00  }
0x29b: {  	v9 =	vld [tilespmem:s15+$0x7F40];
	v3 =	vmul.f32 v4, v3;
	v7 =	vadd.f32 v7, v8  }
0x29c: {  	v10 =	vunpack.i.l.bf16.f32 v6;
	v4 =	vld [tilespmem:s15+$0x7F50];
	v8 =	vunpack.i.l.bf16.f32 v5  }
0x29d: {  	v3 =	vadd.f32 v7, v3;
	v7 =	vmul.f32 v10, v8  }
0x29e: {  	v6 =	vunpack.i.u.bf16.f32 v6;
	v5 =	vunpack.i.u.bf16.f32 v5  }
0x29f: {  	v5 =	vmul.f32 v6, v5;
	v8 =	vld [tilespmem:s15+$0x7F60];
	v3 =	vadd.f32 v7, v3  }
0x2a0: {  	v6 =	vunpack.i.l.bf16.f32 v9;
	v10 =	vld [tilespmem:s15+$0x7F70]  }
0x2a1: {  	s22 =	sand.u32 $0xE, s14;
	v7 =	vunpack.i.l.bf16.f32 v4;
	v4 =	vunpack.i.u.bf16.f32 v4;
	v3 =	vadd.f32 v3, v5  }
0x2a2: {  	v5 =	vmul.f32 v7, v6;
	v6 =	vmov s22;
	v7 =	vunpack.i.u.bf16.f32 v9  }
0x2a3: {  	vm0 =	veq.s32 v6, v0;
	v6 =	vmul.f32 v4, v7;
	v4 =	vld [tilespmem:s15+$0x7F80]  }
0x2a4: {  	v3 =	vadd.f32 v5, v3;
	v5 =	vld [tilespmem:s15+$0x7F90]  }
0x2a5: {  	s19 =	sadd.f32 s19, s11;
	v7 =	vunpack.i.l.bf16.f32 v8;
	v9 =	vunpack.i.l.bf16.f32 v10  }
0x2a6: {  	s15 =	simm.s32 $0xA0;
	v7 =	vmul.f32 v9, v7;
	v6 =	vadd.f32 v3, v6  }
0x2a7: {  	v8 =	vunpack.i.u.bf16.f32 v8;
	v2 =	vsel vm0, s19, v2;
	s19 =	simm.s32 $0x500;
	v9 =	vunpack.i.u.bf16.f32 v10;
	v3 =	vld [tilespmem:s15+$0x7F00]  }
.LBB2_17:
0x2a8: {  	p0 =	sne.s32 s19, $0xA000;
	v10 =	vld [tilespmem:s15+$0x7F10];
	v6 =	vadd.f32 v7, v6;
	v7 =	vmul.f32 v9, v8  }
0x2a9: {  	v8 =	vunpack.i.l.bf16.f32 v4;
	v9 =	vunpack.i.l.bf16.f32 v5  }
0x2aa: {  	v6 =	vadd.f32 v6, v7;
	v7 =	vmul.f32 v9, v8  }
0x2ab: {  	v4 =	vunpack.i.u.bf16.f32 v4;
	v5 =	vunpack.i.u.bf16.f32 v5;
	v8 =	vld [tilespmem:s15+$0x7F20]  }
0x2ac: {  	v4 =	vmul.f32 v5, v4;
	v9 =	vld [tilespmem:s15+$0x7F30];
	v6 =	vadd.f32 v7, v6  }
0x2ad: {  	v5 =	vunpack.i.l.bf16.f32 v3;
	v7 =	vunpack.i.l.bf16.f32 v10  }
0x2ae: {  	v5 =	vmul.f32 v7, v5;
	v4 =	vadd.f32 v6, v4  }
0x2af: {  	v3 =	vunpack.i.u.bf16.f32 v3;
	v6 =	vunpack.i.u.bf16.f32 v10;
	v7 =	vld [tilespmem:s15+$0x7F40]  }
0x2b0: {  	v3 =	vmul.f32 v6, v3;
	v4 =	vadd.f32 v5, v4;
	v5 =	vld [tilespmem:s15+$0x7F50]  }
0x2b1: {  	v6 =	vunpack.i.l.bf16.f32 v8;
	v10 =	vunpack.i.l.bf16.f32 v9  }
0x2b2: {  	v3 =	vadd.f32 v4, v3;
	v4 =	vmul.f32 v10, v6  }
0x2b3: {  	v6 =	vunpack.i.u.bf16.f32 v8;
	v8 =	vunpack.i.u.bf16.f32 v9;
	v9 =	vld [tilespmem:s15+$0x7F60]  }
0x2b4: {  	v3 =	vadd.f32 v4, v3;
	v4 =	vmul.f32 v8, v6;
	v10 =	vld [tilespmem:s15+$0x7F70]  }
0x2b5: {  	v6 =	vunpack.i.l.bf16.f32 v7;
	v8 =	vunpack.i.l.bf16.f32 v5  }
0x2b6: {  	v3 =	vadd.f32 v3, v4;
	v6 =	vmul.f32 v8, v6  }
.Ltmp7:
0x2b7: {  	v7 =	vunpack.i.u.bf16.f32 v7;
	v5 =	vunpack.i.u.bf16.f32 v5;
	v4 =	vld [tilespmem:s15+$0x7F80];
	(pc) =	sbr.rel @p0 .LBB2_17-.Ltmp7, $4  }
0x2b8: {  	v3 =	vadd.f32 v6, v3;
	v6 =	vmul.f32 v5, v7;
	v5 =	vld [tilespmem:s15+$0x7F90]  }
0x2b9: {  	v7 =	vunpack.i.l.bf16.f32 v9;
	v8 =	vunpack.i.l.bf16.f32 v10  }
0x2ba: {  	s15 =	sshra.s32 s19, $0x2;
	v6 =	vadd.f32 v3, v6;
	v7 =	vmul.f32 v8, v7  }
0x2bb: {  	s19 =	sadd.s32 $0x280, s19;
	v8 =	vunpack.i.u.bf16.f32 v9;
	v9 =	vunpack.i.u.bf16.f32 v10;
	v3 =	vld [tilespmem:s15+$0x7F00]  }
0x2bc: {  	v10 =	vld [tilespmem:s15+$0x7F10];
	v6 =	vadd.f32 v7, v6;
	v24 =	vmul.f32 v9, v8  }
0x2bd: {  	v25 =	vunpack.i.l.bf16.f32 v4;
	v26 =	vunpack.i.l.bf16.f32 v5  }
0x2be: {  	v6 =	vadd.f32 v6, v24;
	v27 =	vmul.f32 v26, v25  }
0x2bf: {  	v28 =	vld [tilespmem:s15+$0x7F20];
	v29 =	vunpack.i.u.bf16.f32 v4;
	v30 =	vunpack.i.u.bf16.f32 v5  }
0x2c0: {  	v31 =	vld [tilespmem:s15+$0x7F30];
	v4 =	vmul.f32 v30, v29;
	v6 =	vadd.f32 v27, v6  }
0x2c1: {  	v32 =	vunpack.i.l.bf16.f32 v3;
	v33 =	vunpack.i.l.bf16.f32 v10  }
0x2c2: {  	v5 =	vmul.f32 v33, v32;
	v4 =	vadd.f32 v6, v4  }
0x2c3: {  	v35 =	vld [tilespmem:s15+$0x7F40];
	v3 =	vunpack.i.u.bf16.f32 v3;
	v34 =	vunpack.i.u.bf16.f32 v10  }
0x2c4: {  	v36 =	vld [tilespmem:s15+$0x7F50];
	v3 =	vmul.f32 v34, v3;
	v4 =	vadd.f32 v5, v4  }
0x2c5: {  	v37 =	vunpack.i.l.bf16.f32 v28;
	v38 =	vunpack.i.l.bf16.f32 v31  }
0x2c6: {  	v39 =	vmul.f32 v38, v37;
	v3 =	vadd.f32 v4, v3  }
0x2c7: {  	v42 =	vld [tilespmem:s15+$0x7F60];
	v40 =	vunpack.i.u.bf16.f32 v28;
	v41 =	vunpack.i.u.bf16.f32 v31  }
0x2c8: {  	v44 =	vld [tilespmem:s15+$0x7F70];
	v43 =	vmul.f32 v41, v40;
	v3 =	vadd.f32 v39, v3  }
0x2c9: {  	s19 =	sshll.u32 s13, $0x5;
	v45 =	vunpack.i.l.bf16.f32 v35;
	v46 =	vunpack.i.l.bf16.f32 v36  }
0x2ca: {  	v48 =	vld [tilespmem:s15+$0x7F80];
	s19 =	sand.u32 $0x3FFFFFE0, s19;
	v47 =	vmul.f32 v46, v45;
	v3 =	vadd.f32 v3, v43  }
0x2cb: {  	v49 =	vld [tilespmem:s19+$0x5200];
	v7 =	vunpack.i.u.bf16.f32 v35;
	v5 =	vunpack.i.u.bf16.f32 v36  }
0x2cc: {  	v11 =	vld [tilespmem:s15+$0x7F90];
	v50 =	vmul.f32 v5, v7;
	v3 =	vadd.f32 v47, v3  }
0x2cd: {  	v12 =	vld [tilespmem:s19+$0x5210];
	v51 =	vunpack.i.l.bf16.f32 v42;
	v52 =	vunpack.i.l.bf16.f32 v44  }
0x2ce: {  	v53 =	vmul.f32 v52, v51;
	v3 =	vadd.f32 v3, v50  }
0x2cf: {  	v54 =	vunpack.i.u.bf16.f32 v42;
	v6 =	vunpack.i.u.bf16.f32 v44  }
0x2d0: {  	v55 =	vmul.f32 v6, v54;
	v3 =	vadd.f32 v53, v3  }
0x2d1: {  	v56 =	vunpack.i.l.bf16.f32 v48;
	v57 =	vunpack.i.l.bf16.f32 v11  }
0x2d2: {  	v58 =	vmul.f32 v57, v56;
	v3 =	vadd.f32 v3, v55  }
0x2d3: {  	v59 =	vunpack.i.u.bf16.f32 v48;
	v60 =	vunpack.i.u.bf16.f32 v11;
	v61 =	vld.idx.msk [tilespmem:v49+s16+$0x0], $0xffff  }
0x2d4: {  	v62 =	vmul.f32 v60, v59;
	v3 =	vadd.f32 v58, v3  }
0x2d5: {  	v63 =	vld.idx.msk [tilespmem:v12+s16+$0x0], $0xffff  }
0x2d6: {  	v3 =	vadd.f32 v3, v62;
	_ =	sdelay $0x1  }
0x2d7: {  	v3 =	vadd.f32 v61, v3;
	_ =	sdelay $0x1  }
0x2d8: {  	v3 =	vadd.f32 v63, v3;
	_ =	sdelay $0x1  }
0x2d9: {  	(xrf2) =	vadd.scan.msk.f32 $0xffff, v3;
	_ =	sdelay $0x9  }
0x2da: {  	v3, _, _ =	vpop (xrf2)  }
0x2db: {  	(v2sf) =	vpush v3, $0xF;
	_ =	sdelay $0xc  }
0x2dc: {  	s12 =	sadd.s32 $0x1, s12  }
0x2dd: {  	p1 =	sne.s32 s12, $0x10  }
.Ltmp8:
0x2de: {  	s22 =	sand.u32 $0xF, s13;
	s21 =	spop (v2sf);
	(pc) =	sbr.rel @p1 .LBB2_14-.Ltmp8, $4  }
0x2df: {  	v3 =	vmov s22;
	s15 =	sadd.f32 s21, s11  }
0x2e0: {  	vm0 =	veq.s32 v3, v0  }
0x2e1: {  	p0 =	sne.s32 s22, $0xF;
	v2 =	vsel vm0, s15, v2  }
0x2e2: {  	[tilespmem:s14+$0x10DDA] =	vst @!p0 v2  }
0x2e3: {  	s12 =	simm.s32 $0x0;
	s13 =	rddreg [dreg:$0xb]  }
0x2e4: {  	[tilespmem:s12], [sflag:$0x3] =	stream.linear.gather [hbm4b:s13+s12], $0x5200, $0x38;
	[tilespmem:$0x10E28] =	vst v63  }
0x2e5: {  	_ =	swait.ge [sflag:s17], $0x5200  }
0x2e6: {  	[sflag:s17] =	ssyncset.done $0x0  }
0x2e7: {  	s14 =	simm.s32 $0x5200;
	s19 =	rddreg [dreg:$0xc];
	[sflag:s17] =	ssyncadd.s32 $0xFFFFAE00  }
0x2e8: {  	[tilespmem:s14], [sflag:$0x3] =	stream.linear.gather [hbm4b:s19+s12], $0x400, $0x38;
	[tilespmem:$0x10E28] =	vst v63  }
0x2e9: {  	_ =	swait.ge [sflag:s17], $0x400  }
0x2ea: {  	[sflag:s17] =	ssyncset.done $0x0  }
0x2eb: {  	s21 =	simm.s32 $0x5600;
	[sflag:s17] =	ssyncadd.s32 $0xFFFFFC00  }
0x2ec: {  	[tilespmem:s21], [sflag:$0x1] =	stream.indirect.gather [hbm4b:s3+s20], $0x10, s12, s20, $0xb8;
	[tilespmem:$0x10E28] =	vst v63  }
0x2ed: {  	s22 =	simm.s32 $0x5E00  }
0x2ee: {  	[tilespmem:s22], [sflag:$0x1] =	stream.indirect.gather [hbm4b:s3+s20], $0x10, s20, s20, $0xb8;
	[tilespmem:$0x10E28] =	vst v63  }
0x2ef: {  	_ = 	snop  }
0x2f0: {  	[tilespmem:s24], [sflag:$0x1] =	stream.indirect.gather [hbm4b:s3+s20], $0x10, s23, s20, $0xb8;
	[tilespmem:$0x10E28] =	vst v63  }
0x2f1: {  	_ = 	snop  }
0x2f2: {  	[tilespmem:s26], [sflag:$0x1] =	stream.indirect.gather [hbm4b:s3+s20], $0x10, s25, s20, $0xb8;
	[tilespmem:$0x10E28] =	vst v63  }
0x2f3: {  	_ = 	snop  }
0x2f4: {  	[tilespmem:s29], [sflag:$0x1] =	stream.indirect.gather [hbm4b:s3+s20], $0x10, s28, s20, $0xb8;
	[tilespmem:$0x10E28] =	vst v63  }
0x2f5: {  	_ = 	snop  }
0x2f6: {  	v1 =	vimm.f32 $0.0e+00;
	v2 =	vimm.f32 $0.0e+00;
	[tilespmem:s0], [sflag:$0x1] =	stream.indirect.gather [hbm4b:s3+s30], $0x10, s31, s30, $0xb8;
	[tilespmem:$0x10E28] =	vst v63  }
.LBB2_20:
0x2f7: {  	s13 =	sshllo.u32 s12, $0x1  }
0x2f8: {  	s14 =	smul.u32 $0xA40, s13;
	_ =	sdelay $0x1  }
0x2f9: {  	s14 =	sshra.s32 s14, $0x2  }
0x2fa: {  	[tilespmem:s1], [sflag:$0x2] =	stream.indirect.gather [hbm4b:s3+s20], $0x10, s14, s20, $0xb8;
	[tilespmem:$0x10E28] =	vst v63  }
0x2fb: {  	s15 =	sadd.s32 $0x80, s14  }
0x2fc: {  	[tilespmem:s18], [sflag:$0x2] =	stream.indirect.gather [hbm4b:s3+s20], $0x10, s15, s20, $0xb8;
	[tilespmem:$0x10E28] =	vst v63  }
0x2fd: {  	s22 =	sadd.s32 $0x100, s14  }
0x2fe: {  	[tilespmem:s4], [sflag:$0x2] =	stream.indirect.gather [hbm4b:s3+s20], $0x10, s22, s20, $0xb8;
	[tilespmem:$0x10E28] =	vst v63  }
0x2ff: {  	s19 =	sadd.s32 $0x180, s14  }
0x300: {  	[tilespmem:s5], [sflag:$0x2] =	stream.indirect.gather [hbm4b:s3+s20], $0x10, s19, s20, $0xb8;
	[tilespmem:$0x10E28] =	vst v63  }
0x301: {  	s21 =	sadd.s32 $0x200, s14  }
0x302: {  	[tilespmem:s6], [sflag:$0x2] =	stream.indirect.gather [hbm4b:s3+s20], $0x10, s21, s20, $0xb8;
	[tilespmem:$0x10E28] =	vst v63  }
0x303: {  	s14 =	sadd.s32 $0x280, s14  }
0x304: {  	[tilespmem:s7], [sflag:$0x2] =	stream.indirect.gather [hbm4b:s3+s30], $0x10, s14, s30, $0xb8;
	[tilespmem:$0x10E28] =	vst v63  }
0x305: {  	_ =	swait.ge [sflag:s8], $0x800  }
0x306: {  	[sflag:s8] =	ssyncset.done $0x0  }
0x307: {  	[sflag:s8] =	ssyncadd.s32 $0xFFFFF800  }
0x308: {  	_ =	swait.ge [sflag:s8], $0x800  }
0x309: {  	[sflag:s8] =	ssyncset.done $0x0  }
0x30a: {  	[sflag:s8] =	ssyncadd.s32 $0xFFFFF800  }
0x30b: {  	_ =	swait.ge [sflag:s8], $0x800  }
0x30c: {  	[sflag:s8] =	ssyncset.done $0x0  }
0x30d: {  	[sflag:s8] =	ssyncadd.s32 $0xFFFFF800  }
0x30e: {  	_ =	swait.ge [sflag:s8], $0x800  }
0x30f: {  	[sflag:s8] =	ssyncset.done $0x0  }
0x310: {  	[sflag:s8] =	ssyncadd.s32 $0xFFFFF800  }
0x311: {  	_ =	swait.ge [sflag:s8], $0x800  }
0x312: {  	[sflag:s8] =	ssyncset.done $0x0  }
0x313: {  	[sflag:s8] =	ssyncadd.s32 $0xFFFFF800  }
0x314: {  	_ =	swait.ge [sflag:s8], $0x100  }
0x315: {  	[sflag:s8] =	ssyncset.done $0x0  }
0x316: {  	s22 =	simm.s32 $0x0;
	[sflag:s8] =	ssyncadd.s32 $0xFFFFFF00  }
0x317: {  	v3 =	vld [tilespmem:s22+$0x5600]  }
0x318: {  	v4 =	vld [tilespmem:s22+$0x5610];
	_ =	sdelay $0x2  }
0x319: {  	v5 =	vld [tilespmem:s22+$0x5620]  }
0x31a: {  	v6 =	vld [tilespmem:s22+$0x5630]  }
0x31b: {  	v7 =	vunpack.i.l.bf16.f32 v3;
	v8 =	vunpack.i.l.bf16.f32 v4  }
0x31c: {  	v7 =	vmul.f32 v8, v7  }
0x31d: {  	v3 =	vunpack.i.u.bf16.f32 v3;
	v4 =	vunpack.i.u.bf16.f32 v4;
	v8 =	vld [tilespmem:s22+$0x5640]  }
0x31e: {  	v3 =	vmul.f32 v4, v3;
	v4 =	vld [tilespmem:s22+$0x5650];
	v7 =	vadd.f32 v7, v1  }
0x31f: {  	v9 =	vunpack.i.l.bf16.f32 v5;
	v10 =	vunpack.i.l.bf16.f32 v6  }
0x320: {  	v3 =	vadd.f32 v7, v3;
	v7 =	vmul.f32 v10, v9  }
0x321: {  	v5 =	vunpack.i.u.bf16.f32 v5;
	v6 =	vunpack.i.u.bf16.f32 v6;
	v9 =	vld [tilespmem:s22+$0x5660]  }
0x322: {  	v5 =	vmul.f32 v6, v5;
	v10 =	vld [tilespmem:s22+$0x5670];
	v3 =	vadd.f32 v7, v3  }
0x323: {  	v6 =	vunpack.i.l.bf16.f32 v8;
	v7 =	vunpack.i.l.bf16.f32 v4;
	v4 =	vunpack.i.u.bf16.f32 v4  }
0x324: {  	v3 =	vadd.f32 v3, v5;
	v5 =	vmul.f32 v7, v6;
	v6 =	vunpack.i.u.bf16.f32 v8  }
0x325: {  	v6 =	vmul.f32 v4, v6;
	v4 =	vld [tilespmem:s22+$0x5680]  }
0x326: {  	v3 =	vadd.f32 v5, v3;
	v5 =	vld [tilespmem:s22+$0x5690]  }
0x327: {  	v7 =	vunpack.i.l.bf16.f32 v9;
	v8 =	vunpack.i.l.bf16.f32 v10  }
0x328: {  	s15 =	simm.s32 $0xA0;
	v7 =	vmul.f32 v8, v7;
	v6 =	vadd.f32 v3, v6  }
0x329: {  	s19 =	simm.s32 $0x500;
	s14 =	sshll.u32 s12, $0x1;
	v8 =	vunpack.i.u.bf16.f32 v9;
	v9 =	vunpack.i.u.bf16.f32 v10;
	v3 =	vld [tilespmem:s15+$0x5600]  }
.LBB2_21:
0x32a: {  	p0 =	sne.s32 s19, $0xA000;
	v10 =	vld [tilespmem:s15+$0x5610];
	v6 =	vadd.f32 v7, v6;
	v7 =	vmul.f32 v9, v8  }
0x32b: {  	v8 =	vunpack.i.l.bf16.f32 v4;
	v9 =	vunpack.i.l.bf16.f32 v5  }
0x32c: {  	v6 =	vadd.f32 v6, v7;
	v7 =	vmul.f32 v9, v8  }
0x32d: {  	v4 =	vunpack.i.u.bf16.f32 v4;
	v5 =	vunpack.i.u.bf16.f32 v5;
	v8 =	vld [tilespmem:s15+$0x5620]  }
0x32e: {  	v4 =	vmul.f32 v5, v4;
	v9 =	vld [tilespmem:s15+$0x5630];
	v6 =	vadd.f32 v7, v6  }
0x32f: {  	v5 =	vunpack.i.l.bf16.f32 v3;
	v7 =	vunpack.i.l.bf16.f32 v10  }
0x330: {  	v5 =	vmul.f32 v7, v5;
	v4 =	vadd.f32 v6, v4  }
0x331: {  	v3 =	vunpack.i.u.bf16.f32 v3;
	v6 =	vunpack.i.u.bf16.f32 v10;
	v7 =	vld [tilespmem:s15+$0x5640]  }
0x332: {  	v3 =	vmul.f32 v6, v3;
	v4 =	vadd.f32 v5, v4;
	v5 =	vld [tilespmem:s15+$0x5650]  }
0x333: {  	v6 =	vunpack.i.l.bf16.f32 v8;
	v10 =	vunpack.i.l.bf16.f32 v9  }
0x334: {  	v3 =	vadd.f32 v4, v3;
	v4 =	vmul.f32 v10, v6  }
0x335: {  	v6 =	vunpack.i.u.bf16.f32 v8;
	v8 =	vunpack.i.u.bf16.f32 v9;
	v9 =	vld [tilespmem:s15+$0x5660]  }
0x336: {  	v3 =	vadd.f32 v4, v3;
	v4 =	vmul.f32 v8, v6;
	v10 =	vld [tilespmem:s15+$0x5670]  }
0x337: {  	v6 =	vunpack.i.l.bf16.f32 v7;
	v8 =	vunpack.i.l.bf16.f32 v5  }
0x338: {  	v3 =	vadd.f32 v3, v4;
	v6 =	vmul.f32 v8, v6  }
.Ltmp9:
0x339: {  	v7 =	vunpack.i.u.bf16.f32 v7;
	v5 =	vunpack.i.u.bf16.f32 v5;
	v4 =	vld [tilespmem:s15+$0x5680];
	(pc) =	sbr.rel @p0 .LBB2_21-.Ltmp9, $4  }
0x33a: {  	v3 =	vadd.f32 v6, v3;
	v6 =	vmul.f32 v5, v7;
	v5 =	vld [tilespmem:s15+$0x5690]  }
0x33b: {  	v7 =	vunpack.i.l.bf16.f32 v9;
	v8 =	vunpack.i.l.bf16.f32 v10  }
0x33c: {  	s15 =	sshra.s32 s19, $0x2;
	v6 =	vadd.f32 v3, v6;
	v7 =	vmul.f32 v8, v7  }
0x33d: {  	s19 =	sadd.s32 $0x280, s19;
	v8 =	vunpack.i.u.bf16.f32 v9;
	v9 =	vunpack.i.u.bf16.f32 v10;
	v3 =	vld [tilespmem:s15+$0x5600]  }
0x33e: {  	v10 =	vld [tilespmem:s15+$0x5610];
	v6 =	vadd.f32 v7, v6;
	v7 =	vmul.f32 v9, v8  }
0x33f: {  	v8 =	vunpack.i.l.bf16.f32 v4;
	v9 =	vunpack.i.l.bf16.f32 v5  }
0x340: {  	v6 =	vadd.f32 v6, v7;
	v7 =	vmul.f32 v9, v8  }
0x341: {  	v4 =	vunpack.i.u.bf16.f32 v4;
	v5 =	vunpack.i.u.bf16.f32 v5;
	v8 =	vld [tilespmem:s15+$0x5620]  }
0x342: {  	v9 =	vld [tilespmem:s15+$0x5630];
	v4 =	vmul.f32 v5, v4;
	v6 =	vadd.f32 v7, v6  }
0x343: {  	v5 =	vunpack.i.l.bf16.f32 v3;
	v7 =	vunpack.i.l.bf16.f32 v10  }
0x344: {  	v5 =	vmul.f32 v7, v5;
	v4 =	vadd.f32 v6, v4  }
0x345: {  	v3 =	vunpack.i.u.bf16.f32 v3;
	v6 =	vunpack.i.u.bf16.f32 v10;
	v7 =	vld [tilespmem:s15+$0x5640]  }
0x346: {  	v3 =	vmul.f32 v6, v3;
	v4 =	vadd.f32 v5, v4;
	v5 =	vld [tilespmem:s15+$0x5650]  }
0x347: {  	v6 =	vunpack.i.l.bf16.f32 v8;
	v10 =	vunpack.i.l.bf16.f32 v9  }
0x348: {  	v3 =	vadd.f32 v4, v3;
	v4 =	vmul.f32 v10, v6  }
0x349: {  	v6 =	vunpack.i.u.bf16.f32 v8;
	v8 =	vunpack.i.u.bf16.f32 v9;
	v9 =	vld [tilespmem:s15+$0x5660]  }
0x34a: {  	v3 =	vadd.f32 v4, v3;
	v4 =	vmul.f32 v8, v6;
	v6 =	vld [tilespmem:s15+$0x5670]  }
0x34b: {  	s19 =	sshll.u32 s12, $0x6;
	v8 =	vunpack.i.l.bf16.f32 v7;
	v10 =	vunpack.i.l.bf16.f32 v5  }
0x34c: {  	s19 =	sand.u32 $0x3FFFFFC0, s19;
	v3 =	vadd.f32 v3, v4;
	v4 =	vmul.f32 v10, v8;
	v8 =	vld [tilespmem:s15+$0x5680]  }
0x34d: {  	v7 =	vunpack.i.u.bf16.f32 v7;
	v5 =	vunpack.i.u.bf16.f32 v5;
	v10 =	vld [tilespmem:s19+$0x5200]  }
0x34e: {  	v3 =	vadd.f32 v4, v3;
	v4 =	vmul.f32 v5, v7;
	v5 =	vld [tilespmem:s15+$0x5690]  }
0x34f: {  	v12 =	vld [tilespmem:s19+$0x5210];
	v7 =	vunpack.i.l.bf16.f32 v9;
	v11 =	vunpack.i.l.bf16.f32 v6  }
0x350: {  	v3 =	vadd.f32 v3, v4;
	v4 =	vmul.f32 v11, v7  }
0x351: {  	v6 =	vunpack.i.u.bf16.f32 v6;
	v7 =	vunpack.i.u.bf16.f32 v9  }
0x352: {  	v3 =	vadd.f32 v4, v3;
	v4 =	vmul.f32 v6, v7  }
0x353: {  	v6 =	vunpack.i.l.bf16.f32 v8;
	v7 =	vunpack.i.l.bf16.f32 v5  }
0x354: {  	v3 =	vadd.f32 v3, v4;
	v4 =	vmul.f32 v7, v6  }
0x355: {  	v5 =	vunpack.i.u.bf16.f32 v5;
	v6 =	vunpack.i.u.bf16.f32 v8;
	v7 =	vld.idx.msk [tilespmem:v10+s16+$0x0], $0xffff  }
0x356: {  	v3 =	vadd.f32 v4, v3;
	v4 =	vmul.f32 v5, v6  }
0x357: {  	v5 =	vld.idx.msk [tilespmem:v12+s16+$0x0], $0xffff  }
0x358: {  	v3 =	vadd.f32 v3, v4;
	_ =	sdelay $0x1  }
0x359: {  	v3 =	vadd.f32 v7, v3;
	_ =	sdelay $0x1  }
0x35a: {  	v3 =	vadd.f32 v5, v3;
	_ =	sdelay $0x1  }
0x35b: {  	(xrf2) =	vadd.scan.msk.f32 $0xffff, v3;
	_ =	sdelay $0x9  }
0x35c: {  	p0 =	sgt.u32 s13, $0x1E;
	v3, _, _ =	vpop (xrf2)  }
0x35d: {  	s15 =	smul.u32 @!p0 $0x1480, s12;
	(v2sf) =	vpush v3, $0xF;
	_ =	sdelay $0x1  }
0x35e: {  	s15 =	sshra.s32 @!p0 s15, $0x2  }
0x35f: {  	s21 =	simm.s32 @!p0 $0x80;
	s22 =	simm.s32 @!p0 $0x5600;
	s19 =	sadd.s32 @!p0 $0x520, s15  }
0x360: {  	[tilespmem:s22], [sflag:$0x1] =	stream.indirect.gather @!p0 [hbm4b:s3+s21], $0x10, s19, s21, $0xb8;
	[tilespmem:$0x10E28] =	vst v63  }
0x361: {  	s19 =	sadd.s32 @!p0 $0x5A0, s15;
	s22 =	simm.s32 @!p0 $0x5E00  }
0x362: {  	[tilespmem:s22], [sflag:$0x1] =	stream.indirect.gather @!p0 [hbm4b:s3+s21], $0x10, s19, s21, $0xb8;
	[tilespmem:$0x10E28] =	vst v63  }
0x363: {  	s19 =	sadd.s32 @!p0 $0x620, s15;
	s22 =	simm.s32 @!p0 $0x6600  }
0x364: {  	[tilespmem:s22], [sflag:$0x1] =	stream.indirect.gather @!p0 [hbm4b:s3+s21], $0x10, s19, s21, $0xb8;
	[tilespmem:$0x10E28] =	vst v63  }
0x365: {  	s19 =	sadd.s32 @!p0 $0x6A0, s15;
	s22 =	simm.s32 @!p0 $0x6E00  }
0x366: {  	[tilespmem:s22], [sflag:$0x1] =	stream.indirect.gather @!p0 [hbm4b:s3+s21], $0x10, s19, s21, $0xb8;
	[tilespmem:$0x10E28] =	vst v63  }
0x367: {  	s19 =	sadd.s32 @!p0 $0x720, s15;
	s22 =	simm.s32 @!p0 $0x7600  }
0x368: {  	[tilespmem:s22], [sflag:$0x1] =	stream.indirect.gather @!p0 [hbm4b:s3+s21], $0x10, s19, s21, $0xb8;
	[tilespmem:$0x10E28] =	vst v63  }
0x369: {  	s15 =	sadd.s32 @!p0 $0x7A0, s15;
	s21 =	simm.s32 @!p0 $0x10;
	s22 =	simm.s32 @!p0 $0x7E00  }
0x36a: {  	[tilespmem:s22], [sflag:$0x1] =	stream.indirect.gather @!p0 [hbm4b:s3+s21], $0x10, s15, s21, $0xb8;
	[tilespmem:$0x10E28] =	vst v63  }
0x36b: {  	s19 =	spop (v2sf)  }
0x36c: {  	_ =	swait.ge [sflag:s9], $0x800  }
0x36d: {  	[sflag:s9] =	ssyncset.done $0x0  }
0x36e: {  	[sflag:s9] =	ssyncadd.s32 $0xFFFFF800  }
0x36f: {  	_ =	swait.ge [sflag:s9], $0x800  }
0x370: {  	[sflag:s9] =	ssyncset.done $0x0  }
0x371: {  	[sflag:s9] =	ssyncadd.s32 $0xFFFFF800  }
0x372: {  	_ =	swait.ge [sflag:s9], $0x800  }
0x373: {  	[sflag:s9] =	ssyncset.done $0x0  }
0x374: {  	[sflag:s9] =	ssyncadd.s32 $0xFFFFF800  }
0x375: {  	_ =	swait.ge [sflag:s9], $0x800  }
0x376: {  	[sflag:s9] =	ssyncset.done $0x0  }
0x377: {  	[sflag:s9] =	ssyncadd.s32 $0xFFFFF800  }
0x378: {  	_ =	swait.ge [sflag:s9], $0x800  }
0x379: {  	[sflag:s9] =	ssyncset.done $0x0  }
0x37a: {  	[sflag:s9] =	ssyncadd.s32 $0xFFFFF800  }
0x37b: {  	_ =	swait.ge [sflag:s9], $0x100  }
0x37c: {  	[sflag:s9] =	ssyncset.done $0x0  }
0x37d: {  	s15 =	simm.s32 $0x0;
	[sflag:s9] =	ssyncadd.s32 $0xFFFFFF00  }
0x37e: {  	v3 =	vld [tilespmem:s15+$0x7F00]  }
0x37f: {  	v4 =	vld [tilespmem:s15+$0x7F10];
	_ =	sdelay $0x2  }
0x380: {  	v5 =	vld [tilespmem:s15+$0x7F20]  }
0x381: {  	v6 =	vld [tilespmem:s15+$0x7F30]  }
0x382: {  	v7 =	vunpack.i.l.bf16.f32 v3;
	v8 =	vunpack.i.l.bf16.f32 v4  }
0x383: {  	v7 =	vmul.f32 v8, v7  }
0x384: {  	v3 =	vunpack.i.u.bf16.f32 v3;
	v4 =	vunpack.i.u.bf16.f32 v4;
	v8 =	vimm.f32 $0.0e+00  }
0x385: {  	v9 =	vld [tilespmem:s15+$0x7F40];
	v3 =	vmul.f32 v4, v3;
	v7 =	vadd.f32 v7, v8  }
0x386: {  	v10 =	vunpack.i.l.bf16.f32 v6;
	v4 =	vld [tilespmem:s15+$0x7F50];
	v8 =	vunpack.i.l.bf16.f32 v5  }
0x387: {  	v3 =	vadd.f32 v7, v3;
	v7 =	vmul.f32 v10, v8  }
0x388: {  	v6 =	vunpack.i.u.bf16.f32 v6;
	v5 =	vunpack.i.u.bf16.f32 v5  }
0x389: {  	v5 =	vmul.f32 v6, v5;
	v8 =	vld [tilespmem:s15+$0x7F60];
	v3 =	vadd.f32 v7, v3  }
0x38a: {  	v6 =	vunpack.i.l.bf16.f32 v9;
	v10 =	vld [tilespmem:s15+$0x7F70]  }
0x38b: {  	s22 =	sand.u32 $0xE, s14;
	v7 =	vunpack.i.l.bf16.f32 v4;
	v4 =	vunpack.i.u.bf16.f32 v4;
	v3 =	vadd.f32 v3, v5  }
0x38c: {  	v5 =	vmul.f32 v7, v6;
	v6 =	vmov s22;
	v7 =	vunpack.i.u.bf16.f32 v9  }
0x38d: {  	vm0 =	veq.s32 v6, v0;
	v6 =	vmul.f32 v4, v7;
	v4 =	vld [tilespmem:s15+$0x7F80]  }
0x38e: {  	v3 =	vadd.f32 v5, v3;
	v5 =	vld [tilespmem:s15+$0x7F90]  }
0x38f: {  	s19 =	sadd.f32 s19, s11;
	v7 =	vunpack.i.l.bf16.f32 v8;
	v9 =	vunpack.i.l.bf16.f32 v10  }
0x390: {  	s15 =	simm.s32 $0xA0;
	v7 =	vmul.f32 v9, v7;
	v6 =	vadd.f32 v3, v6  }
0x391: {  	v8 =	vunpack.i.u.bf16.f32 v8;
	v2 =	vsel vm0, s19, v2;
	s19 =	simm.s32 $0x500;
	v9 =	vunpack.i.u.bf16.f32 v10;
	v3 =	vld [tilespmem:s15+$0x7F00]  }
.LBB2_23:
0x392: {  	p0 =	sne.s32 s19, $0xA000;
	v10 =	vld [tilespmem:s15+$0x7F10];
	v6 =	vadd.f32 v7, v6;
	v7 =	vmul.f32 v9, v8  }
0x393: {  	v8 =	vunpack.i.l.bf16.f32 v4;
	v9 =	vunpack.i.l.bf16.f32 v5  }
0x394: {  	v6 =	vadd.f32 v6, v7;
	v7 =	vmul.f32 v9, v8  }
0x395: {  	v4 =	vunpack.i.u.bf16.f32 v4;
	v5 =	vunpack.i.u.bf16.f32 v5;
	v8 =	vld [tilespmem:s15+$0x7F20]  }
0x396: {  	v4 =	vmul.f32 v5, v4;
	v9 =	vld [tilespmem:s15+$0x7F30];
	v6 =	vadd.f32 v7, v6  }
0x397: {  	v5 =	vunpack.i.l.bf16.f32 v3;
	v7 =	vunpack.i.l.bf16.f32 v10  }
0x398: {  	v5 =	vmul.f32 v7, v5;
	v4 =	vadd.f32 v6, v4  }
0x399: {  	v3 =	vunpack.i.u.bf16.f32 v3;
	v6 =	vunpack.i.u.bf16.f32 v10;
	v7 =	vld [tilespmem:s15+$0x7F40]  }
0x39a: {  	v3 =	vmul.f32 v6, v3;
	v4 =	vadd.f32 v5, v4;
	v5 =	vld [tilespmem:s15+$0x7F50]  }
0x39b: {  	v6 =	vunpack.i.l.bf16.f32 v8;
	v10 =	vunpack.i.l.bf16.f32 v9  }
0x39c: {  	v3 =	vadd.f32 v4, v3;
	v4 =	vmul.f32 v10, v6  }
0x39d: {  	v6 =	vunpack.i.u.bf16.f32 v8;
	v8 =	vunpack.i.u.bf16.f32 v9;
	v9 =	vld [tilespmem:s15+$0x7F60]  }
0x39e: {  	v3 =	vadd.f32 v4, v3;
	v4 =	vmul.f32 v8, v6;
	v10 =	vld [tilespmem:s15+$0x7F70]  }
0x39f: {  	v6 =	vunpack.i.l.bf16.f32 v7;
	v8 =	vunpack.i.l.bf16.f32 v5  }
0x3a0: {  	v3 =	vadd.f32 v3, v4;
	v6 =	vmul.f32 v8, v6  }
.Ltmp10:
0x3a1: {  	v7 =	vunpack.i.u.bf16.f32 v7;
	v5 =	vunpack.i.u.bf16.f32 v5;
	v4 =	vld [tilespmem:s15+$0x7F80];
	(pc) =	sbr.rel @p0 .LBB2_23-.Ltmp10, $4  }
0x3a2: {  	v3 =	vadd.f32 v6, v3;
	v6 =	vmul.f32 v5, v7;
	v5 =	vld [tilespmem:s15+$0x7F90]  }
0x3a3: {  	v7 =	vunpack.i.l.bf16.f32 v9;
	v8 =	vunpack.i.l.bf16.f32 v10  }
0x3a4: {  	s15 =	sshra.s32 s19, $0x2;
	v6 =	vadd.f32 v3, v6;
	v7 =	vmul.f32 v8, v7  }
0x3a5: {  	s19 =	sadd.s32 $0x280, s19;
	v8 =	vunpack.i.u.bf16.f32 v9;
	v9 =	vunpack.i.u.bf16.f32 v10;
	v3 =	vld [tilespmem:s15+$0x7F00]  }
0x3a6: {  	v10 =	vld [tilespmem:s15+$0x7F10];
	v6 =	vadd.f32 v7, v6;
	v24 =	vmul.f32 v9, v8  }
0x3a7: {  	v25 =	vunpack.i.l.bf16.f32 v4;
	v26 =	vunpack.i.l.bf16.f32 v5  }
0x3a8: {  	v6 =	vadd.f32 v6, v24;
	v27 =	vmul.f32 v26, v25  }
0x3a9: {  	v28 =	vld [tilespmem:s15+$0x7F20];
	v29 =	vunpack.i.u.bf16.f32 v4;
	v30 =	vunpack.i.u.bf16.f32 v5  }
0x3aa: {  	v31 =	vld [tilespmem:s15+$0x7F30];
	v4 =	vmul.f32 v30, v29;
	v6 =	vadd.f32 v27, v6  }
0x3ab: {  	v32 =	vunpack.i.l.bf16.f32 v3;
	v33 =	vunpack.i.l.bf16.f32 v10  }
0x3ac: {  	v5 =	vmul.f32 v33, v32;
	v4 =	vadd.f32 v6, v4  }
0x3ad: {  	v35 =	vld [tilespmem:s15+$0x7F40];
	v3 =	vunpack.i.u.bf16.f32 v3;
	v34 =	vunpack.i.u.bf16.f32 v10  }
0x3ae: {  	v36 =	vld [tilespmem:s15+$0x7F50];
	v3 =	vmul.f32 v34, v3;
	v4 =	vadd.f32 v5, v4  }
0x3af: {  	v37 =	vunpack.i.l.bf16.f32 v28;
	v38 =	vunpack.i.l.bf16.f32 v31  }
0x3b0: {  	v39 =	vmul.f32 v38, v37;
	v3 =	vadd.f32 v4, v3  }
0x3b1: {  	v42 =	vld [tilespmem:s15+$0x7F60];
	v40 =	vunpack.i.u.bf16.f32 v28;
	v41 =	vunpack.i.u.bf16.f32 v31  }
0x3b2: {  	v44 =	vld [tilespmem:s15+$0x7F70];
	v43 =	vmul.f32 v41, v40;
	v3 =	vadd.f32 v39, v3  }
0x3b3: {  	s19 =	sshll.u32 s13, $0x5;
	v45 =	vunpack.i.l.bf16.f32 v35;
	v46 =	vunpack.i.l.bf16.f32 v36  }
0x3b4: {  	v48 =	vld [tilespmem:s15+$0x7F80];
	s19 =	sand.u32 $0x3FFFFFE0, s19;
	v47 =	vmul.f32 v46, v45;
	v3 =	vadd.f32 v3, v43  }
0x3b5: {  	v49 =	vld [tilespmem:s19+$0x5200];
	v7 =	vunpack.i.u.bf16.f32 v35;
	v5 =	vunpack.i.u.bf16.f32 v36  }
0x3b6: {  	v11 =	vld [tilespmem:s15+$0x7F90];
	v50 =	vmul.f32 v5, v7;
	v3 =	vadd.f32 v47, v3  }
0x3b7: {  	v12 =	vld [tilespmem:s19+$0x5210];
	v51 =	vunpack.i.l.bf16.f32 v42;
	v52 =	vunpack.i.l.bf16.f32 v44  }
0x3b8: {  	v53 =	vmul.f32 v52, v51;
	v3 =	vadd.f32 v3, v50  }
0x3b9: {  	v54 =	vunpack.i.u.bf16.f32 v42;
	v6 =	vunpack.i.u.bf16.f32 v44  }
0x3ba: {  	v55 =	vmul.f32 v6, v54;
	v3 =	vadd.f32 v53, v3  }
0x3bb: {  	v56 =	vunpack.i.l.bf16.f32 v48;
	v57 =	vunpack.i.l.bf16.f32 v11  }
0x3bc: {  	v58 =	vmul.f32 v57, v56;
	v3 =	vadd.f32 v3, v55  }
0x3bd: {  	v59 =	vunpack.i.u.bf16.f32 v48;
	v60 =	vunpack.i.u.bf16.f32 v11;
	v61 =	vld.idx.msk [tilespmem:v49+s16+$0x0], $0xffff  }
0x3be: {  	v62 =	vmul.f32 v60, v59;
	v3 =	vadd.f32 v58, v3  }
0x3bf: {  	v63 =	vld.idx.msk [tilespmem:v12+s16+$0x0], $0xffff  }
0x3c0: {  	v3 =	vadd.f32 v3, v62;
	_ =	sdelay $0x1  }
0x3c1: {  	v3 =	vadd.f32 v61, v3;
	_ =	sdelay $0x1  }
0x3c2: {  	v3 =	vadd.f32 v63, v3;
	_ =	sdelay $0x1  }
0x3c3: {  	(xrf2) =	vadd.scan.msk.f32 $0xffff, v3;
	_ =	sdelay $0x9  }
0x3c4: {  	v3, _, _ =	vpop (xrf2)  }
0x3c5: {  	(v2sf) =	vpush v3, $0xF;
	_ =	sdelay $0xc  }
0x3c6: {  	s12 =	sadd.s32 $0x1, s12  }
0x3c7: {  	p1 =	sne.s32 s12, $0x10  }
.Ltmp11:
0x3c8: {  	s22 =	sand.u32 $0xF, s13;
	s21 =	spop (v2sf);
	(pc) =	sbr.rel @p1 .LBB2_20-.Ltmp11, $4  }
0x3c9: {  	v3 =	vmov s22;
	s15 =	sadd.f32 s21, s11  }
0x3ca: {  	vm0 =	veq.s32 v3, v0  }
0x3cb: {  	p0 =	sne.s32 s22, $0xF;
	v2 =	vsel vm0, s15, v2  }
0x3cc: {  	[tilespmem:s14+$0x10DFA] =	vst @!p0 v2  }
0x3cd: {  	s11 =	rddreg [dreg:$0xd];
	s12 =	simm.s32 $0x10DA8  }
0x3ce: {  	[hbm4b:s11+s2] =	stream.linear.scatter [tilespmem:s12], [sflag:$0x3], $0x80, $0x38;
	[tilespmem:$0x10E28] =	vst v63  }
0x3cf: {  	_ =	swait.ge [sflag:s17], $0x80  }
0x3d0: {  	s10 =	sadd.s32 $0x1, s10;
	s22 =	rddreg [dreg:$0xe]  }
0x3d1: {  	p0 =	sne.s32 s10, s22  }
.Ltmp12:
0x3d2: {  	_ = 	snop;
	(pc) =	sbr.rel @p0 .LBB2_1-.Ltmp12, $3  }
0x3d3: {  	_ =	sdelay $0x1  }
0x3d4: {  	[sflag:s17] =	ssyncset.done $0x0  }
0x3d5: {  	[sflag:s17] =	ssyncadd.s32 $0xFFFFFF80  }
0x3d6: {  	_ =	sfence.sel $0x180000  }
0x3d7: {  	[bflag:$0x0] =	sbarrier.arrive $0xFFFF  }
0x3d8: {  	_ =	strace $0x9000004D  }
0x3d9: {  	s0 =	stileid.u32;
	[bflag:$0x2] =	sbarrier.arrive $0xFFFF  }
0x3da: {  	p0 =	sne.s32 s0, $0x0;
	s0 =	rddreg [dreg:$0x2]  }
0x3db: {  	s0 =	sadd.s32 @!p0 $0x100000, s0  }
0x3dc: {  	[sflag:s0] =	ssyncadd.tile.s32 @!p0 $0x1;
	_ =	shalt  }
.Lfunc_end2:
_tile_overlayer_lowered:
.L_overlay_start_2:
0x3dd: {  	(tag) =	ssettag $0x2  }
0x3de: {  	s0 =	rddreg [dreg:$0x0];
	s2 =	stileid.u32  }
0x3df: {  	s1 =	rddreg [dreg:$0x1];
	p0 =	sne.s32 s2, $0x0  }
0x3e0: {  	s3 =	rddreg [dreg:$0x2];
	[bflag:$0x3] =	sbarrier.arrive $0xFFFF;
	s2 =	simm.s32 @!p0 $0x1C03  }
0x3e1: {  	[timem:s3], [sflag:s2] =	dma.local @!p0 [hbm:s0], s1  }
0x3e2: {  	s0 =	simm.s32 @!p0 $0x3  }
0x3e3: {  	_ =	swait.ge @!p0 [sflag:s0], s1  }
0x3e4: {  	s1 =	ssub.s32 @!p0 $0x0, s1;
	[sflag:s0] =	ssyncset.done @!p0 $0x0  }
0x3e5: {  	[sflag:s0] =	ssyncadd.s32 @!p0 s1  }
0x3e6: {  	[bflag:$0x3] =	sbarrier.arrive $0xFFFF  }
0x3e7: {  	_ =	shalt  }

// kernel: sparse-core-data-format-call.1.cloned.1.call-start
scs
called_computation.1_lowered:
.L_overlay_start_0:
0x0: {  	s1 =	sld [smem:$0x3FD9]  }
0x1: {  	s2 =	sld [smem:$0x3FFE];
	_ =	sdelay $0x1  }
0x2: {  	s3 =	srdreg.scid  }
0x3: {  	s0 =	sand.u32 $0x1, s3  }
0x4: {  	s17 =	sshll.u32 s0, $0xA;
	s1 =	sadd.s32 s2, s1  }
0x5: {  	s1 =	sadd.s32 s1, s17  }
0x6: {  	[smem:$0x3FC4] =	sst s1  }
0x7: {  	_ = 	snop  }
0x8: {  	(tm) =	ssettm $0x1  }
0x9: {  	s18 =	sld [smem:$0x3FFB];
	_ =	sdelay $0x3  }
0xa: {  	_ =	strace s18  }
0xb: {  	s1 =	sld [smem:$0x3FFC];
	_ =	sdelay $0x3  }
0xc: {  	_ =	strace s1  }
0xd: {  	s1 =	sld [smem:$0x3FFD];
	_ =	sdelay $0x3  }
0xe: {  	_ =	strace s1  }
0xf: {  	_ =	strace $0x8FFFFFFF  }
0x10: {  	s19 =	sld [smem:$0x3FDB];
	_ =	sdelay $0x1  }
0x11: {  	s20 =	simm.s32 $_scs_section_size  }
0x12: {  	s4 =	simm.s32 $_size__tile_overlayer_lowered;
	s5 =	simm.s32 $_tile_overlayer_lowered  }
0x13: {  	s23 =	simm.s32 $0x1BFF;
	s22 =	sshll.u32 s5, $0x1;
	s1 =	sadd.s32 s20, s19  }
0x14: {  	s6 =	simm.s32 $0x0;
	s21 =	sshll.u32 s4, $0x1;
	s4 =	sadd.s32 s22, s1  }
0x15: {  	[timem:s6], [sflag:s23] =	dma.local [hbm:s4], s21  }
0x16: {  	_ =	swait.ge [sflag:s23], s21  }
0x17: {  	s2 =	ssub.s32 $0x0, s21;
	[sflag:s23] =	ssyncset.done $0x0  }
0x18: {  	[sflag:s23] =	ssyncadd.s32 s2;
	_ =	sdelay $0x1  }
0x19: {  	s24 =	simm.s32 $0x1B8B  }
0x1a: {  	_ =	swait.ge [sflag:s24], $0x1  }
0x1b: {  	[sflag:s24] =	ssyncset.done $0x0  }
0x1c: {  	s26 =	simm.s32 $0x1B8E;
	s25 =	sld [smem:$0x3FFE];
	[sflag:s24] =	ssyncadd.s32 $0xFFFFFFFF  }
0x1d: {  	s27 =	simm.s32 $execute0_lowered;
	[smem:$0x3FD2] =	sst s26  }
0x1e: {  	s4 =	sshll.u32 s27, $0x1;
	_ =	strace $0x80000046;
	[dreg:$0x1] =	wrdreg $0xFFFFFFFF  }
0x1f: {  	s28 =	simm.s32 $_size_execute0_lowered;
	s1 =	sadd.s32 s1, s4;
	[dreg:$0x0] =	wrdreg $0x0  }
0x20: {  	s4 =	sshll.u32 s28, $0x1;
	[dreg:$0x2] =	wrdreg s1  }
0x21: {  	[dreg:$0x3] =	wrdreg s4  }
0x22: {  	[dreg:$0x4] =	wrdreg $0xC0  }
0x23: {  	_ =	task [dreg:s6], $0x5FFFF  }
0x24: {  	[dreg:$0x1] =	wrdreg $0xFFFFFFFF  }
0x25: {  	[dreg:$0x0] =	wrdreg $0x60  }
0x26: {  	[dreg:$0x2] =	wrdreg s25  }
0x27: {  	[dreg:$0x3] =	wrdreg $0x9  }
0x28: {  	_ =	task.clear_ibuf [dreg:s6], $0x4FFFF;
	_ =	strace $0x90000046  }
0x29: {  	s29 =	simm.s32 $0x9;
	_ =	strace $0x80000048  }
0x2a: {  	_ =	swait.ge [sflag:s29], $0x1  }
0x2b: {  	[sflag:s29] =	ssyncadd.s32 $0xFFFFFFFF  }
0x2c: {  	_ =	strace $0x90000048  }
0x2d: {  	_ =	sfence  }
0x2e: {  	s30 =	sld [smem:$0x0];
	_ =	sdelay $0x2  }
0x2f: {  	s31 =	sshll.u32 s3, $0xD;
	s3 =	sshrl.u32 s3, $0x2  }
0x30: {  	s2 =	sand.u32 $0x4000, s31;
	s1 =	sadd.s32 s3, s30  }
0x31: {  	s0 =	sor.u32 s2, s0;
	s1 =	sshll.u32 s1, $0x11  }
0x32: {  	s0 =	sor.u32 s1, s0  }
0x33: {  	s0 =	sadd.s32 $0x8F2B, s0  }
0x34: {  	[sflag:s0] =	ssyncadd.remote.s32 $0x1  }
0x35: {  	_ =	sfence.sel $0xFFFF  }
0x36: {  	[dreg:$0x0] =	wrdreg $0xFFFFFFFF;
	(pc) =	sbr.abs _section_cstart, $3  }
0x37: {  	[dreg:$0x1] =	wrdreg $0xFFFFFFFF  }
0x38: {  	_ =	task.clear_ibuf [dreg:s6], $0x2FFFF;
	_ =	strace $0x9FFFFFFF  }
0x39: {  	(tm) =	ssettm $0x7FFFFFFF  }
tec
execute0_lowered:
.L_overlay_start_1:
0x0: {  	(tag) =	ssettag $0x1  }
0x1: {  	s0 =	rddreg [dreg:$0x0];
	_ =	strace $0x80000047;
	s30 =	srdreg.scid  }
0x2: {  	s2 =	stileid.u32;
	s1 =	simm.s32 $0x1;
	s31 =	simm.s32 $0x2  }
0x3: {  	s16 =	simm.s32 $0x0;
	s18 =	simm.s32 $0x0;
	s17 =	simm.s32 $0x0  }
0x4: {  	s10 =	simm.s32 $0x0;
	s11 =	simm.s32 $0x0;
	s13 =	simm.s32 $0x0  }
.Ltmp0:
0x5: {  	s7 =	sadd.s32 $0x1800, s0;
	s0 =	sadd.s32 $0x298800, s0;
	(pc) =	sbr.rel .LBB1_1-.Ltmp0, $4  }
0x6: {  	s12 =	simm.s32 $0x0;
	[dreg:$0x3] =	wrdreg s0;
	s0 =	sshll.u32 s30, $0x4  }
0x7: {  	s15 =	simm.s32 $0x0;
	s8 =	simm.s32 $0x0;
	s0 =	sand.u32 $0x10, s0  }
0x8: {  	[sflag:s1] =	ssyncpa.u1 $0x0;
	[dreg:$0x2] =	wrdreg s7;
	s9 =	sor.u32 s2, s0  }
0x9: {  	[sflag:s31] =	ssyncpa.u1 $0x0;
	s14 =	smov.u32 s9;
	[dreg:$0x4] =	wrdreg s9  }
.LBB1_14:
0xa: {  	s10 =	rddreg [dreg:$0x5]  }
0xb: {  	s13 =	rddreg [dreg:$0x8]  }
0xc: {  	s3 =	rddreg [dreg:$0xe]  }
0xd: {  	s5 =	rddreg [dreg:$0x10]  }
0xe: {  	s23 =	rddreg [dreg:$0xf]  }
0xf: {  	s11 =	rddreg [dreg:$0x6]  }
0x10: {  	s26 =	rddreg [dreg:$0x3]  }
0x11: {  	s29 =	rddreg [dreg:$0x11]  }
0x12: {  	s7 =	rddreg [dreg:$0x2]  }
0x13: {  	s9 =	rddreg [dreg:$0x4]  }
0x14: {  	s12 =	rddreg [dreg:$0x7]  }
0x15: {  	s14 =	rddreg [dreg:$0x9]  }
0x16: {  	s15 =	rddreg [dreg:$0xa]  }
0x17: {  	s16 =	rddreg [dreg:$0xb]  }
0x18: {  	s17 =	rddreg [dreg:$0xc]  }
0x19: {  	s31 =	simm.s32 $0x80;
	s18 =	rddreg [dreg:$0xd]  }
0x1a: {  	s0 =	sshll.u32 s10, $0x7;
	s1 =	sshll.u32 s13, $0x3;
	p0 =	sgt.s32 s13, $0x60  }
0x1b: {  	s24 =	smul.u32 $0x65900, s11;
	s2 =	sand.u32 $0xFFFFFC00, s0;
	s1 =	sand.u32 $0xFFFFFC00, s1  }
0x1c: {  	s0 =	sand.u32 $0x380, s0;
	s1 =	sadd.s32 s1, s2;
	s2 =	smov.u32 s13  }
0x1d: {  	s0 =	sor.u32 s0, s1;
	s2 =	simm.s32 @!p0 $0x60;
	p0 =	sgt.s32 s10, $0x6510  }
0x1e: {  	s1 =	smov.u32 s10;
	s0 =	sshrl.u32 s0, $0x7;
	s2 =	sadd.s32 s3, s2  }
0x1f: {  	s1 =	simm.s32 @!p0 $0x6510;
	s21 =	smulhi.u32 $0x142A387, s0;
	s4 =	sadd.s32 $0xFFFFFFA0, s2  }
0x20: {  	s1 =	sadd.s32 s5, s1;
	s2 =	ssub.s32 $0x80, s2;
	p0 =	sgt.s32 s4, $0x1F  }
0x21: {  	s22 =	sadd.s32 $0xFFFF9AF0, s1;
	s1 =	ssub.s32 $0x6590, s1;
	s2 =	simm.s32 @p0 $0x0  }
0x22: {  	s3 =	sshrl.u32 s21, $0x7;
	p0 =	sgt.s32 s22, $0x7F;
	s2 =	smul.u32 s2, s23  }
0x23: {  	s27 =	sand.u32 $0x7, s13;
	s3 =	smul.u32 $0x6590, s3;
	s1 =	simm.s32 @p0 $0x0  }
0x24: {  	s25 =	sshrl.u32 s13, $0x3;
	s28 =	sshll.u32 s27, $0x12;
	s1 =	smul.u32 s1, s2  }
0x25: {  	s0 =	ssub.s32 s0, s3;
	s3 =	sand.u32 $0xF, s25;
	s2 =	sadd.s32 s26, s24  }
0x26: {  	s30 =	sor.u32 $0x20, s28;
	s0 =	sshll.u32 s0, $0x4;
	s2 =	sadd.s32 s3, s2  }
0x27: {  	s4 =	sor.u32 $0x2000, s29;
	s1 =	sand.u32 $0x3FFFFFFF, s1;
	s0 =	sadd.s32 s0, s2  }
0x28: {  	[hbm4b:s0+s30] =	stream.strided.scatter [tilespmem:s4], [sflag:$0x2], s1, s31, s30, $0x10;
	[tilespmem:$0x4100] =	vst v63  }
.LBB1_15:
0x29: {  	p0 =	slt.u32 s8, $0x2  }
0x2a: {  	p1 =	sgt.s32 @!p0 s18, $0x1F  }
0x2b: {  	s0 =	smov.u32 s18;
	s1 =	sshra.s32 @!p0 s18, $0x1F;
	p1 =	por !p1, p0  }
0x2c: {  	s1 =	sand.u32 @!p0 s1, s18;
	s0 =	simm.s32 @p1 $0x1F  }
0x2d: {  	s3 =	smov.u32 s16;
	s0 =	ssub.s32 @!p0 s0, s1  }
0x2e: {  	p2 =	sgt.s32 @!p0 s17, $0x60;
	s2 =	sshra.s32 @!p0 s17, $0x1F;
	s1 =	sadd.s32 @!p0 $0xFFFFFFE1, s0  }
0x2f: {  	p2 =	por !p2, p0;
	p1 =	sgt.s32 @!p0 s1, $0x0;
	s1 =	smov.u32 s17  }
0x30: {  	s2 =	sand.u32 @!p0 s2, s17;
	s1 =	simm.s32 @p2 $0x60;
	p2 =	sgt.s32 @!p0 s16, $0x6510  }
0x31: {  	s0 =	ssub.s32 @!p0 $0x20, s0;
	p1 =	por !p1, p0;
	p2 =	por !p2, p0  }
0x32: {  	s1 =	ssub.s32 @!p0 s1, s2;
	s2 =	sshra.s32 @!p0 s16, $0x1F;
	s0 =	simm.s32 @!p1 $0x0  }
0x33: {  	s3 =	simm.s32 @p2 $0x6510;
	s2 =	sand.u32 @!p0 s2, s16;
	s4 =	sadd.s32 @!p0 $0xFFFFFFA0, s1  }
0x34: {  	s1 =	ssub.s32 @!p0 $0x80, s1;
	s2 =	ssub.s32 @!p0 s3, s2;
	p1 =	sgt.s32 @!p0 s4, $0x1F  }
0x35: {  	s4 =	smov.u32 s14;
	s3 =	sadd.s32 @!p0 $0xFFFF9AF0, s2;
	p1 =	por !p1, p0  }
0x36: {  	s2 =	ssub.s32 @!p0 $0x6590, s2;
	p2 =	sgt.s32 @!p0 s3, $0x7F;
	s1 =	simm.s32 @!p1 $0x0  }
0x37: {  	p1 =	por !p2, p0;
	s0 =	smul.u32 @!p0 s1, s0;
	s1 =	sadd.s32 $0x80, s12  }
0x38: {  	s3 =	sadd.s32 $0x20, s14;
	s2 =	simm.s32 @!p1 $0x0;
	p1 =	sgt.s32 s1, $0x658F  }
0x39: {  	s0 =	smul.u32 @!p0 s2, s0;
	s4 =	smov.u32 @p1 s3  }
0x3a: {  	s2 =	sadd.s32 $0x20, s15;
	s3 =	smov.u32 s15;
	p2 =	sgt.s32 s4, $0x1F  }
0x3b: {  	s8 =	sadd.s32 $0x1, s8;
	s3 =	smov.u32 @p2 s2  }
0x3c: {  	s18 =	smov.u32 s11;
	s1 =	simm.s32 @p1 $0x0;
	p1 =	sgt.s32 s3, $0x19  }
0x3d: {  	s11 =	smov.u32 s14;
	s3 =	simm.s32 @p1 $0x0;
	p1 =	sne.s32 s8, $0xCE  }
.Ltmp1:
0x3e: {  	s17 =	smov.u32 s13;
	s13 =	smov.u32 s15;
	(pc) =	sbr.rel @!p1 .LBB1_16-.Ltmp1, $4  }
0x3f: {  	s16 =	smov.u32 s10;
	s0 =	sand.u32 @!p0 $0x3FFFFFFF, s0;
	s2 =	simm.s32 @!p0 $0x2  }
0x40: {  	s10 =	smov.u32 s12;
	s12 =	smov.u32 s1;
	_ =	swait.ge @!p0 [sflag:s2], s0  }
0x41: {  	s4 =	smov.u32 @p2 s9;
	s0 =	ssub.s32 @!p0 $0x0, s0;
	[sflag:s2] =	ssyncset.done @!p0 $0x0  }
0x42: {  	s14 =	smov.u32 s4;
	[sflag:s2] =	ssyncadd.s32 @!p0 s0;
	s15 =	smov.u32 s3  }
.LBB1_1:
0x43: {  	p0 =	sgt.u32 s8, $0xCB;
	s4 =	smov.u32 s14  }
0x44: {  	s5 =	smov.u32 s12;
	s0 =	sshrl.u32 @!p0 s14, $0x3;
	s1 =	sshll.u32 @!p0 s12, $0x3  }
0x45: {  	s2 =	sshll.u32 @!p0 s14, $0x7;
	p1 =	sgt.s32 @!p0 s15, $0xFFFFFFFA;
	s0 =	smul.u32 @!p0 $0x33000, s0  }
0x46: {  	s3 =	sshra.s32 @!p0 s15, $0x1F;
	p2 =	sgt.s32 @!p0 s14, $0x1F;
	s1 =	sand.u32 @!p0 $0xFFFFFC00, s1  }
0x47: {  	s6 =	sshra.s32 @!p0 s12, $0x1F;
	s0 =	sadd.s32 @!p0 s0, s1;
	s1 =	sand.u32 @!p0 $0x380, s2  }
0x48: {  	p1 =	por !p1, p0;
	s0 =	sor.u32 @!p0 s1, s0;
	s1 =	smov.u32 s15  }
0x49: {  	s3 =	sand.u32 @!p0 s3, s15;
	s6 =	sand.u32 @!p0 s6, s12;
	s1 =	simm.s32 @p1 $0xFFFFFFFA  }
0x4a: {  	s2 =	sand.u32 @!p0 $0x7F, s12;
	p1 =	por !p2, p0;
	s1 =	ssub.s32 @!p0 s1, s3  }
0x4b: {  	s4 =	simm.s32 @p1 $0x1F;
	p1 =	sgt.s32 @!p0 s12, $0x6580;
	s3 =	sshra.s32 @!p0 s14, $0x1F  }
0x4c: {  	s2 =	sor.u32 @!p0 s2, s0;
	p1 =	por !p1, p0;
	s3 =	sand.u32 @!p0 s3, s14  }
0x4d: {  	s0 =	smulhi.u32 @!p0 $0xA0A0A0A1, s0;
	s5 =	simm.s32 @p1 $0x6580;
	s3 =	ssub.s32 @!p0 s4, s3  }
0x4e: {  	s4 =	sadd.s32 @!p0 $0x6, s1;
	s1 =	ssub.s32 @!p0 $0x1A, s1;
	s5 =	ssub.s32 @!p0 s5, s6  }
0x4f: {  	p1 =	sgt.s32 @!p0 s4, $0x1F;
	s4 =	sadd.s32 @!p0 $0xFFFFFFE1, s3;
	s3 =	ssub.s32 @!p0 $0x20, s3  }
0x50: {  	p2 =	sgt.s32 @!p0 s4, $0x0;
	s4 =	smulhi.u32 @!p0 $0xA0A0A0A1, s2;
	p1 =	por !p1, p0  }
0x51: {  	s6 =	sadd.s32 @!p0 $0xFFFF9A80, s5;
	s1 =	simm.s32 @!p1 $0x0;
	p1 =	por !p2, p0  }
0x52: {  	p3 =	sgt.s32 @!p0 s6, $0x7F;
	s3 =	simm.s32 @!p1 $0x0;
	s4 =	sshrl.u32 @!p0 s4, $0xE  }
0x53: {  	p1 =	por !p3, p0;
	s1 =	smul.u32 @!p0 s1, s3;
	s3 =	ssub.s32 @!p0 $0x6600, s5  }
0x54: {  	s4 =	smul.u32 @!p0 $0x6600, s4;
	s3 =	simm.s32 @!p1 $0x0  }
0x55: {  	s0 =	sshrl.u32 @!p0 s0, $0xE;
	s5 =	sxor.u32 @!p0 $0xFFFFFFFF, s8;
	s1 =	smul.u32 @!p0 s3, s1  }
0x56: {  	s0 =	sand.u32 @!p0 $0x1F, s0;
	s3 =	sshll.u32 @!p0 s5, $0xC;
	s5 =	smul.u32 @!p0 $0x19800, s15  }
0x57: {  	s0 =	smul.u32 @!p0 $0xCC0, s0;
	s2 =	ssub.s32 @!p0 s2, s4;
	s3 =	sand.u32 @!p0 $0x1000, s3  }
0x58: {  	s1 =	sand.u32 @!p0 $0x3FFFFFFF, s1;
	s4 =	sadd.s32 @!p0 s7, s5;
	s5 =	sand.u32 @!p0 $0x7, s2  }
0x59: {  	s2 =	sshrl.u32 @!p0 s2, $0x3;
	s0 =	sadd.s32 @!p0 s0, s4;
	s4 =	sshll.u32 @!p0 s5, $0x12  }
0x5a: {  	s0 =	sadd.s32 @!p0 s2, s0;
	s2 =	sor.u32 @!p0 $0x80, s4;
	s4 =	simm.s32 @!p0 $0xCC000  }
0x5b: {  	[tilespmem:s3], [sflag:$0x1] =	stream.strided.gather @!p0 [hbm4b:s0+s2], s1, s4, s2, $0x38;
	[tilespmem:$0x4100] =	vst v63  }
0x5c: {  	p0 =	seq.s32 s8, $0x0  }
0x5d: {  	p1 =	seq.s32 @!p0 s8, $0xCD  }
0x5e: {  	p0 =	por p0, p1  }
.Ltmp2:
0x5f: {  	_ = 	snop;
	(pc) =	sbr.rel @p0 .LBB1_15-.Ltmp2, $1  }
0x60: {  	_ =	sdelay $0x3  }
0x61: {  	[dreg:$0xd] =	wrdreg s18  }
0x62: {  	[dreg:$0xc] =	wrdreg s17  }
0x63: {  	[dreg:$0xb] =	wrdreg s16;
	s0 =	ssub.s32 $0x0, s13;
	s1 =	sshra.s32 s13, $0x1F  }
0x64: {  	p0 =	sgt.s32 s13, $0xFFFFFFFA;
	s2 =	smov.u32 s13;
	s27 =	sshra.s32 s11, $0x1F  }
0x65: {  	p1 =	sgt.s32 s10, $0x6580;
	s4 =	ssub.s32 $0x0, s10;
	s5 =	sshra.s32 s10, $0x1F  }
0x66: {  	s0 =	sand.u32 s0, s1;
	s2 =	simm.s32 @!p0 $0xFFFFFFFA;
	p0 =	sgt.s32 s11, $0x1F  }
0x67: {  	s1 =	smov.u32 s11;
	s28 =	sand.u32 s4, s5;
	[dreg:$0xe] =	wrdreg s0  }
0x68: {  	s0 =	sadd.s32 s0, s2;
	s1 =	simm.s32 @!p0 $0x1F;
	s2 =	sand.u32 s27, s11  }
0x69: {  	s3 =	sadd.s32 $0x6, s0;
	s1 =	ssub.s32 s1, s2;
	s0 =	ssub.s32 $0x1A, s0  }
0x6a: {  	p0 =	sgt.s32 s3, $0x1F;
	s2 =	sadd.s32 $0xFFFFFFE1, s1;
	s3 =	smov.u32 s10  }
0x6b: {  	s3 =	simm.s32 @!p1 $0x6580;
	p1 =	sgt.s32 s2, $0x0;
	s2 =	ssub.s32 $0x20, s1  }
0x6c: {  	s0 =	simm.s32 @p0 $0x0;
	s2 =	simm.s32 @p1 $0x0;
	s1 =	sadd.s32 s28, s3  }
0x6d: {  	[dreg:$0xf] =	wrdreg s2;
	s0 =	smul.u32 s0, s2;
	s29 =	sadd.s32 $0xFFFF9A80, s1  }
0x6e: {  	s1 =	ssub.s32 $0x6600, s1;
	s2 =	sadd.s32 $0x20, s13;
	p0 =	sgt.s32 s29, $0x7F  }
0x6f: {  	s3 =	sadd.s32 $0x1, s11;
	s1 =	simm.s32 @p0 $0x0;
	p0 =	slt.s32 s2, $0x1A  }
0x70: {  	[dreg:$0xa] =	wrdreg s15;
	s2 =	simm.s32 @!p0 $0x1A;
	p0 =	slt.s32 s3, $0x20  }
0x71: {  	[dreg:$0x9] =	wrdreg s14;
	s21 =	ssub.s32 s2, s13;
	s3 =	simm.s32 @!p0 $0x20  }
0x72: {  	[dreg:$0x7] =	wrdreg s12;
	s22 =	ssub.s32 s3, s11;
	p0 =	slt.s32 s21, $0x1  }
0x73: {  	[dreg:$0x5] =	wrdreg s10;
	p1 =	slt.s32 @!p0 s22, $0x1  }
0x74: {  	[dreg:$0x8] =	wrdreg s13;
	s0 =	smul.u32 s1, s0;
	p1 =	por p0, p1  }
.Ltmp3:
0x75: {  	[dreg:$0x6] =	wrdreg s11;
	s30 =	simm.s32 $0x1;
	(pc) =	sbr.rel @p1 .LBB1_14-.Ltmp3, $4  }
0x76: {  	[dreg:$0x10] =	wrdreg s28;
	s1 =	sand.u32 $0x3FFFFFFF, s0;
	s0 =	sand.u32 $0x1, s8  }
0x77: {  	_ =	swait.ge [sflag:s30], s1;
	s31 =	smul.u32 $0x1080, s0  }
0x78: {  	s1 =	ssub.s32 $0x0, s1;
	[sflag:s30] =	ssyncset.done $0x0  }
0x79: {  	[sflag:s30] =	ssyncadd.s32 s1;
	[dreg:$0x11] =	wrdreg s31  }
0x7a: {  	s2 =	rddreg [dreg:$0x5]  }
0x7b: {  	s1 =	sadd.s32 $0x80, s2  }
0x7c: {  	p1 =	slt.s32 s1, $0x6590  }
.Ltmp4:
0x7d: {  	s1 =	simm.s32 @!p1 $0x6590;
	(pc) =	sbr.rel .LBB1_4-.Ltmp4, $4  }
0x7e: {  	s1 =	ssub.s32 s1, s2  }
0x7f: {  	s25 =	sshll.u32 @!p0 s0, $0xC;
	s0 =	rddreg [dreg:$0x11];
	s1 =	sadd.s32 $0xF, s1  }
0x80: {  	s27 =	simm.s32 $0x0;
	s23 =	sand.u32 $0xFFFFFFF0, s1;
	s24 =	sand.u32 @!p0 $0xFFFFFF00, s1  }
0x81: {  	s26 =	sor.u32 @!p0 $0x2000, s0;
	p0 =	slt.s32 s1, $0x100;
	p1 =	sge.s32 s24, s23  }
.LBB1_13:
0x82: {  	s27 =	sadd.s32 $0x1, s27  }
0x83: {  	p2 =	sne.s32 s27, s21  }
.Ltmp5:
0x84: {  	_ = 	snop;
	(pc) =	sbr.rel @!p2 .LBB1_14-.Ltmp5, $1  }
0x85: {  	_ =	sdelay $0x3  }
.LBB1_4:
0x86: {  	s28 =	sshrl.u32 s27, $0x4;
	s0 =	sshll.u32 s27, $0x3;
	s1 =	sshll.u32 s27, $0x9  }
0x87: {  	s29 =	sand.u32 $0x7F, s27;
	s17 =	simm.s32 $0x0;
	s2 =	sand.u32 $0x78, s28  }
0x88: {  	s3 =	sadd.s32 $0x800, s0;
	s5 =	sadd.s32 $0x1000, s0;
	s6 =	sadd.s32 $0x1800, s0  }
0x89: {  	s1 =	sshra.s32 s1, $0x2;
	s19 =	sadd.s32 $0x2800, s0;
	s9 =	sadd.s32 $0x3000, s0  }
0x8a: {  	s4 =	smul.u32 $0x84, s2;
	s3 =	sshrl.u32 s3, $0x7;
	s2 =	sxor.u32 $0x40, s2  }
0x8b: {  	s5 =	sshrl.u32 s5, $0x7;
	s3 =	sand.u32 $0x78, s3;
	s2 =	smul.u32 $0x84, s2  }
0x8c: {  	s6 =	sshrl.u32 s6, $0x7;
	s5 =	sand.u32 $0x78, s5;
	s3 =	smul.u32 $0x84, s3  }
0x8d: {  	s9 =	sshrl.u32 s9, $0x7;
	s6 =	sand.u32 $0x78, s6;
	s5 =	smul.u32 $0x84, s5  }
0x8e: {  	s0 =	sadd.s32 $0x3800, s0;
	s20 =	sand.u32 $0x78, s9;
	s7 =	smul.u32 $0x84, s6  }
0x8f: {  	s31 =	sadd.s32 s29, s26;
	s0 =	sshrl.u32 s0, $0x7;
	s9 =	smul.u32 $0x84, s20  }
.Ltmp6:
0x90: {  	s0 =	sand.u32 $0x78, s0;
	s6 =	sshrl.u32 s19, $0x7;
	(pc) =	sbr.rel .LBB1_5-.Ltmp6, $4  }
0x91: {  	s30 =	sadd.s32 s1, s25;
	s11 =	smul.u32 $0x84, s0;
	s6 =	sand.u32 $0x78, s6  }
0x92: {  	s0 =	sshrl.u32 s4, $0x2;
	s4 =	sshrl.u32 s2, $0x2;
	s10 =	smul.u32 $0x84, s6  }
0x93: {  	s1 =	sshrl.u32 s3, $0x2;
	s6 =	sshrl.u32 s5, $0x2;
	s3 =	sshrl.u32 s7, $0x2  }
0x94: {  	s5 =	sshrl.u32 s9, $0x2;
	s20 =	sshrl.u32 s11, $0x2;
	s2 =	sshrl.u32 s10, $0x2  }
.LBB1_12:
0x95: {  	s17 =	sadd.s32 $0x1, s17  }
0x96: {  	p2 =	sne.s32 s17, s22  }
.Ltmp7:
0x97: {  	_ = 	snop;
	(pc) =	sbr.rel @!p2 .LBB1_13-.Ltmp7, $1  }
0x98: {  	_ =	sdelay $0x3  }
.LBB1_5:
.Ltmp8:
0x99: {  	(pc) =	sbr.rel @p0 .LBB1_9-.Ltmp8, $2  }
0x9a: {  	_ =	sdelay $0x2  }
0x9b: {  	s19 =	smul.u32 $0x4200, s17  }
0x9c: {  	s9 =	sshll.u32 s17, $0x7  }
0x9d: {  	s13 =	sand.u32 $0x380, s9  }
0x9e: {  	s7 =	sshra.s32 s19, $0x2;
	s18 =	sadd.s32 s13, s30  }
0x9f: {  	s10 =	sadd.s32 s7, s26;
	v0 =	vld [tilespmem:s18+$0x70]  }
0xa0: {  	s14 =	sadd.s32 s0, s10;
	s11 =	sadd.s32 s1, s10;
	v3 =	vld [tilespmem:s18+$0x60]  }
0xa1: {  	s15 =	sadd.s32 s6, s10;
	s16 =	sadd.s32 s3, s10;
	s12 =	sadd.s32 s4, s10;
	v1 =	vld [tilespmem:s18+$0x50]  }
0xa2: {  	s13 =	sadd.s32 s20, s10;
	v2 =	vld [tilespmem:s18+$0x40];
	s7 =	sadd.s32 s29, s15;
	s15 =	sadd.s32 s29, s16  }
0xa3: {  	v4 =	vld [tilespmem:s18+$0x30];
	s16 =	sadd.s32 s29, s12;
	s12 =	sadd.s32 s5, s10;
	s13 =	sadd.s32 s29, s13  }
0xa4: {  	v5 =	vld [tilespmem:s18+$0x20];
	s9 =	sadd.s32 s29, s11;
	s11 =	sadd.s32 s2, s10;
	s10 =	sadd.s32 s29, s12;
	[tilespmem:s13+$0x0 ss:$0x21] =	vst.msk $0xffff, v0  }
0xa5: {  	v6 =	vld [tilespmem:s18+$0x10];
	s11 =	sadd.s32 s29, s11;
	[tilespmem:s10+$0x0 ss:$0x21] =	vst.msk $0xffff, v3  }
0xa6: {  	v7 =	vld [tilespmem:s18+$0x0];
	[tilespmem:s11+$0x0 ss:$0x21] =	vst.msk $0xffff, v1  }
0xa7: {  	[tilespmem:s16+$0x0 ss:$0x21] =	vst.msk $0xffff, v2  }
0xa8: {  	[tilespmem:s15+$0x0 ss:$0x21] =	vst.msk $0xffff, v4  }
0xa9: {  	p2 =	sgt.s32 s24, $0x100;
	[tilespmem:s7+$0x0 ss:$0x21] =	vst.msk $0xffff, v5  }
.Ltmp9:
0xaa: {  	s14 =	sadd.s32 s29, s14;
	[tilespmem:s9+$0x0 ss:$0x21] =	vst.msk $0xffff, v6;
	(pc) =	sbr.rel @!p2 .LBB1_8-.Ltmp9, $4  }
0xab: {  	[tilespmem:s14+$0x0 ss:$0x21] =	vst.msk $0xffff, v7  }
0xac: {  	[tilespmem:s14+$0x0 ss:$0x21] =	vst.msk $0xffff, v7  }
0xad: {  	[tilespmem:s9+$0x0 ss:$0x21] =	vst.msk $0xffff, v6  }
0xae: {  	s12 =	simm.s32 $0x100;
	[tilespmem:s7+$0x0 ss:$0x21] =	vst.msk $0xffff, v5  }
.LBB1_7:
0xaf: {  	v5 =	vld [tilespmem:s18+$0x70];
	[tilespmem:s15+$0x0 ss:$0x21] =	vst.msk $0xffff, v4  }
0xb0: {  	v6 =	vld [tilespmem:s18+$0x60];
	[tilespmem:s16+$0x0 ss:$0x21] =	vst.msk $0xffff, v2  }
0xb1: {  	[tilespmem:s11+$0x0 ss:$0x21] =	vst.msk $0xffff, v1;
	v1 =	vld [tilespmem:s18+$0x50]  }
0xb2: {  	v2 =	vld [tilespmem:s18+$0x40];
	[tilespmem:s10+$0x0 ss:$0x21] =	vst.msk $0xffff, v3  }
0xb3: {  	v4 =	vld [tilespmem:s18+$0x30];
	[tilespmem:s13+$0x0 ss:$0x21] =	vst.msk $0xffff, v0  }
0xb4: {  	v7 =	vld [tilespmem:s18+$0x20];
	[tilespmem:s13+$0x0 ss:$0x21] =	vst.msk $0xffff, v5;
	v0 =	vmov v5  }
0xb5: {  	v5 =	vld [tilespmem:s18+$0x10];
	[tilespmem:s10+$0x0 ss:$0x21] =	vst.msk $0xffff, v6;
	v3 =	vmov v6  }
0xb6: {  	s12 =	sadd.s32 $0x100, s12;
	v6 =	vld [tilespmem:s18+$0x0];
	[tilespmem:s11+$0x0 ss:$0x21] =	vst.msk $0xffff, v1  }
0xb7: {  	p2 =	slt.s32 s12, s24;
	[tilespmem:s16+$0x0 ss:$0x21] =	vst.msk $0xffff, v2  }
0xb8: {  	[tilespmem:s15+$0x0 ss:$0x21] =	vst.msk $0xffff, v4  }
0xb9: {  	[tilespmem:s7+$0x0 ss:$0x21] =	vst.msk $0xffff, v7  }
.Ltmp10:
0xba: {  	[tilespmem:s9+$0x0 ss:$0x21] =	vst.msk $0xffff, v5;
	(pc) =	sbr.rel @p2 .LBB1_7-.Ltmp10, $4  }
0xbb: {  	[tilespmem:s14+$0x0 ss:$0x21] =	vst.msk $0xffff, v6  }
0xbc: {  	[tilespmem:s14+$0x0 ss:$0x21] =	vst.msk $0xffff, v6  }
0xbd: {  	[tilespmem:s9+$0x0 ss:$0x21] =	vst.msk $0xffff, v5  }
0xbe: {  	[tilespmem:s7+$0x0 ss:$0x21] =	vst.msk $0xffff, v7  }
.LBB1_8:
0xbf: {  	[tilespmem:s15+$0x0 ss:$0x21] =	vst.msk $0xffff, v4  }
0xc0: {  	[tilespmem:s16+$0x0 ss:$0x21] =	vst.msk $0xffff, v2  }
0xc1: {  	[tilespmem:s11+$0x0 ss:$0x21] =	vst.msk $0xffff, v1  }
0xc2: {  	[tilespmem:s10+$0x0 ss:$0x21] =	vst.msk $0xffff, v3  }
0xc3: {  	[tilespmem:s13+$0x0 ss:$0x21] =	vst.msk $0xffff, v0  }
.LBB1_9:
.Ltmp11:
0xc4: {  	(pc) =	sbr.rel @p1 .LBB1_12-.Ltmp11, $1  }
0xc5: {  	_ =	sdelay $0x3  }
0xc6: {  	s7 =	sand.u32 $0x7, s17  }
0xc7: {  	s7 =	sadd.s32 s27, s7  }
0xc8: {  	s7 =	sshll.u32 s7, $0x9  }
0xc9: {  	s7 =	sshra.s32 s7, $0x2  }
0xca: {  	s9 =	sadd.s32 s7, s25  }
0xcb: {  	v0 =	vmov s9  }
0xcc: {  	s19 =	sshra.s32 s19, $0x2  }
0xcd: {  	s7 =	sadd.s32 s19, s31;
	s9 =	smov.u32 s24  }
.LBB1_11:
0xce: {  	s11 =	sadd.s32 s9, s28  }
0xcf: {  	s10 =	sand.u32 $0x70, s9;
	s9 =	sadd.s32 $0x10, s9;
	s19 =	sand.u32 $0x78, s11  }
0xd0: {  	v1 =	vld.idx.msk [tilespmem:v0+s10+$0x0 ss:$0x1], $0xffff;
	p2 =	slt.s32 s9, s23;
	s10 =	smul.u32 $0x84, s19  }
.Ltmp12:
0xd1: {  	_ = 	snop;
	(pc) =	sbr.rel @p2 .LBB1_11-.Ltmp12, $4  }
0xd2: {  	_ = 	snop  }
0xd3: {  	s10 =	sshrl.u32 s10, $0x2  }
0xd4: {  	s10 =	sadd.s32 s10, s7  }
0xd5: {  	[tilespmem:s10+$0x0 ss:$0x21] =	vst.msk $0xffff, v1  }
.Ltmp13:
0xd6: {  	_ = 	snop;
	(pc) =	sbr.rel .LBB1_12-.Ltmp13, $1  }
0xd7: {  	_ =	sdelay $0x3  }
.LBB1_16:
0xd8: {  	_ =	sfence.sel $0x180000  }
0xd9: {  	s0 =	simm.s32 $0x1;
	[bflag:$0x0] =	sbarrier.arrive $0xFFFF  }
0xda: {  	s30 =	simm.s32 $0x2;
	[sflag:s0] =	ssyncpa.u1 $0x1  }
0xdb: {  	[sflag:s30] =	ssyncpa.u1 $0x1  }
0xdc: {  	_ =	strace $0x90000047  }
0xdd: {  	s31 =	stileid.u32;
	[bflag:$0x2] =	sbarrier.arrive $0xFFFF  }
0xde: {  	p0 =	sne.s32 s31, $0x0;
	s0 =	rddreg [dreg:$0x1]  }
0xdf: {  	s0 =	sadd.s32 @!p0 $0x100000, s0  }
0xe0: {  	[sflag:s0] =	ssyncadd.tile.s32 @!p0 $0x1;
	_ =	shalt  }
.Lfunc_end1:
_tile_overlayer_lowered:
.L_overlay_start_2:
0xe1: {  	(tag) =	ssettag $0x2  }
0xe2: {  	s0 =	rddreg [dreg:$0x0];
	s2 =	stileid.u32  }
0xe3: {  	s1 =	rddreg [dreg:$0x1];
	p0 =	sne.s32 s2, $0x0  }
0xe4: {  	s3 =	rddreg [dreg:$0x2];
	[bflag:$0x3] =	sbarrier.arrive $0xFFFF;
	s2 =	simm.s32 @!p0 $0x1C01  }
0xe5: {  	[timem:s3], [sflag:s2] =	dma.local @!p0 [hbm:s0], s1  }
0xe6: {  	s0 =	simm.s32 @!p0 $0x1  }
0xe7: {  	_ =	swait.ge @!p0 [sflag:s0], s1  }
0xe8: {  	s1 =	ssub.s32 @!p0 $0x0, s1;
	[sflag:s0] =	ssyncset.done @!p0 $0x0  }
0xe9: {  	[sflag:s0] =	ssyncadd.s32 @!p0 s1  }
0xea: {  	[bflag:$0x3] =	sbarrier.arrive $0xFFFF  }
0xeb: {  	_ =	shalt  }

// kernel: sparse-core-data-format-call.cloned.1.call-start
scs
called_computation_lowered:
.L_overlay_start_0:
0x0: {  	s1 =	sld [smem:$0x3FD9]  }
0x1: {  	s2 =	sld [smem:$0x3FFE];
	_ =	sdelay $0x1  }
0x2: {  	s3 =	srdreg.scid  }
0x3: {  	s0 =	sand.u32 $0x1, s3  }
0x4: {  	s17 =	sshll.u32 s0, $0xA;
	s1 =	sadd.s32 s2, s1  }
0x5: {  	s1 =	sadd.s32 s1, s17  }
0x6: {  	[smem:$0x3FC4] =	sst s1  }
0x7: {  	_ = 	snop  }
0x8: {  	(tm) =	ssettm $0x1  }
0x9: {  	s18 =	sld [smem:$0x3FFB];
	_ =	sdelay $0x3  }
0xa: {  	_ =	strace s18  }
0xb: {  	s1 =	sld [smem:$0x3FFC];
	_ =	sdelay $0x3  }
0xc: {  	_ =	strace s1  }
0xd: {  	s1 =	sld [smem:$0x3FFD];
	_ =	sdelay $0x3  }
0xe: {  	_ =	strace s1  }
0xf: {  	_ =	strace $0x8FFFFFFF  }
0x10: {  	s19 =	sld [smem:$0x3FDB];
	_ =	sdelay $0x1  }
0x11: {  	s20 =	simm.s32 $_scs_section_size  }
0x12: {  	s4 =	simm.s32 $_size__tile_overlayer_lowered;
	s5 =	simm.s32 $_tile_overlayer_lowered  }
0x13: {  	s23 =	simm.s32 $0x1BFF;
	s22 =	sshll.u32 s5, $0x1;
	s1 =	sadd.s32 s20, s19  }
0x14: {  	s6 =	simm.s32 $0x0;
	s21 =	sshll.u32 s4, $0x1;
	s4 =	sadd.s32 s22, s1  }
0x15: {  	[timem:s6], [sflag:s23] =	dma.local [hbm:s4], s21  }
0x16: {  	_ =	swait.ge [sflag:s23], s21  }
0x17: {  	s2 =	ssub.s32 $0x0, s21;
	[sflag:s23] =	ssyncset.done $0x0  }
0x18: {  	[sflag:s23] =	ssyncadd.s32 s2;
	_ =	sdelay $0x1  }
0x19: {  	s24 =	simm.s32 $0x1B8B  }
0x1a: {  	_ =	swait.ge [sflag:s24], $0x1  }
0x1b: {  	[sflag:s24] =	ssyncset.done $0x0  }
0x1c: {  	s26 =	simm.s32 $0x1B8E;
	s25 =	sld [smem:$0x3FFE];
	[sflag:s24] =	ssyncadd.s32 $0xFFFFFFFF  }
0x1d: {  	s27 =	simm.s32 $execute0_lowered;
	[smem:$0x3FD2] =	sst s26  }
0x1e: {  	s4 =	sshll.u32 s27, $0x1;
	_ =	strace $0x80000049;
	[dreg:$0x1] =	wrdreg $0xFFFFFFFF  }
0x1f: {  	s28 =	simm.s32 $_size_execute0_lowered;
	s1 =	sadd.s32 s1, s4;
	[dreg:$0x0] =	wrdreg $0x0  }
0x20: {  	s4 =	sshll.u32 s28, $0x1;
	[dreg:$0x2] =	wrdreg s1  }
0x21: {  	[dreg:$0x3] =	wrdreg s4  }
0x22: {  	[dreg:$0x4] =	wrdreg $0xC0  }
0x23: {  	_ =	task [dreg:s6], $0x5FFFF  }
0x24: {  	[dreg:$0x1] =	wrdreg $0xFFFFFFFF  }
0x25: {  	[dreg:$0x0] =	wrdreg $0x60  }
0x26: {  	[dreg:$0x2] =	wrdreg s25  }
0x27: {  	[dreg:$0x3] =	wrdreg $0x9  }
0x28: {  	_ =	task.clear_ibuf [dreg:s6], $0x4FFFF;
	_ =	strace $0x90000049  }
0x29: {  	s29 =	simm.s32 $0x9;
	_ =	strace $0x8000004B  }
0x2a: {  	_ =	swait.ge [sflag:s29], $0x1  }
0x2b: {  	[sflag:s29] =	ssyncadd.s32 $0xFFFFFFFF  }
0x2c: {  	_ =	strace $0x9000004B  }
0x2d: {  	_ =	sfence  }
0x2e: {  	s30 =	sld [smem:$0x0];
	_ =	sdelay $0x2  }
0x2f: {  	s31 =	sshll.u32 s3, $0xD;
	s3 =	sshrl.u32 s3, $0x2  }
0x30: {  	s2 =	sand.u32 $0x4000, s31;
	s1 =	sadd.s32 s3, s30  }
0x31: {  	s0 =	sor.u32 s2, s0;
	s1 =	sshll.u32 s1, $0x11  }
0x32: {  	s0 =	sor.u32 s1, s0  }
0x33: {  	s0 =	sadd.s32 $0x8F2B, s0  }
0x34: {  	[sflag:s0] =	ssyncadd.remote.s32 $0x1  }
0x35: {  	_ =	sfence.sel $0xFFFF  }
0x36: {  	[dreg:$0x0] =	wrdreg $0xFFFFFFFF;
	(pc) =	sbr.abs _section_cstart, $3  }
0x37: {  	[dreg:$0x1] =	wrdreg $0xFFFFFFFF  }
0x38: {  	_ =	task.clear_ibuf [dreg:s6], $0x2FFFF;
	_ =	strace $0x9FFFFFFF  }
0x39: {  	(tm) =	ssettm $0x7FFFFFFF  }
tec
execute0_lowered:
.L_overlay_start_1:
0x0: {  	(tag) =	ssettag $0x1  }
0x1: {  	s0 =	srdreg.scid  }
0x2: {  	s5 =	rddreg [dreg:$0x0];
	s1 =	stileid.u32;
	s4 =	simm.s32 $0x1  }
0x3: {  	s6 =	simm.s32 $0x2;
	s15 =	simm.s32 $0x0;
	p0 =	por $0x0, $0x0  }
0x4: {  	s8 =	simm.s32 $0x80;
	s14 =	simm.s32 $0x0;
	s2 =	sshll.u32 s0, $0x4  }
0x5: {  	s9 =	simm.s32 $0x0;
	s10 =	simm.s32 $0x0;
	s2 =	sand.u32 $0x10, s2  }
.Ltmp0:
0x6: {  	s12 =	simm.s32 $0x0;
	s3 =	sor.u32 s1, s2;
	(pc) =	sbr.rel .LBB1_1-.Ltmp0, $4  }
0x7: {  	s0 =	rddreg [dreg:$0x1];
	_ =	strace $0x8000004A;
	s3 =	sshll.u32 s3, $0x8  }
0x8: {  	s13 =	simm.s32 $0x0;
	[sflag:s4] =	ssyncpa.u1 $0x0;
	s7 =	ssub.s32 $0xA5000, s3  }
0x9: {  	s2 =	sadd.s32 $0x1800, s5;
	[sflag:s6] =	ssyncpa.u1 $0x0;
	s6 =	sshrl.u32 s7, $0xD  }
0xa: {  	s5 =	sadd.s32 $0x14BA00, s5;
	s11 =	smov.u32 s3;
	s7 =	sadd.s32 $0x2, s6  }
.LBB1_5:
0xb: {  	p1 =	slt.u32 s13, $0x2  }
0xc: {  	s17 =	smov.u32 s15;
	p2 =	sgt.s32 @!p1 s15, $0xA4FA0;
	s16 =	sshra.s32 @!p1 s15, $0x1F  }
0xd: {  	p3 =	sgt.s32 @!p1 s14, $0x70;
	s18 =	sshra.s32 @!p1 s14, $0x1F;
	p2 =	por !p2, p1  }
0xe: {  	s15 =	sand.u32 @!p1 s16, s15;
	p3 =	por !p3, p1;
	s16 =	smov.u32 s14  }
0xf: {  	s14 =	sand.u32 @!p1 s18, s14;
	s17 =	simm.s32 @p2 $0xA4FA0;
	s16 =	simm.s32 @p3 $0x70  }
0x10: {  	s15 =	ssub.s32 @!p1 s17, s15;
	s14 =	ssub.s32 @!p1 s16, s14  }
0x11: {  	s18 =	smov.u32 s12;
	s16 =	sadd.s32 @!p1 $0xFFF5B060, s15;
	s17 =	sadd.s32 @!p1 $0xFFFFFF90, s14  }
0x12: {  	s15 =	ssub.s32 @!p1 $0xA50A0, s15;
	p2 =	sgt.s32 @!p1 s16, $0xFF;
	p3 =	sgt.s32 @!p1 s17, $0xF  }
0x13: {  	s14 =	ssub.s32 @!p1 $0x80, s14;
	p2 =	por !p2, p1;
	p3 =	por !p3, p1  }
0x14: {  	s16 =	sadd.s32 $0x2000, s11;
	s15 =	simm.s32 @!p2 $0x0;
	s14 =	simm.s32 @!p3 $0x0  }
0x15: {  	p2 =	sgt.s32 s16, $0xA509F;
	s14 =	smul.u32 @!p1 s14, s15;
	s15 =	sadd.s32 $0x10, s12  }
0x16: {  	s18 =	smov.u32 @p2 s15  }
0x17: {  	s16 =	smov.u32 @p2 s3;
	p2 =	sgt.s32 s18, $0xF  }
0x18: {  	s18 =	simm.s32 @p2 $0x0;
	p2 =	sne.s32 s13, s7  }
.Ltmp1:
0x19: {  	p0 =	por !p0, !p0;
	s17 =	simm.s32 @!p1 $0x2;
	(pc) =	sbr.rel @!p2 .LBB1_6-.Ltmp1, $4  }
0x1a: {  	s15 =	smov.u32 s9;
	s9 =	smov.u32 s11;
	s14 =	sand.u32 @!p1 $0x3FFFFFFF, s14  }
0x1b: {  	s11 =	smov.u32 s16;
	_ =	swait.ge @!p1 [sflag:s17], s14;
	s19 =	ssub.s32 @!p1 $0x0, s14  }
0x1c: {  	s14 =	smov.u32 s10;
	s13 =	sadd.s32 $0x1, s13;
	[sflag:s17] =	ssyncset.done @!p1 $0x0  }
0x1d: {  	s10 =	smov.u32 s12;
	s12 =	smov.u32 s18;
	[sflag:s17] =	ssyncadd.s32 @!p1 s19  }
.LBB1_1:
0x1e: {  	p1 =	sgt.u32 s13, s6  }
0x1f: {  	s16 =	sshrl.u32 @!p1 s12, $0x3  }
0x20: {  	s17 =	sshll.u32 @!p1 s11, $0x3;
	s16 =	smul.u32 @!p1 $0x528800, s16  }
0x21: {  	s18 =	sshll.u32 @!p1 s12, $0x7;
	s17 =	sand.u32 @!p1 $0xFFFFFC00, s17  }
0x22: {  	s16 =	sadd.s32 @!p1 s16, s17;
	s17 =	sand.u32 @!p1 $0x380, s18  }
0x23: {  	s18 =	sand.u32 @!p1 $0x7F, s11;
	s16 =	sor.u32 @!p1 s17, s16  }
0x24: {  	s17 =	sor.u32 @!p1 s18, s16  }
0x25: {  	s18 =	smulhi.u32 @!p1 $0x6342662B, s17;
	_ =	sdelay $0x1  }
0x26: {  	s16 =	smulhi.u32 @!p1 $0x6342662B, s16;
	s18 =	sshrl.u32 @!p1 s18, $0x12  }
0x27: {  	s18 =	smul.u32 @!p1 $0xA5100, s18  }
0x28: {  	s19 =	sxor.u32 @!p1 $0xFFFFFFFF, s13;
	s16 =	sshrl.u32 @!p1 s16, $0x12  }
0x29: {  	s19 =	sshll.u32 @!p1 s19, $0xC;
	s16 =	sand.u32 @!p1 $0xF, s16;
	s17 =	ssub.s32 @!p1 s17, s18  }
0x2a: {  	s16 =	smul.u32 @!p1 $0x14A20, s16;
	s18 =	sshrl.u32 @!p1 s17, $0x3;
	s17 =	sand.u32 @!p1 $0x7, s17  }
0x2b: {  	s19 =	sand.u32 @!p1 $0x1000, s19;
	s18 =	sadd.s32 @!p1 s2, s18;
	s17 =	sshll.u32 @!p1 s17, $0x12  }
0x2c: {  	s16 =	sadd.s32 @!p1 s16, s18;
	s17 =	sor.u32 @!p1 $0x800, s17;
	s18 =	simm.s32 @!p1 $0x528800  }
0x2d: {  	[tilespmem:s19], [sflag:$0x1] =	stream.strided.gather @!p1 [hbm4b:s16+s17], $0x1000, s18, s17, $0x38;
	[tilespmem:$0x4200] =	vst v63  }
0x2e: {  	p1 =	seq.s32 s13, $0x0  }
0x2f: {  	p2 =	sge.u32 @!p1 s13, s7  }
0x30: {  	p1 =	por p1, p2  }
.Ltmp2:
0x31: {  	_ = 	snop;
	(pc) =	sbr.rel @p1 .LBB1_5-.Ltmp2, $1  }
0x32: {  	_ =	sdelay $0x3  }
0x33: {  	s19 =	simm.s32 $0x0  }
0x34: {  	s18 =	sand.u32 $0x800, s19;
	s20 =	sand.u32 $0x380, s19  }
0x35: {  	s16 =	sand.u32 $0x1, s13;
	s18 =	sor.u32 s20, s18  }
0x36: {  	_ =	swait.ge [sflag:s4], $0x1000;
	s17 =	sshll.u32 s16, $0xC;
	s20 =	sand.u32 $0xB00, s18  }
0x37: {  	[sflag:s4] =	ssyncset.done $0x0;
	s19 =	sand.u32 $0x80, s19;
	s20 =	sadd.s32 s20, s17  }
0x38: {  	[sflag:s4] =	ssyncadd.s32 $0xFFFFF000;
	s22 =	sadd.s32 s19, s20  }
0x39: {  	v4 =	vld [tilespmem:s22+$0x400]  }
0x3a: {  	s21 =	simm.s32 $0x1;
	v5 =	vld [tilespmem:s22+$0x0]  }
0x3b: {  	s21 =	simm.s32 @!p0 $0x0;
	v6 =	vld [tilespmem:s22+$0x10]  }
0x3c: {  	v0 =	vmov s17;
	s31 =	smul.u32 $0x4400, s21;
	v7 =	vld [tilespmem:s22+$0x20]  }
0x3d: {  	v9 =	vld [tilespmem:s22+$0x30]  }
0x3e: {  	s19 =	sshrl.u32 s31, $0x2;
	v10 =	vld [tilespmem:s22+$0x40]  }
0x3f: {  	s19 =	sor.u32 $0x2000, s19;
	v11 =	vld [tilespmem:s22+$0x50]  }
0x40: {  	v8 =	vld [tilespmem:s22+$0x60];
	s20 =	sadd.s32 $0x0, s19  }
0x41: {  	v1 =	vld.idx.msk [tilespmem:v0+s18+$0x410 ss:$0x1], $0xffff;
	[tilespmem:s20+$0x880 ss:$0x11] =	vst.msk $0xffff, v4  }
0x42: {  	v2 =	vld.idx.msk [tilespmem:v0+s18+$0x420 ss:$0x1], $0xffff;
	[tilespmem:s20+$0x0 ss:$0x11] =	vst.msk $0xffff, v5  }
0x43: {  	v3 =	vld.idx.msk [tilespmem:v0+s18+$0x430 ss:$0x1], $0xffff;
	[tilespmem:s20+$0x110 ss:$0x11] =	vst.msk $0xffff, v6  }
0x44: {  	s16 =	smul.u32 $0x4400, s16;
	[tilespmem:s20+$0x220 ss:$0x11] =	vst.msk $0xffff, v7;
	v7 =	vld [tilespmem:s22+$0x70]  }
0x45: {  	s23 =	simm.s32 $0x100;
	s24 =	simm.s32 $0x8;
	[tilespmem:s20+$0x330 ss:$0x11] =	vst.msk $0xffff, v9;
	v4 =	vld.idx.msk [tilespmem:v0+s18+$0x440 ss:$0x1], $0xffff  }
0x46: {  	s25 =	sand.u32 $0x800, s23;
	s16 =	sshrl.u32 s16, $0x2;
	[tilespmem:s20+$0x440 ss:$0x11] =	vst.msk $0xffff, v10;
	v5 =	vld.idx.msk [tilespmem:v0+s18+$0x450 ss:$0x1], $0xffff;
	s22 =	simm.s32 $0x80  }
0x47: {  	s21 =	simm.s32 $0x4;
	s16 =	sor.u32 $0x2000, s16;
	[tilespmem:s20+$0x550 ss:$0x11] =	vst.msk $0xffff, v11;
	v6 =	vld.idx.msk [tilespmem:v0+s18+$0x460 ss:$0x1], $0xffff;
	s26 =	sand.u32 $0x380, s22  }
.LBB1_3:
0x48: {  	p1 =	sne.s32 s24, $0x3C;
	[tilespmem:s20+$0x660 ss:$0x11] =	vst.msk $0xffff, v8;
	v8 =	vld.idx.msk [tilespmem:v0+s18+$0x470 ss:$0x1], $0xffff;
	s18 =	sor.u32 s26, s25  }
0x49: {  	s25 =	sand.u32 $0xB00, s18;
	v9 =	vld.idx.msk [tilespmem:v0+s18+$0x410 ss:$0x1], $0xffff;
	[tilespmem:s20+$0x770 ss:$0x11] =	vst.msk $0xffff, v7  }
0x4a: {  	s26 =	sand.u32 $0x80, s22;
	s25 =	sadd.s32 s25, s17;
	v7 =	vld.idx.msk [tilespmem:v0+s18+$0x420 ss:$0x1], $0xffff;
	[tilespmem:s20+$0x990 ss:$0x11] =	vst.msk $0xffff, v1  }
0x4b: {  	s25 =	sadd.s32 s26, s25;
	v10 =	vld.idx.msk [tilespmem:v0+s18+$0x430 ss:$0x1], $0xffff;
	[tilespmem:s20+$0xAA0 ss:$0x11] =	vst.msk $0xffff, v2  }
0x4c: {  	v11 =	vld [tilespmem:s25+$0x400];
	[tilespmem:s20+$0xBB0 ss:$0x11] =	vst.msk $0xffff, v3  }
0x4d: {  	v12 =	vld [tilespmem:s25+$0x0];
	[tilespmem:s20+$0xCC0 ss:$0x11] =	vst.msk $0xffff, v4  }
0x4e: {  	v4 =	vld [tilespmem:s25+$0x10];
	[tilespmem:s20+$0xDD0 ss:$0x11] =	vst.msk $0xffff, v5  }
0x4f: {  	s26 =	sshra.s32 s21, $0x2;
	s21 =	smov.u32 s24;
	v1 =	vmov v9;
	v5 =	vld [tilespmem:s25+$0x20];
	[tilespmem:s20+$0xEE0 ss:$0x11] =	vst.msk $0xffff, v6  }
0x50: {  	v2 =	vmov v7;
	v6 =	vld [tilespmem:s25+$0x30];
	[tilespmem:s20+$0xFF0 ss:$0x11] =	vst.msk $0xffff, v8;
	s20 =	sadd.s32 s26, s19  }
0x51: {  	v3 =	vmov v10;
	v9 =	vld [tilespmem:s25+$0x40];
	[tilespmem:s20+$0x880 ss:$0x11] =	vst.msk $0xffff, v11  }
0x52: {  	[tilespmem:s20+$0x0 ss:$0x11] =	vst.msk $0xffff, v12;
	v10 =	vld [tilespmem:s25+$0x50]  }
.Ltmp3:
0x53: {  	[tilespmem:s20+$0x110 ss:$0x11] =	vst.msk $0xffff, v4;
	v8 =	vld [tilespmem:s25+$0x60];
	(pc) =	sbr.rel @p1 .LBB1_3-.Ltmp3, $4  }
0x54: {  	[tilespmem:s20+$0x220 ss:$0x11] =	vst.msk $0xffff, v5;
	v7 =	vld [tilespmem:s25+$0x70]  }
0x55: {  	[tilespmem:s20+$0x330 ss:$0x11] =	vst.msk $0xffff, v6;
	v4 =	vld.idx.msk [tilespmem:v0+s18+$0x440 ss:$0x1], $0xffff  }
0x56: {  	s22 =	sadd.s32 $0x80, s22;
	s23 =	sadd.s32 $0x100, s23;
	[tilespmem:s20+$0x440 ss:$0x11] =	vst.msk $0xffff, v9;
	v5 =	vld.idx.msk [tilespmem:v0+s18+$0x450 ss:$0x1], $0xffff  }
0x57: {  	s24 =	sadd.s32 $0x4, s24;
	s26 =	sand.u32 $0x380, s22;
	s25 =	sand.u32 $0x800, s23;
	[tilespmem:s20+$0x550 ss:$0x11] =	vst.msk $0xffff, v10;
	v6 =	vld.idx.msk [tilespmem:v0+s18+$0x460 ss:$0x1], $0xffff  }
0x58: {  	_ =	sdelay $0x2  }
0x59: {  	[tilespmem:s20+$0x660 ss:$0x11] =	vst.msk $0xffff, v8  }
0x5a: {  	s23 =	sor.u32 s26, s25;
	[tilespmem:s20+$0x990 ss:$0x11] =	vst.msk $0xffff, v1;
	v47 =	vld.idx.msk [tilespmem:v0+s18+$0x470 ss:$0x1], $0xffff  }
0x5b: {  	[tilespmem:s20+$0xAA0 ss:$0x11] =	vst.msk $0xffff, v2;
	v57 =	vld.idx.msk [tilespmem:v0+s23+$0x410 ss:$0x1], $0xffff  }
0x5c: {  	[tilespmem:s20+$0xBB0 ss:$0x11] =	vst.msk $0xffff, v3;
	v58 =	vld.idx.msk [tilespmem:v0+s23+$0x420 ss:$0x1], $0xffff  }
0x5d: {  	[tilespmem:s20+$0x770 ss:$0x11] =	vst.msk $0xffff, v7;
	v59 =	vld.idx.msk [tilespmem:v0+s23+$0x430 ss:$0x1], $0xffff  }
0x5e: {  	v60 =	vld.idx.msk [tilespmem:v0+s23+$0x440 ss:$0x1], $0xffff;
	[tilespmem:s20+$0xCC0 ss:$0x11] =	vst.msk $0xffff, v4  }
0x5f: {  	s24 =	sand.u32 $0xB00, s23;
	v61 =	vld.idx.msk [tilespmem:v0+s23+$0x450 ss:$0x1], $0xffff;
	[tilespmem:s20+$0xDD0 ss:$0x11] =	vst.msk $0xffff, v5  }
0x60: {  	s22 =	sand.u32 $0x80, s22;
	s27 =	sshra.s32 s21, $0x2;
	v62 =	vld.idx.msk [tilespmem:v0+s23+$0x460 ss:$0x1], $0xffff;
	s17 =	sadd.s32 s24, s17;
	[tilespmem:s20+$0xEE0 ss:$0x11] =	vst.msk $0xffff, v6  }
0x61: {  	v63 =	vld.idx.msk [tilespmem:v0+s23+$0x470 ss:$0x1], $0xffff;
	s26 =	sadd.s32 s22, s17;
	s17 =	sadd.s32 s27, s19;
	[tilespmem:s20+$0xFF0 ss:$0x11] =	vst.msk $0xffff, v47  }
0x62: {  	v48 =	vld [tilespmem:s26+$0x400];
	[tilespmem:s17+$0x990 ss:$0x11] =	vst.msk $0xffff, v57  }
0x63: {  	s28 =	sshll.u32 s9, $0x7;
	v49 =	vld [tilespmem:s26+$0x0];
	[tilespmem:s17+$0xAA0 ss:$0x11] =	vst.msk $0xffff, v58  }
0x64: {  	s29 =	sshll.u32 s10, $0x3;
	p1 =	sgt.s32 s9, $0xA4FA0;
	s25 =	sshra.s32 s10, $0x1F;
	v50 =	vld [tilespmem:s26+$0x10];
	[tilespmem:s17+$0xBB0 ss:$0x11] =	vst.msk $0xffff, v59  }
0x65: {  	s30 =	sand.u32 $0xFFFFFC00, s28;
	s24 =	sshra.s32 s9, $0x1F;
	v51 =	vld [tilespmem:s26+$0x20];
	s20 =	sand.u32 $0xFFFFFC00, s29;
	[tilespmem:s17+$0xCC0 ss:$0x11] =	vst.msk $0xffff, v60  }
0x66: {  	s19 =	sand.u32 $0x380, s28;
	s21 =	sand.u32 s24, s9;
	v52 =	vld [tilespmem:s26+$0x30];
	s20 =	sadd.s32 s20, s30;
	[tilespmem:s17+$0xDD0 ss:$0x11] =	vst.msk $0xffff, v61  }
0x67: {  	s22 =	smov.u32 s10;
	v53 =	vld [tilespmem:s26+$0x40];
	[tilespmem:s17+$0xEE0 ss:$0x11] =	vst.msk $0xffff, v62;
	s19 =	sor.u32 s19, s20;
	s20 =	smov.u32 s9  }
0x68: {  	s28 =	sshrl.u32 s10, $0x3;
	v54 =	vld [tilespmem:s26+$0x50];
	[tilespmem:s17+$0xFF0 ss:$0x11] =	vst.msk $0xffff, v63;
	s31 =	sshrl.u32 s19, $0x7;
	s20 =	simm.s32 @!p1 $0xA4FA0  }
0x69: {  	v55 =	vld [tilespmem:s26+$0x60];
	p1 =	sgt.s32 s10, $0x70;
	[tilespmem:s17+$0x880 ss:$0x11] =	vst.msk $0xffff, v48;
	s19 =	smulhi.u32 $0x31A301, s31;
	s20 =	ssub.s32 s20, s21  }
0x6a: {  	v56 =	vld [tilespmem:s26+$0x70];
	s26 =	sand.u32 s25, s10;
	[tilespmem:s17+$0x0 ss:$0x11] =	vst.msk $0xffff, v49;
	s22 =	simm.s32 @!p1 $0x70;
	s27 =	sadd.s32 $0xFFF5B060, s20  }
0x6b: {  	[tilespmem:s17+$0x110 ss:$0x11] =	vst.msk $0xffff, v50;
	s21 =	ssub.s32 s22, s26;
	s20 =	ssub.s32 $0xA50A0, s20;
	s19 =	sshrl.u32 s19, $0x9  }
0x6c: {  	[tilespmem:s17+$0x220 ss:$0x11] =	vst.msk $0xffff, v51;
	p1 =	sgt.s32 s27, $0xFF;
	s22 =	sadd.s32 $0xFFFFFF90, s21;
	s21 =	ssub.s32 $0x80, s21  }
0x6d: {  	[tilespmem:s17+$0x330 ss:$0x11] =	vst.msk $0xffff, v52;
	s19 =	smul.u32 $0xA50A0, s19;
	s20 =	simm.s32 @p1 $0x0;
	p1 =	sgt.s32 s22, $0xF  }
.Ltmp4:
0x6e: {  	s29 =	sand.u32 $0x7, s10;
	[tilespmem:s17+$0x440 ss:$0x11] =	vst.msk $0xffff, v53;
	s21 =	simm.s32 @p1 $0x0;
	(pc) =	sbr.rel .LBB1_5-.Ltmp4, $4  }
0x6f: {  	[tilespmem:s17+$0x550 ss:$0x11] =	vst.msk $0xffff, v54;
	s18 =	ssub.s32 s31, s19;
	s20 =	smul.u32 s21, s20;
	s19 =	sand.u32 $0xF, s28  }
0x70: {  	[tilespmem:s17+$0x660 ss:$0x11] =	vst.msk $0xffff, v55;
	s21 =	sshll.u32 s29, $0x12;
	s18 =	sshll.u32 s18, $0x4;
	s19 =	sadd.s32 s5, s19  }
0x71: {  	[tilespmem:s17+$0x770 ss:$0x11] =	vst.msk $0xffff, v56;
	s31 =	sor.u32 $0x10, s21;
	s30 =	sand.u32 $0x3FFFFFFF, s20;
	s18 =	sadd.s32 s18, s19  }
0x72: {  	[hbm4b:s18+s31] =	stream.strided.scatter [tilespmem:s16], [sflag:$0x2], s30, s8, s31, $0x8;
	[tilespmem:$0x4200] =	vst v63  }
.LBB1_6:
0x73: {  	_ =	sfence.sel $0x180000  }
0x74: {  	s2 =	simm.s32 $0x1;
	[bflag:$0x0] =	sbarrier.arrive $0xFFFF  }
0x75: {  	s31 =	simm.s32 $0x2;
	[sflag:s2] =	ssyncpa.u1 $0x1  }
0x76: {  	[sflag:s31] =	ssyncpa.u1 $0x1  }
0x77: {  	p0 =	sne.s32 s1, $0x0;
	_ =	strace $0x9000004A  }
0x78: {  	s0 =	sadd.s32 @!p0 $0x100000, s0;
	[bflag:$0x2] =	sbarrier.arrive $0xFFFF  }
0x79: {  	[sflag:s0] =	ssyncadd.tile.s32 @!p0 $0x1;
	_ =	shalt  }
.Lfunc_end1:
_tile_overlayer_lowered:
.L_overlay_start_2:
0x7a: {  	(tag) =	ssettag $0x2  }
0x7b: {  	s0 =	rddreg [dreg:$0x0];
	s2 =	stileid.u32  }
0x7c: {  	s1 =	rddreg [dreg:$0x1];
	p0 =	sne.s32 s2, $0x0  }
0x7d: {  	s3 =	rddreg [dreg:$0x2];
	[bflag:$0x3] =	sbarrier.arrive $0xFFFF;
	s2 =	simm.s32 @!p0 $0x1C01  }
0x7e: {  	[timem:s3], [sflag:s2] =	dma.local @!p0 [hbm:s0], s1  }
0x7f: {  	s0 =	simm.s32 @!p0 $0x1  }
0x80: {  	_ =	swait.ge @!p0 [sflag:s0], s1  }
0x81: {  	s1 =	ssub.s32 @!p0 $0x0, s1;
	[sflag:s0] =	ssyncset.done @!p0 $0x0  }
0x82: {  	[sflag:s0] =	ssyncadd.s32 @!p0 s1  }
0x83: {  	[bflag:$0x3] =	sbarrier.arrive $0xFFFF  }
0x84: {  	_ =	shalt  }

</sc_bundles>
